<compile_context>
chip_gen: v7x
topology: tpu7x:2x2x1
jax: 0.10.2.dev20260603
libtpu: 0.0.44.dev20260713+nightly
codegen_flags: <defaults>
</compile_context>

<pallas_src>
import functools

import jax
import jax.numpy as jnp
from jax import lax
from jax.experimental import pallas as pl
from jax.experimental.pallas import tpu as pltpu
from jax.experimental.pallas import tpu_sc as plsc

_N = 10000
_E = 320000
_H = 128
_L = 4
_G = 64


_NC = 2
_NS = 16
_NW = _NC * _NS
_EPT = _E // _NW
_K = 80
_NCHUNK = _EPT // _K
_RPT = 624
_TAIL = _N - _NS * _RPT
_ZR = 104

def _edge_body(a_hbm, b_hbm, s_hbm, send_hbm, rec_hbm, out_hbm,
               ridx, sidx, abuf, bbuf, sbuf, zbuf, agg_sh, sem):
    cid = lax.axis_index("c")
    sid = lax.axis_index("s")
    wid = sid * _NC + cid

    def _zrow(r, carry):
        for c in range(_H // 16):
            zbuf[r, pl.ds(c * 16, 16)] = jnp.zeros((16,), jnp.float32)
        return carry
    lax.fori_loop(0, _ZR, _zrow, 0)
    for i in range(_RPT // _ZR):
        pltpu.sync_copy(zbuf, agg_sh.at[pl.ds(sid * _RPT + i * _ZR, _ZR)])

    @pl.when(sid == 0)
    def _():
        pltpu.sync_copy(zbuf.at[pl.ds(0, _TAIL)],
                        agg_sh.at[pl.ds(_NS * _RPT, _TAIL)])
    plsc.subcore_barrier()

    ebase = wid * _EPT

    def _chunk(j, carry):
        e0 = ebase + j * _K
        pltpu.sync_copy(send_hbm.at[pl.ds(e0, _K)], sidx)
        pltpu.sync_copy(rec_hbm.at[pl.ds(e0, _K)], ridx)
        ca = pltpu.async_copy(a_hbm.at[ridx], abuf, sem)
        cb = pltpu.async_copy(b_hbm.at[sidx], bbuf, sem)
        cs = pltpu.async_copy(s_hbm.at[sidx], sbuf, sem)
        ca.wait()
        cb.wait()
        cs.wait()

        def _edge(k, carry2):
            for c in range(_H // 16):
                sl = pl.ds(c * 16, 16)
                z = abuf[k, sl] + bbuf[k, sl]
                eta = 1.0 / (1.0 + jnp.exp(-z))
                abuf[k, sl] = eta * sbuf[k, sl]
            return carry2
        lax.fori_loop(0, _K, _edge, 0)

        pltpu.sync_copy(abuf, agg_sh.at[ridx], add=True)
        return carry
    lax.fori_loop(0, _NCHUNK, _chunk, 0)

    plsc.subcore_barrier()
    r0 = sid * _RPT
    pltpu.sync_copy(agg_sh.at[pl.ds(r0, _RPT)],
                    out_hbm.at[pl.ds(cid * _N + r0, _RPT)])

    @pl.when(sid == 0)
    def _():
        pltpu.sync_copy(agg_sh.at[pl.ds(_NS * _RPT, _TAIL)],
                        out_hbm.at[pl.ds(cid * _N + _NS * _RPT, _TAIL)])


_edge_pass_impl = None


def _edge_pass(A, B, S, send, rec):
    global _edge_pass_impl
    if _edge_pass_impl is None:
        mesh = plsc.VectorSubcoreMesh(
            core_axis_name="c", subcore_axis_name="s",
            num_cores=_NC, num_subcores=_NS)
        _edge_pass_impl = pl.kernel(
            _edge_body,
            out_type=jax.ShapeDtypeStruct((_NC * _N, _H), jnp.float32),
            mesh=mesh,
            scratch_types=[
                pltpu.VMEM((_K,), jnp.int32),
                pltpu.VMEM((_K,), jnp.int32),
                pltpu.VMEM((_K, _H), jnp.float32),
                pltpu.VMEM((_K, _H), jnp.float32),
                pltpu.VMEM((_K, _H), jnp.float32),
                pltpu.VMEM((_ZR, _H), jnp.float32),
                pltpu.VMEM_SHARED((_N, _H), jnp.float32),
                pltpu.SemaphoreType.DMA,
            ],
        )
    return _edge_pass_impl(A, B, S, send, rec)



_RB = 400
_NB = _N // _RB
_W4 = 4 * _H


def _embed_body(h_ref, we_ref, be_ref, wcat_ref, bcat_ref,
                x_ref, a_ref, b_ref, s_ref, r_ref):
    x = jnp.dot(h_ref[...], we_ref[...],
                preferred_element_type=jnp.float32) + be_ref[...]
    x_ref[...] = x
    p = jnp.dot(x, wcat_ref[...],
                preferred_element_type=jnp.float32) + bcat_ref[...]
    a_ref[...] = p[:, 0 * _H:1 * _H]
    b_ref[...] = p[:, 1 * _H:2 * _H]
    s_ref[...] = p[:, 2 * _H:3 * _H]
    r_ref[...] = p[:, 3 * _H:4 * _H]


def _update_body(x_ref, rp_ref, g0_ref, g1_ref, wcat_ref, bcat_ref,
                 x_ref_o, a_ref, b_ref, s_ref, r_ref):
    xn = x_ref[...] + jnp.maximum(
        rp_ref[...] + g0_ref[...] + g1_ref[...], 0.0)
    x_ref_o[...] = xn
    p = jnp.dot(xn, wcat_ref[...],
                preferred_element_type=jnp.float32) + bcat_ref[...]
    a_ref[...] = p[:, 0 * _H:1 * _H]
    b_ref[...] = p[:, 1 * _H:2 * _H]
    s_ref[...] = p[:, 2 * _H:3 * _H]
    r_ref[...] = p[:, 3 * _H:4 * _H]


def _pool_body(x_ref, rp_ref, g0_ref, g1_ref, batch_ref,
               w1_ref, b1_ref, w2_ref, b2_ref, out_ref, acc_ref):
    i = pl.program_id(0)
    xn = x_ref[...] + jnp.maximum(
        rp_ref[...] + g0_ref[...] + g1_ref[...], 0.0)
    gi = lax.broadcasted_iota(jnp.int32, (_G, _RB), 0)
    m = (batch_ref[0] == gi).astype(jnp.float32)
    part = jnp.dot(m, xn, preferred_element_type=jnp.float32)

    @pl.when(i == 0)
    def _():
        acc_ref[...] = part

    @pl.when(i > 0)
    def _():
        acc_ref[...] += part

    @pl.when(i == pl.num_programs(0) - 1)
    def _():
        hid = jnp.maximum(
            jnp.dot(acc_ref[...], w1_ref[...],
                    preferred_element_type=jnp.float32) + b1_ref[...], 0.0)
        out_ref[...] = jnp.dot(hid, w2_ref[...],
                               preferred_element_type=jnp.float32) + b2_ref[...]


def _row_spec():
    return pl.BlockSpec((_RB, _H), lambda i: (i, 0))


def _full_spec(shape):
    return pl.BlockSpec(shape, lambda i: tuple(0 for _ in shape))


def _embed_call(h, We, be, wcat, bcat):
    return pl.pallas_call(
        _embed_body,
        grid=(_NB,),
        in_specs=[
            _row_spec(),
            _full_spec((_H, _H)),
            _full_spec((1, _H)),
            _full_spec((_H, _W4)),
            _full_spec((1, _W4)),
        ],
        out_specs=[_row_spec()] * 5,
        out_shape=[jax.ShapeDtypeStruct((_N, _H), jnp.float32)] * 5,
    )(h, We, be, wcat, bcat)


def _update_call(x, rp, agg, wcat, bcat):
    return pl.pallas_call(
        _update_body,
        grid=(_NB,),
        in_specs=[
            _row_spec(),
            _row_spec(),
            pl.BlockSpec((_RB, _H), lambda i: (i, 0)),
            pl.BlockSpec((_RB, _H), lambda i: (i + _NB, 0)),
            _full_spec((_H, _W4)),
            _full_spec((1, _W4)),
        ],
        out_specs=[_row_spec()] * 5,
        out_shape=[jax.ShapeDtypeStruct((_N, _H), jnp.float32)] * 5,
    )(x, rp, agg, agg, wcat, bcat)


def _pool_call(x, rp, agg, batch2d, W1, b1, W2, b2):
    return pl.pallas_call(
        _pool_body,
        grid=(_NB,),
        in_specs=[
            _row_spec(),
            _row_spec(),
            pl.BlockSpec((_RB, _H), lambda i: (i, 0)),
            pl.BlockSpec((_RB, _H), lambda i: (i + _NB, 0)),
            pl.BlockSpec((1, 1, _RB), lambda i: (i, 0, 0)),
            _full_spec((_H, _H // 2)),
            _full_spec((1, _H // 2)),
            _full_spec((_H // 2, 1)),
            _full_spec((1, 1)),
        ],
        out_specs=_full_spec((_G, 1)),
        out_shape=jax.ShapeDtypeStruct((_G, 1), jnp.float32),
        scratch_shapes=[pltpu.VMEM((_G, _H), jnp.float32)],
    )(x, rp, agg, agg, batch2d, W1, b1, W2, b2)


def kernel(h, edge_index, batch, We, be, Wg, bg, Ws, bs, Wr, br,
           W1, b1, W2, b2):
    send = edge_index[0]
    rec = edge_index[1]
    wcat = jnp.concatenate([Wg[:, :_H, :], Wg[:, _H:, :], Ws, Wr], axis=2)
    bcat = jnp.concatenate([bg, jnp.zeros_like(bg), bs, br], axis=1)

    x, A, B, S, R = _embed_call(h, We, be.reshape(1, _H),
                                wcat[0], bcat[0].reshape(1, _W4))
    out = None
    for l in range(_L):
        agg = _edge_pass(A, B, S, send, rec)
        if l < _L - 1:
            x, A, B, S, R = _update_call(
                x, R, agg, wcat[l + 1], bcat[l + 1].reshape(1, _W4))
        else:
            out = _pool_call(x, R, agg, batch.reshape(_NB, 1, _RB),
                             W1, b1.reshape(1, _H // 2),
                             W2.reshape(_H // 2, 1), b2.reshape(1, 1))
    return out.reshape(_G)

# --- scband reference (transcript-rebuilt; emitter-appended) ---
"""Pipeline reference for scband-gated-gcn-27900107555155 (READ-ONLY COPY).

The authoritative reference and input builder live on the scoring server;
editing this copy changes nothing except your own understanding.
"""

import jax, jax.numpy as jnp
import numpy as np

N = 10000
E = 320000
FEAT = 128
H = 128
L = 4
G = 64


def setup_inputs(seed: int = 0) -> dict:
    key = jax.random.key(seed)
    ks = jax.random.split(key, 20)
    h = jax.random.normal(ks[0], (N, FEAT), dtype=jnp.float32)
    edge_index = jax.random.randint(ks[1], (2, E), 0, N, dtype=jnp.int32)
    batch = jnp.sort(jax.random.randint(ks[2], (N,), 0, G, dtype=jnp.int32))
    s = 0.05
    We = jax.random.normal(ks[3], (FEAT, H), dtype=jnp.float32) * s
    be = jnp.zeros((H,), dtype=jnp.float32)
    Wg = jax.random.normal(ks[4], (L, 2 * H, H), dtype=jnp.float32) * s
    bg = jnp.zeros((L, H), dtype=jnp.float32)
    Ws = jax.random.normal(ks[5], (L, H, H), dtype=jnp.float32) * s
    bs = jnp.zeros((L, H), dtype=jnp.float32)
    Wr = jax.random.normal(ks[6], (L, H, H), dtype=jnp.float32) * s
    br = jnp.zeros((L, H), dtype=jnp.float32)
    W1 = jax.random.normal(ks[7], (H, H // 2), dtype=jnp.float32) * s
    b1 = jnp.zeros((H // 2,), dtype=jnp.float32)
    W2 = jax.random.normal(ks[8], (H // 2, 1), dtype=jnp.float32) * s
    b2 = jnp.zeros((1,), dtype=jnp.float32)
    return {"h": h, "edge_index": edge_index, "batch": batch,
            "We": We, "be": be, "Wg": Wg, "bg": bg, "Ws": Ws, "bs": bs,
            "Wr": Wr, "br": br, "W1": W1, "b1": b1, "W2": W2, "b2": b2}


def reference(h, edge_index, batch, We, be, Wg, bg, Ws, bs, Wr, br, W1, b1, W2, b2):
    send = edge_index[0]
    rec = edge_index[1]
    # h_embed
    x = h @ We + be
    for l in range(L):
        x_rec = jnp.take(x, rec, axis=0)
        x_send = jnp.take(x, send, axis=0)
        eta = jax.nn.sigmoid(jnp.concatenate([x_rec, x_send], axis=1) @ Wg[l] + bg[l])
        msgs = eta * (x_send @ Ws[l] + bs[l])
        agg = jax.ops.segment_sum(msgs, rec, num_segments=N)
        layer_out = (x @ Wr[l] + br[l]) + agg
        x = x + jax.nn.relu(layer_out)
    h_agg = jax.ops.segment_sum(x, batch, num_segments=G)
    out = jax.nn.relu(h_agg @ W1 + b1) @ W2 + b2
    return jnp.squeeze(out, axis=-1)

if __name__ == "__main__":
    import jax
    _d = setup_inputs()
    print(jax.jit(kernel)(*tuple(_d.values())))

</pallas_src>

<mosaic_0001>
#map = affine_map<(d0, d1) -> (0, 0)>
#map1 = affine_map<(d0, d1) -> (0)>
module attributes {stable_mosaic.version = 14 : i64} {
  func.func @_edge_body(%arg0: i32, %arg1: i32, %arg2: memref<10000x128xf32, #tpu.memory_space<hbm>>, %arg3: memref<10000x128xf32, #tpu.memory_space<hbm>>, %arg4: memref<10000x128xf32, #tpu.memory_space<hbm>>, %arg5: memref<320000xi32, #tpu.memory_space<hbm>>, %arg6: memref<320000xi32, #tpu.memory_space<hbm>>, %arg7: memref<20000x128xf32, #tpu.memory_space<hbm>>, %arg8: memref<80xi32, #tpu.memory_space<vmem>>, %arg9: memref<80xi32, #tpu.memory_space<vmem>>, %arg10: memref<80x128xf32, #tpu.memory_space<vmem>>, %arg11: memref<80x128xf32, #tpu.memory_space<vmem>>, %arg12: memref<80x128xf32, #tpu.memory_space<vmem>>, %arg13: memref<104x128xf32, #tpu.memory_space<vmem>>, %arg14: memref<10000x128xf32, #tpu.memory_space<vmem_shared>>, %arg15: memref<!tpu.dma_semaphore, #tpu.memory_space<semaphore_mem>>) attributes {dimension_semantics = [#tpu.dimension_semantics<core_parallel>, #tpu.dimension_semantics<subcore_parallel>], iteration_bounds = array<i64: 2, 16>, scalar_prefetch = 0 : i64, scratch_operands = 8 : i64, tpu.core_type = #tpu.core_type<sc_vector_subcore>, window_params = [{transform_indices = #map}, {transform_indices = #map}, {transform_indices = #map}, {transform_indices = #map1}, {transform_indices = #map1}, {transform_indices = #map}]} {
    %mul3A = arith.constant 2 : i32
    %mul3A_0 = arith.muli %arg1, %mul3A : i32
    %add3A = arith.addi %mul3A_0, %arg0 : i32
    %scan3A = arith.constant 0 : i32
    %scan3A_1 = arith.constant 0 : i32
    %scan3A_2 = arith.constant 104 : i32
    %scan3A_3 = arith.addi %scan3A_1, %scan3A_2 : i32
    %scan3A_4 = arith.constant 1 : i32
    scf.for %scan3A_51 = %scan3A_1 to %scan3A_3 step %scan3A_4  : i32 {
      %broadcast_in_dim3A = arith.constant 0.000000e+00 : f32
      %broadcast_in_dim3A_52 = vector.broadcast %broadcast_in_dim3A : f32 to vector<16xf32>
      %swap3A = arith.index_cast %scan3A_51 : i32 to index
      %swap3A_53 = arith.constant 0 : index
      %swap3A_54 = tpu.vector_load %arg13[%swap3A, %swap3A_53] {strides = array<i32>} : memref<104x128xf32, #tpu.memory_space<vmem>>, vector<1x16xf32>,
      %swap3A_55 = vector.shape_cast %swap3A_54 : vector<1x16xf32> to vector<16xf32>
      %swap3A_56 = vector.shape_cast %broadcast_in_dim3A_52 : vector<16xf32> to vector<1x16xf32>
      tpu.vector_store %arg13[%swap3A, %swap3A_53], %swap3A_56 {strides = array<i32>} : memref<104x128xf32, #tpu.memory_space<vmem>>, vector<1x16xf32>,
      %broadcast_in_dim3A_57 = arith.constant 0.000000e+00 : f32
      %broadcast_in_dim3A_58 = vector.broadcast %broadcast_in_dim3A_57 : f32 to vector<16xf32>
      %swap3A_59 = arith.index_cast %scan3A_51 : i32 to index
      %swap3A_60 = arith.constant 16 : index
      %swap3A_61 = tpu.vector_load %arg13[%swap3A_59, %swap3A_60] {strides = array<i32>} : memref<104x128xf32, #tpu.memory_space<vmem>>, vector<1x16xf32>,
      %swap3A_62 = vector.shape_cast %swap3A_61 : vector<1x16xf32> to vector<16xf32>
      %swap3A_63 = vector.shape_cast %broadcast_in_dim3A_58 : vector<16xf32> to vector<1x16xf32>
      tpu.vector_store %arg13[%swap3A_59, %swap3A_60], %swap3A_63 {strides = array<i32>} : memref<104x128xf32, #tpu.memory_space<vmem>>, vector<1x16xf32>,
      %broadcast_in_dim3A_64 = arith.constant 0.000000e+00 : f32
      %broadcast_in_dim3A_65 = vector.broadcast %broadcast_in_dim3A_64 : f32 to vector<16xf32>
      %swap3A_66 = arith.index_cast %scan3A_51 : i32 to index
      %swap3A_67 = arith.constant 32 : index
      %swap3A_68 = tpu.vector_load %arg13[%swap3A_66, %swap3A_67] {strides = array<i32>} : memref<104x128xf32, #tpu.memory_space<vmem>>, vector<1x16xf32>,
      %swap3A_69 = vector.shape_cast %swap3A_68 : vector<1x16xf32> to vector<16xf32>
      %swap3A_70 = vector.shape_cast %broadcast_in_dim3A_65 : vector<16xf32> to vector<1x16xf32>
      tpu.vector_store %arg13[%swap3A_66, %swap3A_67], %swap3A_70 {strides = array<i32>} : memref<104x128xf32, #tpu.memory_space<vmem>>, vector<1x16xf32>,
      %broadcast_in_dim3A_71 = arith.constant 0.000000e+00 : f32
      %broadcast_in_dim3A_72 = vector.broadcast %broadcast_in_dim3A_71 : f32 to vector<16xf32>
      %swap3A_73 = arith.index_cast %scan3A_51 : i32 to index
      %swap3A_74 = arith.constant 48 : index
      %swap3A_75 = tpu.vector_load %arg13[%swap3A_73, %swap3A_74] {strides = array<i32>} : memref<104x128xf32, #tpu.memory_space<vmem>>, vector<1x16xf32>,
      %swap3A_76 = vector.shape_cast %swap3A_75 : vector<1x16xf32> to vector<16xf32>
      %swap3A_77 = vector.shape_cast %broadcast_in_dim3A_72 : vector<16xf32> to vector<1x16xf32>
      tpu.vector_store %arg13[%swap3A_73, %swap3A_74], %swap3A_77 {strides = array<i32>} : memref<104x128xf32, #tpu.memory_space<vmem>>, vector<1x16xf32>,
      %broadcast_in_dim3A_78 = arith.constant 0.000000e+00 : f32
      %broadcast_in_dim3A_79 = vector.broadcast %broadcast_in_dim3A_78 : f32 to vector<16xf32>
      %swap3A_80 = arith.index_cast %scan3A_51 : i32 to index
      %swap3A_81 = arith.constant 64 : index
      %swap3A_82 = tpu.vector_load %arg13[%swap3A_80, %swap3A_81] {strides = array<i32>} : memref<104x128xf32, #tpu.memory_space<vmem>>, vector<1x16xf32>,
      %swap3A_83 = vector.shape_cast %swap3A_82 : vector<1x16xf32> to vector<16xf32>
      %swap3A_84 = vector.shape_cast %broadcast_in_dim3A_79 : vector<16xf32> to vector<1x16xf32>
      tpu.vector_store %arg13[%swap3A_80, %swap3A_81], %swap3A_84 {strides = array<i32>} : memref<104x128xf32, #tpu.memory_space<vmem>>, vector<1x16xf32>,
      %broadcast_in_dim3A_85 = arith.constant 0.000000e+00 : f32
      %broadcast_in_dim3A_86 = vector.broadcast %broadcast_in_dim3A_85 : f32 to vector<16xf32>
      %swap3A_87 = arith.index_cast %scan3A_51 : i32 to index
      %swap3A_88 = arith.constant 80 : index
      %swap3A_89 = tpu.vector_load %arg13[%swap3A_87, %swap3A_88] {strides = array<i32>} : memref<104x128xf32, #tpu.memory_space<vmem>>, vector<1x16xf32>,
      %swap3A_90 = vector.shape_cast %swap3A_89 : vector<1x16xf32> to vector<16xf32>
      %swap3A_91 = vector.shape_cast %broadcast_in_dim3A_86 : vector<16xf32> to vector<1x16xf32>
      tpu.vector_store %arg13[%swap3A_87, %swap3A_88], %swap3A_91 {strides = array<i32>} : memref<104x128xf32, #tpu.memory_space<vmem>>, vector<1x16xf32>,
      %broadcast_in_dim3A_92 = arith.constant 0.000000e+00 : f32
      %broadcast_in_dim3A_93 = vector.broadcast %broadcast_in_dim3A_92 : f32 to vector<16xf32>
      %swap3A_94 = arith.index_cast %scan3A_51 : i32 to index
      %swap3A_95 = arith.constant 96 : index
      %swap3A_96 = tpu.vector_load %arg13[%swap3A_94, %swap3A_95] {strides = array<i32>} : memref<104x128xf32, #tpu.memory_space<vmem>>, vector<1x16xf32>,
      %swap3A_97 = vector.shape_cast %swap3A_96 : vector<1x16xf32> to vector<16xf32>
      %swap3A_98 = vector.shape_cast %broadcast_in_dim3A_93 : vector<16xf32> to vector<1x16xf32>
      tpu.vector_store %arg13[%swap3A_94, %swap3A_95], %swap3A_98 {strides = array<i32>} : memref<104x128xf32, #tpu.memory_space<vmem>>, vector<1x16xf32>,
      %broadcast_in_dim3A_99 = arith.constant 0.000000e+00 : f32
      %broadcast_in_dim3A_100 = vector.broadcast %broadcast_in_dim3A_99 : f32 to vector<16xf32>
      %swap3A_101 = arith.index_cast %scan3A_51 : i32 to index
      %swap3A_102 = arith.constant 112 : index
      %swap3A_103 = tpu.vector_load %arg13[%swap3A_101, %swap3A_102] {strides = array<i32>} : memref<104x128xf32, #tpu.memory_space<vmem>>, vector<1x16xf32>,
      %swap3A_104 = vector.shape_cast %swap3A_103 : vector<1x16xf32> to vector<16xf32>
      %swap3A_105 = vector.shape_cast %broadcast_in_dim3A_100 : vector<16xf32> to vector<1x16xf32>
      tpu.vector_store %arg13[%swap3A_101, %swap3A_102], %swap3A_105 {strides = array<i32>} : memref<104x128xf32, #tpu.memory_space<vmem>>, vector<1x16xf32>,
    }
    %scan3A_5 = arith.constant 104 : i32
    %mul3A_6 = arith.constant 624 : i32
    %mul3A_7 = arith.muli %arg1, %mul3A_6 : i32
    %add3A_8 = arith.constant 0 : i32
    %add3A_9 = arith.addi %mul3A_7, %add3A_8 : i32
    "tpu.region"() ({
      %run_scoped3A = tpu.sem_alloc : memref<!tpu.dma_semaphore, #tpu.memory_space<semaphore_mem>>
      %dma_start3A = arith.constant 0 : i32
      %dma_start3A_51 = tpu.memref_slice %arg14[%add3A_9, %dma_start3A] : memref<10000x128xf32, #tpu.memory_space<vmem_shared>> -> memref<104x128xf32, #tpu.memory_space<vmem_shared>>
      %dma_start3A_52 = arith.constant 0 : i32
      %dma_start3A_53 = tpu.memref_slice %arg14[%add3A_9, %dma_start3A_52] : memref<10000x128xf32, #tpu.memory_space<vmem_shared>> -> memref<104x128xf32, #tpu.memory_space<vmem_shared>>
      tpu.enqueue_dma source(%arg13 : memref<104x128xf32, #tpu.memory_space<vmem>>) target(%dma_start3A_53 : memref<104x128xf32, #tpu.memory_space<vmem_shared>>) target_semaphore(%run_scoped3A : memref<!tpu.dma_semaphore, #tpu.memory_space<semaphore_mem>>)
      %dma_wait3A = arith.constant 0 : i32
      %dma_wait3A_54 = tpu.memref_slice %arg14[%add3A_9, %dma_wait3A] : memref<10000x128xf32, #tpu.memory_space<vmem_shared>> -> memref<104x128xf32, #tpu.memory_space<vmem_shared>>
      %dma_wait3A_55 = arith.constant 0 : i32
      %dma_wait3A_56 = tpu.memref_slice %arg14[%add3A_9, %dma_wait3A_55] : memref<10000x128xf32, #tpu.memory_space<vmem_shared>> -> memref<104x128xf32, #tpu.memory_space<vmem_shared>>
      tpu.wait_dma2 semaphore(%run_scoped3A : memref<!tpu.dma_semaphore, #tpu.memory_space<semaphore_mem>>) src(%arg13 : memref<104x128xf32, #tpu.memory_space<vmem>>) dst(%dma_wait3A_56 : memref<104x128xf32, #tpu.memory_space<vmem_shared>>)
      tpu.yield
    }) : () -> ()
    %mul3A_10 = arith.constant 624 : i32
    %mul3A_11 = arith.muli %arg1, %mul3A_10 : i32
    %add3A_12 = arith.constant 104 : i32
    %add3A_13 = arith.addi %mul3A_11, %add3A_12 : i32
    "tpu.region"() ({
      %run_scoped3A = tpu.sem_alloc : memref<!tpu.dma_semaphore, #tpu.memory_space<semaphore_mem>>
      %dma_start3A = arith.constant 0 : i32
      %dma_start3A_51 = tpu.memref_slice %arg14[%add3A_13, %dma_start3A] : memref<10000x128xf32, #tpu.memory_space<vmem_shared>> -> memref<104x128xf32, #tpu.memory_space<vmem_shared>>
      %dma_start3A_52 = arith.constant 0 : i32
      %dma_start3A_53 = tpu.memref_slice %arg14[%add3A_13, %dma_start3A_52] : memref<10000x128xf32, #tpu.memory_space<vmem_shared>> -> memref<104x128xf32, #tpu.memory_space<vmem_shared>>
      tpu.enqueue_dma source(%arg13 : memref<104x128xf32, #tpu.memory_space<vmem>>) target(%dma_start3A_53 : memref<104x128xf32, #tpu.memory_space<vmem_shared>>) target_semaphore(%run_scoped3A : memref<!tpu.dma_semaphore, #tpu.memory_space<semaphore_mem>>)
      %dma_wait3A = arith.constant 0 : i32
      %dma_wait3A_54 = tpu.memref_slice %arg14[%add3A_13, %dma_wait3A] : memref<10000x128xf32, #tpu.memory_space<vmem_shared>> -> memref<104x128xf32, #tpu.memory_space<vmem_shared>>
      %dma_wait3A_55 = arith.constant 0 : i32
      %dma_wait3A_56 = tpu.memref_slice %arg14[%add3A_13, %dma_wait3A_55] : memref<10000x128xf32, #tpu.memory_space<vmem_shared>> -> memref<104x128xf32, #tpu.memory_space<vmem_shared>>
      tpu.wait_dma2 semaphore(%run_scoped3A : memref<!tpu.dma_semaphore, #tpu.memory_space<semaphore_mem>>) src(%arg13 : memref<104x128xf32, #tpu.memory_space<vmem>>) dst(%dma_wait3A_56 : memref<104x128xf32, #tpu.memory_space<vmem_shared>>)
      tpu.yield
    }) : () -> ()
    %mul3A_14 = arith.constant 624 : i32
    %mul3A_15 = arith.muli %arg1, %mul3A_14 : i32
    %add3A_16 = arith.constant 208 : i32
    %add3A_17 = arith.addi %mul3A_15, %add3A_16 : i32
    "tpu.region"() ({
      %run_scoped3A = tpu.sem_alloc : memref<!tpu.dma_semaphore, #tpu.memory_space<semaphore_mem>>
      %dma_start3A = arith.constant 0 : i32
      %dma_start3A_51 = tpu.memref_slice %arg14[%add3A_17, %dma_start3A] : memref<10000x128xf32, #tpu.memory_space<vmem_shared>> -> memref<104x128xf32, #tpu.memory_space<vmem_shared>>
      %dma_start3A_52 = arith.constant 0 : i32
      %dma_start3A_53 = tpu.memref_slice %arg14[%add3A_17, %dma_start3A_52] : memref<10000x128xf32, #tpu.memory_space<vmem_shared>> -> memref<104x128xf32, #tpu.memory_space<vmem_shared>>
      tpu.enqueue_dma source(%arg13 : memref<104x128xf32, #tpu.memory_space<vmem>>) target(%dma_start3A_53 : memref<104x128xf32, #tpu.memory_space<vmem_shared>>) target_semaphore(%run_scoped3A : memref<!tpu.dma_semaphore, #tpu.memory_space<semaphore_mem>>)
      %dma_wait3A = arith.constant 0 : i32
      %dma_wait3A_54 = tpu.memref_slice %arg14[%add3A_17, %dma_wait3A] : memref<10000x128xf32, #tpu.memory_space<vmem_shared>> -> memref<104x128xf32, #tpu.memory_space<vmem_shared>>
      %dma_wait3A_55 = arith.constant 0 : i32
      %dma_wait3A_56 = tpu.memref_slice %arg14[%add3A_17, %dma_wait3A_55] : memref<10000x128xf32, #tpu.memory_space<vmem_shared>> -> memref<104x128xf32, #tpu.memory_space<vmem_shared>>
      tpu.wait_dma2 semaphore(%run_scoped3A : memref<!tpu.dma_semaphore, #tpu.memory_space<semaphore_mem>>) src(%arg13 : memref<104x128xf32, #tpu.memory_space<vmem>>) dst(%dma_wait3A_56 : memref<104x128xf32, #tpu.memory_space<vmem_shared>>)
      tpu.yield
    }) : () -> ()
    %mul3A_18 = arith.constant 624 : i32
    %mul3A_19 = arith.muli %arg1, %mul3A_18 : i32
    %add3A_20 = arith.constant 312 : i32
    %add3A_21 = arith.addi %mul3A_19, %add3A_20 : i32
    "tpu.region"() ({
      %run_scoped3A = tpu.sem_alloc : memref<!tpu.dma_semaphore, #tpu.memory_space<semaphore_mem>>
      %dma_start3A = arith.constant 0 : i32
      %dma_start3A_51 = tpu.memref_slice %arg14[%add3A_21, %dma_start3A] : memref<10000x128xf32, #tpu.memory_space<vmem_shared>> -> memref<104x128xf32, #tpu.memory_space<vmem_shared>>
      %dma_start3A_52 = arith.constant 0 : i32
      %dma_start3A_53 = tpu.memref_slice %arg14[%add3A_21, %dma_start3A_52] : memref<10000x128xf32, #tpu.memory_space<vmem_shared>> -> memref<104x128xf32, #tpu.memory_space<vmem_shared>>
      tpu.enqueue_dma source(%arg13 : memref<104x128xf32, #tpu.memory_space<vmem>>) target(%dma_start3A_53 : memref<104x128xf32, #tpu.memory_space<vmem_shared>>) target_semaphore(%run_scoped3A : memref<!tpu.dma_semaphore, #tpu.memory_space<semaphore_mem>>)
      %dma_wait3A = arith.constant 0 : i32
      %dma_wait3A_54 = tpu.memref_slice %arg14[%add3A_21, %dma_wait3A] : memref<10000x128xf32, #tpu.memory_space<vmem_shared>> -> memref<104x128xf32, #tpu.memory_space<vmem_shared>>
      %dma_wait3A_55 = arith.constant 0 : i32
      %dma_wait3A_56 = tpu.memref_slice %arg14[%add3A_21, %dma_wait3A_55] : memref<10000x128xf32, #tpu.memory_space<vmem_shared>> -> memref<104x128xf32, #tpu.memory_space<vmem_shared>>
      tpu.wait_dma2 semaphore(%run_scoped3A : memref<!tpu.dma_semaphore, #tpu.memory_space<semaphore_mem>>) src(%arg13 : memref<104x128xf32, #tpu.memory_space<vmem>>) dst(%dma_wait3A_56 : memref<104x128xf32, #tpu.memory_space<vmem_shared>>)
      tpu.yield
    }) : () -> ()
    %mul3A_22 = arith.constant 624 : i32
    %mul3A_23 = arith.muli %arg1, %mul3A_22 : i32
    %add3A_24 = arith.constant 416 : i32
    %add3A_25 = arith.addi %mul3A_23, %add3A_24 : i32
    "tpu.region"() ({
      %run_scoped3A = tpu.sem_alloc : memref<!tpu.dma_semaphore, #tpu.memory_space<semaphore_mem>>
      %dma_start3A = arith.constant 0 : i32
      %dma_start3A_51 = tpu.memref_slice %arg14[%add3A_25, %dma_start3A] : memref<10000x128xf32, #tpu.memory_space<vmem_shared>> -> memref<104x128xf32, #tpu.memory_space<vmem_shared>>
      %dma_start3A_52 = arith.constant 0 : i32
      %dma_start3A_53 = tpu.memref_slice %arg14[%add3A_25, %dma_start3A_52] : memref<10000x128xf32, #tpu.memory_space<vmem_shared>> -> memref<104x128xf32, #tpu.memory_space<vmem_shared>>
      tpu.enqueue_dma source(%arg13 : memref<104x128xf32, #tpu.memory_space<vmem>>) target(%dma_start3A_53 : memref<104x128xf32, #tpu.memory_space<vmem_shared>>) target_semaphore(%run_scoped3A : memref<!tpu.dma_semaphore, #tpu.memory_space<semaphore_mem>>)
      %dma_wait3A = arith.constant 0 : i32
      %dma_wait3A_54 = tpu.memref_slice %arg14[%add3A_25, %dma_wait3A] : memref<10000x128xf32, #tpu.memory_space<vmem_shared>> -> memref<104x128xf32, #tpu.memory_space<vmem_shared>>
      %dma_wait3A_55 = arith.constant 0 : i32
      %dma_wait3A_56 = tpu.memref_slice %arg14[%add3A_25, %dma_wait3A_55] : memref<10000x128xf32, #tpu.memory_space<vmem_shared>> -> memref<104x128xf32, #tpu.memory_space<vmem_shared>>
      tpu.wait_dma2 semaphore(%run_scoped3A : memref<!tpu.dma_semaphore, #tpu.memory_space<semaphore_mem>>) src(%arg13 : memref<104x128xf32, #tpu.memory_space<vmem>>) dst(%dma_wait3A_56 : memref<104x128xf32, #tpu.memory_space<vmem_shared>>)
      tpu.yield
    }) : () -> ()
    %mul3A_26 = arith.constant 624 : i32
    %mul3A_27 = arith.muli %arg1, %mul3A_26 : i32
    %add3A_28 = arith.constant 520 : i32
    %add3A_29 = arith.addi %mul3A_27, %add3A_28 : i32
    "tpu.region"() ({
      %run_scoped3A = tpu.sem_alloc : memref<!tpu.dma_semaphore, #tpu.memory_space<semaphore_mem>>
      %dma_start3A = arith.constant 0 : i32
      %dma_start3A_51 = tpu.memref_slice %arg14[%add3A_29, %dma_start3A] : memref<10000x128xf32, #tpu.memory_space<vmem_shared>> -> memref<104x128xf32, #tpu.memory_space<vmem_shared>>
      %dma_start3A_52 = arith.constant 0 : i32
      %dma_start3A_53 = tpu.memref_slice %arg14[%add3A_29, %dma_start3A_52] : memref<10000x128xf32, #tpu.memory_space<vmem_shared>> -> memref<104x128xf32, #tpu.memory_space<vmem_shared>>
      tpu.enqueue_dma source(%arg13 : memref<104x128xf32, #tpu.memory_space<vmem>>) target(%dma_start3A_53 : memref<104x128xf32, #tpu.memory_space<vmem_shared>>) target_semaphore(%run_scoped3A : memref<!tpu.dma_semaphore, #tpu.memory_space<semaphore_mem>>)
      %dma_wait3A = arith.constant 0 : i32
      %dma_wait3A_54 = tpu.memref_slice %arg14[%add3A_29, %dma_wait3A] : memref<10000x128xf32, #tpu.memory_space<vmem_shared>> -> memref<104x128xf32, #tpu.memory_space<vmem_shared>>
      %dma_wait3A_55 = arith.constant 0 : i32
      %dma_wait3A_56 = tpu.memref_slice %arg14[%add3A_29, %dma_wait3A_55] : memref<10000x128xf32, #tpu.memory_space<vmem_shared>> -> memref<104x128xf32, #tpu.memory_space<vmem_shared>>
      tpu.wait_dma2 semaphore(%run_scoped3A : memref<!tpu.dma_semaphore, #tpu.memory_space<semaphore_mem>>) src(%arg13 : memref<104x128xf32, #tpu.memory_space<vmem>>) dst(%dma_wait3A_56 : memref<104x128xf32, #tpu.memory_space<vmem_shared>>)
      tpu.yield
    }) : () -> ()
    %eq3A = arith.constant 0 : i32
    %eq3A_30 = arith.cmpi eq, %arg1, %eq3A : i32
    %convert_element_type3A = arith.extui %eq3A_30 : i1 to i32
    %cond3A = arith.constant 0 : i32
    %cond3A_31 = arith.cmpi ne, %convert_element_type3A, %cond3A : i32
    scf.if %cond3A_31 {
      "tpu.region"() ({
        %run_scoped3A = tpu.sem_alloc : memref<!tpu.dma_semaphore, #tpu.memory_space<semaphore_mem>>
        %dma_start3A = arith.constant 0 : i32
        %dma_start3A_51 = arith.constant 0 : i32
        %dma_start3A_52 = tpu.memref_slice %arg13[%dma_start3A, %dma_start3A_51] : memref<104x128xf32, #tpu.memory_space<vmem>> -> memref<16x128xf32, #tpu.memory_space<vmem>>
        %dma_start3A_53 = arith.constant 9984 : i32
        %dma_start3A_54 = arith.constant 0 : i32
        %dma_start3A_55 = tpu.memref_slice %arg14[%dma_start3A_53, %dma_start3A_54] : memref<10000x128xf32, #tpu.memory_space<vmem_shared>> -> memref<16x128xf32, #tpu.memory_space<vmem_shared>>
        %dma_start3A_56 = arith.constant 9984 : i32
        %dma_start3A_57 = arith.constant 0 : i32
        %dma_start3A_58 = tpu.memref_slice %arg14[%dma_start3A_56, %dma_start3A_57] : memref<10000x128xf32, #tpu.memory_space<vmem_shared>> -> memref<16x128xf32, #tpu.memory_space<vmem_shared>>
        %dma_start3A_59 = arith.constant 0 : i32
        %dma_start3A_60 = arith.constant 0 : i32
        %dma_start3A_61 = tpu.memref_slice %arg13[%dma_start3A_59, %dma_start3A_60] : memref<104x128xf32, #tpu.memory_space<vmem>> -> memref<16x128xf32, #tpu.memory_space<vmem>>
        tpu.enqueue_dma source(%dma_start3A_61 : memref<16x128xf32, #tpu.memory_space<vmem>>) target(%dma_start3A_58 : memref<16x128xf32, #tpu.memory_space<vmem_shared>>) target_semaphore(%run_scoped3A : memref<!tpu.dma_semaphore, #tpu.memory_space<semaphore_mem>>)
        %dma_wait3A = arith.constant 0 : i32
        %dma_wait3A_62 = arith.constant 0 : i32
        %dma_wait3A_63 = tpu.memref_slice %arg13[%dma_wait3A, %dma_wait3A_62] : memref<104x128xf32, #tpu.memory_space<vmem>> -> memref<16x128xf32, #tpu.memory_space<vmem>>
        %dma_wait3A_64 = arith.constant 9984 : i32
        %dma_wait3A_65 = arith.constant 0 : i32
        %dma_wait3A_66 = tpu.memref_slice %arg14[%dma_wait3A_64, %dma_wait3A_65] : memref<10000x128xf32, #tpu.memory_space<vmem_shared>> -> memref<16x128xf32, #tpu.memory_space<vmem_shared>>
        %dma_wait3A_67 = arith.constant 9984 : i32
        %dma_wait3A_68 = arith.constant 0 : i32
        %dma_wait3A_69 = tpu.memref_slice %arg14[%dma_wait3A_67, %dma_wait3A_68] : memref<10000x128xf32, #tpu.memory_space<vmem_shared>> -> memref<16x128xf32, #tpu.memory_space<vmem_shared>>
        %dma_wait3A_70 = arith.constant 0 : i32
        %dma_wait3A_71 = arith.constant 0 : i32
        %dma_wait3A_72 = tpu.memref_slice %arg13[%dma_wait3A_70, %dma_wait3A_71] : memref<104x128xf32, #tpu.memory_space<vmem>> -> memref<16x128xf32, #tpu.memory_space<vmem>>
        tpu.wait_dma2 semaphore(%run_scoped3A : memref<!tpu.dma_semaphore, #tpu.memory_space<semaphore_mem>>) src(%dma_wait3A_72 : memref<16x128xf32, #tpu.memory_space<vmem>>) dst(%dma_wait3A_69 : memref<16x128xf32, #tpu.memory_space<vmem_shared>>)
        tpu.yield
      }) : () -> ()
    } else {
    }
    %barrier3A = arith.constant 0 : index
    tpu.barrier barrier_id(%barrier3A)
    %mul3A_32 = arith.constant 10000 : i32
    %mul3A_33 = arith.muli %add3A, %mul3A_32 : i32
    %scan3A_34 = arith.constant 0 : i32
    %scan3A_35 = arith.constant 0 : i32
    %scan3A_36 = arith.constant 125 : i32
    %scan3A_37 = arith.addi %scan3A_35, %scan3A_36 : i32
    %scan3A_38 = arith.constant 1 : i32
    scf.for %scan3A_51 = %scan3A_35 to %scan3A_37 step %scan3A_38  : i32 {
      %mul3A_52 = arith.constant 80 : i32
      %mul3A_53 = arith.muli %scan3A_51, %mul3A_52 : i32
      %add3A_54 = arith.addi %mul3A_33, %mul3A_53 : i32
      "tpu.region"() ({
        %run_scoped3A = tpu.sem_alloc : memref<!tpu.dma_semaphore, #tpu.memory_space<semaphore_mem>>
        %dma_start3A_77 = tpu.memref_slice %arg5[%add3A_54] : memref<320000xi32, #tpu.memory_space<hbm>> -> memref<80xi32, #tpu.memory_space<hbm>>
        %dma_start3A_78 = tpu.memref_slice %arg5[%add3A_54] : memref<320000xi32, #tpu.memory_space<hbm>> -> memref<80xi32, #tpu.memory_space<hbm>>
        tpu.enqueue_dma source(%dma_start3A_78 : memref<80xi32, #tpu.memory_space<hbm>>) target(%arg9 : memref<80xi32, #tpu.memory_space<vmem>>) target_semaphore(%run_scoped3A : memref<!tpu.dma_semaphore, #tpu.memory_space<semaphore_mem>>)
        %dma_wait3A_79 = tpu.memref_slice %arg5[%add3A_54] : memref<320000xi32, #tpu.memory_space<hbm>> -> memref<80xi32, #tpu.memory_space<hbm>>
        %dma_wait3A_80 = tpu.memref_slice %arg5[%add3A_54] : memref<320000xi32, #tpu.memory_space<hbm>> -> memref<80xi32, #tpu.memory_space<hbm>>
        tpu.wait_dma2 semaphore(%run_scoped3A : memref<!tpu.dma_semaphore, #tpu.memory_space<semaphore_mem>>) src(%dma_wait3A_80 : memref<80xi32, #tpu.memory_space<hbm>>) dst(%arg9 : memref<80xi32, #tpu.memory_space<vmem>>)
        tpu.yield
      }) : () -> ()
      "tpu.region"() ({
        %run_scoped3A = tpu.sem_alloc : memref<!tpu.dma_semaphore, #tpu.memory_space<semaphore_mem>>
        %dma_start3A_77 = tpu.memref_slice %arg6[%add3A_54] : memref<320000xi32, #tpu.memory_space<hbm>> -> memref<80xi32, #tpu.memory_space<hbm>>
        %dma_start3A_78 = tpu.memref_slice %arg6[%add3A_54] : memref<320000xi32, #tpu.memory_space<hbm>> -> memref<80xi32, #tpu.memory_space<hbm>>
        tpu.enqueue_dma source(%dma_start3A_78 : memref<80xi32, #tpu.memory_space<hbm>>) target(%arg8 : memref<80xi32, #tpu.memory_space<vmem>>) target_semaphore(%run_scoped3A : memref<!tpu.dma_semaphore, #tpu.memory_space<semaphore_mem>>)
        %dma_wait3A_79 = tpu.memref_slice %arg6[%add3A_54] : memref<320000xi32, #tpu.memory_space<hbm>> -> memref<80xi32, #tpu.memory_space<hbm>>
        %dma_wait3A_80 = tpu.memref_slice %arg6[%add3A_54] : memref<320000xi32, #tpu.memory_space<hbm>> -> memref<80xi32, #tpu.memory_space<hbm>>
        tpu.wait_dma2 semaphore(%run_scoped3A : memref<!tpu.dma_semaphore, #tpu.memory_space<semaphore_mem>>) src(%dma_wait3A_80 : memref<80xi32, #tpu.memory_space<hbm>>) dst(%arg8 : memref<80xi32, #tpu.memory_space<vmem>>)
        tpu.yield
      }) : () -> ()
      %dma_start3A = arith.constant 0 : i32
      %dma_start3A_55 = arith.constant 0 : i32
      %dma_start3A_56 = tpu.memref_slice %arg2[%dma_start3A, %dma_start3A_55] : memref<10000x128xf32, #tpu.memory_space<hbm>> -> memref<10000x128xf32, #tpu.memory_space<hbm>>
      tpu.enqueue_indirect_dma source(%dma_start3A_56 : memref<10000x128xf32, #tpu.memory_space<hbm>>) target(%arg10 : memref<80x128xf32, #tpu.memory_space<vmem>>) offsets(%arg8 : memref<80xi32, #tpu.memory_space<vmem>>) semaphore(%arg15 : memref<!tpu.dma_semaphore, #tpu.memory_space<semaphore_mem>>)
      %dma_start3A_57 = arith.constant 0 : i32
      %dma_start3A_58 = arith.constant 0 : i32
      %dma_start3A_59 = tpu.memref_slice %arg3[%dma_start3A_57, %dma_start3A_58] : memref<10000x128xf32, #tpu.memory_space<hbm>> -> memref<10000x128xf32, #tpu.memory_space<hbm>>
      tpu.enqueue_indirect_dma source(%dma_start3A_59 : memref<10000x128xf32, #tpu.memory_space<hbm>>) target(%arg11 : memref<80x128xf32, #tpu.memory_space<vmem>>) offsets(%arg9 : memref<80xi32, #tpu.memory_space<vmem>>) semaphore(%arg15 : memref<!tpu.dma_semaphore, #tpu.memory_space<semaphore_mem>>)
      %dma_start3A_60 = arith.constant 0 : i32
      %dma_start3A_61 = arith.constant 0 : i32
      %dma_start3A_62 = tpu.memref_slice %arg4[%dma_start3A_60, %dma_start3A_61] : memref<10000x128xf32, #tpu.memory_space<hbm>> -> memref<10000x128xf32, #tpu.memory_space<hbm>>
      tpu.enqueue_indirect_dma source(%dma_start3A_62 : memref<10000x128xf32, #tpu.memory_space<hbm>>) target(%arg12 : memref<80x128xf32, #tpu.memory_space<vmem>>) offsets(%arg9 : memref<80xi32, #tpu.memory_space<vmem>>) semaphore(%arg15 : memref<!tpu.dma_semaphore, #tpu.memory_space<semaphore_mem>>)
      %dma_wait3A = arith.constant 0 : i32
      %dma_wait3A_63 = arith.constant 0 : i32
      %dma_wait3A_64 = tpu.memref_slice %arg2[%dma_wait3A, %dma_wait3A_63] : memref<10000x128xf32, #tpu.memory_space<hbm>> -> memref<10000x128xf32, #tpu.memory_space<hbm>>
      tpu.wait_indirect_dma semaphore(%arg15 : memref<!tpu.dma_semaphore, #tpu.memory_space<semaphore_mem>>) src(%dma_wait3A_64 : memref<10000x128xf32, #tpu.memory_space<hbm>>) dst(%arg10 : memref<80x128xf32, #tpu.memory_space<vmem>>)
      %dma_wait3A_65 = arith.constant 0 : i32
      %dma_wait3A_66 = arith.constant 0 : i32
      %dma_wait3A_67 = tpu.memref_slice %arg3[%dma_wait3A_65, %dma_wait3A_66] : memref<10000x128xf32, #tpu.memory_space<hbm>> -> memref<10000x128xf32, #tpu.memory_space<hbm>>
      tpu.wait_indirect_dma semaphore(%arg15 : memref<!tpu.dma_semaphore, #tpu.memory_space<semaphore_mem>>) src(%dma_wait3A_67 : memref<10000x128xf32, #tpu.memory_space<hbm>>) dst(%arg11 : memref<80x128xf32, #tpu.memory_space<vmem>>)
      %dma_wait3A_68 = arith.constant 0 : i32
      %dma_wait3A_69 = arith.constant 0 : i32
      %dma_wait3A_70 = tpu.memref_slice %arg4[%dma_wait3A_68, %dma_wait3A_69] : memref<10000x128xf32, #tpu.memory_space<hbm>> -> memref<10000x128xf32, #tpu.memory_space<hbm>>
      tpu.wait_indirect_dma semaphore(%arg15 : memref<!tpu.dma_semaphore, #tpu.memory_space<semaphore_mem>>) src(%dma_wait3A_70 : memref<10000x128xf32, #tpu.memory_space<hbm>>) dst(%arg12 : memref<80x128xf32, #tpu.memory_space<vmem>>)
      %scan3A_71 = arith.constant 0 : i32
      %scan3A_72 = arith.constant 0 : i32
      %scan3A_73 = arith.constant 80 : i32
      %scan3A_74 = arith.addi %scan3A_72, %scan3A_73 : i32
      %scan3A_75 = arith.constant 1 : i32
      scf.for %scan3A_77 = %scan3A_72 to %scan3A_74 step %scan3A_75  : i32 {
        %get3A = arith.index_cast %scan3A_77 : i32 to index
        %get3A_78 = arith.constant 0 : index
        %get3A_79 = tpu.vector_load %arg10[%get3A, %get3A_78] {strides = array<i32>} : memref<80x128xf32, #tpu.memory_space<vmem>>, vector<1x16xf32>,
        %get3A_80 = vector.shape_cast %get3A_79 : vector<1x16xf32> to vector<16xf32>
        %get3A_81 = arith.index_cast %scan3A_77 : i32 to index
        %get3A_82 = arith.constant 0 : index
        %get3A_83 = tpu.vector_load %arg11[%get3A_81, %get3A_82] {strides = array<i32>} : memref<80x128xf32, #tpu.memory_space<vmem>>, vector<1x16xf32>,
        %get3A_84 = vector.shape_cast %get3A_83 : vector<1x16xf32> to vector<16xf32>
        %add3A_85 = arith.addf %get3A_80, %get3A_84 : vector<16xf32>
        %neg3A = arith.constant 0.000000e+00 : f32
        %neg3A_86 = vector.broadcast %neg3A : f32 to vector<16xf32>
        %neg3A_87 = arith.subf %neg3A_86, %add3A_85 : vector<16xf32>
        %exp3A = math.exp %neg3A_87 : vector<16xf32>
        %add3A_88 = arith.constant 1.000000e+00 : f32
        %add3A_89 = vector.broadcast %add3A_88 : f32 to vector<16xf32>
        %add3A_90 = arith.addf %add3A_89, %exp3A : vector<16xf32>
        %div3A = arith.constant 1.000000e+00 : f32
        %div3A_91 = vector.broadcast %div3A : f32 to vector<16xf32>
        %div3A_92 = arith.divf %div3A_91, %add3A_90 : vector<16xf32>
        %get3A_93 = arith.index_cast %scan3A_77 : i32 to index
        %get3A_94 = arith.constant 0 : index
        %get3A_95 = tpu.vector_load %arg12[%get3A_93, %get3A_94] {strides = array<i32>} : memref<80x128xf32, #tpu.memory_space<vmem>>, vector<1x16xf32>,
        %get3A_96 = vector.shape_cast %get3A_95 : vector<1x16xf32> to vector<16xf32>
        %mul3A_97 = arith.mulf %div3A_92, %get3A_96 : vector<16xf32>
        %swap3A = arith.index_cast %scan3A_77 : i32 to index
        %swap3A_98 = arith.constant 0 : index
        %swap3A_99 = tpu.vector_load %arg10[%swap3A, %swap3A_98] {strides = array<i32>} : memref<80x128xf32, #tpu.memory_space<vmem>>, vector<1x16xf32>,
        %swap3A_100 = vector.shape_cast %swap3A_99 : vector<1x16xf32> to vector<16xf32>
        %swap3A_101 = vector.shape_cast %mul3A_97 : vector<16xf32> to vector<1x16xf32>
        tpu.vector_store %arg10[%swap3A, %swap3A_98], %swap3A_101 {strides = array<i32>} : memref<80x128xf32, #tpu.memory_space<vmem>>, vector<1x16xf32>,
        %get3A_102 = arith.index_cast %scan3A_77 : i32 to index
        %get3A_103 = arith.constant 16 : index
        %get3A_104 = tpu.vector_load %arg10[%get3A_102, %get3A_103] {strides = array<i32>} : memref<80x128xf32, #tpu.memory_space<vmem>>, vector<1x16xf32>,
        %get3A_105 = vector.shape_cast %get3A_104 : vector<1x16xf32> to vector<16xf32>
        %get3A_106 = arith.index_cast %scan3A_77 : i32 to index
        %get3A_107 = arith.constant 16 : index
        %get3A_108 = tpu.vector_load %arg11[%get3A_106, %get3A_107] {strides = array<i32>} : memref<80x128xf32, #tpu.memory_space<vmem>>, vector<1x16xf32>,
        %get3A_109 = vector.shape_cast %get3A_108 : vector<1x16xf32> to vector<16xf32>
        %add3A_110 = arith.addf %get3A_105, %get3A_109 : vector<16xf32>
        %neg3A_111 = arith.constant 0.000000e+00 : f32
        %neg3A_112 = vector.broadcast %neg3A_111 : f32 to vector<16xf32>
        %neg3A_113 = arith.subf %neg3A_112, %add3A_110 : vector<16xf32>
        %exp3A_114 = math.exp %neg3A_113 : vector<16xf32>
        %add3A_115 = arith.constant 1.000000e+00 : f32
        %add3A_116 = vector.broadcast %add3A_115 : f32 to vector<16xf32>
        %add3A_117 = arith.addf %add3A_116, %exp3A_114 : vector<16xf32>
        %div3A_118 = arith.constant 1.000000e+00 : f32
        %div3A_119 = vector.broadcast %div3A_118 : f32 to vector<16xf32>
        %div3A_120 = arith.divf %div3A_119, %add3A_117 : vector<16xf32>
        %get3A_121 = arith.index_cast %scan3A_77 : i32 to index
        %get3A_122 = arith.constant 16 : index
        %get3A_123 = tpu.vector_load %arg12[%get3A_121, %get3A_122] {strides = array<i32>} : memref<80x128xf32, #tpu.memory_space<vmem>>, vector<1x16xf32>,
        %get3A_124 = vector.shape_cast %get3A_123 : vector<1x16xf32> to vector<16xf32>
        %mul3A_125 = arith.mulf %div3A_120, %get3A_124 : vector<16xf32>
        %swap3A_126 = arith.index_cast %scan3A_77 : i32 to index
        %swap3A_127 = arith.constant 16 : index
        %swap3A_128 = tpu.vector_load %arg10[%swap3A_126, %swap3A_127] {strides = array<i32>} : memref<80x128xf32, #tpu.memory_space<vmem>>, vector<1x16xf32>,
        %swap3A_129 = vector.shape_cast %swap3A_128 : vector<1x16xf32> to vector<16xf32>
        %swap3A_130 = vector.shape_cast %mul3A_125 : vector<16xf32> to vector<1x16xf32>
        tpu.vector_store %arg10[%swap3A_126, %swap3A_127], %swap3A_130 {strides = array<i32>} : memref<80x128xf32, #tpu.memory_space<vmem>>, vector<1x16xf32>,
        %get3A_131 = arith.index_cast %scan3A_77 : i32 to index
        %get3A_132 = arith.constant 32 : index
        %get3A_133 = tpu.vector_load %arg10[%get3A_131, %get3A_132] {strides = array<i32>} : memref<80x128xf32, #tpu.memory_space<vmem>>, vector<1x16xf32>,
        %get3A_134 = vector.shape_cast %get3A_133 : vector<1x16xf32> to vector<16xf32>
        %get3A_135 = arith.index_cast %scan3A_77 : i32 to index
        %get3A_136 = arith.constant 32 : index
        %get3A_137 = tpu.vector_load %arg11[%get3A_135, %get3A_136] {strides = array<i32>} : memref<80x128xf32, #tpu.memory_space<vmem>>, vector<1x16xf32>,
        %get3A_138 = vector.shape_cast %get3A_137 : vector<1x16xf32> to vector<16xf32>
        %add3A_139 = arith.addf %get3A_134, %get3A_138 : vector<16xf32>
        %neg3A_140 = arith.constant 0.000000e+00 : f32
        %neg3A_141 = vector.broadcast %neg3A_140 : f32 to vector<16xf32>
        %neg3A_142 = arith.subf %neg3A_141, %add3A_139 : vector<16xf32>
        %exp3A_143 = math.exp %neg3A_142 : vector<16xf32>
        %add3A_144 = arith.constant 1.000000e+00 : f32
        %add3A_145 = vector.broadcast %add3A_144 : f32 to vector<16xf32>
        %add3A_146 = arith.addf %add3A_145, %exp3A_143 : vector<16xf32>
        %div3A_147 = arith.constant 1.000000e+00 : f32
        %div3A_148 = vector.broadcast %div3A_147 : f32 to vector<16xf32>
        %div3A_149 = arith.divf %div3A_148, %add3A_146 : vector<16xf32>
        %get3A_150 = arith.index_cast %scan3A_77 : i32 to index
        %get3A_151 = arith.constant 32 : index
        %get3A_152 = tpu.vector_load %arg12[%get3A_150, %get3A_151] {strides = array<i32>} : memref<80x128xf32, #tpu.memory_space<vmem>>, vector<1x16xf32>,
        %get3A_153 = vector.shape_cast %get3A_152 : vector<1x16xf32> to vector<16xf32>
        %mul3A_154 = arith.mulf %div3A_149, %get3A_153 : vector<16xf32>
        %swap3A_155 = arith.index_cast %scan3A_77 : i32 to index
        %swap3A_156 = arith.constant 32 : index
        %swap3A_157 = tpu.vector_load %arg10[%swap3A_155, %swap3A_156] {strides = array<i32>} : memref<80x128xf32, #tpu.memory_space<vmem>>, vector<1x16xf32>,
        %swap3A_158 = vector.shape_cast %swap3A_157 : vector<1x16xf32> to vector<16xf32>
        %swap3A_159 = vector.shape_cast %mul3A_154 : vector<16xf32> to vector<1x16xf32>
        tpu.vector_store %arg10[%swap3A_155, %swap3A_156], %swap3A_159 {strides = array<i32>} : memref<80x128xf32, #tpu.memory_space<vmem>>, vector<1x16xf32>,
        %get3A_160 = arith.index_cast %scan3A_77 : i32 to index
        %get3A_161 = arith.constant 48 : index
        %get3A_162 = tpu.vector_load %arg10[%get3A_160, %get3A_161] {strides = array<i32>} : memref<80x128xf32, #tpu.memory_space<vmem>>, vector<1x16xf32>,
        %get3A_163 = vector.shape_cast %get3A_162 : vector<1x16xf32> to vector<16xf32>
        %get3A_164 = arith.index_cast %scan3A_77 : i32 to index
        %get3A_165 = arith.constant 48 : index
        %get3A_166 = tpu.vector_load %arg11[%get3A_164, %get3A_165] {strides = array<i32>} : memref<80x128xf32, #tpu.memory_space<vmem>>, vector<1x16xf32>,
        %get3A_167 = vector.shape_cast %get3A_166 : vector<1x16xf32> to vector<16xf32>
        %add3A_168 = arith.addf %get3A_163, %get3A_167 : vector<16xf32>
        %neg3A_169 = arith.constant 0.000000e+00 : f32
        %neg3A_170 = vector.broadcast %neg3A_169 : f32 to vector<16xf32>
        %neg3A_171 = arith.subf %neg3A_170, %add3A_168 : vector<16xf32>
        %exp3A_172 = math.exp %neg3A_171 : vector<16xf32>
        %add3A_173 = arith.constant 1.000000e+00 : f32
        %add3A_174 = vector.broadcast %add3A_173 : f32 to vector<16xf32>
        %add3A_175 = arith.addf %add3A_174, %exp3A_172 : vector<16xf32>
        %div3A_176 = arith.constant 1.000000e+00 : f32
        %div3A_177 = vector.broadcast %div3A_176 : f32 to vector<16xf32>
        %div3A_178 = arith.divf %div3A_177, %add3A_175 : vector<16xf32>
        %get3A_179 = arith.index_cast %scan3A_77 : i32 to index
        %get3A_180 = arith.constant 48 : index
        %get3A_181 = tpu.vector_load %arg12[%get3A_179, %get3A_180] {strides = array<i32>} : memref<80x128xf32, #tpu.memory_space<vmem>>, vector<1x16xf32>,
        %get3A_182 = vector.shape_cast %get3A_181 : vector<1x16xf32> to vector<16xf32>
        %mul3A_183 = arith.mulf %div3A_178, %get3A_182 : vector<16xf32>
        %swap3A_184 = arith.index_cast %scan3A_77 : i32 to index
        %swap3A_185 = arith.constant 48 : index
        %swap3A_186 = tpu.vector_load %arg10[%swap3A_184, %swap3A_185] {strides = array<i32>} : memref<80x128xf32, #tpu.memory_space<vmem>>, vector<1x16xf32>,
        %swap3A_187 = vector.shape_cast %swap3A_186 : vector<1x16xf32> to vector<16xf32>
        %swap3A_188 = vector.shape_cast %mul3A_183 : vector<16xf32> to vector<1x16xf32>
        tpu.vector_store %arg10[%swap3A_184, %swap3A_185], %swap3A_188 {strides = array<i32>} : memref<80x128xf32, #tpu.memory_space<vmem>>, vector<1x16xf32>,
        %get3A_189 = arith.index_cast %scan3A_77 : i32 to index
        %get3A_190 = arith.constant 64 : index
        %get3A_191 = tpu.vector_load %arg10[%get3A_189, %get3A_190] {strides = array<i32>} : memref<80x128xf32, #tpu.memory_space<vmem>>, vector<1x16xf32>,
        %get3A_192 = vector.shape_cast %get3A_191 : vector<1x16xf32> to vector<16xf32>
        %get3A_193 = arith.index_cast %scan3A_77 : i32 to index
        %get3A_194 = arith.constant 64 : index
        %get3A_195 = tpu.vector_load %arg11[%get3A_193, %get3A_194] {strides = array<i32>} : memref<80x128xf32, #tpu.memory_space<vmem>>, vector<1x16xf32>,
        %get3A_196 = vector.shape_cast %get3A_195 : vector<1x16xf32> to vector<16xf32>
        %add3A_197 = arith.addf %get3A_192, %get3A_196 : vector<16xf32>
        %neg3A_198 = arith.constant 0.000000e+00 : f32
        %neg3A_199 = vector.broadcast %neg3A_198 : f32 to vector<16xf32>
        %neg3A_200 = arith.subf %neg3A_199, %add3A_197 : vector<16xf32>
        %exp3A_201 = math.exp %neg3A_200 : vector<16xf32>
        %add3A_202 = arith.constant 1.000000e+00 : f32
        %add3A_203 = vector.broadcast %add3A_202 : f32 to vector<16xf32>
        %add3A_204 = arith.addf %add3A_203, %exp3A_201 : vector<16xf32>
        %div3A_205 = arith.constant 1.000000e+00 : f32
        %div3A_206 = vector.broadcast %div3A_205 : f32 to vector<16xf32>
        %div3A_207 = arith.divf %div3A_206, %add3A_204 : vector<16xf32>
        %get3A_208 = arith.index_cast %scan3A_77 : i32 to index
        %get3A_209 = arith.constant 64 : index
        %get3A_210 = tpu.vector_load %arg12[%get3A_208, %get3A_209] {strides = array<i32>} : memref<80x128xf32, #tpu.memory_space<vmem>>, vector<1x16xf32>,
        %get3A_211 = vector.shape_cast %get3A_210 : vector<1x16xf32> to vector<16xf32>
        %mul3A_212 = arith.mulf %div3A_207, %get3A_211 : vector<16xf32>
        %swap3A_213 = arith.index_cast %scan3A_77 : i32 to index
        %swap3A_214 = arith.constant 64 : index
        %swap3A_215 = tpu.vector_load %arg10[%swap3A_213, %swap3A_214] {strides = array<i32>} : memref<80x128xf32, #tpu.memory_space<vmem>>, vector<1x16xf32>,
        %swap3A_216 = vector.shape_cast %swap3A_215 : vector<1x16xf32> to vector<16xf32>
        %swap3A_217 = vector.shape_cast %mul3A_212 : vector<16xf32> to vector<1x16xf32>
        tpu.vector_store %arg10[%swap3A_213, %swap3A_214], %swap3A_217 {strides = array<i32>} : memref<80x128xf32, #tpu.memory_space<vmem>>, vector<1x16xf32>,
        %get3A_218 = arith.index_cast %scan3A_77 : i32 to index
        %get3A_219 = arith.constant 80 : index
        %get3A_220 = tpu.vector_load %arg10[%get3A_218, %get3A_219] {strides = array<i32>} : memref<80x128xf32, #tpu.memory_space<vmem>>, vector<1x16xf32>,
        %get3A_221 = vector.shape_cast %get3A_220 : vector<1x16xf32> to vector<16xf32>
        %get3A_222 = arith.index_cast %scan3A_77 : i32 to index
        %get3A_223 = arith.constant 80 : index
        %get3A_224 = tpu.vector_load %arg11[%get3A_222, %get3A_223] {strides = array<i32>} : memref<80x128xf32, #tpu.memory_space<vmem>>, vector<1x16xf32>,
        %get3A_225 = vector.shape_cast %get3A_224 : vector<1x16xf32> to vector<16xf32>
        %add3A_226 = arith.addf %get3A_221, %get3A_225 : vector<16xf32>
        %neg3A_227 = arith.constant 0.000000e+00 : f32
        %neg3A_228 = vector.broadcast %neg3A_227 : f32 to vector<16xf32>
        %neg3A_229 = arith.subf %neg3A_228, %add3A_226 : vector<16xf32>
        %exp3A_230 = math.exp %neg3A_229 : vector<16xf32>
        %add3A_231 = arith.constant 1.000000e+00 : f32
        %add3A_232 = vector.broadcast %add3A_231 : f32 to vector<16xf32>
        %add3A_233 = arith.addf %add3A_232, %exp3A_230 : vector<16xf32>
        %div3A_234 = arith.constant 1.000000e+00 : f32
        %div3A_235 = vector.broadcast %div3A_234 : f32 to vector<16xf32>
        %div3A_236 = arith.divf %div3A_235, %add3A_233 : vector<16xf32>
        %get3A_237 = arith.index_cast %scan3A_77 : i32 to index
        %get3A_238 = arith.constant 80 : index
        %get3A_239 = tpu.vector_load %arg12[%get3A_237, %get3A_238] {strides = array<i32>} : memref<80x128xf32, #tpu.memory_space<vmem>>, vector<1x16xf32>,
        %get3A_240 = vector.shape_cast %get3A_239 : vector<1x16xf32> to vector<16xf32>
        %mul3A_241 = arith.mulf %div3A_236, %get3A_240 : vector<16xf32>
        %swap3A_242 = arith.index_cast %scan3A_77 : i32 to index
        %swap3A_243 = arith.constant 80 : index
        %swap3A_244 = tpu.vector_load %arg10[%swap3A_242, %swap3A_243] {strides = array<i32>} : memref<80x128xf32, #tpu.memory_space<vmem>>, vector<1x16xf32>,
        %swap3A_245 = vector.shape_cast %swap3A_244 : vector<1x16xf32> to vector<16xf32>
        %swap3A_246 = vector.shape_cast %mul3A_241 : vector<16xf32> to vector<1x16xf32>
        tpu.vector_store %arg10[%swap3A_242, %swap3A_243], %swap3A_246 {strides = array<i32>} : memref<80x128xf32, #tpu.memory_space<vmem>>, vector<1x16xf32>,
        %get3A_247 = arith.index_cast %scan3A_77 : i32 to index
        %get3A_248 = arith.constant 96 : index
        %get3A_249 = tpu.vector_load %arg10[%get3A_247, %get3A_248] {strides = array<i32>} : memref<80x128xf32, #tpu.memory_space<vmem>>, vector<1x16xf32>,
        %get3A_250 = vector.shape_cast %get3A_249 : vector<1x16xf32> to vector<16xf32>
        %get3A_251 = arith.index_cast %scan3A_77 : i32 to index
        %get3A_252 = arith.constant 96 : index
        %get3A_253 = tpu.vector_load %arg11[%get3A_251, %get3A_252] {strides = array<i32>} : memref<80x128xf32, #tpu.memory_space<vmem>>, vector<1x16xf32>,
        %get3A_254 = vector.shape_cast %get3A_253 : vector<1x16xf32> to vector<16xf32>
        %add3A_255 = arith.addf %get3A_250, %get3A_254 : vector<16xf32>
        %neg3A_256 = arith.constant 0.000000e+00 : f32
        %neg3A_257 = vector.broadcast %neg3A_256 : f32 to vector<16xf32>
        %neg3A_258 = arith.subf %neg3A_257, %add3A_255 : vector<16xf32>
        %exp3A_259 = math.exp %neg3A_258 : vector<16xf32>
        %add3A_260 = arith.constant 1.000000e+00 : f32
        %add3A_261 = vector.broadcast %add3A_260 : f32 to vector<16xf32>
        %add3A_262 = arith.addf %add3A_261, %exp3A_259 : vector<16xf32>
        %div3A_263 = arith.constant 1.000000e+00 : f32
        %div3A_264 = vector.broadcast %div3A_263 : f32 to vector<16xf32>
        %div3A_265 = arith.divf %div3A_264, %add3A_262 : vector<16xf32>
        %get3A_266 = arith.index_cast %scan3A_77 : i32 to index
        %get3A_267 = arith.constant 96 : index
        %get3A_268 = tpu.vector_load %arg12[%get3A_266, %get3A_267] {strides = array<i32>} : memref<80x128xf32, #tpu.memory_space<vmem>>, vector<1x16xf32>,
        %get3A_269 = vector.shape_cast %get3A_268 : vector<1x16xf32> to vector<16xf32>
        %mul3A_270 = arith.mulf %div3A_265, %get3A_269 : vector<16xf32>
        %swap3A_271 = arith.index_cast %scan3A_77 : i32 to index
        %swap3A_272 = arith.constant 96 : index
        %swap3A_273 = tpu.vector_load %arg10[%swap3A_271, %swap3A_272] {strides = array<i32>} : memref<80x128xf32, #tpu.memory_space<vmem>>, vector<1x16xf32>,
        %swap3A_274 = vector.shape_cast %swap3A_273 : vector<1x16xf32> to vector<16xf32>
        %swap3A_275 = vector.shape_cast %mul3A_270 : vector<16xf32> to vector<1x16xf32>
        tpu.vector_store %arg10[%swap3A_271, %swap3A_272], %swap3A_275 {strides = array<i32>} : memref<80x128xf32, #tpu.memory_space<vmem>>, vector<1x16xf32>,
        %get3A_276 = arith.index_cast %scan3A_77 : i32 to index
        %get3A_277 = arith.constant 112 : index
        %get3A_278 = tpu.vector_load %arg10[%get3A_276, %get3A_277] {strides = array<i32>} : memref<80x128xf32, #tpu.memory_space<vmem>>, vector<1x16xf32>,
        %get3A_279 = vector.shape_cast %get3A_278 : vector<1x16xf32> to vector<16xf32>
        %get3A_280 = arith.index_cast %scan3A_77 : i32 to index
        %get3A_281 = arith.constant 112 : index
        %get3A_282 = tpu.vector_load %arg11[%get3A_280, %get3A_281] {strides = array<i32>} : memref<80x128xf32, #tpu.memory_space<vmem>>, vector<1x16xf32>,
        %get3A_283 = vector.shape_cast %get3A_282 : vector<1x16xf32> to vector<16xf32>
        %add3A_284 = arith.addf %get3A_279, %get3A_283 : vector<16xf32>
        %neg3A_285 = arith.constant 0.000000e+00 : f32
        %neg3A_286 = vector.broadcast %neg3A_285 : f32 to vector<16xf32>
        %neg3A_287 = arith.subf %neg3A_286, %add3A_284 : vector<16xf32>
        %exp3A_288 = math.exp %neg3A_287 : vector<16xf32>
        %add3A_289 = arith.constant 1.000000e+00 : f32
        %add3A_290 = vector.broadcast %add3A_289 : f32 to vector<16xf32>
        %add3A_291 = arith.addf %add3A_290, %exp3A_288 : vector<16xf32>
        %div3A_292 = arith.constant 1.000000e+00 : f32
        %div3A_293 = vector.broadcast %div3A_292 : f32 to vector<16xf32>
        %div3A_294 = arith.divf %div3A_293, %add3A_291 : vector<16xf32>
        %get3A_295 = arith.index_cast %scan3A_77 : i32 to index
        %get3A_296 = arith.constant 112 : index
        %get3A_297 = tpu.vector_load %arg12[%get3A_295, %get3A_296] {strides = array<i32>} : memref<80x128xf32, #tpu.memory_space<vmem>>, vector<1x16xf32>,
        %get3A_298 = vector.shape_cast %get3A_297 : vector<1x16xf32> to vector<16xf32>
        %mul3A_299 = arith.mulf %div3A_294, %get3A_298 : vector<16xf32>
        %swap3A_300 = arith.index_cast %scan3A_77 : i32 to index
        %swap3A_301 = arith.constant 112 : index
        %swap3A_302 = tpu.vector_load %arg10[%swap3A_300, %swap3A_301] {strides = array<i32>} : memref<80x128xf32, #tpu.memory_space<vmem>>, vector<1x16xf32>,
        %swap3A_303 = vector.shape_cast %swap3A_302 : vector<1x16xf32> to vector<16xf32>
        %swap3A_304 = vector.shape_cast %mul3A_299 : vector<16xf32> to vector<1x16xf32>
        tpu.vector_store %arg10[%swap3A_300, %swap3A_301], %swap3A_304 {strides = array<i32>} : memref<80x128xf32, #tpu.memory_space<vmem>>, vector<1x16xf32>,
      }
      %scan3A_76 = arith.constant 80 : i32
      "tpu.region"() ({
        %run_scoped3A = tpu.sem_alloc : memref<!tpu.dma_semaphore, #tpu.memory_space<semaphore_mem>>
        %dma_start3A_77 = arith.constant 0 : i32
        %dma_start3A_78 = arith.constant 0 : i32
        %dma_start3A_79 = tpu.memref_slice %arg14[%dma_start3A_77, %dma_start3A_78] : memref<10000x128xf32, #tpu.memory_space<vmem_shared>> -> memref<10000x128xf32, #tpu.memory_space<vmem_shared>>
        tpu.enqueue_indirect_dma source(%arg10 : memref<80x128xf32, #tpu.memory_space<vmem>>) target(%dma_start3A_79 : memref<10000x128xf32, #tpu.memory_space<vmem_shared>>) offsets(%arg8 : memref<80xi32, #tpu.memory_space<vmem>>) semaphore(%run_scoped3A : memref<!tpu.dma_semaphore, #tpu.memory_space<semaphore_mem>>) {add = true}
        %dma_wait3A_80 = arith.constant 0 : i32
        %dma_wait3A_81 = arith.constant 0 : i32
        %dma_wait3A_82 = tpu.memref_slice %arg14[%dma_wait3A_80, %dma_wait3A_81] : memref<10000x128xf32, #tpu.memory_space<vmem_shared>> -> memref<10000x128xf32, #tpu.memory_space<vmem_shared>>
        tpu.wait_indirect_dma semaphore(%run_scoped3A : memref<!tpu.dma_semaphore, #tpu.memory_space<semaphore_mem>>) src(%arg10 : memref<80x128xf32, #tpu.memory_space<vmem>>) dst(%dma_wait3A_82 : memref<10000x128xf32, #tpu.memory_space<vmem_shared>>)
        tpu.yield
      }) : () -> ()
    }
    %scan3A_39 = arith.constant 125 : i32
    %barrier3A_40 = arith.constant 0 : index
    tpu.barrier barrier_id(%barrier3A_40)
    %mul3A_41 = arith.constant 624 : i32
    %mul3A_42 = arith.muli %arg1, %mul3A_41 : i32
    %mul3A_43 = arith.constant 10000 : i32
    %mul3A_44 = arith.muli %arg0, %mul3A_43 : i32
    %add3A_45 = arith.addi %mul3A_44, %mul3A_42 : i32
    "tpu.region"() ({
      %run_scoped3A = tpu.sem_alloc : memref<!tpu.dma_semaphore, #tpu.memory_space<semaphore_mem>>
      %dma_start3A = arith.constant 0 : i32
      %dma_start3A_51 = tpu.memref_slice %arg7[%add3A_45, %dma_start3A] : memref<20000x128xf32, #tpu.memory_space<hbm>> -> memref<624x128xf32, #tpu.memory_space<hbm>>
      %dma_start3A_52 = arith.constant 0 : i32
      %dma_start3A_53 = tpu.memref_slice %arg14[%mul3A_42, %dma_start3A_52] : memref<10000x128xf32, #tpu.memory_space<vmem_shared>> -> memref<624x128xf32, #tpu.memory_space<vmem_shared>>
      tpu.enqueue_dma source(%dma_start3A_53 : memref<624x128xf32, #tpu.memory_space<vmem_shared>>) target(%dma_start3A_51 : memref<624x128xf32, #tpu.memory_space<hbm>>) target_semaphore(%run_scoped3A : memref<!tpu.dma_semaphore, #tpu.memory_space<semaphore_mem>>)
      %dma_wait3A = arith.constant 0 : i32
      %dma_wait3A_54 = tpu.memref_slice %arg7[%add3A_45, %dma_wait3A] : memref<20000x128xf32, #tpu.memory_space<hbm>> -> memref<624x128xf32, #tpu.memory_space<hbm>>
      %dma_wait3A_55 = arith.constant 0 : i32
      %dma_wait3A_56 = tpu.memref_slice %arg14[%mul3A_42, %dma_wait3A_55] : memref<10000x128xf32, #tpu.memory_space<vmem_shared>> -> memref<624x128xf32, #tpu.memory_space<vmem_shared>>
      tpu.wait_dma2 semaphore(%run_scoped3A : memref<!tpu.dma_semaphore, #tpu.memory_space<semaphore_mem>>) src(%dma_wait3A_56 : memref<624x128xf32, #tpu.memory_space<vmem_shared>>) dst(%dma_wait3A_54 : memref<624x128xf32, #tpu.memory_space<hbm>>)
      tpu.yield
    }) : () -> ()
    %eq3A_46 = arith.constant 0 : i32
    %eq3A_47 = arith.cmpi eq, %arg1, %eq3A_46 : i32
    %convert_element_type3A_48 = arith.extui %eq3A_47 : i1 to i32
    %cond3A_49 = arith.constant 0 : i32
    %cond3A_50 = arith.cmpi ne, %convert_element_type3A_48, %cond3A_49 : i32
    scf.if %cond3A_50 {
      %mul3A_51 = arith.constant 10000 : i32
      %mul3A_52 = arith.muli %arg0, %mul3A_51 : i32
      %add3A_53 = arith.constant 9984 : i32
      %add3A_54 = arith.addi %mul3A_52, %add3A_53 : i32
      "tpu.region"() ({
        %run_scoped3A = tpu.sem_alloc : memref<!tpu.dma_semaphore, #tpu.memory_space<semaphore_mem>>
        %dma_start3A = arith.constant 0 : i32
        %dma_start3A_55 = tpu.memref_slice %arg7[%add3A_54, %dma_start3A] : memref<20000x128xf32, #tpu.memory_space<hbm>> -> memref<16x128xf32, #tpu.memory_space<hbm>>
        %dma_start3A_56 = arith.constant 9984 : i32
        %dma_start3A_57 = arith.constant 0 : i32
        %dma_start3A_58 = tpu.memref_slice %arg14[%dma_start3A_56, %dma_start3A_57] : memref<10000x128xf32, #tpu.memory_space<vmem_shared>> -> memref<16x128xf32, #tpu.memory_space<vmem_shared>>
        tpu.enqueue_dma source(%dma_start3A_58 : memref<16x128xf32, #tpu.memory_space<vmem_shared>>) target(%dma_start3A_55 : memref<16x128xf32, #tpu.memory_space<hbm>>) target_semaphore(%run_scoped3A : memref<!tpu.dma_semaphore, #tpu.memory_space<semaphore_mem>>)
        %dma_wait3A = arith.constant 0 : i32
        %dma_wait3A_59 = tpu.memref_slice %arg7[%add3A_54, %dma_wait3A] : memref<20000x128xf32, #tpu.memory_space<hbm>> -> memref<16x128xf32, #tpu.memory_space<hbm>>
        %dma_wait3A_60 = arith.constant 9984 : i32
        %dma_wait3A_61 = arith.constant 0 : i32
        %dma_wait3A_62 = tpu.memref_slice %arg14[%dma_wait3A_60, %dma_wait3A_61] : memref<10000x128xf32, #tpu.memory_space<vmem_shared>> -> memref<16x128xf32, #tpu.memory_space<vmem_shared>>
        tpu.wait_dma2 semaphore(%run_scoped3A : memref<!tpu.dma_semaphore, #tpu.memory_space<semaphore_mem>>) src(%dma_wait3A_62 : memref<16x128xf32, #tpu.memory_space<vmem_shared>>) dst(%dma_wait3A_59 : memref<16x128xf32, #tpu.memory_space<hbm>>)
        tpu.yield
      }) : () -> ()
    } else {
    }
    return
  }
}

#map = affine_map<(d0, d1) -> (0, 0)>
#map1 = affine_map<(d0, d1) -> (0)>
module attributes {stable_mosaic.version = 14 : i64} {
  func.func @_edge_body(%arg0: i32, %arg1: i32, %arg2: memref<10000x128xf32, #tpu.memory_space<hbm>>, %arg3: memref<10000x128xf32, #tpu.memory_space<hbm>>, %arg4: memref<10000x128xf32, #tpu.memory_space<hbm>>, %arg5: memref<320000xi32, #tpu.memory_space<hbm>>, %arg6: memref<320000xi32, #tpu.memory_space<hbm>>, %arg7: memref<20000x128xf32, #tpu.memory_space<hbm>>, %arg8: memref<80xi32, #tpu.memory_space<vmem>>, %arg9: memref<80xi32, #tpu.memory_space<vmem>>, %arg10: memref<80x128xf32, #tpu.memory_space<vmem>>, %arg11: memref<80x128xf32, #tpu.memory_space<vmem>>, %arg12: memref<80x128xf32, #tpu.memory_space<vmem>>, %arg13: memref<104x128xf32, #tpu.memory_space<vmem>>, %arg14: memref<10000x128xf32, #tpu.memory_space<vmem_shared>>, %arg15: memref<!tpu.dma_semaphore, #tpu.memory_space<semaphore_mem>>) attributes {dimension_semantics = [#tpu.dimension_semantics<core_parallel>, #tpu.dimension_semantics<subcore_parallel>], iteration_bounds = array<i64: 2, 16>, scalar_prefetch = 0 : i64, scratch_operands = 8 : i64, tpu.core_type = #tpu.core_type<sc_vector_subcore>, window_params = [{transform_indices = #map}, {transform_indices = #map}, {transform_indices = #map}, {transform_indices = #map1}, {transform_indices = #map1}, {transform_indices = #map}]} {
    %mul3A = arith.constant 2 : i32
    %mul3A_0 = arith.muli %arg1, %mul3A : i32
    %add3A = arith.addi %mul3A_0, %arg0 : i32
    %scan3A = arith.constant 0 : i32
    %scan3A_1 = arith.constant 0 : i32
    %scan3A_2 = arith.constant 104 : i32
    %scan3A_3 = arith.addi %scan3A_1, %scan3A_2 : i32
    %scan3A_4 = arith.constant 1 : i32
    scf.for %scan3A_51 = %scan3A_1 to %scan3A_3 step %scan3A_4  : i32 {
      %broadcast_in_dim3A = arith.constant 0.000000e+00 : f32
      %broadcast_in_dim3A_52 = vector.broadcast %broadcast_in_dim3A : f32 to vector<16xf32>
      %swap3A = arith.index_cast %scan3A_51 : i32 to index
      %swap3A_53 = arith.constant 0 : index
      %swap3A_54 = tpu.vector_load %arg13[%swap3A, %swap3A_53] {strides = array<i32>} : memref<104x128xf32, #tpu.memory_space<vmem>>, vector<1x16xf32>,
      %swap3A_55 = vector.shape_cast %swap3A_54 : vector<1x16xf32> to vector<16xf32>
      %swap3A_56 = vector.shape_cast %broadcast_in_dim3A_52 : vector<16xf32> to vector<1x16xf32>
      tpu.vector_store %arg13[%swap3A, %swap3A_53], %swap3A_56 {strides = array<i32>} : memref<104x128xf32, #tpu.memory_space<vmem>>, vector<1x16xf32>,
      %broadcast_in_dim3A_57 = arith.constant 0.000000e+00 : f32
      %broadcast_in_dim3A_58 = vector.broadcast %broadcast_in_dim3A_57 : f32 to vector<16xf32>
      %swap3A_59 = arith.index_cast %scan3A_51 : i32 to index
      %swap3A_60 = arith.constant 16 : index
      %swap3A_61 = tpu.vector_load %arg13[%swap3A_59, %swap3A_60] {strides = array<i32>} : memref<104x128xf32, #tpu.memory_space<vmem>>, vector<1x16xf32>,
      %swap3A_62 = vector.shape_cast %swap3A_61 : vector<1x16xf32> to vector<16xf32>
      %swap3A_63 = vector.shape_cast %broadcast_in_dim3A_58 : vector<16xf32> to vector<1x16xf32>
      tpu.vector_store %arg13[%swap3A_59, %swap3A_60], %swap3A_63 {strides = array<i32>} : memref<104x128xf32, #tpu.memory_space<vmem>>, vector<1x16xf32>,
      %broadcast_in_dim3A_64 = arith.constant 0.000000e+00 : f32
      %broadcast_in_dim3A_65 = vector.broadcast %broadcast_in_dim3A_64 : f32 to vector<16xf32>
      %swap3A_66 = arith.index_cast %scan3A_51 : i32 to index
      %swap3A_67 = arith.constant 32 : index
      %swap3A_68 = tpu.vector_load %arg13[%swap3A_66, %swap3A_67] {strides = array<i32>} : memref<104x128xf32, #tpu.memory_space<vmem>>, vector<1x16xf32>,
      %swap3A_69 = vector.shape_cast %swap3A_68 : vector<1x16xf32> to vector<16xf32>
      %swap3A_70 = vector.shape_cast %broadcast_in_dim3A_65 : vector<16xf32> to vector<1x16xf32>
      tpu.vector_store %arg13[%swap3A_66, %swap3A_67], %swap3A_70 {strides = array<i32>} : memref<104x128xf32, #tpu.memory_space<vmem>>, vector<1x16xf32>,
      %broadcast_in_dim3A_71 = arith.constant 0.000000e+00 : f32
      %broadcast_in_dim3A_72 = vector.broadcast %broadcast_in_dim3A_71 : f32 to vector<16xf32>
      %swap3A_73 = arith.index_cast %scan3A_51 : i32 to index
      %swap3A_74 = arith.constant 48 : index
      %swap3A_75 = tpu.vector_load %arg13[%swap3A_73, %swap3A_74] {strides = array<i32>} : memref<104x128xf32, #tpu.memory_space<vmem>>, vector<1x16xf32>,
      %swap3A_76 = vector.shape_cast %swap3A_75 : vector<1x16xf32> to vector<16xf32>
      %swap3A_77 = vector.shape_cast %broadcast_in_dim3A_72 : vector<16xf32> to vector<1x16xf32>
      tpu.vector_store %arg13[%swap3A_73, %swap3A_74], %swap3A_77 {strides = array<i32>} : memref<104x128xf32, #tpu.memory_space<vmem>>, vector<1x16xf32>,
      %broadcast_in_dim3A_78 = arith.constant 0.000000e+00 : f32
      %broadcast_in_dim3A_79 = vector.broadcast %broadcast_in_dim3A_78 : f32 to vector<16xf32>
      %swap3A_80 = arith.index_cast %scan3A_51 : i32 to index
      %swap3A_81 = arith.constant 64 : index
      %swap3A_82 = tpu.vector_load %arg13[%swap3A_80, %swap3A_81] {strides = array<i32>} : memref<104x128xf32, #tpu.memory_space<vmem>>, vector<1x16xf32>,
      %swap3A_83 = vector.shape_cast %swap3A_82 : vector<1x16xf32> to vector<16xf32>
      %swap3A_84 = vector.shape_cast %broadcast_in_dim3A_79 : vector<16xf32> to vector<1x16xf32>
      tpu.vector_store %arg13[%swap3A_80, %swap3A_81], %swap3A_84 {strides = array<i32>} : memref<104x128xf32, #tpu.memory_space<vmem>>, vector<1x16xf32>,
      %broadcast_in_dim3A_85 = arith.constant 0.000000e+00 : f32
      %broadcast_in_dim3A_86 = vector.broadcast %broadcast_in_dim3A_85 : f32 to vector<16xf32>
      %swap3A_87 = arith.index_cast %scan3A_51 : i32 to index
      %swap3A_88 = arith.constant 80 : index
      %swap3A_89 = tpu.vector_load %arg13[%swap3A_87, %swap3A_88] {strides = array<i32>} : memref<104x128xf32, #tpu.memory_space<vmem>>, vector<1x16xf32>,
      %swap3A_90 = vector.shape_cast %swap3A_89 : vector<1x16xf32> to vector<16xf32>
      %swap3A_91 = vector.shape_cast %broadcast_in_dim3A_86 : vector<16xf32> to vector<1x16xf32>
      tpu.vector_store %arg13[%swap3A_87, %swap3A_88], %swap3A_91 {strides = array<i32>} : memref<104x128xf32, #tpu.memory_space<vmem>>, vector<1x16xf32>,
      %broadcast_in_dim3A_92 = arith.constant 0.000000e+00 : f32
      %broadcast_in_dim3A_93 = vector.broadcast %broadcast_in_dim3A_92 : f32 to vector<16xf32>
      %swap3A_94 = arith.index_cast %scan3A_51 : i32 to index
      %swap3A_95 = arith.constant 96 : index
      %swap3A_96 = tpu.vector_load %arg13[%swap3A_94, %swap3A_95] {strides = array<i32>} : memref<104x128xf32, #tpu.memory_space<vmem>>, vector<1x16xf32>,
      %swap3A_97 = vector.shape_cast %swap3A_96 : vector<1x16xf32> to vector<16xf32>
      %swap3A_98 = vector.shape_cast %broadcast_in_dim3A_93 : vector<16xf32> to vector<1x16xf32>
      tpu.vector_store %arg13[%swap3A_94, %swap3A_95], %swap3A_98 {strides = array<i32>} : memref<104x128xf32, #tpu.memory_space<vmem>>, vector<1x16xf32>,
      %broadcast_in_dim3A_99 = arith.constant 0.000000e+00 : f32
      %broadcast_in_dim3A_100 = vector.broadcast %broadcast_in_dim3A_99 : f32 to vector<16xf32>
      %swap3A_101 = arith.index_cast %scan3A_51 : i32 to index
      %swap3A_102 = arith.constant 112 : index
      %swap3A_103 = tpu.vector_load %arg13[%swap3A_101, %swap3A_102] {strides = array<i32>} : memref<104x128xf32, #tpu.memory_space<vmem>>, vector<1x16xf32>,
      %swap3A_104 = vector.shape_cast %swap3A_103 : vector<1x16xf32> to vector<16xf32>
      %swap3A_105 = vector.shape_cast %broadcast_in_dim3A_100 : vector<16xf32> to vector<1x16xf32>
      tpu.vector_store %arg13[%swap3A_101, %swap3A_102], %swap3A_105 {strides = array<i32>} : memref<104x128xf32, #tpu.memory_space<vmem>>, vector<1x16xf32>,
    }
    %scan3A_5 = arith.constant 104 : i32
    %mul3A_6 = arith.constant 624 : i32
    %mul3A_7 = arith.muli %arg1, %mul3A_6 : i32
    %add3A_8 = arith.constant 0 : i32
    %add3A_9 = arith.addi %mul3A_7, %add3A_8 : i32
    "tpu.region"() ({
      %run_scoped3A = tpu.sem_alloc : memref<!tpu.dma_semaphore, #tpu.memory_space<semaphore_mem>>
      %dma_start3A = arith.constant 0 : i32
      %dma_start3A_51 = tpu.memref_slice %arg14[%add3A_9, %dma_start3A] : memref<10000x128xf32, #tpu.memory_space<vmem_shared>> -> memref<104x128xf32, #tpu.memory_space<vmem_shared>>
      %dma_start3A_52 = arith.constant 0 : i32
      %dma_start3A_53 = tpu.memref_slice %arg14[%add3A_9, %dma_start3A_52] : memref<10000x128xf32, #tpu.memory_space<vmem_shared>> -> memref<104x128xf32, #tpu.memory_space<vmem_shared>>
      tpu.enqueue_dma source(%arg13 : memref<104x128xf32, #tpu.memory_space<vmem>>) target(%dma_start3A_53 : memref<104x128xf32, #tpu.memory_space<vmem_shared>>) target_semaphore(%run_scoped3A : memref<!tpu.dma_semaphore, #tpu.memory_space<semaphore_mem>>)
      %dma_wait3A = arith.constant 0 : i32
      %dma_wait3A_54 = tpu.memref_slice %arg14[%add3A_9, %dma_wait3A] : memref<10000x128xf32, #tpu.memory_space<vmem_shared>> -> memref<104x128xf32, #tpu.memory_space<vmem_shared>>
      %dma_wait3A_55 = arith.constant 0 : i32
      %dma_wait3A_56 = tpu.memref_slice %arg14[%add3A_9, %dma_wait3A_55] : memref<10000x128xf32, #tpu.memory_space<vmem_shared>> -> memref<104x128xf32, #tpu.memory_space<vmem_shared>>
      tpu.wait_dma2 semaphore(%run_scoped3A : memref<!tpu.dma_semaphore, #tpu.memory_space<semaphore_mem>>) src(%arg13 : memref<104x128xf32, #tpu.memory_space<vmem>>) dst(%dma_wait3A_56 : memref<104x128xf32, #tpu.memory_space<vmem_shared>>)
      tpu.yield
    }) : () -> ()
    %mul3A_10 = arith.constant 624 : i32
    %mul3A_11 = arith.muli %arg1, %mul3A_10 : i32
    %add3A_12 = arith.constant 104 : i32
    %add3A_13 = arith.addi %mul3A_11, %add3A_12 : i32
    "tpu.region"() ({
      %run_scoped3A = tpu.sem_alloc : memref<!tpu.dma_semaphore, #tpu.memory_space<semaphore_mem>>
      %dma_start3A = arith.constant 0 : i32
      %dma_start3A_51 = tpu.memref_slice %arg14[%add3A_13, %dma_start3A] : memref<10000x128xf32, #tpu.memory_space<vmem_shared>> -> memref<104x128xf32, #tpu.memory_space<vmem_shared>>
      %dma_start3A_52 = arith.constant 0 : i32
      %dma_start3A_53 = tpu.memref_slice %arg14[%add3A_13, %dma_start3A_52] : memref<10000x128xf32, #tpu.memory_space<vmem_shared>> -> memref<104x128xf32, #tpu.memory_space<vmem_shared>>
      tpu.enqueue_dma source(%arg13 : memref<104x128xf32, #tpu.memory_space<vmem>>) target(%dma_start3A_53 : memref<104x128xf32, #tpu.memory_space<vmem_shared>>) target_semaphore(%run_scoped3A : memref<!tpu.dma_semaphore, #tpu.memory_space<semaphore_mem>>)
      %dma_wait3A = arith.constant 0 : i32
      %dma_wait3A_54 = tpu.memref_slice %arg14[%add3A_13, %dma_wait3A] : memref<10000x128xf32, #tpu.memory_space<vmem_shared>> -> memref<104x128xf32, #tpu.memory_space<vmem_shared>>
      %dma_wait3A_55 = arith.constant 0 : i32
      %dma_wait3A_56 = tpu.memref_slice %arg14[%add3A_13, %dma_wait3A_55] : memref<10000x128xf32, #tpu.memory_space<vmem_shared>> -> memref<104x128xf32, #tpu.memory_space<vmem_shared>>
      tpu.wait_dma2 semaphore(%run_scoped3A : memref<!tpu.dma_semaphore, #tpu.memory_space<semaphore_mem>>) src(%arg13 : memref<104x128xf32, #tpu.memory_space<vmem>>) dst(%dma_wait3A_56 : memref<104x128xf32, #tpu.memory_space<vmem_shared>>)
      tpu.yield
    }) : () -> ()
    %mul3A_14 = arith.constant 624 : i32
    %mul3A_15 = arith.muli %arg1, %mul3A_14 : i32
    %add3A_16 = arith.constant 208 : i32
    %add3A_17 = arith.addi %mul3A_15, %add3A_16 : i32
    "tpu.region"() ({
      %run_scoped3A = tpu.sem_alloc : memref<!tpu.dma_semaphore, #tpu.memory_space<semaphore_mem>>
      %dma_start3A = arith.constant 0 : i32
      %dma_start3A_51 = tpu.memref_slice %arg14[%add3A_17, %dma_start3A] : memref<10000x128xf32, #tpu.memory_space<vmem_shared>> -> memref<104x128xf32, #tpu.memory_space<vmem_shared>>
      %dma_start3A_52 = arith.constant 0 : i32
      %dma_start3A_53 = tpu.memref_slice %arg14[%add3A_17, %dma_start3A_52] : memref<10000x128xf32, #tpu.memory_space<vmem_shared>> -> memref<104x128xf32, #tpu.memory_space<vmem_shared>>
      tpu.enqueue_dma source(%arg13 : memref<104x128xf32, #tpu.memory_space<vmem>>) target(%dma_start3A_53 : memref<104x128xf32, #tpu.memory_space<vmem_shared>>) target_semaphore(%run_scoped3A : memref<!tpu.dma_semaphore, #tpu.memory_space<semaphore_mem>>)
      %dma_wait3A = arith.constant 0 : i32
      %dma_wait3A_54 = tpu.memref_slice %arg14[%add3A_17, %dma_wait3A] : memref<10000x128xf32, #tpu.memory_space<vmem_shared>> -> memref<104x128xf32, #tpu.memory_space<vmem_shared>>
      %dma_wait3A_55 = arith.constant 0 : i32
      %dma_wait3A_56 = tpu.memref_slice %arg14[%add3A_17, %dma_wait3A_55] : memref<10000x128xf32, #tpu.memory_space<vmem_shared>> -> memref<104x128xf32, #tpu.memory_space<vmem_shared>>
      tpu.wait_dma2 semaphore(%run_scoped3A : memref<!tpu.dma_semaphore, #tpu.memory_space<semaphore_mem>>) src(%arg13 : memref<104x128xf32, #tpu.memory_space<vmem>>) dst(%dma_wait3A_56 : memref<104x128xf32, #tpu.memory_space<vmem_shared>>)
      tpu.yield
    }) : () -> ()
    %mul3A_18 = arith.constant 624 : i32
    %mul3A_19 = arith.muli %arg1, %mul3A_18 : i32
    %add3A_20 = arith.constant 312 : i32
    %add3A_21 = arith.addi %mul3A_19, %add3A_20 : i32
    "tpu.region"() ({
      %run_scoped3A = tpu.sem_alloc : memref<!tpu.dma_semaphore, #tpu.memory_space<semaphore_mem>>
      %dma_start3A = arith.constant 0 : i32
      %dma_start3A_51 = tpu.memref_slice %arg14[%add3A_21, %dma_start3A] : memref<10000x128xf32, #tpu.memory_space<vmem_shared>> -> memref<104x128xf32, #tpu.memory_space<vmem_shared>>
      %dma_start3A_52 = arith.constant 0 : i32
      %dma_start3A_53 = tpu.memref_slice %arg14[%add3A_21, %dma_start3A_52] : memref<10000x128xf32, #tpu.memory_space<vmem_shared>> -> memref<104x128xf32, #tpu.memory_space<vmem_shared>>
      tpu.enqueue_dma source(%arg13 : memref<104x128xf32, #tpu.memory_space<vmem>>) target(%dma_start3A_53 : memref<104x128xf32, #tpu.memory_space<vmem_shared>>) target_semaphore(%run_scoped3A : memref<!tpu.dma_semaphore, #tpu.memory_space<semaphore_mem>>)
      %dma_wait3A = arith.constant 0 : i32
      %dma_wait3A_54 = tpu.memref_slice %arg14[%add3A_21, %dma_wait3A] : memref<10000x128xf32, #tpu.memory_space<vmem_shared>> -> memref<104x128xf32, #tpu.memory_space<vmem_shared>>
      %dma_wait3A_55 = arith.constant 0 : i32
      %dma_wait3A_56 = tpu.memref_slice %arg14[%add3A_21, %dma_wait3A_55] : memref<10000x128xf32, #tpu.memory_space<vmem_shared>> -> memref<104x128xf32, #tpu.memory_space<vmem_shared>>
      tpu.wait_dma2 semaphore(%run_scoped3A : memref<!tpu.dma_semaphore, #tpu.memory_space<semaphore_mem>>) src(%arg13 : memref<104x128xf32, #tpu.memory_space<vmem>>) dst(%dma_wait3A_56 : memref<104x128xf32, #tpu.memory_space<vmem_shared>>)
      tpu.yield
    }) : () -> ()
    %mul3A_22 = arith.constant 624 : i32
    %mul3A_23 = arith.muli %arg1, %mul3A_22 : i32
    %add3A_24 = arith.constant 416 : i32
    %add3A_25 = arith.addi %mul3A_23, %add3A_24 : i32
    "tpu.region"() ({
      %run_scoped3A = tpu.sem_alloc : memref<!tpu.dma_semaphore, #tpu.memory_space<semaphore_mem>>
      %dma_start3A = arith.constant 0 : i32
      %dma_start3A_51 = tpu.memref_slice %arg14[%add3A_25, %dma_start3A] : memref<10000x128xf32, #tpu.memory_space<vmem_shared>> -> memref<104x128xf32, #tpu.memory_space<vmem_shared>>
      %dma_start3A_52 = arith.constant 0 : i32
      %dma_start3A_53 = tpu.memref_slice %arg14[%add3A_25, %dma_start3A_52] : memref<10000x128xf32, #tpu.memory_space<vmem_shared>> -> memref<104x128xf32, #tpu.memory_space<vmem_shared>>
      tpu.enqueue_dma source(%arg13 : memref<104x128xf32, #tpu.memory_space<vmem>>) target(%dma_start3A_53 : memref<104x128xf32, #tpu.memory_space<vmem_shared>>) target_semaphore(%run_scoped3A : memref<!tpu.dma_semaphore, #tpu.memory_space<semaphore_mem>>)
      %dma_wait3A = arith.constant 0 : i32
      %dma_wait3A_54 = tpu.memref_slice %arg14[%add3A_25, %dma_wait3A] : memref<10000x128xf32, #tpu.memory_space<vmem_shared>> -> memref<104x128xf32, #tpu.memory_space<vmem_shared>>
      %dma_wait3A_55 = arith.constant 0 : i32
      %dma_wait3A_56 = tpu.memref_slice %arg14[%add3A_25, %dma_wait3A_55] : memref<10000x128xf32, #tpu.memory_space<vmem_shared>> -> memref<104x128xf32, #tpu.memory_space<vmem_shared>>
      tpu.wait_dma2 semaphore(%run_scoped3A : memref<!tpu.dma_semaphore, #tpu.memory_space<semaphore_mem>>) src(%arg13 : memref<104x128xf32, #tpu.memory_space<vmem>>) dst(%dma_wait3A_56 : memref<104x128xf32, #tpu.memory_space<vmem_shared>>)
      tpu.yield
    }) : () -> ()
    %mul3A_26 = arith.constant 624 : i32
    %mul3A_27 = arith.muli %arg1, %mul3A_26 : i32
    %add3A_28 = arith.constant 520 : i32
    %add3A_29 = arith.addi %mul3A_27, %add3A_28 : i32
    "tpu.region"() ({
      %run_scoped3A = tpu.sem_alloc : memref<!tpu.dma_semaphore, #tpu.memory_space<semaphore_mem>>
      %dma_start3A = arith.constant 0 : i32
      %dma_start3A_51 = tpu.memref_slice %arg14[%add3A_29, %dma_start3A] : memref<10000x128xf32, #tpu.memory_space<vmem_shared>> -> memref<104x128xf32, #tpu.memory_space<vmem_shared>>
      %dma_start3A_52 = arith.constant 0 : i32
      %dma_start3A_53 = tpu.memref_slice %arg14[%add3A_29, %dma_start3A_52] : memref<10000x128xf32, #tpu.memory_space<vmem_shared>> -> memref<104x128xf32, #tpu.memory_space<vmem_shared>>
      tpu.enqueue_dma source(%arg13 : memref<104x128xf32, #tpu.memory_space<vmem>>) target(%dma_start3A_53 : memref<104x128xf32, #tpu.memory_space<vmem_shared>>) target_semaphore(%run_scoped3A : memref<!tpu.dma_semaphore, #tpu.memory_space<semaphore_mem>>)
      %dma_wait3A = arith.constant 0 : i32
      %dma_wait3A_54 = tpu.memref_slice %arg14[%add3A_29, %dma_wait3A] : memref<10000x128xf32, #tpu.memory_space<vmem_shared>> -> memref<104x128xf32, #tpu.memory_space<vmem_shared>>
      %dma_wait3A_55 = arith.constant 0 : i32
      %dma_wait3A_56 = tpu.memref_slice %arg14[%add3A_29, %dma_wait3A_55] : memref<10000x128xf32, #tpu.memory_space<vmem_shared>> -> memref<104x128xf32, #tpu.memory_space<vmem_shared>>
      tpu.wait_dma2 semaphore(%run_scoped3A : memref<!tpu.dma_semaphore, #tpu.memory_space<semaphore_mem>>) src(%arg13 : memref<104x128xf32, #tpu.memory_space<vmem>>) dst(%dma_wait3A_56 : memref<104x128xf32, #tpu.memory_space<vmem_shared>>)
      tpu.yield
    }) : () -> ()
    %eq3A = arith.constant 0 : i32
    %eq3A_30 = arith.cmpi eq, %arg1, %eq3A : i32
    %convert_element_type3A = arith.extui %eq3A_30 : i1 to i32
    %cond3A = arith.constant 0 : i32
    %cond3A_31 = arith.cmpi ne, %convert_element_type3A, %cond3A : i32
    scf.if %cond3A_31 {
      "tpu.region"() ({
        %run_scoped3A = tpu.sem_alloc : memref<!tpu.dma_semaphore, #tpu.memory_space<semaphore_mem>>
        %dma_start3A = arith.constant 0 : i32
        %dma_start3A_51 = arith.constant 0 : i32
        %dma_start3A_52 = tpu.memref_slice %arg13[%dma_start3A, %dma_start3A_51] : memref<104x128xf32, #tpu.memory_space<vmem>> -> memref<16x128xf32, #tpu.memory_space<vmem>>
        %dma_start3A_53 = arith.constant 9984 : i32
        %dma_start3A_54 = arith.constant 0 : i32
        %dma_start3A_55 = tpu.memref_slice %arg14[%dma_start3A_53, %dma_start3A_54] : memref<10000x128xf32, #tpu.memory_space<vmem_shared>> -> memref<16x128xf32, #tpu.memory_space<vmem_shared>>
        %dma_start3A_56 = arith.constant 9984 : i32
        %dma_start3A_57 = arith.constant 0 : i32
        %dma_start3A_58 = tpu.memref_slice %arg14[%dma_start3A_56, %dma_start3A_57] : memref<10000x128xf32, #tpu.memory_space<vmem_shared>> -> memref<16x128xf32, #tpu.memory_space<vmem_shared>>
        %dma_start3A_59 = arith.constant 0 : i32
        %dma_start3A_60 = arith.constant 0 : i32
        %dma_start3A_61 = tpu.memref_slice %arg13[%dma_start3A_59, %dma_start3A_60] : memref<104x128xf32, #tpu.memory_space<vmem>> -> memref<16x128xf32, #tpu.memory_space<vmem>>
        tpu.enqueue_dma source(%dma_start3A_61 : memref<16x128xf32, #tpu.memory_space<vmem>>) target(%dma_start3A_58 : memref<16x128xf32, #tpu.memory_space<vmem_shared>>) target_semaphore(%run_scoped3A : memref<!tpu.dma_semaphore, #tpu.memory_space<semaphore_mem>>)
        %dma_wait3A = arith.constant 0 : i32
        %dma_wait3A_62 = arith.constant 0 : i32
        %dma_wait3A_63 = tpu.memref_slice %arg13[%dma_wait3A, %dma_wait3A_62] : memref<104x128xf32, #tpu.memory_space<vmem>> -> memref<16x128xf32, #tpu.memory_space<vmem>>
        %dma_wait3A_64 = arith.constant 9984 : i32
        %dma_wait3A_65 = arith.constant 0 : i32
        %dma_wait3A_66 = tpu.memref_slice %arg14[%dma_wait3A_64, %dma_wait3A_65] : memref<10000x128xf32, #tpu.memory_space<vmem_shared>> -> memref<16x128xf32, #tpu.memory_space<vmem_shared>>
        %dma_wait3A_67 = arith.constant 9984 : i32
        %dma_wait3A_68 = arith.constant 0 : i32
        %dma_wait3A_69 = tpu.memref_slice %arg14[%dma_wait3A_67, %dma_wait3A_68] : memref<10000x128xf32, #tpu.memory_space<vmem_shared>> -> memref<16x128xf32, #tpu.memory_space<vmem_shared>>
        %dma_wait3A_70 = arith.constant 0 : i32
        %dma_wait3A_71 = arith.constant 0 : i32
        %dma_wait3A_72 = tpu.memref_slice %arg13[%dma_wait3A_70, %dma_wait3A_71] : memref<104x128xf32, #tpu.memory_space<vmem>> -> memref<16x128xf32, #tpu.memory_space<vmem>>
        tpu.wait_dma2 semaphore(%run_scoped3A : memref<!tpu.dma_semaphore, #tpu.memory_space<semaphore_mem>>) src(%dma_wait3A_72 : memref<16x128xf32, #tpu.memory_space<vmem>>) dst(%dma_wait3A_69 : memref<16x128xf32, #tpu.memory_space<vmem_shared>>)
        tpu.yield
      }) : () -> ()
    } else {
    }
    %barrier3A = arith.constant 0 : index
    tpu.barrier barrier_id(%barrier3A)
    %mul3A_32 = arith.constant 10000 : i32
    %mul3A_33 = arith.muli %add3A, %mul3A_32 : i32
    %scan3A_34 = arith.constant 0 : i32
    %scan3A_35 = arith.constant 0 : i32
    %scan3A_36 = arith.constant 125 : i32
    %scan3A_37 = arith.addi %scan3A_35, %scan3A_36 : i32
    %scan3A_38 = arith.constant 1 : i32
    scf.for %scan3A_51 = %scan3A_35 to %scan3A_37 step %scan3A_38  : i32 {
      %mul3A_52 = arith.constant 80 : i32
      %mul3A_53 = arith.muli %scan3A_51, %mul3A_52 : i32
      %add3A_54 = arith.addi %mul3A_33, %mul3A_53 : i32
      "tpu.region"() ({
        %run_scoped3A = tpu.sem_alloc : memref<!tpu.dma_semaphore, #tpu.memory_space<semaphore_mem>>
        %dma_start3A_77 = tpu.memref_slice %arg5[%add3A_54] : memref<320000xi32, #tpu.memory_space<hbm>> -> memref<80xi32, #tpu.memory_space<hbm>>
        %dma_start3A_78 = tpu.memref_slice %arg5[%add3A_54] : memref<320000xi32, #tpu.memory_space<hbm>> -> memref<80xi32, #tpu.memory_space<hbm>>
        tpu.enqueue_dma source(%dma_start3A_78 : memref<80xi32, #tpu.memory_space<hbm>>) target(%arg9 : memref<80xi32, #tpu.memory_space<vmem>>) target_semaphore(%run_scoped3A : memref<!tpu.dma_semaphore, #tpu.memory_space<semaphore_mem>>)
        %dma_wait3A_79 = tpu.memref_slice %arg5[%add3A_54] : memref<320000xi32, #tpu.memory_space<hbm>> -> memref<80xi32, #tpu.memory_space<hbm>>
        %dma_wait3A_80 = tpu.memref_slice %arg5[%add3A_54] : memref<320000xi32, #tpu.memory_space<hbm>> -> memref<80xi32, #tpu.memory_space<hbm>>
        tpu.wait_dma2 semaphore(%run_scoped3A : memref<!tpu.dma_semaphore, #tpu.memory_space<semaphore_mem>>) src(%dma_wait3A_80 : memref<80xi32, #tpu.memory_space<hbm>>) dst(%arg9 : memref<80xi32, #tpu.memory_space<vmem>>)
        tpu.yield
      }) : () -> ()
      "tpu.region"() ({
        %run_scoped3A = tpu.sem_alloc : memref<!tpu.dma_semaphore, #tpu.memory_space<semaphore_mem>>
        %dma_start3A_77 = tpu.memref_slice %arg6[%add3A_54] : memref<320000xi32, #tpu.memory_space<hbm>> -> memref<80xi32, #tpu.memory_space<hbm>>
        %dma_start3A_78 = tpu.memref_slice %arg6[%add3A_54] : memref<320000xi32, #tpu.memory_space<hbm>> -> memref<80xi32, #tpu.memory_space<hbm>>
        tpu.enqueue_dma source(%dma_start3A_78 : memref<80xi32, #tpu.memory_space<hbm>>) target(%arg8 : memref<80xi32, #tpu.memory_space<vmem>>) target_semaphore(%run_scoped3A : memref<!tpu.dma_semaphore, #tpu.memory_space<semaphore_mem>>)
        %dma_wait3A_79 = tpu.memref_slice %arg6[%add3A_54] : memref<320000xi32, #tpu.memory_space<hbm>> -> memref<80xi32, #tpu.memory_space<hbm>>
        %dma_wait3A_80 = tpu.memref_slice %arg6[%add3A_54] : memref<320000xi32, #tpu.memory_space<hbm>> -> memref<80xi32, #tpu.memory_space<hbm>>
        tpu.wait_dma2 semaphore(%run_scoped3A : memref<!tpu.dma_semaphore, #tpu.memory_space<semaphore_mem>>) src(%dma_wait3A_80 : memref<80xi32, #tpu.memory_space<hbm>>) dst(%arg8 : memref<80xi32, #tpu.memory_space<vmem>>)
        tpu.yield
      }) : () -> ()
      %dma_start3A = arith.constant 0 : i32
      %dma_start3A_55 = arith.constant 0 : i32
      %dma_start3A_56 = tpu.memref_slice %arg2[%dma_start3A, %dma_start3A_55] : memref<10000x128xf32, #tpu.memory_space<hbm>> -> memref<10000x128xf32, #tpu.memory_space<hbm>>
      tpu.enqueue_indirect_dma source(%dma_start3A_56 : memref<10000x128xf32, #tpu.memory_space<hbm>>) target(%arg10 : memref<80x128xf32, #tpu.memory_space<vmem>>) offsets(%arg8 : memref<80xi32, #tpu.memory_space<vmem>>) semaphore(%arg15 : memref<!tpu.dma_semaphore, #tpu.memory_space<semaphore_mem>>)
      %dma_start3A_57 = arith.constant 0 : i32
      %dma_start3A_58 = arith.constant 0 : i32
      %dma_start3A_59 = tpu.memref_slice %arg3[%dma_start3A_57, %dma_start3A_58] : memref<10000x128xf32, #tpu.memory_space<hbm>> -> memref<10000x128xf32, #tpu.memory_space<hbm>>
      tpu.enqueue_indirect_dma source(%dma_start3A_59 : memref<10000x128xf32, #tpu.memory_space<hbm>>) target(%arg11 : memref<80x128xf32, #tpu.memory_space<vmem>>) offsets(%arg9 : memref<80xi32, #tpu.memory_space<vmem>>) semaphore(%arg15 : memref<!tpu.dma_semaphore, #tpu.memory_space<semaphore_mem>>)
      %dma_start3A_60 = arith.constant 0 : i32
      %dma_start3A_61 = arith.constant 0 : i32
      %dma_start3A_62 = tpu.memref_slice %arg4[%dma_start3A_60, %dma_start3A_61] : memref<10000x128xf32, #tpu.memory_space<hbm>> -> memref<10000x128xf32, #tpu.memory_space<hbm>>
      tpu.enqueue_indirect_dma source(%dma_start3A_62 : memref<10000x128xf32, #tpu.memory_space<hbm>>) target(%arg12 : memref<80x128xf32, #tpu.memory_space<vmem>>) offsets(%arg9 : memref<80xi32, #tpu.memory_space<vmem>>) semaphore(%arg15 : memref<!tpu.dma_semaphore, #tpu.memory_space<semaphore_mem>>)
      %dma_wait3A = arith.constant 0 : i32
      %dma_wait3A_63 = arith.constant 0 : i32
      %dma_wait3A_64 = tpu.memref_slice %arg2[%dma_wait3A, %dma_wait3A_63] : memref<10000x128xf32, #tpu.memory_space<hbm>> -> memref<10000x128xf32, #tpu.memory_space<hbm>>
      tpu.wait_indirect_dma semaphore(%arg15 : memref<!tpu.dma_semaphore, #tpu.memory_space<semaphore_mem>>) src(%dma_wait3A_64 : memref<10000x128xf32, #tpu.memory_space<hbm>>) dst(%arg10 : memref<80x128xf32, #tpu.memory_space<vmem>>)
      %dma_wait3A_65 = arith.constant 0 : i32
      %dma_wait3A_66 = arith.constant 0 : i32
      %dma_wait3A_67 = tpu.memref_slice %arg3[%dma_wait3A_65, %dma_wait3A_66] : memref<10000x128xf32, #tpu.memory_space<hbm>> -> memref<10000x128xf32, #tpu.memory_space<hbm>>
      tpu.wait_indirect_dma semaphore(%arg15 : memref<!tpu.dma_semaphore, #tpu.memory_space<semaphore_mem>>) src(%dma_wait3A_67 : memref<10000x128xf32, #tpu.memory_space<hbm>>) dst(%arg11 : memref<80x128xf32, #tpu.memory_space<vmem>>)
      %dma_wait3A_68 = arith.constant 0 : i32
      %dma_wait3A_69 = arith.constant 0 : i32
      %dma_wait3A_70 = tpu.memref_slice %arg4[%dma_wait3A_68, %dma_wait3A_69] : memref<10000x128xf32, #tpu.memory_space<hbm>> -> memref<10000x128xf32, #tpu.memory_space<hbm>>
      tpu.wait_indirect_dma semaphore(%arg15 : memref<!tpu.dma_semaphore, #tpu.memory_space<semaphore_mem>>) src(%dma_wait3A_70 : memref<10000x128xf32, #tpu.memory_space<hbm>>) dst(%arg12 : memref<80x128xf32, #tpu.memory_space<vmem>>)
      %scan3A_71 = arith.constant 0 : i32
      %scan3A_72 = arith.constant 0 : i32
      %scan3A_73 = arith.constant 80 : i32
      %scan3A_74 = arith.addi %scan3A_72, %scan3A_73 : i32
      %scan3A_75 = arith.constant 1 : i32
      scf.for %scan3A_77 = %scan3A_72 to %scan3A_74 step %scan3A_75  : i32 {
        %get3A = arith.index_cast %scan3A_77 : i32 to index
        %get3A_78 = arith.constant 0 : index
        %get3A_79 = tpu.vector_load %arg10[%get3A, %get3A_78] {strides = array<i32>} : memref<80x128xf32, #tpu.memory_space<vmem>>, vector<1x16xf32>,
        %get3A_80 = vector.shape_cast %get3A_79 : vector<1x16xf32> to vector<16xf32>
        %get3A_81 = arith.index_cast %scan3A_77 : i32 to index
        %get3A_82 = arith.constant 0 : index
        %get3A_83 = tpu.vector_load %arg11[%get3A_81, %get3A_82] {strides = array<i32>} : memref<80x128xf32, #tpu.memory_space<vmem>>, vector<1x16xf32>,
        %get3A_84 = vector.shape_cast %get3A_83 : vector<1x16xf32> to vector<16xf32>
        %add3A_85 = arith.addf %get3A_80, %get3A_84 : vector<16xf32>
        %neg3A = arith.constant 0.000000e+00 : f32
        %neg3A_86 = vector.broadcast %neg3A : f32 to vector<16xf32>
        %neg3A_87 = arith.subf %neg3A_86, %add3A_85 : vector<16xf32>
        %exp3A = math.exp %neg3A_87 : vector<16xf32>
        %add3A_88 = arith.constant 1.000000e+00 : f32
        %add3A_89 = vector.broadcast %add3A_88 : f32 to vector<16xf32>
        %add3A_90 = arith.addf %add3A_89, %exp3A : vector<16xf32>
        %div3A = arith.constant 1.000000e+00 : f32
        %div3A_91 = vector.broadcast %div3A : f32 to vector<16xf32>
        %div3A_92 = arith.divf %div3A_91, %add3A_90 : vector<16xf32>
        %get3A_93 = arith.index_cast %scan3A_77 : i32 to index
        %get3A_94 = arith.constant 0 : index
        %get3A_95 = tpu.vector_load %arg12[%get3A_93, %get3A_94] {strides = array<i32>} : memref<80x128xf32, #tpu.memory_space<vmem>>, vector<1x16xf32>,
        %get3A_96 = vector.shape_cast %get3A_95 : vector<1x16xf32> to vector<16xf32>
        %mul3A_97 = arith.mulf %div3A_92, %get3A_96 : vector<16xf32>
        %swap3A = arith.index_cast %scan3A_77 : i32 to index
        %swap3A_98 = arith.constant 0 : index
        %swap3A_99 = tpu.vector_load %arg10[%swap3A, %swap3A_98] {strides = array<i32>} : memref<80x128xf32, #tpu.memory_space<vmem>>, vector<1x16xf32>,
        %swap3A_100 = vector.shape_cast %swap3A_99 : vector<1x16xf32> to vector<16xf32>
        %swap3A_101 = vector.shape_cast %mul3A_97 : vector<16xf32> to vector<1x16xf32>
        tpu.vector_store %arg10[%swap3A, %swap3A_98], %swap3A_101 {strides = array<i32>} : memref<80x128xf32, #tpu.memory_space<vmem>>, vector<1x16xf32>,
        %get3A_102 = arith.index_cast %scan3A_77 : i32 to index
        %get3A_103 = arith.constant 16 : index
        %get3A_104 = tpu.vector_load %arg10[%get3A_102, %get3A_103] {strides = array<i32>} : memref<80x128xf32, #tpu.memory_space<vmem>>, vector<1x16xf32>,
        %get3A_105 = vector.shape_cast %get3A_104 : vector<1x16xf32> to vector<16xf32>
        %get3A_106 = arith.index_cast %scan3A_77 : i32 to index
        %get3A_107 = arith.constant 16 : index
        %get3A_108 = tpu.vector_load %arg11[%get3A_106, %get3A_107] {strides = array<i32>} : memref<80x128xf32, #tpu.memory_space<vmem>>, vector<1x16xf32>,
        %get3A_109 = vector.shape_cast %get3A_108 : vector<1x16xf32> to vector<16xf32>
        %add3A_110 = arith.addf %get3A_105, %get3A_109 : vector<16xf32>
        %neg3A_111 = arith.constant 0.000000e+00 : f32
        %neg3A_112 = vector.broadcast %neg3A_111 : f32 to vector<16xf32>
        %neg3A_113 = arith.subf %neg3A_112, %add3A_110 : vector<16xf32>
        %exp3A_114 = math.exp %neg3A_113 : vector<16xf32>
        %add3A_115 = arith.constant 1.000000e+00 : f32
        %add3A_116 = vector.broadcast %add3A_115 : f32 to vector<16xf32>
        %add3A_117 = arith.addf %add3A_116, %exp3A_114 : vector<16xf32>
        %div3A_118 = arith.constant 1.000000e+00 : f32
        %div3A_119 = vector.broadcast %div3A_118 : f32 to vector<16xf32>
        %div3A_120 = arith.divf %div3A_119, %add3A_117 : vector<16xf32>
        %get3A_121 = arith.index_cast %scan3A_77 : i32 to index
        %get3A_122 = arith.constant 16 : index
        %get3A_123 = tpu.vector_load %arg12[%get3A_121, %get3A_122] {strides = array<i32>} : memref<80x128xf32, #tpu.memory_space<vmem>>, vector<1x16xf32>,
        %get3A_124 = vector.shape_cast %get3A_123 : vector<1x16xf32> to vector<16xf32>
        %mul3A_125 = arith.mulf %div3A_120, %get3A_124 : vector<16xf32>
        %swap3A_126 = arith.index_cast %scan3A_77 : i32 to index
        %swap3A_127 = arith.constant 16 : index
        %swap3A_128 = tpu.vector_load %arg10[%swap3A_126, %swap3A_127] {strides = array<i32>} : memref<80x128xf32, #tpu.memory_space<vmem>>, vector<1x16xf32>,
        %swap3A_129 = vector.shape_cast %swap3A_128 : vector<1x16xf32> to vector<16xf32>
        %swap3A_130 = vector.shape_cast %mul3A_125 : vector<16xf32> to vector<1x16xf32>
        tpu.vector_store %arg10[%swap3A_126, %swap3A_127], %swap3A_130 {strides = array<i32>} : memref<80x128xf32, #tpu.memory_space<vmem>>, vector<1x16xf32>,
        %get3A_131 = arith.index_cast %scan3A_77 : i32 to index
        %get3A_132 = arith.constant 32 : index
        %get3A_133 = tpu.vector_load %arg10[%get3A_131, %get3A_132] {strides = array<i32>} : memref<80x128xf32, #tpu.memory_space<vmem>>, vector<1x16xf32>,
        %get3A_134 = vector.shape_cast %get3A_133 : vector<1x16xf32> to vector<16xf32>
        %get3A_135 = arith.index_cast %scan3A_77 : i32 to index
        %get3A_136 = arith.constant 32 : index
        %get3A_137 = tpu.vector_load %arg11[%get3A_135, %get3A_136] {strides = array<i32>} : memref<80x128xf32, #tpu.memory_space<vmem>>, vector<1x16xf32>,
        %get3A_138 = vector.shape_cast %get3A_137 : vector<1x16xf32> to vector<16xf32>
        %add3A_139 = arith.addf %get3A_134, %get3A_138 : vector<16xf32>
        %neg3A_140 = arith.constant 0.000000e+00 : f32
        %neg3A_141 = vector.broadcast %neg3A_140 : f32 to vector<16xf32>
        %neg3A_142 = arith.subf %neg3A_141, %add3A_139 : vector<16xf32>
        %exp3A_143 = math.exp %neg3A_142 : vector<16xf32>
        %add3A_144 = arith.constant 1.000000e+00 : f32
        %add3A_145 = vector.broadcast %add3A_144 : f32 to vector<16xf32>
        %add3A_146 = arith.addf %add3A_145, %exp3A_143 : vector<16xf32>
        %div3A_147 = arith.constant 1.000000e+00 : f32
        %div3A_148 = vector.broadcast %div3A_147 : f32 to vector<16xf32>
        %div3A_149 = arith.divf %div3A_148, %add3A_146 : vector<16xf32>
        %get3A_150 = arith.index_cast %scan3A_77 : i32 to index
        %get3A_151 = arith.constant 32 : index
        %get3A_152 = tpu.vector_load %arg12[%get3A_150, %get3A_151] {strides = array<i32>} : memref<80x128xf32, #tpu.memory_space<vmem>>, vector<1x16xf32>,
        %get3A_153 = vector.shape_cast %get3A_152 : vector<1x16xf32> to vector<16xf32>
        %mul3A_154 = arith.mulf %div3A_149, %get3A_153 : vector<16xf32>
        %swap3A_155 = arith.index_cast %scan3A_77 : i32 to index
        %swap3A_156 = arith.constant 32 : index
        %swap3A_157 = tpu.vector_load %arg10[%swap3A_155, %swap3A_156] {strides = array<i32>} : memref<80x128xf32, #tpu.memory_space<vmem>>, vector<1x16xf32>,
        %swap3A_158 = vector.shape_cast %swap3A_157 : vector<1x16xf32> to vector<16xf32>
        %swap3A_159 = vector.shape_cast %mul3A_154 : vector<16xf32> to vector<1x16xf32>
        tpu.vector_store %arg10[%swap3A_155, %swap3A_156], %swap3A_159 {strides = array<i32>} : memref<80x128xf32, #tpu.memory_space<vmem>>, vector<1x16xf32>,
        %get3A_160 = arith.index_cast %scan3A_77 : i32 to index
        %get3A_161 = arith.constant 48 : index
        %get3A_162 = tpu.vector_load %arg10[%get3A_160, %get3A_161] {strides = array<i32>} : memref<80x128xf32, #tpu.memory_space<vmem>>, vector<1x16xf32>,
        %get3A_163 = vector.shape_cast %get3A_162 : vector<1x16xf32> to vector<16xf32>
        %get3A_164 = arith.index_cast %scan3A_77 : i32 to index
        %get3A_165 = arith.constant 48 : index
        %get3A_166 = tpu.vector_load %arg11[%get3A_164, %get3A_165] {strides = array<i32>} : memref<80x128xf32, #tpu.memory_space<vmem>>, vector<1x16xf32>,
        %get3A_167 = vector.shape_cast %get3A_166 : vector<1x16xf32> to vector<16xf32>
        %add3A_168 = arith.addf %get3A_163, %get3A_167 : vector<16xf32>
        %neg3A_169 = arith.constant 0.000000e+00 : f32
        %neg3A_170 = vector.broadcast %neg3A_169 : f32 to vector<16xf32>
        %neg3A_171 = arith.subf %neg3A_170, %add3A_168 : vector<16xf32>
        %exp3A_172 = math.exp %neg3A_171 : vector<16xf32>
        %add3A_173 = arith.constant 1.000000e+00 : f32
        %add3A_174 = vector.broadcast %add3A_173 : f32 to vector<16xf32>
        %add3A_175 = arith.addf %add3A_174, %exp3A_172 : vector<16xf32>
        %div3A_176 = arith.constant 1.000000e+00 : f32
        %div3A_177 = vector.broadcast %div3A_176 : f32 to vector<16xf32>
        %div3A_178 = arith.divf %div3A_177, %add3A_175 : vector<16xf32>
        %get3A_179 = arith.index_cast %scan3A_77 : i32 to index
        %get3A_180 = arith.constant 48 : index
        %get3A_181 = tpu.vector_load %arg12[%get3A_179, %get3A_180] {strides = array<i32>} : memref<80x128xf32, #tpu.memory_space<vmem>>, vector<1x16xf32>,
        %get3A_182 = vector.shape_cast %get3A_181 : vector<1x16xf32> to vector<16xf32>
        %mul3A_183 = arith.mulf %div3A_178, %get3A_182 : vector<16xf32>
        %swap3A_184 = arith.index_cast %scan3A_77 : i32 to index
        %swap3A_185 = arith.constant 48 : index
        %swap3A_186 = tpu.vector_load %arg10[%swap3A_184, %swap3A_185] {strides = array<i32>} : memref<80x128xf32, #tpu.memory_space<vmem>>, vector<1x16xf32>,
        %swap3A_187 = vector.shape_cast %swap3A_186 : vector<1x16xf32> to vector<16xf32>
        %swap3A_188 = vector.shape_cast %mul3A_183 : vector<16xf32> to vector<1x16xf32>
        tpu.vector_store %arg10[%swap3A_184, %swap3A_185], %swap3A_188 {strides = array<i32>} : memref<80x128xf32, #tpu.memory_space<vmem>>, vector<1x16xf32>,
        %get3A_189 = arith.index_cast %scan3A_77 : i32 to index
        %get3A_190 = arith.constant 64 : index
        %get3A_191 = tpu.vector_load %arg10[%get3A_189, %get3A_190] {strides = array<i32>} : memref<80x128xf32, #tpu.memory_space<vmem>>, vector<1x16xf32>,
        %get3A_192 = vector.shape_cast %get3A_191 : vector<1x16xf32> to vector<16xf32>
        %get3A_193 = arith.index_cast %scan3A_77 : i32 to index
        %get3A_194 = arith.constant 64 : index
        %get3A_195 = tpu.vector_load %arg11[%get3A_193, %get3A_194] {strides = array<i32>} : memref<80x128xf32, #tpu.memory_space<vmem>>, vector<1x16xf32>,
        %get3A_196 = vector.shape_cast %get3A_195 : vector<1x16xf32> to vector<16xf32>
        %add3A_197 = arith.addf %get3A_192, %get3A_196 : vector<16xf32>
        %neg3A_198 = arith.constant 0.000000e+00 : f32
        %neg3A_199 = vector.broadcast %neg3A_198 : f32 to vector<16xf32>
        %neg3A_200 = arith.subf %neg3A_199, %add3A_197 : vector<16xf32>
        %exp3A_201 = math.exp %neg3A_200 : vector<16xf32>
        %add3A_202 = arith.constant 1.000000e+00 : f32
        %add3A_203 = vector.broadcast %add3A_202 : f32 to vector<16xf32>
        %add3A_204 = arith.addf %add3A_203, %exp3A_201 : vector<16xf32>
        %div3A_205 = arith.constant 1.000000e+00 : f32
        %div3A_206 = vector.broadcast %div3A_205 : f32 to vector<16xf32>
        %div3A_207 = arith.divf %div3A_206, %add3A_204 : vector<16xf32>
        %get3A_208 = arith.index_cast %scan3A_77 : i32 to index
        %get3A_209 = arith.constant 64 : index
        %get3A_210 = tpu.vector_load %arg12[%get3A_208, %get3A_209] {strides = array<i32>} : memref<80x128xf32, #tpu.memory_space<vmem>>, vector<1x16xf32>,
        %get3A_211 = vector.shape_cast %get3A_210 : vector<1x16xf32> to vector<16xf32>
        %mul3A_212 = arith.mulf %div3A_207, %get3A_211 : vector<16xf32>
        %swap3A_213 = arith.index_cast %scan3A_77 : i32 to index
        %swap3A_214 = arith.constant 64 : index
        %swap3A_215 = tpu.vector_load %arg10[%swap3A_213, %swap3A_214] {strides = array<i32>} : memref<80x128xf32, #tpu.memory_space<vmem>>, vector<1x16xf32>,
        %swap3A_216 = vector.shape_cast %swap3A_215 : vector<1x16xf32> to vector<16xf32>
        %swap3A_217 = vector.shape_cast %mul3A_212 : vector<16xf32> to vector<1x16xf32>
        tpu.vector_store %arg10[%swap3A_213, %swap3A_214], %swap3A_217 {strides = array<i32>} : memref<80x128xf32, #tpu.memory_space<vmem>>, vector<1x16xf32>,
        %get3A_218 = arith.index_cast %scan3A_77 : i32 to index
        %get3A_219 = arith.constant 80 : index
        %get3A_220 = tpu.vector_load %arg10[%get3A_218, %get3A_219] {strides = array<i32>} : memref<80x128xf32, #tpu.memory_space<vmem>>, vector<1x16xf32>,
        %get3A_221 = vector.shape_cast %get3A_220 : vector<1x16xf32> to vector<16xf32>
        %get3A_222 = arith.index_cast %scan3A_77 : i32 to index
        %get3A_223 = arith.constant 80 : index
        %get3A_224 = tpu.vector_load %arg11[%get3A_222, %get3A_223] {strides = array<i32>} : memref<80x128xf32, #tpu.memory_space<vmem>>, vector<1x16xf32>,
        %get3A_225 = vector.shape_cast %get3A_224 : vector<1x16xf32> to vector<16xf32>
        %add3A_226 = arith.addf %get3A_221, %get3A_225 : vector<16xf32>
        %neg3A_227 = arith.constant 0.000000e+00 : f32
        %neg3A_228 = vector.broadcast %neg3A_227 : f32 to vector<16xf32>
        %neg3A_229 = arith.subf %neg3A_228, %add3A_226 : vector<16xf32>
        %exp3A_230 = math.exp %neg3A_229 : vector<16xf32>
        %add3A_231 = arith.constant 1.000000e+00 : f32
        %add3A_232 = vector.broadcast %add3A_231 : f32 to vector<16xf32>
        %add3A_233 = arith.addf %add3A_232, %exp3A_230 : vector<16xf32>
        %div3A_234 = arith.constant 1.000000e+00 : f32
        %div3A_235 = vector.broadcast %div3A_234 : f32 to vector<16xf32>
        %div3A_236 = arith.divf %div3A_235, %add3A_233 : vector<16xf32>
        %get3A_237 = arith.index_cast %scan3A_77 : i32 to index
        %get3A_238 = arith.constant 80 : index
        %get3A_239 = tpu.vector_load %arg12[%get3A_237, %get3A_238] {strides = array<i32>} : memref<80x128xf32, #tpu.memory_space<vmem>>, vector<1x16xf32>,
        %get3A_240 = vector.shape_cast %get3A_239 : vector<1x16xf32> to vector<16xf32>
        %mul3A_241 = arith.mulf %div3A_236, %get3A_240 : vector<16xf32>
        %swap3A_242 = arith.index_cast %scan3A_77 : i32 to index
        %swap3A_243 = arith.constant 80 : index
        %swap3A_244 = tpu.vector_load %arg10[%swap3A_242, %swap3A_243] {strides = array<i32>} : memref<80x128xf32, #tpu.memory_space<vmem>>, vector<1x16xf32>,
        %swap3A_245 = vector.shape_cast %swap3A_244 : vector<1x16xf32> to vector<16xf32>
        %swap3A_246 = vector.shape_cast %mul3A_241 : vector<16xf32> to vector<1x16xf32>
        tpu.vector_store %arg10[%swap3A_242, %swap3A_243], %swap3A_246 {strides = array<i32>} : memref<80x128xf32, #tpu.memory_space<vmem>>, vector<1x16xf32>,
        %get3A_247 = arith.index_cast %scan3A_77 : i32 to index
        %get3A_248 = arith.constant 96 : index
        %get3A_249 = tpu.vector_load %arg10[%get3A_247, %get3A_248] {strides = array<i32>} : memref<80x128xf32, #tpu.memory_space<vmem>>, vector<1x16xf32>,
        %get3A_250 = vector.shape_cast %get3A_249 : vector<1x16xf32> to vector<16xf32>
        %get3A_251 = arith.index_cast %scan3A_77 : i32 to index
        %get3A_252 = arith.constant 96 : index
        %get3A_253 = tpu.vector_load %arg11[%get3A_251, %get3A_252] {strides = array<i32>} : memref<80x128xf32, #tpu.memory_space<vmem>>, vector<1x16xf32>,
        %get3A_254 = vector.shape_cast %get3A_253 : vector<1x16xf32> to vector<16xf32>
        %add3A_255 = arith.addf %get3A_250, %get3A_254 : vector<16xf32>
        %neg3A_256 = arith.constant 0.000000e+00 : f32
        %neg3A_257 = vector.broadcast %neg3A_256 : f32 to vector<16xf32>
        %neg3A_258 = arith.subf %neg3A_257, %add3A_255 : vector<16xf32>
        %exp3A_259 = math.exp %neg3A_258 : vector<16xf32>
        %add3A_260 = arith.constant 1.000000e+00 : f32
        %add3A_261 = vector.broadcast %add3A_260 : f32 to vector<16xf32>
        %add3A_262 = arith.addf %add3A_261, %exp3A_259 : vector<16xf32>
        %div3A_263 = arith.constant 1.000000e+00 : f32
        %div3A_264 = vector.broadcast %div3A_263 : f32 to vector<16xf32>
        %div3A_265 = arith.divf %div3A_264, %add3A_262 : vector<16xf32>
        %get3A_266 = arith.index_cast %scan3A_77 : i32 to index
        %get3A_267 = arith.constant 96 : index
        %get3A_268 = tpu.vector_load %arg12[%get3A_266, %get3A_267] {strides = array<i32>} : memref<80x128xf32, #tpu.memory_space<vmem>>, vector<1x16xf32>,
        %get3A_269 = vector.shape_cast %get3A_268 : vector<1x16xf32> to vector<16xf32>
        %mul3A_270 = arith.mulf %div3A_265, %get3A_269 : vector<16xf32>
        %swap3A_271 = arith.index_cast %scan3A_77 : i32 to index
        %swap3A_272 = arith.constant 96 : index
        %swap3A_273 = tpu.vector_load %arg10[%swap3A_271, %swap3A_272] {strides = array<i32>} : memref<80x128xf32, #tpu.memory_space<vmem>>, vector<1x16xf32>,
        %swap3A_274 = vector.shape_cast %swap3A_273 : vector<1x16xf32> to vector<16xf32>
        %swap3A_275 = vector.shape_cast %mul3A_270 : vector<16xf32> to vector<1x16xf32>
        tpu.vector_store %arg10[%swap3A_271, %swap3A_272], %swap3A_275 {strides = array<i32>} : memref<80x128xf32, #tpu.memory_space<vmem>>, vector<1x16xf32>,
        %get3A_276 = arith.index_cast %scan3A_77 : i32 to index
        %get3A_277 = arith.constant 112 : index
        %get3A_278 = tpu.vector_load %arg10[%get3A_276, %get3A_277] {strides = array<i32>} : memref<80x128xf32, #tpu.memory_space<vmem>>, vector<1x16xf32>,
        %get3A_279 = vector.shape_cast %get3A_278 : vector<1x16xf32> to vector<16xf32>
        %get3A_280 = arith.index_cast %scan3A_77 : i32 to index
        %get3A_281 = arith.constant 112 : index
        %get3A_282 = tpu.vector_load %arg11[%get3A_280, %get3A_281] {strides = array<i32>} : memref<80x128xf32, #tpu.memory_space<vmem>>, vector<1x16xf32>,
        %get3A_283 = vector.shape_cast %get3A_282 : vector<1x16xf32> to vector<16xf32>
        %add3A_284 = arith.addf %get3A_279, %get3A_283 : vector<16xf32>
        %neg3A_285 = arith.constant 0.000000e+00 : f32
        %neg3A_286 = vector.broadcast %neg3A_285 : f32 to vector<16xf32>
        %neg3A_287 = arith.subf %neg3A_286, %add3A_284 : vector<16xf32>
        %exp3A_288 = math.exp %neg3A_287 : vector<16xf32>
        %add3A_289 = arith.constant 1.000000e+00 : f32
        %add3A_290 = vector.broadcast %add3A_289 : f32 to vector<16xf32>
        %add3A_291 = arith.addf %add3A_290, %exp3A_288 : vector<16xf32>
        %div3A_292 = arith.constant 1.000000e+00 : f32
        %div3A_293 = vector.broadcast %div3A_292 : f32 to vector<16xf32>
        %div3A_294 = arith.divf %div3A_293, %add3A_291 : vector<16xf32>
        %get3A_295 = arith.index_cast %scan3A_77 : i32 to index
        %get3A_296 = arith.constant 112 : index
        %get3A_297 = tpu.vector_load %arg12[%get3A_295, %get3A_296] {strides = array<i32>} : memref<80x128xf32, #tpu.memory_space<vmem>>, vector<1x16xf32>,
        %get3A_298 = vector.shape_cast %get3A_297 : vector<1x16xf32> to vector<16xf32>
        %mul3A_299 = arith.mulf %div3A_294, %get3A_298 : vector<16xf32>
        %swap3A_300 = arith.index_cast %scan3A_77 : i32 to index
        %swap3A_301 = arith.constant 112 : index
        %swap3A_302 = tpu.vector_load %arg10[%swap3A_300, %swap3A_301] {strides = array<i32>} : memref<80x128xf32, #tpu.memory_space<vmem>>, vector<1x16xf32>,
        %swap3A_303 = vector.shape_cast %swap3A_302 : vector<1x16xf32> to vector<16xf32>
        %swap3A_304 = vector.shape_cast %mul3A_299 : vector<16xf32> to vector<1x16xf32>
        tpu.vector_store %arg10[%swap3A_300, %swap3A_301], %swap3A_304 {strides = array<i32>} : memref<80x128xf32, #tpu.memory_space<vmem>>, vector<1x16xf32>,
      }
      %scan3A_76 = arith.constant 80 : i32
      "tpu.region"() ({
        %run_scoped3A = tpu.sem_alloc : memref<!tpu.dma_semaphore, #tpu.memory_space<semaphore_mem>>
        %dma_start3A_77 = arith.constant 0 : i32
        %dma_start3A_78 = arith.constant 0 : i32
        %dma_start3A_79 = tpu.memref_slice %arg14[%dma_start3A_77, %dma_start3A_78] : memref<10000x128xf32, #tpu.memory_space<vmem_shared>> -> memref<10000x128xf32, #tpu.memory_space<vmem_shared>>
        tpu.enqueue_indirect_dma source(%arg10 : memref<80x128xf32, #tpu.memory_space<vmem>>) target(%dma_start3A_79 : memref<10000x128xf32, #tpu.memory_space<vmem_shared>>) offsets(%arg8 : memref<80xi32, #tpu.memory_space<vmem>>) semaphore(%run_scoped3A : memref<!tpu.dma_semaphore, #tpu.memory_space<semaphore_mem>>) {add = true}
        %dma_wait3A_80 = arith.constant 0 : i32
        %dma_wait3A_81 = arith.constant 0 : i32
        %dma_wait3A_82 = tpu.memref_slice %arg14[%dma_wait3A_80, %dma_wait3A_81] : memref<10000x128xf32, #tpu.memory_space<vmem_shared>> -> memref<10000x128xf32, #tpu.memory_space<vmem_shared>>
        tpu.wait_indirect_dma semaphore(%run_scoped3A : memref<!tpu.dma_semaphore, #tpu.memory_space<semaphore_mem>>) src(%arg10 : memref<80x128xf32, #tpu.memory_space<vmem>>) dst(%dma_wait3A_82 : memref<10000x128xf32, #tpu.memory_space<vmem_shared>>)
        tpu.yield
      }) : () -> ()
    }
    %scan3A_39 = arith.constant 125 : i32
    %barrier3A_40 = arith.constant 0 : index
    tpu.barrier barrier_id(%barrier3A_40)
    %mul3A_41 = arith.constant 624 : i32
    %mul3A_42 = arith.muli %arg1, %mul3A_41 : i32
    %mul3A_43 = arith.constant 10000 : i32
    %mul3A_44 = arith.muli %arg0, %mul3A_43 : i32
    %add3A_45 = arith.addi %mul3A_44, %mul3A_42 : i32
    "tpu.region"() ({
      %run_scoped3A = tpu.sem_alloc : memref<!tpu.dma_semaphore, #tpu.memory_space<semaphore_mem>>
      %dma_start3A = arith.constant 0 : i32
      %dma_start3A_51 = tpu.memref_slice %arg7[%add3A_45, %dma_start3A] : memref<20000x128xf32, #tpu.memory_space<hbm>> -> memref<624x128xf32, #tpu.memory_space<hbm>>
      %dma_start3A_52 = arith.constant 0 : i32
      %dma_start3A_53 = tpu.memref_slice %arg14[%mul3A_42, %dma_start3A_52] : memref<10000x128xf32, #tpu.memory_space<vmem_shared>> -> memref<624x128xf32, #tpu.memory_space<vmem_shared>>
      tpu.enqueue_dma source(%dma_start3A_53 : memref<624x128xf32, #tpu.memory_space<vmem_shared>>) target(%dma_start3A_51 : memref<624x128xf32, #tpu.memory_space<hbm>>) target_semaphore(%run_scoped3A : memref<!tpu.dma_semaphore, #tpu.memory_space<semaphore_mem>>)
      %dma_wait3A = arith.constant 0 : i32
      %dma_wait3A_54 = tpu.memref_slice %arg7[%add3A_45, %dma_wait3A] : memref<20000x128xf32, #tpu.memory_space<hbm>> -> memref<624x128xf32, #tpu.memory_space<hbm>>
      %dma_wait3A_55 = arith.constant 0 : i32
      %dma_wait3A_56 = tpu.memref_slice %arg14[%mul3A_42, %dma_wait3A_55] : memref<10000x128xf32, #tpu.memory_space<vmem_shared>> -> memref<624x128xf32, #tpu.memory_space<vmem_shared>>
      tpu.wait_dma2 semaphore(%run_scoped3A : memref<!tpu.dma_semaphore, #tpu.memory_space<semaphore_mem>>) src(%dma_wait3A_56 : memref<624x128xf32, #tpu.memory_space<vmem_shared>>) dst(%dma_wait3A_54 : memref<624x128xf32, #tpu.memory_space<hbm>>)
      tpu.yield
    }) : () -> ()
    %eq3A_46 = arith.constant 0 : i32
    %eq3A_47 = arith.cmpi eq, %arg1, %eq3A_46 : i32
    %convert_element_type3A_48 = arith.extui %eq3A_47 : i1 to i32
    %cond3A_49 = arith.constant 0 : i32
    %cond3A_50 = arith.cmpi ne, %convert_element_type3A_48, %cond3A_49 : i32
    scf.if %cond3A_50 {
      %mul3A_51 = arith.constant 10000 : i32
      %mul3A_52 = arith.muli %arg0, %mul3A_51 : i32
      %add3A_53 = arith.constant 9984 : i32
      %add3A_54 = arith.addi %mul3A_52, %add3A_53 : i32
      "tpu.region"() ({
        %run_scoped3A = tpu.sem_alloc : memref<!tpu.dma_semaphore, #tpu.memory_space<semaphore_mem>>
        %dma_start3A = arith.constant 0 : i32
        %dma_start3A_55 = tpu.memref_slice %arg7[%add3A_54, %dma_start3A] : memref<20000x128xf32, #tpu.memory_space<hbm>> -> memref<16x128xf32, #tpu.memory_space<hbm>>
        %dma_start3A_56 = arith.constant 9984 : i32
        %dma_start3A_57 = arith.constant 0 : i32
        %dma_start3A_58 = tpu.memref_slice %arg14[%dma_start3A_56, %dma_start3A_57] : memref<10000x128xf32, #tpu.memory_space<vmem_shared>> -> memref<16x128xf32, #tpu.memory_space<vmem_shared>>
        tpu.enqueue_dma source(%dma_start3A_58 : memref<16x128xf32, #tpu.memory_space<vmem_shared>>) target(%dma_start3A_55 : memref<16x128xf32, #tpu.memory_space<hbm>>) target_semaphore(%run_scoped3A : memref<!tpu.dma_semaphore, #tpu.memory_space<semaphore_mem>>)
        %dma_wait3A = arith.constant 0 : i32
        %dma_wait3A_59 = tpu.memref_slice %arg7[%add3A_54, %dma_wait3A] : memref<20000x128xf32, #tpu.memory_space<hbm>> -> memref<16x128xf32, #tpu.memory_space<hbm>>
        %dma_wait3A_60 = arith.constant 9984 : i32
        %dma_wait3A_61 = arith.constant 0 : i32
        %dma_wait3A_62 = tpu.memref_slice %arg14[%dma_wait3A_60, %dma_wait3A_61] : memref<10000x128xf32, #tpu.memory_space<vmem_shared>> -> memref<16x128xf32, #tpu.memory_space<vmem_shared>>
        tpu.wait_dma2 semaphore(%run_scoped3A : memref<!tpu.dma_semaphore, #tpu.memory_space<semaphore_mem>>) src(%dma_wait3A_62 : memref<16x128xf32, #tpu.memory_space<vmem_shared>>) dst(%dma_wait3A_59 : memref<16x128xf32, #tpu.memory_space<hbm>>)
        tpu.yield
      }) : () -> ()
    } else {
    }
    return
  }
}

#map = affine_map<(d0, d1) -> (0, 0)>
#map1 = affine_map<(d0, d1) -> (0)>
module attributes {stable_mosaic.version = 14 : i64} {
  func.func @_edge_body(%arg0: i32, %arg1: i32, %arg2: memref<10000x128xf32, #tpu.memory_space<hbm>>, %arg3: memref<10000x128xf32, #tpu.memory_space<hbm>>, %arg4: memref<10000x128xf32, #tpu.memory_space<hbm>>, %arg5: memref<320000xi32, #tpu.memory_space<hbm>>, %arg6: memref<320000xi32, #tpu.memory_space<hbm>>, %arg7: memref<20000x128xf32, #tpu.memory_space<hbm>>, %arg8: memref<80xi32, #tpu.memory_space<vmem>>, %arg9: memref<80xi32, #tpu.memory_space<vmem>>, %arg10: memref<80x128xf32, #tpu.memory_space<vmem>>, %arg11: memref<80x128xf32, #tpu.memory_space<vmem>>, %arg12: memref<80x128xf32, #tpu.memory_space<vmem>>, %arg13: memref<104x128xf32, #tpu.memory_space<vmem>>, %arg14: memref<10000x128xf32, #tpu.memory_space<vmem_shared>>, %arg15: memref<!tpu.dma_semaphore, #tpu.memory_space<semaphore_mem>>) attributes {dimension_semantics = [#tpu.dimension_semantics<core_parallel>, #tpu.dimension_semantics<subcore_parallel>], iteration_bounds = array<i64: 2, 16>, scalar_prefetch = 0 : i64, scratch_operands = 8 : i64, tpu.core_type = #tpu.core_type<sc_vector_subcore>, window_params = [{transform_indices = #map}, {transform_indices = #map}, {transform_indices = #map}, {transform_indices = #map1}, {transform_indices = #map1}, {transform_indices = #map}]} {
    %mul3A = arith.constant 2 : i32
    %mul3A_0 = arith.muli %arg1, %mul3A : i32
    %add3A = arith.addi %mul3A_0, %arg0 : i32
    %scan3A = arith.constant 0 : i32
    %scan3A_1 = arith.constant 0 : i32
    %scan3A_2 = arith.constant 104 : i32
    %scan3A_3 = arith.addi %scan3A_1, %scan3A_2 : i32
    %scan3A_4 = arith.constant 1 : i32
    scf.for %scan3A_51 = %scan3A_1 to %scan3A_3 step %scan3A_4  : i32 {
      %broadcast_in_dim3A = arith.constant 0.000000e+00 : f32
      %broadcast_in_dim3A_52 = vector.broadcast %broadcast_in_dim3A : f32 to vector<16xf32>
      %swap3A = arith.index_cast %scan3A_51 : i32 to index
      %swap3A_53 = arith.constant 0 : index
      %swap3A_54 = tpu.vector_load %arg13[%swap3A, %swap3A_53] {strides = array<i32>} : memref<104x128xf32, #tpu.memory_space<vmem>>, vector<1x16xf32>,
      %swap3A_55 = vector.shape_cast %swap3A_54 : vector<1x16xf32> to vector<16xf32>
      %swap3A_56 = vector.shape_cast %broadcast_in_dim3A_52 : vector<16xf32> to vector<1x16xf32>
      tpu.vector_store %arg13[%swap3A, %swap3A_53], %swap3A_56 {strides = array<i32>} : memref<104x128xf32, #tpu.memory_space<vmem>>, vector<1x16xf32>,
      %broadcast_in_dim3A_57 = arith.constant 0.000000e+00 : f32
      %broadcast_in_dim3A_58 = vector.broadcast %broadcast_in_dim3A_57 : f32 to vector<16xf32>
      %swap3A_59 = arith.index_cast %scan3A_51 : i32 to index
      %swap3A_60 = arith.constant 16 : index
      %swap3A_61 = tpu.vector_load %arg13[%swap3A_59, %swap3A_60] {strides = array<i32>} : memref<104x128xf32, #tpu.memory_space<vmem>>, vector<1x16xf32>,
      %swap3A_62 = vector.shape_cast %swap3A_61 : vector<1x16xf32> to vector<16xf32>
      %swap3A_63 = vector.shape_cast %broadcast_in_dim3A_58 : vector<16xf32> to vector<1x16xf32>
      tpu.vector_store %arg13[%swap3A_59, %swap3A_60], %swap3A_63 {strides = array<i32>} : memref<104x128xf32, #tpu.memory_space<vmem>>, vector<1x16xf32>,
      %broadcast_in_dim3A_64 = arith.constant 0.000000e+00 : f32
      %broadcast_in_dim3A_65 = vector.broadcast %broadcast_in_dim3A_64 : f32 to vector<16xf32>
      %swap3A_66 = arith.index_cast %scan3A_51 : i32 to index
      %swap3A_67 = arith.constant 32 : index
      %swap3A_68 = tpu.vector_load %arg13[%swap3A_66, %swap3A_67] {strides = array<i32>} : memref<104x128xf32, #tpu.memory_space<vmem>>, vector<1x16xf32>,
      %swap3A_69 = vector.shape_cast %swap3A_68 : vector<1x16xf32> to vector<16xf32>
      %swap3A_70 = vector.shape_cast %broadcast_in_dim3A_65 : vector<16xf32> to vector<1x16xf32>
      tpu.vector_store %arg13[%swap3A_66, %swap3A_67], %swap3A_70 {strides = array<i32>} : memref<104x128xf32, #tpu.memory_space<vmem>>, vector<1x16xf32>,
      %broadcast_in_dim3A_71 = arith.constant 0.000000e+00 : f32
      %broadcast_in_dim3A_72 = vector.broadcast %broadcast_in_dim3A_71 : f32 to vector<16xf32>
      %swap3A_73 = arith.index_cast %scan3A_51 : i32 to index
      %swap3A_74 = arith.constant 48 : index
      %swap3A_75 = tpu.vector_load %arg13[%swap3A_73, %swap3A_74] {strides = array<i32>} : memref<104x128xf32, #tpu.memory_space<vmem>>, vector<1x16xf32>,
      %swap3A_76 = vector.shape_cast %swap3A_75 : vector<1x16xf32> to vector<16xf32>
      %swap3A_77 = vector.shape_cast %broadcast_in_dim3A_72 : vector<16xf32> to vector<1x16xf32>
      tpu.vector_store %arg13[%swap3A_73, %swap3A_74], %swap3A_77 {strides = array<i32>} : memref<104x128xf32, #tpu.memory_space<vmem>>, vector<1x16xf32>,
      %broadcast_in_dim3A_78 = arith.constant 0.000000e+00 : f32
      %broadcast_in_dim3A_79 = vector.broadcast %broadcast_in_dim3A_78 : f32 to vector<16xf32>
      %swap3A_80 = arith.index_cast %scan3A_51 : i32 to index
      %swap3A_81 = arith.constant 64 : index
      %swap3A_82 = tpu.vector_load %arg13[%swap3A_80, %swap3A_81] {strides = array<i32>} : memref<104x128xf32, #tpu.memory_space<vmem>>, vector<1x16xf32>,
      %swap3A_83 = vector.shape_cast %swap3A_82 : vector<1x16xf32> to vector<16xf32>
      %swap3A_84 = vector.shape_cast %broadcast_in_dim3A_79 : vector<16xf32> to vector<1x16xf32>
      tpu.vector_store %arg13[%swap3A_80, %swap3A_81], %swap3A_84 {strides = array<i32>} : memref<104x128xf32, #tpu.memory_space<vmem>>, vector<1x16xf32>,
      %broadcast_in_dim3A_85 = arith.constant 0.000000e+00 : f32
      %broadcast_in_dim3A_86 = vector.broadcast %broadcast_in_dim3A_85 : f32 to vector<16xf32>
      %swap3A_87 = arith.index_cast %scan3A_51 : i32 to index
      %swap3A_88 = arith.constant 80 : index
      %swap3A_89 = tpu.vector_load %arg13[%swap3A_87, %swap3A_88] {strides = array<i32>} : memref<104x128xf32, #tpu.memory_space<vmem>>, vector<1x16xf32>,
      %swap3A_90 = vector.shape_cast %swap3A_89 : vector<1x16xf32> to vector<16xf32>
      %swap3A_91 = vector.shape_cast %broadcast_in_dim3A_86 : vector<16xf32> to vector<1x16xf32>
      tpu.vector_store %arg13[%swap3A_87, %swap3A_88], %swap3A_91 {strides = array<i32>} : memref<104x128xf32, #tpu.memory_space<vmem>>, vector<1x16xf32>,
      %broadcast_in_dim3A_92 = arith.constant 0.000000e+00 : f32
      %broadcast_in_dim3A_93 = vector.broadcast %broadcast_in_dim3A_92 : f32 to vector<16xf32>
      %swap3A_94 = arith.index_cast %scan3A_51 : i32 to index
      %swap3A_95 = arith.constant 96 : index
      %swap3A_96 = tpu.vector_load %arg13[%swap3A_94, %swap3A_95] {strides = array<i32>} : memref<104x128xf32, #tpu.memory_space<vmem>>, vector<1x16xf32>,
      %swap3A_97 = vector.shape_cast %swap3A_96 : vector<1x16xf32> to vector<16xf32>
      %swap3A_98 = vector.shape_cast %broadcast_in_dim3A_93 : vector<16xf32> to vector<1x16xf32>
      tpu.vector_store %arg13[%swap3A_94, %swap3A_95], %swap3A_98 {strides = array<i32>} : memref<104x128xf32, #tpu.memory_space<vmem>>, vector<1x16xf32>,
      %broadcast_in_dim3A_99 = arith.constant 0.000000e+00 : f32
      %broadcast_in_dim3A_100 = vector.broadcast %broadcast_in_dim3A_99 : f32 to vector<16xf32>
      %swap3A_101 = arith.index_cast %scan3A_51 : i32 to index
      %swap3A_102 = arith.constant 112 : index
      %swap3A_103 = tpu.vector_load %arg13[%swap3A_101, %swap3A_102] {strides = array<i32>} : memref<104x128xf32, #tpu.memory_space<vmem>>, vector<1x16xf32>,
      %swap3A_104 = vector.shape_cast %swap3A_103 : vector<1x16xf32> to vector<16xf32>
      %swap3A_105 = vector.shape_cast %broadcast_in_dim3A_100 : vector<16xf32> to vector<1x16xf32>
      tpu.vector_store %arg13[%swap3A_101, %swap3A_102], %swap3A_105 {strides = array<i32>} : memref<104x128xf32, #tpu.memory_space<vmem>>, vector<1x16xf32>,
    }
    %scan3A_5 = arith.constant 104 : i32
    %mul3A_6 = arith.constant 624 : i32
    %mul3A_7 = arith.muli %arg1, %mul3A_6 : i32
    %add3A_8 = arith.constant 0 : i32
    %add3A_9 = arith.addi %mul3A_7, %add3A_8 : i32
    "tpu.region"() ({
      %run_scoped3A = tpu.sem_alloc : memref<!tpu.dma_semaphore, #tpu.memory_space<semaphore_mem>>
      %dma_start3A = arith.constant 0 : i32
      %dma_start3A_51 = tpu.memref_slice %arg14[%add3A_9, %dma_start3A] : memref<10000x128xf32, #tpu.memory_space<vmem_shared>> -> memref<104x128xf32, #tpu.memory_space<vmem_shared>>
      %dma_start3A_52 = arith.constant 0 : i32
      %dma_start3A_53 = tpu.memref_slice %arg14[%add3A_9, %dma_start3A_52] : memref<10000x128xf32, #tpu.memory_space<vmem_shared>> -> memref<104x128xf32, #tpu.memory_space<vmem_shared>>
      tpu.enqueue_dma source(%arg13 : memref<104x128xf32, #tpu.memory_space<vmem>>) target(%dma_start3A_53 : memref<104x128xf32, #tpu.memory_space<vmem_shared>>) target_semaphore(%run_scoped3A : memref<!tpu.dma_semaphore, #tpu.memory_space<semaphore_mem>>)
      %dma_wait3A = arith.constant 0 : i32
      %dma_wait3A_54 = tpu.memref_slice %arg14[%add3A_9, %dma_wait3A] : memref<10000x128xf32, #tpu.memory_space<vmem_shared>> -> memref<104x128xf32, #tpu.memory_space<vmem_shared>>
      %dma_wait3A_55 = arith.constant 0 : i32
      %dma_wait3A_56 = tpu.memref_slice %arg14[%add3A_9, %dma_wait3A_55] : memref<10000x128xf32, #tpu.memory_space<vmem_shared>> -> memref<104x128xf32, #tpu.memory_space<vmem_shared>>
      tpu.wait_dma2 semaphore(%run_scoped3A : memref<!tpu.dma_semaphore, #tpu.memory_space<semaphore_mem>>) src(%arg13 : memref<104x128xf32, #tpu.memory_space<vmem>>) dst(%dma_wait3A_56 : memref<104x128xf32, #tpu.memory_space<vmem_shared>>)
      tpu.yield
    }) : () -> ()
    %mul3A_10 = arith.constant 624 : i32
    %mul3A_11 = arith.muli %arg1, %mul3A_10 : i32
    %add3A_12 = arith.constant 104 : i32
    %add3A_13 = arith.addi %mul3A_11, %add3A_12 : i32
    "tpu.region"() ({
      %run_scoped3A = tpu.sem_alloc : memref<!tpu.dma_semaphore, #tpu.memory_space<semaphore_mem>>
      %dma_start3A = arith.constant 0 : i32
      %dma_start3A_51 = tpu.memref_slice %arg14[%add3A_13, %dma_start3A] : memref<10000x128xf32, #tpu.memory_space<vmem_shared>> -> memref<104x128xf32, #tpu.memory_space<vmem_shared>>
      %dma_start3A_52 = arith.constant 0 : i32
      %dma_start3A_53 = tpu.memref_slice %arg14[%add3A_13, %dma_start3A_52] : memref<10000x128xf32, #tpu.memory_space<vmem_shared>> -> memref<104x128xf32, #tpu.memory_space<vmem_shared>>
      tpu.enqueue_dma source(%arg13 : memref<104x128xf32, #tpu.memory_space<vmem>>) target(%dma_start3A_53 : memref<104x128xf32, #tpu.memory_space<vmem_shared>>) target_semaphore(%run_scoped3A : memref<!tpu.dma_semaphore, #tpu.memory_space<semaphore_mem>>)
      %dma_wait3A = arith.constant 0 : i32
      %dma_wait3A_54 = tpu.memref_slice %arg14[%add3A_13, %dma_wait3A] : memref<10000x128xf32, #tpu.memory_space<vmem_shared>> -> memref<104x128xf32, #tpu.memory_space<vmem_shared>>
      %dma_wait3A_55 = arith.constant 0 : i32
      %dma_wait3A_56 = tpu.memref_slice %arg14[%add3A_13, %dma_wait3A_55] : memref<10000x128xf32, #tpu.memory_space<vmem_shared>> -> memref<104x128xf32, #tpu.memory_space<vmem_shared>>
      tpu.wait_dma2 semaphore(%run_scoped3A : memref<!tpu.dma_semaphore, #tpu.memory_space<semaphore_mem>>) src(%arg13 : memref<104x128xf32, #tpu.memory_space<vmem>>) dst(%dma_wait3A_56 : memref<104x128xf32, #tpu.memory_space<vmem_shared>>)
      tpu.yield
    }) : () -> ()
    %mul3A_14 = arith.constant 624 : i32
    %mul3A_15 = arith.muli %arg1, %mul3A_14 : i32
    %add3A_16 = arith.constant 208 : i32
    %add3A_17 = arith.addi %mul3A_15, %add3A_16 : i32
    "tpu.region"() ({
      %run_scoped3A = tpu.sem_alloc : memref<!tpu.dma_semaphore, #tpu.memory_space<semaphore_mem>>
      %dma_start3A = arith.constant 0 : i32
      %dma_start3A_51 = tpu.memref_slice %arg14[%add3A_17, %dma_start3A] : memref<10000x128xf32, #tpu.memory_space<vmem_shared>> -> memref<104x128xf32, #tpu.memory_space<vmem_shared>>
      %dma_start3A_52 = arith.constant 0 : i32
      %dma_start3A_53 = tpu.memref_slice %arg14[%add3A_17, %dma_start3A_52] : memref<10000x128xf32, #tpu.memory_space<vmem_shared>> -> memref<104x128xf32, #tpu.memory_space<vmem_shared>>
      tpu.enqueue_dma source(%arg13 : memref<104x128xf32, #tpu.memory_space<vmem>>) target(%dma_start3A_53 : memref<104x128xf32, #tpu.memory_space<vmem_shared>>) target_semaphore(%run_scoped3A : memref<!tpu.dma_semaphore, #tpu.memory_space<semaphore_mem>>)
      %dma_wait3A = arith.constant 0 : i32
      %dma_wait3A_54 = tpu.memref_slice %arg14[%add3A_17, %dma_wait3A] : memref<10000x128xf32, #tpu.memory_space<vmem_shared>> -> memref<104x128xf32, #tpu.memory_space<vmem_shared>>
      %dma_wait3A_55 = arith.constant 0 : i32
      %dma_wait3A_56 = tpu.memref_slice %arg14[%add3A_17, %dma_wait3A_55] : memref<10000x128xf32, #tpu.memory_space<vmem_shared>> -> memref<104x128xf32, #tpu.memory_space<vmem_shared>>
      tpu.wait_dma2 semaphore(%run_scoped3A : memref<!tpu.dma_semaphore, #tpu.memory_space<semaphore_mem>>) src(%arg13 : memref<104x128xf32, #tpu.memory_space<vmem>>) dst(%dma_wait3A_56 : memref<104x128xf32, #tpu.memory_space<vmem_shared>>)
      tpu.yield
    }) : () -> ()
    %mul3A_18 = arith.constant 624 : i32
    %mul3A_19 = arith.muli %arg1, %mul3A_18 : i32
    %add3A_20 = arith.constant 312 : i32
    %add3A_21 = arith.addi %mul3A_19, %add3A_20 : i32
    "tpu.region"() ({
      %run_scoped3A = tpu.sem_alloc : memref<!tpu.dma_semaphore, #tpu.memory_space<semaphore_mem>>
      %dma_start3A = arith.constant 0 : i32
      %dma_start3A_51 = tpu.memref_slice %arg14[%add3A_21, %dma_start3A] : memref<10000x128xf32, #tpu.memory_space<vmem_shared>> -> memref<104x128xf32, #tpu.memory_space<vmem_shared>>
      %dma_start3A_52 = arith.constant 0 : i32
      %dma_start3A_53 = tpu.memref_slice %arg14[%add3A_21, %dma_start3A_52] : memref<10000x128xf32, #tpu.memory_space<vmem_shared>> -> memref<104x128xf32, #tpu.memory_space<vmem_shared>>
      tpu.enqueue_dma source(%arg13 : memref<104x128xf32, #tpu.memory_space<vmem>>) target(%dma_start3A_53 : memref<104x128xf32, #tpu.memory_space<vmem_shared>>) target_semaphore(%run_scoped3A : memref<!tpu.dma_semaphore, #tpu.memory_space<semaphore_mem>>)
      %dma_wait3A = arith.constant 0 : i32
      %dma_wait3A_54 = tpu.memref_slice %arg14[%add3A_21, %dma_wait3A] : memref<10000x128xf32, #tpu.memory_space<vmem_shared>> -> memref<104x128xf32, #tpu.memory_space<vmem_shared>>
      %dma_wait3A_55 = arith.constant 0 : i32
      %dma_wait3A_56 = tpu.memref_slice %arg14[%add3A_21, %dma_wait3A_55] : memref<10000x128xf32, #tpu.memory_space<vmem_shared>> -> memref<104x128xf32, #tpu.memory_space<vmem_shared>>
      tpu.wait_dma2 semaphore(%run_scoped3A : memref<!tpu.dma_semaphore, #tpu.memory_space<semaphore_mem>>) src(%arg13 : memref<104x128xf32, #tpu.memory_space<vmem>>) dst(%dma_wait3A_56 : memref<104x128xf32, #tpu.memory_space<vmem_shared>>)
      tpu.yield
    }) : () -> ()
    %mul3A_22 = arith.constant 624 : i32
    %mul3A_23 = arith.muli %arg1, %mul3A_22 : i32
    %add3A_24 = arith.constant 416 : i32
    %add3A_25 = arith.addi %mul3A_23, %add3A_24 : i32
    "tpu.region"() ({
      %run_scoped3A = tpu.sem_alloc : memref<!tpu.dma_semaphore, #tpu.memory_space<semaphore_mem>>
      %dma_start3A = arith.constant 0 : i32
      %dma_start3A_51 = tpu.memref_slice %arg14[%add3A_25, %dma_start3A] : memref<10000x128xf32, #tpu.memory_space<vmem_shared>> -> memref<104x128xf32, #tpu.memory_space<vmem_shared>>
      %dma_start3A_52 = arith.constant 0 : i32
      %dma_start3A_53 = tpu.memref_slice %arg14[%add3A_25, %dma_start3A_52] : memref<10000x128xf32, #tpu.memory_space<vmem_shared>> -> memref<104x128xf32, #tpu.memory_space<vmem_shared>>
      tpu.enqueue_dma source(%arg13 : memref<104x128xf32, #tpu.memory_space<vmem>>) target(%dma_start3A_53 : memref<104x128xf32, #tpu.memory_space<vmem_shared>>) target_semaphore(%run_scoped3A : memref<!tpu.dma_semaphore, #tpu.memory_space<semaphore_mem>>)
      %dma_wait3A = arith.constant 0 : i32
      %dma_wait3A_54 = tpu.memref_slice %arg14[%add3A_25, %dma_wait3A] : memref<10000x128xf32, #tpu.memory_space<vmem_shared>> -> memref<104x128xf32, #tpu.memory_space<vmem_shared>>
      %dma_wait3A_55 = arith.constant 0 : i32
      %dma_wait3A_56 = tpu.memref_slice %arg14[%add3A_25, %dma_wait3A_55] : memref<10000x128xf32, #tpu.memory_space<vmem_shared>> -> memref<104x128xf32, #tpu.memory_space<vmem_shared>>
      tpu.wait_dma2 semaphore(%run_scoped3A : memref<!tpu.dma_semaphore, #tpu.memory_space<semaphore_mem>>) src(%arg13 : memref<104x128xf32, #tpu.memory_space<vmem>>) dst(%dma_wait3A_56 : memref<104x128xf32, #tpu.memory_space<vmem_shared>>)
      tpu.yield
    }) : () -> ()
    %mul3A_26 = arith.constant 624 : i32
    %mul3A_27 = arith.muli %arg1, %mul3A_26 : i32
    %add3A_28 = arith.constant 520 : i32
    %add3A_29 = arith.addi %mul3A_27, %add3A_28 : i32
    "tpu.region"() ({
      %run_scoped3A = tpu.sem_alloc : memref<!tpu.dma_semaphore, #tpu.memory_space<semaphore_mem>>
      %dma_start3A = arith.constant 0 : i32
      %dma_start3A_51 = tpu.memref_slice %arg14[%add3A_29, %dma_start3A] : memref<10000x128xf32, #tpu.memory_space<vmem_shared>> -> memref<104x128xf32, #tpu.memory_space<vmem_shared>>
      %dma_start3A_52 = arith.constant 0 : i32
      %dma_start3A_53 = tpu.memref_slice %arg14[%add3A_29, %dma_start3A_52] : memref<10000x128xf32, #tpu.memory_space<vmem_shared>> -> memref<104x128xf32, #tpu.memory_space<vmem_shared>>
      tpu.enqueue_dma source(%arg13 : memref<104x128xf32, #tpu.memory_space<vmem>>) target(%dma_start3A_53 : memref<104x128xf32, #tpu.memory_space<vmem_shared>>) target_semaphore(%run_scoped3A : memref<!tpu.dma_semaphore, #tpu.memory_space<semaphore_mem>>)
      %dma_wait3A = arith.constant 0 : i32
      %dma_wait3A_54 = tpu.memref_slice %arg14[%add3A_29, %dma_wait3A] : memref<10000x128xf32, #tpu.memory_space<vmem_shared>> -> memref<104x128xf32, #tpu.memory_space<vmem_shared>>
      %dma_wait3A_55 = arith.constant 0 : i32
      %dma_wait3A_56 = tpu.memref_slice %arg14[%add3A_29, %dma_wait3A_55] : memref<10000x128xf32, #tpu.memory_space<vmem_shared>> -> memref<104x128xf32, #tpu.memory_space<vmem_shared>>
      tpu.wait_dma2 semaphore(%run_scoped3A : memref<!tpu.dma_semaphore, #tpu.memory_space<semaphore_mem>>) src(%arg13 : memref<104x128xf32, #tpu.memory_space<vmem>>) dst(%dma_wait3A_56 : memref<104x128xf32, #tpu.memory_space<vmem_shared>>)
      tpu.yield
    }) : () -> ()
    %eq3A = arith.constant 0 : i32
    %eq3A_30 = arith.cmpi eq, %arg1, %eq3A : i32
    %convert_element_type3A = arith.extui %eq3A_30 : i1 to i32
    %cond3A = arith.constant 0 : i32
    %cond3A_31 = arith.cmpi ne, %convert_element_type3A, %cond3A : i32
    scf.if %cond3A_31 {
      "tpu.region"() ({
        %run_scoped3A = tpu.sem_alloc : memref<!tpu.dma_semaphore, #tpu.memory_space<semaphore_mem>>
        %dma_start3A = arith.constant 0 : i32
        %dma_start3A_51 = arith.constant 0 : i32
        %dma_start3A_52 = tpu.memref_slice %arg13[%dma_start3A, %dma_start3A_51] : memref<104x128xf32, #tpu.memory_space<vmem>> -> memref<16x128xf32, #tpu.memory_space<vmem>>
        %dma_start3A_53 = arith.constant 9984 : i32
        %dma_start3A_54 = arith.constant 0 : i32
        %dma_start3A_55 = tpu.memref_slice %arg14[%dma_start3A_53, %dma_start3A_54] : memref<10000x128xf32, #tpu.memory_space<vmem_shared>> -> memref<16x128xf32, #tpu.memory_space<vmem_shared>>
        %dma_start3A_56 = arith.constant 9984 : i32
        %dma_start3A_57 = arith.constant 0 : i32
        %dma_start3A_58 = tpu.memref_slice %arg14[%dma_start3A_56, %dma_start3A_57] : memref<10000x128xf32, #tpu.memory_space<vmem_shared>> -> memref<16x128xf32, #tpu.memory_space<vmem_shared>>
        %dma_start3A_59 = arith.constant 0 : i32
        %dma_start3A_60 = arith.constant 0 : i32
        %dma_start3A_61 = tpu.memref_slice %arg13[%dma_start3A_59, %dma_start3A_60] : memref<104x128xf32, #tpu.memory_space<vmem>> -> memref<16x128xf32, #tpu.memory_space<vmem>>
        tpu.enqueue_dma source(%dma_start3A_61 : memref<16x128xf32, #tpu.memory_space<vmem>>) target(%dma_start3A_58 : memref<16x128xf32, #tpu.memory_space<vmem_shared>>) target_semaphore(%run_scoped3A : memref<!tpu.dma_semaphore, #tpu.memory_space<semaphore_mem>>)
        %dma_wait3A = arith.constant 0 : i32
        %dma_wait3A_62 = arith.constant 0 : i32
        %dma_wait3A_63 = tpu.memref_slice %arg13[%dma_wait3A, %dma_wait3A_62] : memref<104x128xf32, #tpu.memory_space<vmem>> -> memref<16x128xf32, #tpu.memory_space<vmem>>
        %dma_wait3A_64 = arith.constant 9984 : i32
        %dma_wait3A_65 = arith.constant 0 : i32
        %dma_wait3A_66 = tpu.memref_slice %arg14[%dma_wait3A_64, %dma_wait3A_65] : memref<10000x128xf32, #tpu.memory_space<vmem_shared>> -> memref<16x128xf32, #tpu.memory_space<vmem_shared>>
        %dma_wait3A_67 = arith.constant 9984 : i32
        %dma_wait3A_68 = arith.constant 0 : i32
        %dma_wait3A_69 = tpu.memref_slice %arg14[%dma_wait3A_67, %dma_wait3A_68] : memref<10000x128xf32, #tpu.memory_space<vmem_shared>> -> memref<16x128xf32, #tpu.memory_space<vmem_shared>>
        %dma_wait3A_70 = arith.constant 0 : i32
        %dma_wait3A_71 = arith.constant 0 : i32
        %dma_wait3A_72 = tpu.memref_slice %arg13[%dma_wait3A_70, %dma_wait3A_71] : memref<104x128xf32, #tpu.memory_space<vmem>> -> memref<16x128xf32, #tpu.memory_space<vmem>>
        tpu.wait_dma2 semaphore(%run_scoped3A : memref<!tpu.dma_semaphore, #tpu.memory_space<semaphore_mem>>) src(%dma_wait3A_72 : memref<16x128xf32, #tpu.memory_space<vmem>>) dst(%dma_wait3A_69 : memref<16x128xf32, #tpu.memory_space<vmem_shared>>)
        tpu.yield
      }) : () -> ()
    } else {
    }
    %barrier3A = arith.constant 0 : index
    tpu.barrier barrier_id(%barrier3A)
    %mul3A_32 = arith.constant 10000 : i32
    %mul3A_33 = arith.muli %add3A, %mul3A_32 : i32
    %scan3A_34 = arith.constant 0 : i32
    %scan3A_35 = arith.constant 0 : i32
    %scan3A_36 = arith.constant 125 : i32
    %scan3A_37 = arith.addi %scan3A_35, %scan3A_36 : i32
    %scan3A_38 = arith.constant 1 : i32
    scf.for %scan3A_51 = %scan3A_35 to %scan3A_37 step %scan3A_38  : i32 {
      %mul3A_52 = arith.constant 80 : i32
      %mul3A_53 = arith.muli %scan3A_51, %mul3A_52 : i32
      %add3A_54 = arith.addi %mul3A_33, %mul3A_53 : i32
      "tpu.region"() ({
        %run_scoped3A = tpu.sem_alloc : memref<!tpu.dma_semaphore, #tpu.memory_space<semaphore_mem>>
        %dma_start3A_77 = tpu.memref_slice %arg5[%add3A_54] : memref<320000xi32, #tpu.memory_space<hbm>> -> memref<80xi32, #tpu.memory_space<hbm>>
        %dma_start3A_78 = tpu.memref_slice %arg5[%add3A_54] : memref<320000xi32, #tpu.memory_space<hbm>> -> memref<80xi32, #tpu.memory_space<hbm>>
        tpu.enqueue_dma source(%dma_start3A_78 : memref<80xi32, #tpu.memory_space<hbm>>) target(%arg9 : memref<80xi32, #tpu.memory_space<vmem>>) target_semaphore(%run_scoped3A : memref<!tpu.dma_semaphore, #tpu.memory_space<semaphore_mem>>)
        %dma_wait3A_79 = tpu.memref_slice %arg5[%add3A_54] : memref<320000xi32, #tpu.memory_space<hbm>> -> memref<80xi32, #tpu.memory_space<hbm>>
        %dma_wait3A_80 = tpu.memref_slice %arg5[%add3A_54] : memref<320000xi32, #tpu.memory_space<hbm>> -> memref<80xi32, #tpu.memory_space<hbm>>
        tpu.wait_dma2 semaphore(%run_scoped3A : memref<!tpu.dma_semaphore, #tpu.memory_space<semaphore_mem>>) src(%dma_wait3A_80 : memref<80xi32, #tpu.memory_space<hbm>>) dst(%arg9 : memref<80xi32, #tpu.memory_space<vmem>>)
        tpu.yield
      }) : () -> ()
      "tpu.region"() ({
        %run_scoped3A = tpu.sem_alloc : memref<!tpu.dma_semaphore, #tpu.memory_space<semaphore_mem>>
        %dma_start3A_77 = tpu.memref_slice %arg6[%add3A_54] : memref<320000xi32, #tpu.memory_space<hbm>> -> memref<80xi32, #tpu.memory_space<hbm>>
        %dma_start3A_78 = tpu.memref_slice %arg6[%add3A_54] : memref<320000xi32, #tpu.memory_space<hbm>> -> memref<80xi32, #tpu.memory_space<hbm>>
        tpu.enqueue_dma source(%dma_start3A_78 : memref<80xi32, #tpu.memory_space<hbm>>) target(%arg8 : memref<80xi32, #tpu.memory_space<vmem>>) target_semaphore(%run_scoped3A : memref<!tpu.dma_semaphore, #tpu.memory_space<semaphore_mem>>)
        %dma_wait3A_79 = tpu.memref_slice %arg6[%add3A_54] : memref<320000xi32, #tpu.memory_space<hbm>> -> memref<80xi32, #tpu.memory_space<hbm>>
        %dma_wait3A_80 = tpu.memref_slice %arg6[%add3A_54] : memref<320000xi32, #tpu.memory_space<hbm>> -> memref<80xi32, #tpu.memory_space<hbm>>
        tpu.wait_dma2 semaphore(%run_scoped3A : memref<!tpu.dma_semaphore, #tpu.memory_space<semaphore_mem>>) src(%dma_wait3A_80 : memref<80xi32, #tpu.memory_space<hbm>>) dst(%arg8 : memref<80xi32, #tpu.memory_space<vmem>>)
        tpu.yield
      }) : () -> ()
      %dma_start3A = arith.constant 0 : i32
      %dma_start3A_55 = arith.constant 0 : i32
      %dma_start3A_56 = tpu.memref_slice %arg2[%dma_start3A, %dma_start3A_55] : memref<10000x128xf32, #tpu.memory_space<hbm>> -> memref<10000x128xf32, #tpu.memory_space<hbm>>
      tpu.enqueue_indirect_dma source(%dma_start3A_56 : memref<10000x128xf32, #tpu.memory_space<hbm>>) target(%arg10 : memref<80x128xf32, #tpu.memory_space<vmem>>) offsets(%arg8 : memref<80xi32, #tpu.memory_space<vmem>>) semaphore(%arg15 : memref<!tpu.dma_semaphore, #tpu.memory_space<semaphore_mem>>)
      %dma_start3A_57 = arith.constant 0 : i32
      %dma_start3A_58 = arith.constant 0 : i32
      %dma_start3A_59 = tpu.memref_slice %arg3[%dma_start3A_57, %dma_start3A_58] : memref<10000x128xf32, #tpu.memory_space<hbm>> -> memref<10000x128xf32, #tpu.memory_space<hbm>>
      tpu.enqueue_indirect_dma source(%dma_start3A_59 : memref<10000x128xf32, #tpu.memory_space<hbm>>) target(%arg11 : memref<80x128xf32, #tpu.memory_space<vmem>>) offsets(%arg9 : memref<80xi32, #tpu.memory_space<vmem>>) semaphore(%arg15 : memref<!tpu.dma_semaphore, #tpu.memory_space<semaphore_mem>>)
      %dma_start3A_60 = arith.constant 0 : i32
      %dma_start3A_61 = arith.constant 0 : i32
      %dma_start3A_62 = tpu.memref_slice %arg4[%dma_start3A_60, %dma_start3A_61] : memref<10000x128xf32, #tpu.memory_space<hbm>> -> memref<10000x128xf32, #tpu.memory_space<hbm>>
      tpu.enqueue_indirect_dma source(%dma_start3A_62 : memref<10000x128xf32, #tpu.memory_space<hbm>>) target(%arg12 : memref<80x128xf32, #tpu.memory_space<vmem>>) offsets(%arg9 : memref<80xi32, #tpu.memory_space<vmem>>) semaphore(%arg15 : memref<!tpu.dma_semaphore, #tpu.memory_space<semaphore_mem>>)
      %dma_wait3A = arith.constant 0 : i32
      %dma_wait3A_63 = arith.constant 0 : i32
      %dma_wait3A_64 = tpu.memref_slice %arg2[%dma_wait3A, %dma_wait3A_63] : memref<10000x128xf32, #tpu.memory_space<hbm>> -> memref<10000x128xf32, #tpu.memory_space<hbm>>
      tpu.wait_indirect_dma semaphore(%arg15 : memref<!tpu.dma_semaphore, #tpu.memory_space<semaphore_mem>>) src(%dma_wait3A_64 : memref<10000x128xf32, #tpu.memory_space<hbm>>) dst(%arg10 : memref<80x128xf32, #tpu.memory_space<vmem>>)
      %dma_wait3A_65 = arith.constant 0 : i32
      %dma_wait3A_66 = arith.constant 0 : i32
      %dma_wait3A_67 = tpu.memref_slice %arg3[%dma_wait3A_65, %dma_wait3A_66] : memref<10000x128xf32, #tpu.memory_space<hbm>> -> memref<10000x128xf32, #tpu.memory_space<hbm>>
      tpu.wait_indirect_dma semaphore(%arg15 : memref<!tpu.dma_semaphore, #tpu.memory_space<semaphore_mem>>) src(%dma_wait3A_67 : memref<10000x128xf32, #tpu.memory_space<hbm>>) dst(%arg11 : memref<80x128xf32, #tpu.memory_space<vmem>>)
      %dma_wait3A_68 = arith.constant 0 : i32
      %dma_wait3A_69 = arith.constant 0 : i32
      %dma_wait3A_70 = tpu.memref_slice %arg4[%dma_wait3A_68, %dma_wait3A_69] : memref<10000x128xf32, #tpu.memory_space<hbm>> -> memref<10000x128xf32, #tpu.memory_space<hbm>>
      tpu.wait_indirect_dma semaphore(%arg15 : memref<!tpu.dma_semaphore, #tpu.memory_space<semaphore_mem>>) src(%dma_wait3A_70 : memref<10000x128xf32, #tpu.memory_space<hbm>>) dst(%arg12 : memref<80x128xf32, #tpu.memory_space<vmem>>)
      %scan3A_71 = arith.constant 0 : i32
      %scan3A_72 = arith.constant 0 : i32
      %scan3A_73 = arith.constant 80 : i32
      %scan3A_74 = arith.addi %scan3A_72, %scan3A_73 : i32
      %scan3A_75 = arith.constant 1 : i32
      scf.for %scan3A_77 = %scan3A_72 to %scan3A_74 step %scan3A_75  : i32 {
        %get3A = arith.index_cast %scan3A_77 : i32 to index
        %get3A_78 = arith.constant 0 : index
        %get3A_79 = tpu.vector_load %arg10[%get3A, %get3A_78] {strides = array<i32>} : memref<80x128xf32, #tpu.memory_space<vmem>>, vector<1x16xf32>,
        %get3A_80 = vector.shape_cast %get3A_79 : vector<1x16xf32> to vector<16xf32>
        %get3A_81 = arith.index_cast %scan3A_77 : i32 to index
        %get3A_82 = arith.constant 0 : index
        %get3A_83 = tpu.vector_load %arg11[%get3A_81, %get3A_82] {strides = array<i32>} : memref<80x128xf32, #tpu.memory_space<vmem>>, vector<1x16xf32>,
        %get3A_84 = vector.shape_cast %get3A_83 : vector<1x16xf32> to vector<16xf32>
        %add3A_85 = arith.addf %get3A_80, %get3A_84 : vector<16xf32>
        %neg3A = arith.constant 0.000000e+00 : f32
        %neg3A_86 = vector.broadcast %neg3A : f32 to vector<16xf32>
        %neg3A_87 = arith.subf %neg3A_86, %add3A_85 : vector<16xf32>
        %exp3A = math.exp %neg3A_87 : vector<16xf32>
        %add3A_88 = arith.constant 1.000000e+00 : f32
        %add3A_89 = vector.broadcast %add3A_88 : f32 to vector<16xf32>
        %add3A_90 = arith.addf %add3A_89, %exp3A : vector<16xf32>
        %div3A = arith.constant 1.000000e+00 : f32
        %div3A_91 = vector.broadcast %div3A : f32 to vector<16xf32>
        %div3A_92 = arith.divf %div3A_91, %add3A_90 : vector<16xf32>
        %get3A_93 = arith.index_cast %scan3A_77 : i32 to index
        %get3A_94 = arith.constant 0 : index
        %get3A_95 = tpu.vector_load %arg12[%get3A_93, %get3A_94] {strides = array<i32>} : memref<80x128xf32, #tpu.memory_space<vmem>>, vector<1x16xf32>,
        %get3A_96 = vector.shape_cast %get3A_95 : vector<1x16xf32> to vector<16xf32>
        %mul3A_97 = arith.mulf %div3A_92, %get3A_96 : vector<16xf32>
        %swap3A = arith.index_cast %scan3A_77 : i32 to index
        %swap3A_98 = arith.constant 0 : index
        %swap3A_99 = tpu.vector_load %arg10[%swap3A, %swap3A_98] {strides = array<i32>} : memref<80x128xf32, #tpu.memory_space<vmem>>, vector<1x16xf32>,
        %swap3A_100 = vector.shape_cast %swap3A_99 : vector<1x16xf32> to vector<16xf32>
        %swap3A_101 = vector.shape_cast %mul3A_97 : vector<16xf32> to vector<1x16xf32>
        tpu.vector_store %arg10[%swap3A, %swap3A_98], %swap3A_101 {strides = array<i32>} : memref<80x128xf32, #tpu.memory_space<vmem>>, vector<1x16xf32>,
        %get3A_102 = arith.index_cast %scan3A_77 : i32 to index
        %get3A_103 = arith.constant 16 : index
        %get3A_104 = tpu.vector_load %arg10[%get3A_102, %get3A_103] {strides = array<i32>} : memref<80x128xf32, #tpu.memory_space<vmem>>, vector<1x16xf32>,
        %get3A_105 = vector.shape_cast %get3A_104 : vector<1x16xf32> to vector<16xf32>
        %get3A_106 = arith.index_cast %scan3A_77 : i32 to index
        %get3A_107 = arith.constant 16 : index
        %get3A_108 = tpu.vector_load %arg11[%get3A_106, %get3A_107] {strides = array<i32>} : memref<80x128xf32, #tpu.memory_space<vmem>>, vector<1x16xf32>,
        %get3A_109 = vector.shape_cast %get3A_108 : vector<1x16xf32> to vector<16xf32>
        %add3A_110 = arith.addf %get3A_105, %get3A_109 : vector<16xf32>
        %neg3A_111 = arith.constant 0.000000e+00 : f32
        %neg3A_112 = vector.broadcast %neg3A_111 : f32 to vector<16xf32>
        %neg3A_113 = arith.subf %neg3A_112, %add3A_110 : vector<16xf32>
        %exp3A_114 = math.exp %neg3A_113 : vector<16xf32>
        %add3A_115 = arith.constant 1.000000e+00 : f32
        %add3A_116 = vector.broadcast %add3A_115 : f32 to vector<16xf32>
        %add3A_117 = arith.addf %add3A_116, %exp3A_114 : vector<16xf32>
        %div3A_118 = arith.constant 1.000000e+00 : f32
        %div3A_119 = vector.broadcast %div3A_118 : f32 to vector<16xf32>
        %div3A_120 = arith.divf %div3A_119, %add3A_117 : vector<16xf32>
        %get3A_121 = arith.index_cast %scan3A_77 : i32 to index
        %get3A_122 = arith.constant 16 : index
        %get3A_123 = tpu.vector_load %arg12[%get3A_121, %get3A_122] {strides = array<i32>} : memref<80x128xf32, #tpu.memory_space<vmem>>, vector<1x16xf32>,
        %get3A_124 = vector.shape_cast %get3A_123 : vector<1x16xf32> to vector<16xf32>
        %mul3A_125 = arith.mulf %div3A_120, %get3A_124 : vector<16xf32>
        %swap3A_126 = arith.index_cast %scan3A_77 : i32 to index
        %swap3A_127 = arith.constant 16 : index
        %swap3A_128 = tpu.vector_load %arg10[%swap3A_126, %swap3A_127] {strides = array<i32>} : memref<80x128xf32, #tpu.memory_space<vmem>>, vector<1x16xf32>,
        %swap3A_129 = vector.shape_cast %swap3A_128 : vector<1x16xf32> to vector<16xf32>
        %swap3A_130 = vector.shape_cast %mul3A_125 : vector<16xf32> to vector<1x16xf32>
        tpu.vector_store %arg10[%swap3A_126, %swap3A_127], %swap3A_130 {strides = array<i32>} : memref<80x128xf32, #tpu.memory_space<vmem>>, vector<1x16xf32>,
        %get3A_131 = arith.index_cast %scan3A_77 : i32 to index
        %get3A_132 = arith.constant 32 : index
        %get3A_133 = tpu.vector_load %arg10[%get3A_131, %get3A_132] {strides = array<i32>} : memref<80x128xf32, #tpu.memory_space<vmem>>, vector<1x16xf32>,
        %get3A_134 = vector.shape_cast %get3A_133 : vector<1x16xf32> to vector<16xf32>
        %get3A_135 = arith.index_cast %scan3A_77 : i32 to index
        %get3A_136 = arith.constant 32 : index
        %get3A_137 = tpu.vector_load %arg11[%get3A_135, %get3A_136] {strides = array<i32>} : memref<80x128xf32, #tpu.memory_space<vmem>>, vector<1x16xf32>,
        %get3A_138 = vector.shape_cast %get3A_137 : vector<1x16xf32> to vector<16xf32>
        %add3A_139 = arith.addf %get3A_134, %get3A_138 : vector<16xf32>
        %neg3A_140 = arith.constant 0.000000e+00 : f32
        %neg3A_141 = vector.broadcast %neg3A_140 : f32 to vector<16xf32>
        %neg3A_142 = arith.subf %neg3A_141, %add3A_139 : vector<16xf32>
        %exp3A_143 = math.exp %neg3A_142 : vector<16xf32>
        %add3A_144 = arith.constant 1.000000e+00 : f32
        %add3A_145 = vector.broadcast %add3A_144 : f32 to vector<16xf32>
        %add3A_146 = arith.addf %add3A_145, %exp3A_143 : vector<16xf32>
        %div3A_147 = arith.constant 1.000000e+00 : f32
        %div3A_148 = vector.broadcast %div3A_147 : f32 to vector<16xf32>
        %div3A_149 = arith.divf %div3A_148, %add3A_146 : vector<16xf32>
        %get3A_150 = arith.index_cast %scan3A_77 : i32 to index
        %get3A_151 = arith.constant 32 : index
        %get3A_152 = tpu.vector_load %arg12[%get3A_150, %get3A_151] {strides = array<i32>} : memref<80x128xf32, #tpu.memory_space<vmem>>, vector<1x16xf32>,
        %get3A_153 = vector.shape_cast %get3A_152 : vector<1x16xf32> to vector<16xf32>
        %mul3A_154 = arith.mulf %div3A_149, %get3A_153 : vector<16xf32>
        %swap3A_155 = arith.index_cast %scan3A_77 : i32 to index
        %swap3A_156 = arith.constant 32 : index
        %swap3A_157 = tpu.vector_load %arg10[%swap3A_155, %swap3A_156] {strides = array<i32>} : memref<80x128xf32, #tpu.memory_space<vmem>>, vector<1x16xf32>,
        %swap3A_158 = vector.shape_cast %swap3A_157 : vector<1x16xf32> to vector<16xf32>
        %swap3A_159 = vector.shape_cast %mul3A_154 : vector<16xf32> to vector<1x16xf32>
        tpu.vector_store %arg10[%swap3A_155, %swap3A_156], %swap3A_159 {strides = array<i32>} : memref<80x128xf32, #tpu.memory_space<vmem>>, vector<1x16xf32>,
        %get3A_160 = arith.index_cast %scan3A_77 : i32 to index
        %get3A_161 = arith.constant 48 : index
        %get3A_162 = tpu.vector_load %arg10[%get3A_160, %get3A_161] {strides = array<i32>} : memref<80x128xf32, #tpu.memory_space<vmem>>, vector<1x16xf32>,
        %get3A_163 = vector.shape_cast %get3A_162 : vector<1x16xf32> to vector<16xf32>
        %get3A_164 = arith.index_cast %scan3A_77 : i32 to index
        %get3A_165 = arith.constant 48 : index
        %get3A_166 = tpu.vector_load %arg11[%get3A_164, %get3A_165] {strides = array<i32>} : memref<80x128xf32, #tpu.memory_space<vmem>>, vector<1x16xf32>,
        %get3A_167 = vector.shape_cast %get3A_166 : vector<1x16xf32> to vector<16xf32>
        %add3A_168 = arith.addf %get3A_163, %get3A_167 : vector<16xf32>
        %neg3A_169 = arith.constant 0.000000e+00 : f32
        %neg3A_170 = vector.broadcast %neg3A_169 : f32 to vector<16xf32>
        %neg3A_171 = arith.subf %neg3A_170, %add3A_168 : vector<16xf32>
        %exp3A_172 = math.exp %neg3A_171 : vector<16xf32>
        %add3A_173 = arith.constant 1.000000e+00 : f32
        %add3A_174 = vector.broadcast %add3A_173 : f32 to vector<16xf32>
        %add3A_175 = arith.addf %add3A_174, %exp3A_172 : vector<16xf32>
        %div3A_176 = arith.constant 1.000000e+00 : f32
        %div3A_177 = vector.broadcast %div3A_176 : f32 to vector<16xf32>
        %div3A_178 = arith.divf %div3A_177, %add3A_175 : vector<16xf32>
        %get3A_179 = arith.index_cast %scan3A_77 : i32 to index
        %get3A_180 = arith.constant 48 : index
        %get3A_181 = tpu.vector_load %arg12[%get3A_179, %get3A_180] {strides = array<i32>} : memref<80x128xf32, #tpu.memory_space<vmem>>, vector<1x16xf32>,
        %get3A_182 = vector.shape_cast %get3A_181 : vector<1x16xf32> to vector<16xf32>
        %mul3A_183 = arith.mulf %div3A_178, %get3A_182 : vector<16xf32>
        %swap3A_184 = arith.index_cast %scan3A_77 : i32 to index
        %swap3A_185 = arith.constant 48 : index
        %swap3A_186 = tpu.vector_load %arg10[%swap3A_184, %swap3A_185] {strides = array<i32>} : memref<80x128xf32, #tpu.memory_space<vmem>>, vector<1x16xf32>,
        %swap3A_187 = vector.shape_cast %swap3A_186 : vector<1x16xf32> to vector<16xf32>
        %swap3A_188 = vector.shape_cast %mul3A_183 : vector<16xf32> to vector<1x16xf32>
        tpu.vector_store %arg10[%swap3A_184, %swap3A_185], %swap3A_188 {strides = array<i32>} : memref<80x128xf32, #tpu.memory_space<vmem>>, vector<1x16xf32>,
        %get3A_189 = arith.index_cast %scan3A_77 : i32 to index
        %get3A_190 = arith.constant 64 : index
        %get3A_191 = tpu.vector_load %arg10[%get3A_189, %get3A_190] {strides = array<i32>} : memref<80x128xf32, #tpu.memory_space<vmem>>, vector<1x16xf32>,
        %get3A_192 = vector.shape_cast %get3A_191 : vector<1x16xf32> to vector<16xf32>
        %get3A_193 = arith.index_cast %scan3A_77 : i32 to index
        %get3A_194 = arith.constant 64 : index
        %get3A_195 = tpu.vector_load %arg11[%get3A_193, %get3A_194] {strides = array<i32>} : memref<80x128xf32, #tpu.memory_space<vmem>>, vector<1x16xf32>,
        %get3A_196 = vector.shape_cast %get3A_195 : vector<1x16xf32> to vector<16xf32>
        %add3A_197 = arith.addf %get3A_192, %get3A_196 : vector<16xf32>
        %neg3A_198 = arith.constant 0.000000e+00 : f32
        %neg3A_199 = vector.broadcast %neg3A_198 : f32 to vector<16xf32>
        %neg3A_200 = arith.subf %neg3A_199, %add3A_197 : vector<16xf32>
        %exp3A_201 = math.exp %neg3A_200 : vector<16xf32>
        %add3A_202 = arith.constant 1.000000e+00 : f32
        %add3A_203 = vector.broadcast %add3A_202 : f32 to vector<16xf32>
        %add3A_204 = arith.addf %add3A_203, %exp3A_201 : vector<16xf32>
        %div3A_205 = arith.constant 1.000000e+00 : f32
        %div3A_206 = vector.broadcast %div3A_205 : f32 to vector<16xf32>
        %div3A_207 = arith.divf %div3A_206, %add3A_204 : vector<16xf32>
        %get3A_208 = arith.index_cast %scan3A_77 : i32 to index
        %get3A_209 = arith.constant 64 : index
        %get3A_210 = tpu.vector_load %arg12[%get3A_208, %get3A_209] {strides = array<i32>} : memref<80x128xf32, #tpu.memory_space<vmem>>, vector<1x16xf32>,
        %get3A_211 = vector.shape_cast %get3A_210 : vector<1x16xf32> to vector<16xf32>
        %mul3A_212 = arith.mulf %div3A_207, %get3A_211 : vector<16xf32>
        %swap3A_213 = arith.index_cast %scan3A_77 : i32 to index
        %swap3A_214 = arith.constant 64 : index
        %swap3A_215 = tpu.vector_load %arg10[%swap3A_213, %swap3A_214] {strides = array<i32>} : memref<80x128xf32, #tpu.memory_space<vmem>>, vector<1x16xf32>,
        %swap3A_216 = vector.shape_cast %swap3A_215 : vector<1x16xf32> to vector<16xf32>
        %swap3A_217 = vector.shape_cast %mul3A_212 : vector<16xf32> to vector<1x16xf32>
        tpu.vector_store %arg10[%swap3A_213, %swap3A_214], %swap3A_217 {strides = array<i32>} : memref<80x128xf32, #tpu.memory_space<vmem>>, vector<1x16xf32>,
        %get3A_218 = arith.index_cast %scan3A_77 : i32 to index
        %get3A_219 = arith.constant 80 : index
        %get3A_220 = tpu.vector_load %arg10[%get3A_218, %get3A_219] {strides = array<i32>} : memref<80x128xf32, #tpu.memory_space<vmem>>, vector<1x16xf32>,
        %get3A_221 = vector.shape_cast %get3A_220 : vector<1x16xf32> to vector<16xf32>
        %get3A_222 = arith.index_cast %scan3A_77 : i32 to index
        %get3A_223 = arith.constant 80 : index
        %get3A_224 = tpu.vector_load %arg11[%get3A_222, %get3A_223] {strides = array<i32>} : memref<80x128xf32, #tpu.memory_space<vmem>>, vector<1x16xf32>,
        %get3A_225 = vector.shape_cast %get3A_224 : vector<1x16xf32> to vector<16xf32>
        %add3A_226 = arith.addf %get3A_221, %get3A_225 : vector<16xf32>
        %neg3A_227 = arith.constant 0.000000e+00 : f32
        %neg3A_228 = vector.broadcast %neg3A_227 : f32 to vector<16xf32>
        %neg3A_229 = arith.subf %neg3A_228, %add3A_226 : vector<16xf32>
        %exp3A_230 = math.exp %neg3A_229 : vector<16xf32>
        %add3A_231 = arith.constant 1.000000e+00 : f32
        %add3A_232 = vector.broadcast %add3A_231 : f32 to vector<16xf32>
        %add3A_233 = arith.addf %add3A_232, %exp3A_230 : vector<16xf32>
        %div3A_234 = arith.constant 1.000000e+00 : f32
        %div3A_235 = vector.broadcast %div3A_234 : f32 to vector<16xf32>
        %div3A_236 = arith.divf %div3A_235, %add3A_233 : vector<16xf32>
        %get3A_237 = arith.index_cast %scan3A_77 : i32 to index
        %get3A_238 = arith.constant 80 : index
        %get3A_239 = tpu.vector_load %arg12[%get3A_237, %get3A_238] {strides = array<i32>} : memref<80x128xf32, #tpu.memory_space<vmem>>, vector<1x16xf32>,
        %get3A_240 = vector.shape_cast %get3A_239 : vector<1x16xf32> to vector<16xf32>
        %mul3A_241 = arith.mulf %div3A_236, %get3A_240 : vector<16xf32>
        %swap3A_242 = arith.index_cast %scan3A_77 : i32 to index
        %swap3A_243 = arith.constant 80 : index
        %swap3A_244 = tpu.vector_load %arg10[%swap3A_242, %swap3A_243] {strides = array<i32>} : memref<80x128xf32, #tpu.memory_space<vmem>>, vector<1x16xf32>,
        %swap3A_245 = vector.shape_cast %swap3A_244 : vector<1x16xf32> to vector<16xf32>
        %swap3A_246 = vector.shape_cast %mul3A_241 : vector<16xf32> to vector<1x16xf32>
        tpu.vector_store %arg10[%swap3A_242, %swap3A_243], %swap3A_246 {strides = array<i32>} : memref<80x128xf32, #tpu.memory_space<vmem>>, vector<1x16xf32>,
        %get3A_247 = arith.index_cast %scan3A_77 : i32 to index
        %get3A_248 = arith.constant 96 : index
        %get3A_249 = tpu.vector_load %arg10[%get3A_247, %get3A_248] {strides = array<i32>} : memref<80x128xf32, #tpu.memory_space<vmem>>, vector<1x16xf32>,
        %get3A_250 = vector.shape_cast %get3A_249 : vector<1x16xf32> to vector<16xf32>
        %get3A_251 = arith.index_cast %scan3A_77 : i32 to index
        %get3A_252 = arith.constant 96 : index
        %get3A_253 = tpu.vector_load %arg11[%get3A_251, %get3A_252] {strides = array<i32>} : memref<80x128xf32, #tpu.memory_space<vmem>>, vector<1x16xf32>,
        %get3A_254 = vector.shape_cast %get3A_253 : vector<1x16xf32> to vector<16xf32>
        %add3A_255 = arith.addf %get3A_250, %get3A_254 : vector<16xf32>
        %neg3A_256 = arith.constant 0.000000e+00 : f32
        %neg3A_257 = vector.broadcast %neg3A_256 : f32 to vector<16xf32>
        %neg3A_258 = arith.subf %neg3A_257, %add3A_255 : vector<16xf32>
        %exp3A_259 = math.exp %neg3A_258 : vector<16xf32>
        %add3A_260 = arith.constant 1.000000e+00 : f32
        %add3A_261 = vector.broadcast %add3A_260 : f32 to vector<16xf32>
        %add3A_262 = arith.addf %add3A_261, %exp3A_259 : vector<16xf32>
        %div3A_263 = arith.constant 1.000000e+00 : f32
        %div3A_264 = vector.broadcast %div3A_263 : f32 to vector<16xf32>
        %div3A_265 = arith.divf %div3A_264, %add3A_262 : vector<16xf32>
        %get3A_266 = arith.index_cast %scan3A_77 : i32 to index
        %get3A_267 = arith.constant 96 : index
        %get3A_268 = tpu.vector_load %arg12[%get3A_266, %get3A_267] {strides = array<i32>} : memref<80x128xf32, #tpu.memory_space<vmem>>, vector<1x16xf32>,
        %get3A_269 = vector.shape_cast %get3A_268 : vector<1x16xf32> to vector<16xf32>
        %mul3A_270 = arith.mulf %div3A_265, %get3A_269 : vector<16xf32>
        %swap3A_271 = arith.index_cast %scan3A_77 : i32 to index
        %swap3A_272 = arith.constant 96 : index
        %swap3A_273 = tpu.vector_load %arg10[%swap3A_271, %swap3A_272] {strides = array<i32>} : memref<80x128xf32, #tpu.memory_space<vmem>>, vector<1x16xf32>,
        %swap3A_274 = vector.shape_cast %swap3A_273 : vector<1x16xf32> to vector<16xf32>
        %swap3A_275 = vector.shape_cast %mul3A_270 : vector<16xf32> to vector<1x16xf32>
        tpu.vector_store %arg10[%swap3A_271, %swap3A_272], %swap3A_275 {strides = array<i32>} : memref<80x128xf32, #tpu.memory_space<vmem>>, vector<1x16xf32>,
        %get3A_276 = arith.index_cast %scan3A_77 : i32 to index
        %get3A_277 = arith.constant 112 : index
        %get3A_278 = tpu.vector_load %arg10[%get3A_276, %get3A_277] {strides = array<i32>} : memref<80x128xf32, #tpu.memory_space<vmem>>, vector<1x16xf32>,
        %get3A_279 = vector.shape_cast %get3A_278 : vector<1x16xf32> to vector<16xf32>
        %get3A_280 = arith.index_cast %scan3A_77 : i32 to index
        %get3A_281 = arith.constant 112 : index
        %get3A_282 = tpu.vector_load %arg11[%get3A_280, %get3A_281] {strides = array<i32>} : memref<80x128xf32, #tpu.memory_space<vmem>>, vector<1x16xf32>,
        %get3A_283 = vector.shape_cast %get3A_282 : vector<1x16xf32> to vector<16xf32>
        %add3A_284 = arith.addf %get3A_279, %get3A_283 : vector<16xf32>
        %neg3A_285 = arith.constant 0.000000e+00 : f32
        %neg3A_286 = vector.broadcast %neg3A_285 : f32 to vector<16xf32>
        %neg3A_287 = arith.subf %neg3A_286, %add3A_284 : vector<16xf32>
        %exp3A_288 = math.exp %neg3A_287 : vector<16xf32>
        %add3A_289 = arith.constant 1.000000e+00 : f32
        %add3A_290 = vector.broadcast %add3A_289 : f32 to vector<16xf32>
        %add3A_291 = arith.addf %add3A_290, %exp3A_288 : vector<16xf32>
        %div3A_292 = arith.constant 1.000000e+00 : f32
        %div3A_293 = vector.broadcast %div3A_292 : f32 to vector<16xf32>
        %div3A_294 = arith.divf %div3A_293, %add3A_291 : vector<16xf32>
        %get3A_295 = arith.index_cast %scan3A_77 : i32 to index
        %get3A_296 = arith.constant 112 : index
        %get3A_297 = tpu.vector_load %arg12[%get3A_295, %get3A_296] {strides = array<i32>} : memref<80x128xf32, #tpu.memory_space<vmem>>, vector<1x16xf32>,
        %get3A_298 = vector.shape_cast %get3A_297 : vector<1x16xf32> to vector<16xf32>
        %mul3A_299 = arith.mulf %div3A_294, %get3A_298 : vector<16xf32>
        %swap3A_300 = arith.index_cast %scan3A_77 : i32 to index
        %swap3A_301 = arith.constant 112 : index
        %swap3A_302 = tpu.vector_load %arg10[%swap3A_300, %swap3A_301] {strides = array<i32>} : memref<80x128xf32, #tpu.memory_space<vmem>>, vector<1x16xf32>,
        %swap3A_303 = vector.shape_cast %swap3A_302 : vector<1x16xf32> to vector<16xf32>
        %swap3A_304 = vector.shape_cast %mul3A_299 : vector<16xf32> to vector<1x16xf32>
        tpu.vector_store %arg10[%swap3A_300, %swap3A_301], %swap3A_304 {strides = array<i32>} : memref<80x128xf32, #tpu.memory_space<vmem>>, vector<1x16xf32>,
      }
      %scan3A_76 = arith.constant 80 : i32
      "tpu.region"() ({
        %run_scoped3A = tpu.sem_alloc : memref<!tpu.dma_semaphore, #tpu.memory_space<semaphore_mem>>
        %dma_start3A_77 = arith.constant 0 : i32
        %dma_start3A_78 = arith.constant 0 : i32
        %dma_start3A_79 = tpu.memref_slice %arg14[%dma_start3A_77, %dma_start3A_78] : memref<10000x128xf32, #tpu.memory_space<vmem_shared>> -> memref<10000x128xf32, #tpu.memory_space<vmem_shared>>
        tpu.enqueue_indirect_dma source(%arg10 : memref<80x128xf32, #tpu.memory_space<vmem>>) target(%dma_start3A_79 : memref<10000x128xf32, #tpu.memory_space<vmem_shared>>) offsets(%arg8 : memref<80xi32, #tpu.memory_space<vmem>>) semaphore(%run_scoped3A : memref<!tpu.dma_semaphore, #tpu.memory_space<semaphore_mem>>) {add = true}
        %dma_wait3A_80 = arith.constant 0 : i32
        %dma_wait3A_81 = arith.constant 0 : i32
        %dma_wait3A_82 = tpu.memref_slice %arg14[%dma_wait3A_80, %dma_wait3A_81] : memref<10000x128xf32, #tpu.memory_space<vmem_shared>> -> memref<10000x128xf32, #tpu.memory_space<vmem_shared>>
        tpu.wait_indirect_dma semaphore(%run_scoped3A : memref<!tpu.dma_semaphore, #tpu.memory_space<semaphore_mem>>) src(%arg10 : memref<80x128xf32, #tpu.memory_space<vmem>>) dst(%dma_wait3A_82 : memref<10000x128xf32, #tpu.memory_space<vmem_shared>>)
        tpu.yield
      }) : () -> ()
    }
    %scan3A_39 = arith.constant 125 : i32
    %barrier3A_40 = arith.constant 0 : index
    tpu.barrier barrier_id(%barrier3A_40)
    %mul3A_41 = arith.constant 624 : i32
    %mul3A_42 = arith.muli %arg1, %mul3A_41 : i32
    %mul3A_43 = arith.constant 10000 : i32
    %mul3A_44 = arith.muli %arg0, %mul3A_43 : i32
    %add3A_45 = arith.addi %mul3A_44, %mul3A_42 : i32
    "tpu.region"() ({
      %run_scoped3A = tpu.sem_alloc : memref<!tpu.dma_semaphore, #tpu.memory_space<semaphore_mem>>
      %dma_start3A = arith.constant 0 : i32
      %dma_start3A_51 = tpu.memref_slice %arg7[%add3A_45, %dma_start3A] : memref<20000x128xf32, #tpu.memory_space<hbm>> -> memref<624x128xf32, #tpu.memory_space<hbm>>
      %dma_start3A_52 = arith.constant 0 : i32
      %dma_start3A_53 = tpu.memref_slice %arg14[%mul3A_42, %dma_start3A_52] : memref<10000x128xf32, #tpu.memory_space<vmem_shared>> -> memref<624x128xf32, #tpu.memory_space<vmem_shared>>
      tpu.enqueue_dma source(%dma_start3A_53 : memref<624x128xf32, #tpu.memory_space<vmem_shared>>) target(%dma_start3A_51 : memref<624x128xf32, #tpu.memory_space<hbm>>) target_semaphore(%run_scoped3A : memref<!tpu.dma_semaphore, #tpu.memory_space<semaphore_mem>>)
      %dma_wait3A = arith.constant 0 : i32
      %dma_wait3A_54 = tpu.memref_slice %arg7[%add3A_45, %dma_wait3A] : memref<20000x128xf32, #tpu.memory_space<hbm>> -> memref<624x128xf32, #tpu.memory_space<hbm>>
      %dma_wait3A_55 = arith.constant 0 : i32
      %dma_wait3A_56 = tpu.memref_slice %arg14[%mul3A_42, %dma_wait3A_55] : memref<10000x128xf32, #tpu.memory_space<vmem_shared>> -> memref<624x128xf32, #tpu.memory_space<vmem_shared>>
      tpu.wait_dma2 semaphore(%run_scoped3A : memref<!tpu.dma_semaphore, #tpu.memory_space<semaphore_mem>>) src(%dma_wait3A_56 : memref<624x128xf32, #tpu.memory_space<vmem_shared>>) dst(%dma_wait3A_54 : memref<624x128xf32, #tpu.memory_space<hbm>>)
      tpu.yield
    }) : () -> ()
    %eq3A_46 = arith.constant 0 : i32
    %eq3A_47 = arith.cmpi eq, %arg1, %eq3A_46 : i32
    %convert_element_type3A_48 = arith.extui %eq3A_47 : i1 to i32
    %cond3A_49 = arith.constant 0 : i32
    %cond3A_50 = arith.cmpi ne, %convert_element_type3A_48, %cond3A_49 : i32
    scf.if %cond3A_50 {
      %mul3A_51 = arith.constant 10000 : i32
      %mul3A_52 = arith.muli %arg0, %mul3A_51 : i32
      %add3A_53 = arith.constant 9984 : i32
      %add3A_54 = arith.addi %mul3A_52, %add3A_53 : i32
      "tpu.region"() ({
        %run_scoped3A = tpu.sem_alloc : memref<!tpu.dma_semaphore, #tpu.memory_space<semaphore_mem>>
        %dma_start3A = arith.constant 0 : i32
        %dma_start3A_55 = tpu.memref_slice %arg7[%add3A_54, %dma_start3A] : memref<20000x128xf32, #tpu.memory_space<hbm>> -> memref<16x128xf32, #tpu.memory_space<hbm>>
        %dma_start3A_56 = arith.constant 9984 : i32
        %dma_start3A_57 = arith.constant 0 : i32
        %dma_start3A_58 = tpu.memref_slice %arg14[%dma_start3A_56, %dma_start3A_57] : memref<10000x128xf32, #tpu.memory_space<vmem_shared>> -> memref<16x128xf32, #tpu.memory_space<vmem_shared>>
        tpu.enqueue_dma source(%dma_start3A_58 : memref<16x128xf32, #tpu.memory_space<vmem_shared>>) target(%dma_start3A_55 : memref<16x128xf32, #tpu.memory_space<hbm>>) target_semaphore(%run_scoped3A : memref<!tpu.dma_semaphore, #tpu.memory_space<semaphore_mem>>)
        %dma_wait3A = arith.constant 0 : i32
        %dma_wait3A_59 = tpu.memref_slice %arg7[%add3A_54, %dma_wait3A] : memref<20000x128xf32, #tpu.memory_space<hbm>> -> memref<16x128xf32, #tpu.memory_space<hbm>>
        %dma_wait3A_60 = arith.constant 9984 : i32
        %dma_wait3A_61 = arith.constant 0 : i32
        %dma_wait3A_62 = tpu.memref_slice %arg14[%dma_wait3A_60, %dma_wait3A_61] : memref<10000x128xf32, #tpu.memory_space<vmem_shared>> -> memref<16x128xf32, #tpu.memory_space<vmem_shared>>
        tpu.wait_dma2 semaphore(%run_scoped3A : memref<!tpu.dma_semaphore, #tpu.memory_space<semaphore_mem>>) src(%dma_wait3A_62 : memref<16x128xf32, #tpu.memory_space<vmem_shared>>) dst(%dma_wait3A_59 : memref<16x128xf32, #tpu.memory_space<hbm>>)
        tpu.yield
      }) : () -> ()
    } else {
    }
    return
  }
}

#map = affine_map<(d0, d1) -> (0, 0)>
#map1 = affine_map<(d0, d1) -> (0)>
module attributes {stable_mosaic.version = 14 : i64} {
  func.func @_edge_body(%arg0: i32, %arg1: i32, %arg2: memref<10000x128xf32, #tpu.memory_space<hbm>>, %arg3: memref<10000x128xf32, #tpu.memory_space<hbm>>, %arg4: memref<10000x128xf32, #tpu.memory_space<hbm>>, %arg5: memref<320000xi32, #tpu.memory_space<hbm>>, %arg6: memref<320000xi32, #tpu.memory_space<hbm>>, %arg7: memref<20000x128xf32, #tpu.memory_space<hbm>>, %arg8: memref<80xi32, #tpu.memory_space<vmem>>, %arg9: memref<80xi32, #tpu.memory_space<vmem>>, %arg10: memref<80x128xf32, #tpu.memory_space<vmem>>, %arg11: memref<80x128xf32, #tpu.memory_space<vmem>>, %arg12: memref<80x128xf32, #tpu.memory_space<vmem>>, %arg13: memref<104x128xf32, #tpu.memory_space<vmem>>, %arg14: memref<10000x128xf32, #tpu.memory_space<vmem_shared>>, %arg15: memref<!tpu.dma_semaphore, #tpu.memory_space<semaphore_mem>>) attributes {dimension_semantics = [#tpu.dimension_semantics<core_parallel>, #tpu.dimension_semantics<subcore_parallel>], iteration_bounds = array<i64: 2, 16>, scalar_prefetch = 0 : i64, scratch_operands = 8 : i64, tpu.core_type = #tpu.core_type<sc_vector_subcore>, window_params = [{transform_indices = #map}, {transform_indices = #map}, {transform_indices = #map}, {transform_indices = #map1}, {transform_indices = #map1}, {transform_indices = #map}]} {
    %mul3A = arith.constant 2 : i32
    %mul3A_0 = arith.muli %arg1, %mul3A : i32
    %add3A = arith.addi %mul3A_0, %arg0 : i32
    %scan3A = arith.constant 0 : i32
    %scan3A_1 = arith.constant 0 : i32
    %scan3A_2 = arith.constant 104 : i32
    %scan3A_3 = arith.addi %scan3A_1, %scan3A_2 : i32
    %scan3A_4 = arith.constant 1 : i32
    scf.for %scan3A_51 = %scan3A_1 to %scan3A_3 step %scan3A_4  : i32 {
      %broadcast_in_dim3A = arith.constant 0.000000e+00 : f32
      %broadcast_in_dim3A_52 = vector.broadcast %broadcast_in_dim3A : f32 to vector<16xf32>
      %swap3A = arith.index_cast %scan3A_51 : i32 to index
      %swap3A_53 = arith.constant 0 : index
      %swap3A_54 = tpu.vector_load %arg13[%swap3A, %swap3A_53] {strides = array<i32>} : memref<104x128xf32, #tpu.memory_space<vmem>>, vector<1x16xf32>,
      %swap3A_55 = vector.shape_cast %swap3A_54 : vector<1x16xf32> to vector<16xf32>
      %swap3A_56 = vector.shape_cast %broadcast_in_dim3A_52 : vector<16xf32> to vector<1x16xf32>
      tpu.vector_store %arg13[%swap3A, %swap3A_53], %swap3A_56 {strides = array<i32>} : memref<104x128xf32, #tpu.memory_space<vmem>>, vector<1x16xf32>,
      %broadcast_in_dim3A_57 = arith.constant 0.000000e+00 : f32
      %broadcast_in_dim3A_58 = vector.broadcast %broadcast_in_dim3A_57 : f32 to vector<16xf32>
      %swap3A_59 = arith.index_cast %scan3A_51 : i32 to index
      %swap3A_60 = arith.constant 16 : index
      %swap3A_61 = tpu.vector_load %arg13[%swap3A_59, %swap3A_60] {strides = array<i32>} : memref<104x128xf32, #tpu.memory_space<vmem>>, vector<1x16xf32>,
      %swap3A_62 = vector.shape_cast %swap3A_61 : vector<1x16xf32> to vector<16xf32>
      %swap3A_63 = vector.shape_cast %broadcast_in_dim3A_58 : vector<16xf32> to vector<1x16xf32>
      tpu.vector_store %arg13[%swap3A_59, %swap3A_60], %swap3A_63 {strides = array<i32>} : memref<104x128xf32, #tpu.memory_space<vmem>>, vector<1x16xf32>,
      %broadcast_in_dim3A_64 = arith.constant 0.000000e+00 : f32
      %broadcast_in_dim3A_65 = vector.broadcast %broadcast_in_dim3A_64 : f32 to vector<16xf32>
      %swap3A_66 = arith.index_cast %scan3A_51 : i32 to index
      %swap3A_67 = arith.constant 32 : index
      %swap3A_68 = tpu.vector_load %arg13[%swap3A_66, %swap3A_67] {strides = array<i32>} : memref<104x128xf32, #tpu.memory_space<vmem>>, vector<1x16xf32>,
      %swap3A_69 = vector.shape_cast %swap3A_68 : vector<1x16xf32> to vector<16xf32>
      %swap3A_70 = vector.shape_cast %broadcast_in_dim3A_65 : vector<16xf32> to vector<1x16xf32>
      tpu.vector_store %arg13[%swap3A_66, %swap3A_67], %swap3A_70 {strides = array<i32>} : memref<104x128xf32, #tpu.memory_space<vmem>>, vector<1x16xf32>,
      %broadcast_in_dim3A_71 = arith.constant 0.000000e+00 : f32
      %broadcast_in_dim3A_72 = vector.broadcast %broadcast_in_dim3A_71 : f32 to vector<16xf32>
      %swap3A_73 = arith.index_cast %scan3A_51 : i32 to index
      %swap3A_74 = arith.constant 48 : index
      %swap3A_75 = tpu.vector_load %arg13[%swap3A_73, %swap3A_74] {strides = array<i32>} : memref<104x128xf32, #tpu.memory_space<vmem>>, vector<1x16xf32>,
      %swap3A_76 = vector.shape_cast %swap3A_75 : vector<1x16xf32> to vector<16xf32>
      %swap3A_77 = vector.shape_cast %broadcast_in_dim3A_72 : vector<16xf32> to vector<1x16xf32>
      tpu.vector_store %arg13[%swap3A_73, %swap3A_74], %swap3A_77 {strides = array<i32>} : memref<104x128xf32, #tpu.memory_space<vmem>>, vector<1x16xf32>,
      %broadcast_in_dim3A_78 = arith.constant 0.000000e+00 : f32
      %broadcast_in_dim3A_79 = vector.broadcast %broadcast_in_dim3A_78 : f32 to vector<16xf32>
      %swap3A_80 = arith.index_cast %scan3A_51 : i32 to index
      %swap3A_81 = arith.constant 64 : index
      %swap3A_82 = tpu.vector_load %arg13[%swap3A_80, %swap3A_81] {strides = array<i32>} : memref<104x128xf32, #tpu.memory_space<vmem>>, vector<1x16xf32>,
      %swap3A_83 = vector.shape_cast %swap3A_82 : vector<1x16xf32> to vector<16xf32>
      %swap3A_84 = vector.shape_cast %broadcast_in_dim3A_79 : vector<16xf32> to vector<1x16xf32>
      tpu.vector_store %arg13[%swap3A_80, %swap3A_81], %swap3A_84 {strides = array<i32>} : memref<104x128xf32, #tpu.memory_space<vmem>>, vector<1x16xf32>,
      %broadcast_in_dim3A_85 = arith.constant 0.000000e+00 : f32
      %broadcast_in_dim3A_86 = vector.broadcast %broadcast_in_dim3A_85 : f32 to vector<16xf32>
      %swap3A_87 = arith.index_cast %scan3A_51 : i32 to index
      %swap3A_88 = arith.constant 80 : index
      %swap3A_89 = tpu.vector_load %arg13[%swap3A_87, %swap3A_88] {strides = array<i32>} : memref<104x128xf32, #tpu.memory_space<vmem>>, vector<1x16xf32>,
      %swap3A_90 = vector.shape_cast %swap3A_89 : vector<1x16xf32> to vector<16xf32>
      %swap3A_91 = vector.shape_cast %broadcast_in_dim3A_86 : vector<16xf32> to vector<1x16xf32>
      tpu.vector_store %arg13[%swap3A_87, %swap3A_88], %swap3A_91 {strides = array<i32>} : memref<104x128xf32, #tpu.memory_space<vmem>>, vector<1x16xf32>,
      %broadcast_in_dim3A_92 = arith.constant 0.000000e+00 : f32
      %broadcast_in_dim3A_93 = vector.broadcast %broadcast_in_dim3A_92 : f32 to vector<16xf32>
      %swap3A_94 = arith.index_cast %scan3A_51 : i32 to index
      %swap3A_95 = arith.constant 96 : index
      %swap3A_96 = tpu.vector_load %arg13[%swap3A_94, %swap3A_95] {strides = array<i32>} : memref<104x128xf32, #tpu.memory_space<vmem>>, vector<1x16xf32>,
      %swap3A_97 = vector.shape_cast %swap3A_96 : vector<1x16xf32> to vector<16xf32>
      %swap3A_98 = vector.shape_cast %broadcast_in_dim3A_93 : vector<16xf32> to vector<1x16xf32>
      tpu.vector_store %arg13[%swap3A_94, %swap3A_95], %swap3A_98 {strides = array<i32>} : memref<104x128xf32, #tpu.memory_space<vmem>>, vector<1x16xf32>,
      %broadcast_in_dim3A_99 = arith.constant 0.000000e+00 : f32
      %broadcast_in_dim3A_100 = vector.broadcast %broadcast_in_dim3A_99 : f32 to vector<16xf32>
      %swap3A_101 = arith.index_cast %scan3A_51 : i32 to index
      %swap3A_102 = arith.constant 112 : index
      %swap3A_103 = tpu.vector_load %arg13[%swap3A_101, %swap3A_102] {strides = array<i32>} : memref<104x128xf32, #tpu.memory_space<vmem>>, vector<1x16xf32>,
      %swap3A_104 = vector.shape_cast %swap3A_103 : vector<1x16xf32> to vector<16xf32>
      %swap3A_105 = vector.shape_cast %broadcast_in_dim3A_100 : vector<16xf32> to vector<1x16xf32>
      tpu.vector_store %arg13[%swap3A_101, %swap3A_102], %swap3A_105 {strides = array<i32>} : memref<104x128xf32, #tpu.memory_space<vmem>>, vector<1x16xf32>,
    }
    %scan3A_5 = arith.constant 104 : i32
    %mul3A_6 = arith.constant 624 : i32
    %mul3A_7 = arith.muli %arg1, %mul3A_6 : i32
    %add3A_8 = arith.constant 0 : i32
    %add3A_9 = arith.addi %mul3A_7, %add3A_8 : i32
    "tpu.region"() ({
      %run_scoped3A = tpu.sem_alloc : memref<!tpu.dma_semaphore, #tpu.memory_space<semaphore_mem>>
      %dma_start3A = arith.constant 0 : i32
      %dma_start3A_51 = tpu.memref_slice %arg14[%add3A_9, %dma_start3A] : memref<10000x128xf32, #tpu.memory_space<vmem_shared>> -> memref<104x128xf32, #tpu.memory_space<vmem_shared>>
      %dma_start3A_52 = arith.constant 0 : i32
      %dma_start3A_53 = tpu.memref_slice %arg14[%add3A_9, %dma_start3A_52] : memref<10000x128xf32, #tpu.memory_space<vmem_shared>> -> memref<104x128xf32, #tpu.memory_space<vmem_shared>>
      tpu.enqueue_dma source(%arg13 : memref<104x128xf32, #tpu.memory_space<vmem>>) target(%dma_start3A_53 : memref<104x128xf32, #tpu.memory_space<vmem_shared>>) target_semaphore(%run_scoped3A : memref<!tpu.dma_semaphore, #tpu.memory_space<semaphore_mem>>)
      %dma_wait3A = arith.constant 0 : i32
      %dma_wait3A_54 = tpu.memref_slice %arg14[%add3A_9, %dma_wait3A] : memref<10000x128xf32, #tpu.memory_space<vmem_shared>> -> memref<104x128xf32, #tpu.memory_space<vmem_shared>>
      %dma_wait3A_55 = arith.constant 0 : i32
      %dma_wait3A_56 = tpu.memref_slice %arg14[%add3A_9, %dma_wait3A_55] : memref<10000x128xf32, #tpu.memory_space<vmem_shared>> -> memref<104x128xf32, #tpu.memory_space<vmem_shared>>
      tpu.wait_dma2 semaphore(%run_scoped3A : memref<!tpu.dma_semaphore, #tpu.memory_space<semaphore_mem>>) src(%arg13 : memref<104x128xf32, #tpu.memory_space<vmem>>) dst(%dma_wait3A_56 : memref<104x128xf32, #tpu.memory_space<vmem_shared>>)
      tpu.yield
    }) : () -> ()
    %mul3A_10 = arith.constant 624 : i32
    %mul3A_11 = arith.muli %arg1, %mul3A_10 : i32
    %add3A_12 = arith.constant 104 : i32
    %add3A_13 = arith.addi %mul3A_11, %add3A_12 : i32
    "tpu.region"() ({
      %run_scoped3A = tpu.sem_alloc : memref<!tpu.dma_semaphore, #tpu.memory_space<semaphore_mem>>
      %dma_start3A = arith.constant 0 : i32
      %dma_start3A_51 = tpu.memref_slice %arg14[%add3A_13, %dma_start3A] : memref<10000x128xf32, #tpu.memory_space<vmem_shared>> -> memref<104x128xf32, #tpu.memory_space<vmem_shared>>
      %dma_start3A_52 = arith.constant 0 : i32
      %dma_start3A_53 = tpu.memref_slice %arg14[%add3A_13, %dma_start3A_52] : memref<10000x128xf32, #tpu.memory_space<vmem_shared>> -> memref<104x128xf32, #tpu.memory_space<vmem_shared>>
      tpu.enqueue_dma source(%arg13 : memref<104x128xf32, #tpu.memory_space<vmem>>) target(%dma_start3A_53 : memref<104x128xf32, #tpu.memory_space<vmem_shared>>) target_semaphore(%run_scoped3A : memref<!tpu.dma_semaphore, #tpu.memory_space<semaphore_mem>>)
      %dma_wait3A = arith.constant 0 : i32
      %dma_wait3A_54 = tpu.memref_slice %arg14[%add3A_13, %dma_wait3A] : memref<10000x128xf32, #tpu.memory_space<vmem_shared>> -> memref<104x128xf32, #tpu.memory_space<vmem_shared>>
      %dma_wait3A_55 = arith.constant 0 : i32
      %dma_wait3A_56 = tpu.memref_slice %arg14[%add3A_13, %dma_wait3A_55] : memref<10000x128xf32, #tpu.memory_space<vmem_shared>> -> memref<104x128xf32, #tpu.memory_space<vmem_shared>>
      tpu.wait_dma2 semaphore(%run_scoped3A : memref<!tpu.dma_semaphore, #tpu.memory_space<semaphore_mem>>) src(%arg13 : memref<104x128xf32, #tpu.memory_space<vmem>>) dst(%dma_wait3A_56 : memref<104x128xf32, #tpu.memory_space<vmem_shared>>)
      tpu.yield
    }) : () -> ()
    %mul3A_14 = arith.constant 624 : i32
    %mul3A_15 = arith.muli %arg1, %mul3A_14 : i32
    %add3A_16 = arith.constant 208 : i32
    %add3A_17 = arith.addi %mul3A_15, %add3A_16 : i32
    "tpu.region"() ({
      %run_scoped3A = tpu.sem_alloc : memref<!tpu.dma_semaphore, #tpu.memory_space<semaphore_mem>>
      %dma_start3A = arith.constant 0 : i32
      %dma_start3A_51 = tpu.memref_slice %arg14[%add3A_17, %dma_start3A] : memref<10000x128xf32, #tpu.memory_space<vmem_shared>> -> memref<104x128xf32, #tpu.memory_space<vmem_shared>>
      %dma_start3A_52 = arith.constant 0 : i32
      %dma_start3A_53 = tpu.memref_slice %arg14[%add3A_17, %dma_start3A_52] : memref<10000x128xf32, #tpu.memory_space<vmem_shared>> -> memref<104x128xf32, #tpu.memory_space<vmem_shared>>
      tpu.enqueue_dma source(%arg13 : memref<104x128xf32, #tpu.memory_space<vmem>>) target(%dma_start3A_53 : memref<104x128xf32, #tpu.memory_space<vmem_shared>>) target_semaphore(%run_scoped3A : memref<!tpu.dma_semaphore, #tpu.memory_space<semaphore_mem>>)
      %dma_wait3A = arith.constant 0 : i32
      %dma_wait3A_54 = tpu.memref_slice %arg14[%add3A_17, %dma_wait3A] : memref<10000x128xf32, #tpu.memory_space<vmem_shared>> -> memref<104x128xf32, #tpu.memory_space<vmem_shared>>
      %dma_wait3A_55 = arith.constant 0 : i32
      %dma_wait3A_56 = tpu.memref_slice %arg14[%add3A_17, %dma_wait3A_55] : memref<10000x128xf32, #tpu.memory_space<vmem_shared>> -> memref<104x128xf32, #tpu.memory_space<vmem_shared>>
      tpu.wait_dma2 semaphore(%run_scoped3A : memref<!tpu.dma_semaphore, #tpu.memory_space<semaphore_mem>>) src(%arg13 : memref<104x128xf32, #tpu.memory_space<vmem>>) dst(%dma_wait3A_56 : memref<104x128xf32, #tpu.memory_space<vmem_shared>>)
      tpu.yield
    }) : () -> ()
    %mul3A_18 = arith.constant 624 : i32
    %mul3A_19 = arith.muli %arg1, %mul3A_18 : i32
    %add3A_20 = arith.constant 312 : i32
    %add3A_21 = arith.addi %mul3A_19, %add3A_20 : i32
    "tpu.region"() ({
      %run_scoped3A = tpu.sem_alloc : memref<!tpu.dma_semaphore, #tpu.memory_space<semaphore_mem>>
      %dma_start3A = arith.constant 0 : i32
      %dma_start3A_51 = tpu.memref_slice %arg14[%add3A_21, %dma_start3A] : memref<10000x128xf32, #tpu.memory_space<vmem_shared>> -> memref<104x128xf32, #tpu.memory_space<vmem_shared>>
      %dma_start3A_52 = arith.constant 0 : i32
      %dma_start3A_53 = tpu.memref_slice %arg14[%add3A_21, %dma_start3A_52] : memref<10000x128xf32, #tpu.memory_space<vmem_shared>> -> memref<104x128xf32, #tpu.memory_space<vmem_shared>>
      tpu.enqueue_dma source(%arg13 : memref<104x128xf32, #tpu.memory_space<vmem>>) target(%dma_start3A_53 : memref<104x128xf32, #tpu.memory_space<vmem_shared>>) target_semaphore(%run_scoped3A : memref<!tpu.dma_semaphore, #tpu.memory_space<semaphore_mem>>)
      %dma_wait3A = arith.constant 0 : i32
      %dma_wait3A_54 = tpu.memref_slice %arg14[%add3A_21, %dma_wait3A] : memref<10000x128xf32, #tpu.memory_space<vmem_shared>> -> memref<104x128xf32, #tpu.memory_space<vmem_shared>>
      %dma_wait3A_55 = arith.constant 0 : i32
      %dma_wait3A_56 = tpu.memref_slice %arg14[%add3A_21, %dma_wait3A_55] : memref<10000x128xf32, #tpu.memory_space<vmem_shared>> -> memref<104x128xf32, #tpu.memory_space<vmem_shared>>
      tpu.wait_dma2 semaphore(%run_scoped3A : memref<!tpu.dma_semaphore, #tpu.memory_space<semaphore_mem>>) src(%arg13 : memref<104x128xf32, #tpu.memory_space<vmem>>) dst(%dma_wait3A_56 : memref<104x128xf32, #tpu.memory_space<vmem_shared>>)
      tpu.yield
    }) : () -> ()
    %mul3A_22 = arith.constant 624 : i32
    %mul3A_23 = arith.muli %arg1, %mul3A_22 : i32
    %add3A_24 = arith.constant 416 : i32
    %add3A_25 = arith.addi %mul3A_23, %add3A_24 : i32
    "tpu.region"() ({
      %run_scoped3A = tpu.sem_alloc : memref<!tpu.dma_semaphore, #tpu.memory_space<semaphore_mem>>
      %dma_start3A = arith.constant 0 : i32
      %dma_start3A_51 = tpu.memref_slice %arg14[%add3A_25, %dma_start3A] : memref<10000x128xf32, #tpu.memory_space<vmem_shared>> -> memref<104x128xf32, #tpu.memory_space<vmem_shared>>
      %dma_start3A_52 = arith.constant 0 : i32
      %dma_start3A_53 = tpu.memref_slice %arg14[%add3A_25, %dma_start3A_52] : memref<10000x128xf32, #tpu.memory_space<vmem_shared>> -> memref<104x128xf32, #tpu.memory_space<vmem_shared>>
      tpu.enqueue_dma source(%arg13 : memref<104x128xf32, #tpu.memory_space<vmem>>) target(%dma_start3A_53 : memref<104x128xf32, #tpu.memory_space<vmem_shared>>) target_semaphore(%run_scoped3A : memref<!tpu.dma_semaphore, #tpu.memory_space<semaphore_mem>>)
      %dma_wait3A = arith.constant 0 : i32
      %dma_wait3A_54 = tpu.memref_slice %arg14[%add3A_25, %dma_wait3A] : memref<10000x128xf32, #tpu.memory_space<vmem_shared>> -> memref<104x128xf32, #tpu.memory_space<vmem_shared>>
      %dma_wait3A_55 = arith.constant 0 : i32
      %dma_wait3A_56 = tpu.memref_slice %arg14[%add3A_25, %dma_wait3A_55] : memref<10000x128xf32, #tpu.memory_space<vmem_shared>> -> memref<104x128xf32, #tpu.memory_space<vmem_shared>>
      tpu.wait_dma2 semaphore(%run_scoped3A : memref<!tpu.dma_semaphore, #tpu.memory_space<semaphore_mem>>) src(%arg13 : memref<104x128xf32, #tpu.memory_space<vmem>>) dst(%dma_wait3A_56 : memref<104x128xf32, #tpu.memory_space<vmem_shared>>)
      tpu.yield
    }) : () -> ()
    %mul3A_26 = arith.constant 624 : i32
    %mul3A_27 = arith.muli %arg1, %mul3A_26 : i32
    %add3A_28 = arith.constant 520 : i32
    %add3A_29 = arith.addi %mul3A_27, %add3A_28 : i32
    "tpu.region"() ({
      %run_scoped3A = tpu.sem_alloc : memref<!tpu.dma_semaphore, #tpu.memory_space<semaphore_mem>>
      %dma_start3A = arith.constant 0 : i32
      %dma_start3A_51 = tpu.memref_slice %arg14[%add3A_29, %dma_start3A] : memref<10000x128xf32, #tpu.memory_space<vmem_shared>> -> memref<104x128xf32, #tpu.memory_space<vmem_shared>>
      %dma_start3A_52 = arith.constant 0 : i32
      %dma_start3A_53 = tpu.memref_slice %arg14[%add3A_29, %dma_start3A_52] : memref<10000x128xf32, #tpu.memory_space<vmem_shared>> -> memref<104x128xf32, #tpu.memory_space<vmem_shared>>
      tpu.enqueue_dma source(%arg13 : memref<104x128xf32, #tpu.memory_space<vmem>>) target(%dma_start3A_53 : memref<104x128xf32, #tpu.memory_space<vmem_shared>>) target_semaphore(%run_scoped3A : memref<!tpu.dma_semaphore, #tpu.memory_space<semaphore_mem>>)
      %dma_wait3A = arith.constant 0 : i32
      %dma_wait3A_54 = tpu.memref_slice %arg14[%add3A_29, %dma_wait3A] : memref<10000x128xf32, #tpu.memory_space<vmem_shared>> -> memref<104x128xf32, #tpu.memory_space<vmem_shared>>
      %dma_wait3A_55 = arith.constant 0 : i32
      %dma_wait3A_56 = tpu.memref_slice %arg14[%add3A_29, %dma_wait3A_55] : memref<10000x128xf32, #tpu.memory_space<vmem_shared>> -> memref<104x128xf32, #tpu.memory_space<vmem_shared>>
      tpu.wait_dma2 semaphore(%run_scoped3A : memref<!tpu.dma_semaphore, #tpu.memory_space<semaphore_mem>>) src(%arg13 : memref<104x128xf32, #tpu.memory_space<vmem>>) dst(%dma_wait3A_56 : memref<104x128xf32, #tpu.memory_space<vmem_shared>>)
      tpu.yield
    }) : () -> ()
    %eq3A = arith.constant 0 : i32
    %eq3A_30 = arith.cmpi eq, %arg1, %eq3A : i32
    %convert_element_type3A = arith.extui %eq3A_30 : i1 to i32
    %cond3A = arith.constant 0 : i32
    %cond3A_31 = arith.cmpi ne, %convert_element_type3A, %cond3A : i32
    scf.if %cond3A_31 {
      "tpu.region"() ({
        %run_scoped3A = tpu.sem_alloc : memref<!tpu.dma_semaphore, #tpu.memory_space<semaphore_mem>>
        %dma_start3A = arith.constant 0 : i32
        %dma_start3A_51 = arith.constant 0 : i32
        %dma_start3A_52 = tpu.memref_slice %arg13[%dma_start3A, %dma_start3A_51] : memref<104x128xf32, #tpu.memory_space<vmem>> -> memref<16x128xf32, #tpu.memory_space<vmem>>
        %dma_start3A_53 = arith.constant 9984 : i32
        %dma_start3A_54 = arith.constant 0 : i32
        %dma_start3A_55 = tpu.memref_slice %arg14[%dma_start3A_53, %dma_start3A_54] : memref<10000x128xf32, #tpu.memory_space<vmem_shared>> -> memref<16x128xf32, #tpu.memory_space<vmem_shared>>
        %dma_start3A_56 = arith.constant 9984 : i32
        %dma_start3A_57 = arith.constant 0 : i32
        %dma_start3A_58 = tpu.memref_slice %arg14[%dma_start3A_56, %dma_start3A_57] : memref<10000x128xf32, #tpu.memory_space<vmem_shared>> -> memref<16x128xf32, #tpu.memory_space<vmem_shared>>
        %dma_start3A_59 = arith.constant 0 : i32
        %dma_start3A_60 = arith.constant 0 : i32
        %dma_start3A_61 = tpu.memref_slice %arg13[%dma_start3A_59, %dma_start3A_60] : memref<104x128xf32, #tpu.memory_space<vmem>> -> memref<16x128xf32, #tpu.memory_space<vmem>>
        tpu.enqueue_dma source(%dma_start3A_61 : memref<16x128xf32, #tpu.memory_space<vmem>>) target(%dma_start3A_58 : memref<16x128xf32, #tpu.memory_space<vmem_shared>>) target_semaphore(%run_scoped3A : memref<!tpu.dma_semaphore, #tpu.memory_space<semaphore_mem>>)
        %dma_wait3A = arith.constant 0 : i32
        %dma_wait3A_62 = arith.constant 0 : i32
        %dma_wait3A_63 = tpu.memref_slice %arg13[%dma_wait3A, %dma_wait3A_62] : memref<104x128xf32, #tpu.memory_space<vmem>> -> memref<16x128xf32, #tpu.memory_space<vmem>>
        %dma_wait3A_64 = arith.constant 9984 : i32
        %dma_wait3A_65 = arith.constant 0 : i32
        %dma_wait3A_66 = tpu.memref_slice %arg14[%dma_wait3A_64, %dma_wait3A_65] : memref<10000x128xf32, #tpu.memory_space<vmem_shared>> -> memref<16x128xf32, #tpu.memory_space<vmem_shared>>
        %dma_wait3A_67 = arith.constant 9984 : i32
        %dma_wait3A_68 = arith.constant 0 : i32
        %dma_wait3A_69 = tpu.memref_slice %arg14[%dma_wait3A_67, %dma_wait3A_68] : memref<10000x128xf32, #tpu.memory_space<vmem_shared>> -> memref<16x128xf32, #tpu.memory_space<vmem_shared>>
        %dma_wait3A_70 = arith.constant 0 : i32
        %dma_wait3A_71 = arith.constant 0 : i32
        %dma_wait3A_72 = tpu.memref_slice %arg13[%dma_wait3A_70, %dma_wait3A_71] : memref<104x128xf32, #tpu.memory_space<vmem>> -> memref<16x128xf32, #tpu.memory_space<vmem>>
        tpu.wait_dma2 semaphore(%run_scoped3A : memref<!tpu.dma_semaphore, #tpu.memory_space<semaphore_mem>>) src(%dma_wait3A_72 : memref<16x128xf32, #tpu.memory_space<vmem>>) dst(%dma_wait3A_69 : memref<16x128xf32, #tpu.memory_space<vmem_shared>>)
        tpu.yield
      }) : () -> ()
    } else {
    }
    %barrier3A = arith.constant 0 : index
    tpu.barrier barrier_id(%barrier3A)
    %mul3A_32 = arith.constant 10000 : i32
    %mul3A_33 = arith.muli %add3A, %mul3A_32 : i32
    %scan3A_34 = arith.constant 0 : i32
    %scan3A_35 = arith.constant 0 : i32
    %scan3A_36 = arith.constant 125 : i32
    %scan3A_37 = arith.addi %scan3A_35, %scan3A_36 : i32
    %scan3A_38 = arith.constant 1 : i32
    scf.for %scan3A_51 = %scan3A_35 to %scan3A_37 step %scan3A_38  : i32 {
      %mul3A_52 = arith.constant 80 : i32
      %mul3A_53 = arith.muli %scan3A_51, %mul3A_52 : i32
      %add3A_54 = arith.addi %mul3A_33, %mul3A_53 : i32
      "tpu.region"() ({
        %run_scoped3A = tpu.sem_alloc : memref<!tpu.dma_semaphore, #tpu.memory_space<semaphore_mem>>
        %dma_start3A_77 = tpu.memref_slice %arg5[%add3A_54] : memref<320000xi32, #tpu.memory_space<hbm>> -> memref<80xi32, #tpu.memory_space<hbm>>
        %dma_start3A_78 = tpu.memref_slice %arg5[%add3A_54] : memref<320000xi32, #tpu.memory_space<hbm>> -> memref<80xi32, #tpu.memory_space<hbm>>
        tpu.enqueue_dma source(%dma_start3A_78 : memref<80xi32, #tpu.memory_space<hbm>>) target(%arg9 : memref<80xi32, #tpu.memory_space<vmem>>) target_semaphore(%run_scoped3A : memref<!tpu.dma_semaphore, #tpu.memory_space<semaphore_mem>>)
        %dma_wait3A_79 = tpu.memref_slice %arg5[%add3A_54] : memref<320000xi32, #tpu.memory_space<hbm>> -> memref<80xi32, #tpu.memory_space<hbm>>
        %dma_wait3A_80 = tpu.memref_slice %arg5[%add3A_54] : memref<320000xi32, #tpu.memory_space<hbm>> -> memref<80xi32, #tpu.memory_space<hbm>>
        tpu.wait_dma2 semaphore(%run_scoped3A : memref<!tpu.dma_semaphore, #tpu.memory_space<semaphore_mem>>) src(%dma_wait3A_80 : memref<80xi32, #tpu.memory_space<hbm>>) dst(%arg9 : memref<80xi32, #tpu.memory_space<vmem>>)
        tpu.yield
      }) : () -> ()
      "tpu.region"() ({
        %run_scoped3A = tpu.sem_alloc : memref<!tpu.dma_semaphore, #tpu.memory_space<semaphore_mem>>
        %dma_start3A_77 = tpu.memref_slice %arg6[%add3A_54] : memref<320000xi32, #tpu.memory_space<hbm>> -> memref<80xi32, #tpu.memory_space<hbm>>
        %dma_start3A_78 = tpu.memref_slice %arg6[%add3A_54] : memref<320000xi32, #tpu.memory_space<hbm>> -> memref<80xi32, #tpu.memory_space<hbm>>
        tpu.enqueue_dma source(%dma_start3A_78 : memref<80xi32, #tpu.memory_space<hbm>>) target(%arg8 : memref<80xi32, #tpu.memory_space<vmem>>) target_semaphore(%run_scoped3A : memref<!tpu.dma_semaphore, #tpu.memory_space<semaphore_mem>>)
        %dma_wait3A_79 = tpu.memref_slice %arg6[%add3A_54] : memref<320000xi32, #tpu.memory_space<hbm>> -> memref<80xi32, #tpu.memory_space<hbm>>
        %dma_wait3A_80 = tpu.memref_slice %arg6[%add3A_54] : memref<320000xi32, #tpu.memory_space<hbm>> -> memref<80xi32, #tpu.memory_space<hbm>>
        tpu.wait_dma2 semaphore(%run_scoped3A : memref<!tpu.dma_semaphore, #tpu.memory_space<semaphore_mem>>) src(%dma_wait3A_80 : memref<80xi32, #tpu.memory_space<hbm>>) dst(%arg8 : memref<80xi32, #tpu.memory_space<vmem>>)
        tpu.yield
      }) : () -> ()
      %dma_start3A = arith.constant 0 : i32
      %dma_start3A_55 = arith.constant 0 : i32
      %dma_start3A_56 = tpu.memref_slice %arg2[%dma_start3A, %dma_start3A_55] : memref<10000x128xf32, #tpu.memory_space<hbm>> -> memref<10000x128xf32, #tpu.memory_space<hbm>>
      tpu.enqueue_indirect_dma source(%dma_start3A_56 : memref<10000x128xf32, #tpu.memory_space<hbm>>) target(%arg10 : memref<80x128xf32, #tpu.memory_space<vmem>>) offsets(%arg8 : memref<80xi32, #tpu.memory_space<vmem>>) semaphore(%arg15 : memref<!tpu.dma_semaphore, #tpu.memory_space<semaphore_mem>>)
      %dma_start3A_57 = arith.constant 0 : i32
      %dma_start3A_58 = arith.constant 0 : i32
      %dma_start3A_59 = tpu.memref_slice %arg3[%dma_start3A_57, %dma_start3A_58] : memref<10000x128xf32, #tpu.memory_space<hbm>> -> memref<10000x128xf32, #tpu.memory_space<hbm>>
      tpu.enqueue_indirect_dma source(%dma_start3A_59 : memref<10000x128xf32, #tpu.memory_space<hbm>>) target(%arg11 : memref<80x128xf32, #tpu.memory_space<vmem>>) offsets(%arg9 : memref<80xi32, #tpu.memory_space<vmem>>) semaphore(%arg15 : memref<!tpu.dma_semaphore, #tpu.memory_space<semaphore_mem>>)
      %dma_start3A_60 = arith.constant 0 : i32
      %dma_start3A_61 = arith.constant 0 : i32
      %dma_start3A_62 = tpu.memref_slice %arg4[%dma_start3A_60, %dma_start3A_61] : memref<10000x128xf32, #tpu.memory_space<hbm>> -> memref<10000x128xf32, #tpu.memory_space<hbm>>
      tpu.enqueue_indirect_dma source(%dma_start3A_62 : memref<10000x128xf32, #tpu.memory_space<hbm>>) target(%arg12 : memref<80x128xf32, #tpu.memory_space<vmem>>) offsets(%arg9 : memref<80xi32, #tpu.memory_space<vmem>>) semaphore(%arg15 : memref<!tpu.dma_semaphore, #tpu.memory_space<semaphore_mem>>)
      %dma_wait3A = arith.constant 0 : i32
      %dma_wait3A_63 = arith.constant 0 : i32
      %dma_wait3A_64 = tpu.memref_slice %arg2[%dma_wait3A, %dma_wait3A_63] : memref<10000x128xf32, #tpu.memory_space<hbm>> -> memref<10000x128xf32, #tpu.memory_space<hbm>>
      tpu.wait_indirect_dma semaphore(%arg15 : memref<!tpu.dma_semaphore, #tpu.memory_space<semaphore_mem>>) src(%dma_wait3A_64 : memref<10000x128xf32, #tpu.memory_space<hbm>>) dst(%arg10 : memref<80x128xf32, #tpu.memory_space<vmem>>)
      %dma_wait3A_65 = arith.constant 0 : i32
      %dma_wait3A_66 = arith.constant 0 : i32
      %dma_wait3A_67 = tpu.memref_slice %arg3[%dma_wait3A_65, %dma_wait3A_66] : memref<10000x128xf32, #tpu.memory_space<hbm>> -> memref<10000x128xf32, #tpu.memory_space<hbm>>
      tpu.wait_indirect_dma semaphore(%arg15 : memref<!tpu.dma_semaphore, #tpu.memory_space<semaphore_mem>>) src(%dma_wait3A_67 : memref<10000x128xf32, #tpu.memory_space<hbm>>) dst(%arg11 : memref<80x128xf32, #tpu.memory_space<vmem>>)
      %dma_wait3A_68 = arith.constant 0 : i32
      %dma_wait3A_69 = arith.constant 0 : i32
      %dma_wait3A_70 = tpu.memref_slice %arg4[%dma_wait3A_68, %dma_wait3A_69] : memref<10000x128xf32, #tpu.memory_space<hbm>> -> memref<10000x128xf32, #tpu.memory_space<hbm>>
      tpu.wait_indirect_dma semaphore(%arg15 : memref<!tpu.dma_semaphore, #tpu.memory_space<semaphore_mem>>) src(%dma_wait3A_70 : memref<10000x128xf32, #tpu.memory_space<hbm>>) dst(%arg12 : memref<80x128xf32, #tpu.memory_space<vmem>>)
      %scan3A_71 = arith.constant 0 : i32
      %scan3A_72 = arith.constant 0 : i32
      %scan3A_73 = arith.constant 80 : i32
      %scan3A_74 = arith.addi %scan3A_72, %scan3A_73 : i32
      %scan3A_75 = arith.constant 1 : i32
      scf.for %scan3A_77 = %scan3A_72 to %scan3A_74 step %scan3A_75  : i32 {
        %get3A = arith.index_cast %scan3A_77 : i32 to index
        %get3A_78 = arith.constant 0 : index
        %get3A_79 = tpu.vector_load %arg10[%get3A, %get3A_78] {strides = array<i32>} : memref<80x128xf32, #tpu.memory_space<vmem>>, vector<1x16xf32>,
        %get3A_80 = vector.shape_cast %get3A_79 : vector<1x16xf32> to vector<16xf32>
        %get3A_81 = arith.index_cast %scan3A_77 : i32 to index
        %get3A_82 = arith.constant 0 : index
        %get3A_83 = tpu.vector_load %arg11[%get3A_81, %get3A_82] {strides = array<i32>} : memref<80x128xf32, #tpu.memory_space<vmem>>, vector<1x16xf32>,
        %get3A_84 = vector.shape_cast %get3A_83 : vector<1x16xf32> to vector<16xf32>
        %add3A_85 = arith.addf %get3A_80, %get3A_84 : vector<16xf32>
        %neg3A = arith.constant 0.000000e+00 : f32
        %neg3A_86 = vector.broadcast %neg3A : f32 to vector<16xf32>
        %neg3A_87 = arith.subf %neg3A_86, %add3A_85 : vector<16xf32>
        %exp3A = math.exp %neg3A_87 : vector<16xf32>
        %add3A_88 = arith.constant 1.000000e+00 : f32
        %add3A_89 = vector.broadcast %add3A_88 : f32 to vector<16xf32>
        %add3A_90 = arith.addf %add3A_89, %exp3A : vector<16xf32>
        %div3A = arith.constant 1.000000e+00 : f32
        %div3A_91 = vector.broadcast %div3A : f32 to vector<16xf32>
        %div3A_92 = arith.divf %div3A_91, %add3A_90 : vector<16xf32>
        %get3A_93 = arith.index_cast %scan3A_77 : i32 to index
        %get3A_94 = arith.constant 0 : index
        %get3A_95 = tpu.vector_load %arg12[%get3A_93, %get3A_94] {strides = array<i32>} : memref<80x128xf32, #tpu.memory_space<vmem>>, vector<1x16xf32>,
        %get3A_96 = vector.shape_cast %get3A_95 : vector<1x16xf32> to vector<16xf32>
        %mul3A_97 = arith.mulf %div3A_92, %get3A_96 : vector<16xf32>
        %swap3A = arith.index_cast %scan3A_77 : i32 to index
        %swap3A_98 = arith.constant 0 : index
        %swap3A_99 = tpu.vector_load %arg10[%swap3A, %swap3A_98] {strides = array<i32>} : memref<80x128xf32, #tpu.memory_space<vmem>>, vector<1x16xf32>,
        %swap3A_100 = vector.shape_cast %swap3A_99 : vector<1x16xf32> to vector<16xf32>
        %swap3A_101 = vector.shape_cast %mul3A_97 : vector<16xf32> to vector<1x16xf32>
        tpu.vector_store %arg10[%swap3A, %swap3A_98], %swap3A_101 {strides = array<i32>} : memref<80x128xf32, #tpu.memory_space<vmem>>, vector<1x16xf32>,
        %get3A_102 = arith.index_cast %scan3A_77 : i32 to index
        %get3A_103 = arith.constant 16 : index
        %get3A_104 = tpu.vector_load %arg10[%get3A_102, %get3A_103] {strides = array<i32>} : memref<80x128xf32, #tpu.memory_space<vmem>>, vector<1x16xf32>,
        %get3A_105 = vector.shape_cast %get3A_104 : vector<1x16xf32> to vector<16xf32>
        %get3A_106 = arith.index_cast %scan3A_77 : i32 to index
        %get3A_107 = arith.constant 16 : index
        %get3A_108 = tpu.vector_load %arg11[%get3A_106, %get3A_107] {strides = array<i32>} : memref<80x128xf32, #tpu.memory_space<vmem>>, vector<1x16xf32>,
        %get3A_109 = vector.shape_cast %get3A_108 : vector<1x16xf32> to vector<16xf32>
        %add3A_110 = arith.addf %get3A_105, %get3A_109 : vector<16xf32>
        %neg3A_111 = arith.constant 0.000000e+00 : f32
        %neg3A_112 = vector.broadcast %neg3A_111 : f32 to vector<16xf32>
        %neg3A_113 = arith.subf %neg3A_112, %add3A_110 : vector<16xf32>
        %exp3A_114 = math.exp %neg3A_113 : vector<16xf32>
        %add3A_115 = arith.constant 1.000000e+00 : f32
        %add3A_116 = vector.broadcast %add3A_115 : f32 to vector<16xf32>
        %add3A_117 = arith.addf %add3A_116, %exp3A_114 : vector<16xf32>
        %div3A_118 = arith.constant 1.000000e+00 : f32
        %div3A_119 = vector.broadcast %div3A_118 : f32 to vector<16xf32>
        %div3A_120 = arith.divf %div3A_119, %add3A_117 : vector<16xf32>
        %get3A_121 = arith.index_cast %scan3A_77 : i32 to index
        %get3A_122 = arith.constant 16 : index
        %get3A_123 = tpu.vector_load %arg12[%get3A_121, %get3A_122] {strides = array<i32>} : memref<80x128xf32, #tpu.memory_space<vmem>>, vector<1x16xf32>,
        %get3A_124 = vector.shape_cast %get3A_123 : vector<1x16xf32> to vector<16xf32>
        %mul3A_125 = arith.mulf %div3A_120, %get3A_124 : vector<16xf32>
        %swap3A_126 = arith.index_cast %scan3A_77 : i32 to index
        %swap3A_127 = arith.constant 16 : index
        %swap3A_128 = tpu.vector_load %arg10[%swap3A_126, %swap3A_127] {strides = array<i32>} : memref<80x128xf32, #tpu.memory_space<vmem>>, vector<1x16xf32>,
        %swap3A_129 = vector.shape_cast %swap3A_128 : vector<1x16xf32> to vector<16xf32>
        %swap3A_130 = vector.shape_cast %mul3A_125 : vector<16xf32> to vector<1x16xf32>
        tpu.vector_store %arg10[%swap3A_126, %swap3A_127], %swap3A_130 {strides = array<i32>} : memref<80x128xf32, #tpu.memory_space<vmem>>, vector<1x16xf32>,
        %get3A_131 = arith.index_cast %scan3A_77 : i32 to index
        %get3A_132 = arith.constant 32 : index
        %get3A_133 = tpu.vector_load %arg10[%get3A_131, %get3A_132] {strides = array<i32>} : memref<80x128xf32, #tpu.memory_space<vmem>>, vector<1x16xf32>,
        %get3A_134 = vector.shape_cast %get3A_133 : vector<1x16xf32> to vector<16xf32>
        %get3A_135 = arith.index_cast %scan3A_77 : i32 to index
        %get3A_136 = arith.constant 32 : index
        %get3A_137 = tpu.vector_load %arg11[%get3A_135, %get3A_136] {strides = array<i32>} : memref<80x128xf32, #tpu.memory_space<vmem>>, vector<1x16xf32>,
        %get3A_138 = vector.shape_cast %get3A_137 : vector<1x16xf32> to vector<16xf32>
        %add3A_139 = arith.addf %get3A_134, %get3A_138 : vector<16xf32>
        %neg3A_140 = arith.constant 0.000000e+00 : f32
        %neg3A_141 = vector.broadcast %neg3A_140 : f32 to vector<16xf32>
        %neg3A_142 = arith.subf %neg3A_141, %add3A_139 : vector<16xf32>
        %exp3A_143 = math.exp %neg3A_142 : vector<16xf32>
        %add3A_144 = arith.constant 1.000000e+00 : f32
        %add3A_145 = vector.broadcast %add3A_144 : f32 to vector<16xf32>
        %add3A_146 = arith.addf %add3A_145, %exp3A_143 : vector<16xf32>
        %div3A_147 = arith.constant 1.000000e+00 : f32
        %div3A_148 = vector.broadcast %div3A_147 : f32 to vector<16xf32>
        %div3A_149 = arith.divf %div3A_148, %add3A_146 : vector<16xf32>
        %get3A_150 = arith.index_cast %scan3A_77 : i32 to index
        %get3A_151 = arith.constant 32 : index
        %get3A_152 = tpu.vector_load %arg12[%get3A_150, %get3A_151] {strides = array<i32>} : memref<80x128xf32, #tpu.memory_space<vmem>>, vector<1x16xf32>,
        %get3A_153 = vector.shape_cast %get3A_152 : vector<1x16xf32> to vector<16xf32>
        %mul3A_154 = arith.mulf %div3A_149, %get3A_153 : vector<16xf32>
        %swap3A_155 = arith.index_cast %scan3A_77 : i32 to index
        %swap3A_156 = arith.constant 32 : index
        %swap3A_157 = tpu.vector_load %arg10[%swap3A_155, %swap3A_156] {strides = array<i32>} : memref<80x128xf32, #tpu.memory_space<vmem>>, vector<1x16xf32>,
        %swap3A_158 = vector.shape_cast %swap3A_157 : vector<1x16xf32> to vector<16xf32>
        %swap3A_159 = vector.shape_cast %mul3A_154 : vector<16xf32> to vector<1x16xf32>
        tpu.vector_store %arg10[%swap3A_155, %swap3A_156], %swap3A_159 {strides = array<i32>} : memref<80x128xf32, #tpu.memory_space<vmem>>, vector<1x16xf32>,
        %get3A_160 = arith.index_cast %scan3A_77 : i32 to index
        %get3A_161 = arith.constant 48 : index
        %get3A_162 = tpu.vector_load %arg10[%get3A_160, %get3A_161] {strides = array<i32>} : memref<80x128xf32, #tpu.memory_space<vmem>>, vector<1x16xf32>,
        %get3A_163 = vector.shape_cast %get3A_162 : vector<1x16xf32> to vector<16xf32>
        %get3A_164 = arith.index_cast %scan3A_77 : i32 to index
        %get3A_165 = arith.constant 48 : index
        %get3A_166 = tpu.vector_load %arg11[%get3A_164, %get3A_165] {strides = array<i32>} : memref<80x128xf32, #tpu.memory_space<vmem>>, vector<1x16xf32>,
        %get3A_167 = vector.shape_cast %get3A_166 : vector<1x16xf32> to vector<16xf32>
        %add3A_168 = arith.addf %get3A_163, %get3A_167 : vector<16xf32>
        %neg3A_169 = arith.constant 0.000000e+00 : f32
        %neg3A_170 = vector.broadcast %neg3A_169 : f32 to vector<16xf32>
        %neg3A_171 = arith.subf %neg3A_170, %add3A_168 : vector<16xf32>
        %exp3A_172 = math.exp %neg3A_171 : vector<16xf32>
        %add3A_173 = arith.constant 1.000000e+00 : f32
        %add3A_174 = vector.broadcast %add3A_173 : f32 to vector<16xf32>
        %add3A_175 = arith.addf %add3A_174, %exp3A_172 : vector<16xf32>
        %div3A_176 = arith.constant 1.000000e+00 : f32
        %div3A_177 = vector.broadcast %div3A_176 : f32 to vector<16xf32>
        %div3A_178 = arith.divf %div3A_177, %add3A_175 : vector<16xf32>
        %get3A_179 = arith.index_cast %scan3A_77 : i32 to index
        %get3A_180 = arith.constant 48 : index
        %get3A_181 = tpu.vector_load %arg12[%get3A_179, %get3A_180] {strides = array<i32>} : memref<80x128xf32, #tpu.memory_space<vmem>>, vector<1x16xf32>,
        %get3A_182 = vector.shape_cast %get3A_181 : vector<1x16xf32> to vector<16xf32>
        %mul3A_183 = arith.mulf %div3A_178, %get3A_182 : vector<16xf32>
        %swap3A_184 = arith.index_cast %scan3A_77 : i32 to index
        %swap3A_185 = arith.constant 48 : index
        %swap3A_186 = tpu.vector_load %arg10[%swap3A_184, %swap3A_185] {strides = array<i32>} : memref<80x128xf32, #tpu.memory_space<vmem>>, vector<1x16xf32>,
        %swap3A_187 = vector.shape_cast %swap3A_186 : vector<1x16xf32> to vector<16xf32>
        %swap3A_188 = vector.shape_cast %mul3A_183 : vector<16xf32> to vector<1x16xf32>
        tpu.vector_store %arg10[%swap3A_184, %swap3A_185], %swap3A_188 {strides = array<i32>} : memref<80x128xf32, #tpu.memory_space<vmem>>, vector<1x16xf32>,
        %get3A_189 = arith.index_cast %scan3A_77 : i32 to index
        %get3A_190 = arith.constant 64 : index
        %get3A_191 = tpu.vector_load %arg10[%get3A_189, %get3A_190] {strides = array<i32>} : memref<80x128xf32, #tpu.memory_space<vmem>>, vector<1x16xf32>,
        %get3A_192 = vector.shape_cast %get3A_191 : vector<1x16xf32> to vector<16xf32>
        %get3A_193 = arith.index_cast %scan3A_77 : i32 to index
        %get3A_194 = arith.constant 64 : index
        %get3A_195 = tpu.vector_load %arg11[%get3A_193, %get3A_194] {strides = array<i32>} : memref<80x128xf32, #tpu.memory_space<vmem>>, vector<1x16xf32>,
        %get3A_196 = vector.shape_cast %get3A_195 : vector<1x16xf32> to vector<16xf32>
        %add3A_197 = arith.addf %get3A_192, %get3A_196 : vector<16xf32>
        %neg3A_198 = arith.constant 0.000000e+00 : f32
        %neg3A_199 = vector.broadcast %neg3A_198 : f32 to vector<16xf32>
        %neg3A_200 = arith.subf %neg3A_199, %add3A_197 : vector<16xf32>
        %exp3A_201 = math.exp %neg3A_200 : vector<16xf32>
        %add3A_202 = arith.constant 1.000000e+00 : f32
        %add3A_203 = vector.broadcast %add3A_202 : f32 to vector<16xf32>
        %add3A_204 = arith.addf %add3A_203, %exp3A_201 : vector<16xf32>
        %div3A_205 = arith.constant 1.000000e+00 : f32
        %div3A_206 = vector.broadcast %div3A_205 : f32 to vector<16xf32>
        %div3A_207 = arith.divf %div3A_206, %add3A_204 : vector<16xf32>
        %get3A_208 = arith.index_cast %scan3A_77 : i32 to index
        %get3A_209 = arith.constant 64 : index
        %get3A_210 = tpu.vector_load %arg12[%get3A_208, %get3A_209] {strides = array<i32>} : memref<80x128xf32, #tpu.memory_space<vmem>>, vector<1x16xf32>,
        %get3A_211 = vector.shape_cast %get3A_210 : vector<1x16xf32> to vector<16xf32>
        %mul3A_212 = arith.mulf %div3A_207, %get3A_211 : vector<16xf32>
        %swap3A_213 = arith.index_cast %scan3A_77 : i32 to index
        %swap3A_214 = arith.constant 64 : index
        %swap3A_215 = tpu.vector_load %arg10[%swap3A_213, %swap3A_214] {strides = array<i32>} : memref<80x128xf32, #tpu.memory_space<vmem>>, vector<1x16xf32>,
        %swap3A_216 = vector.shape_cast %swap3A_215 : vector<1x16xf32> to vector<16xf32>
        %swap3A_217 = vector.shape_cast %mul3A_212 : vector<16xf32> to vector<1x16xf32>
        tpu.vector_store %arg10[%swap3A_213, %swap3A_214], %swap3A_217 {strides = array<i32>} : memref<80x128xf32, #tpu.memory_space<vmem>>, vector<1x16xf32>,
        %get3A_218 = arith.index_cast %scan3A_77 : i32 to index
        %get3A_219 = arith.constant 80 : index
        %get3A_220 = tpu.vector_load %arg10[%get3A_218, %get3A_219] {strides = array<i32>} : memref<80x128xf32, #tpu.memory_space<vmem>>, vector<1x16xf32>,
        %get3A_221 = vector.shape_cast %get3A_220 : vector<1x16xf32> to vector<16xf32>
        %get3A_222 = arith.index_cast %scan3A_77 : i32 to index
        %get3A_223 = arith.constant 80 : index
        %get3A_224 = tpu.vector_load %arg11[%get3A_222, %get3A_223] {strides = array<i32>} : memref<80x128xf32, #tpu.memory_space<vmem>>, vector<1x16xf32>,
        %get3A_225 = vector.shape_cast %get3A_224 : vector<1x16xf32> to vector<16xf32>
        %add3A_226 = arith.addf %get3A_221, %get3A_225 : vector<16xf32>
        %neg3A_227 = arith.constant 0.000000e+00 : f32
        %neg3A_228 = vector.broadcast %neg3A_227 : f32 to vector<16xf32>
        %neg3A_229 = arith.subf %neg3A_228, %add3A_226 : vector<16xf32>
        %exp3A_230 = math.exp %neg3A_229 : vector<16xf32>
        %add3A_231 = arith.constant 1.000000e+00 : f32
        %add3A_232 = vector.broadcast %add3A_231 : f32 to vector<16xf32>
        %add3A_233 = arith.addf %add3A_232, %exp3A_230 : vector<16xf32>
        %div3A_234 = arith.constant 1.000000e+00 : f32
        %div3A_235 = vector.broadcast %div3A_234 : f32 to vector<16xf32>
        %div3A_236 = arith.divf %div3A_235, %add3A_233 : vector<16xf32>
        %get3A_237 = arith.index_cast %scan3A_77 : i32 to index
        %get3A_238 = arith.constant 80 : index
        %get3A_239 = tpu.vector_load %arg12[%get3A_237, %get3A_238] {strides = array<i32>} : memref<80x128xf32, #tpu.memory_space<vmem>>, vector<1x16xf32>,
        %get3A_240 = vector.shape_cast %get3A_239 : vector<1x16xf32> to vector<16xf32>
        %mul3A_241 = arith.mulf %div3A_236, %get3A_240 : vector<16xf32>
        %swap3A_242 = arith.index_cast %scan3A_77 : i32 to index
        %swap3A_243 = arith.constant 80 : index
        %swap3A_244 = tpu.vector_load %arg10[%swap3A_242, %swap3A_243] {strides = array<i32>} : memref<80x128xf32, #tpu.memory_space<vmem>>, vector<1x16xf32>,
        %swap3A_245 = vector.shape_cast %swap3A_244 : vector<1x16xf32> to vector<16xf32>
        %swap3A_246 = vector.shape_cast %mul3A_241 : vector<16xf32> to vector<1x16xf32>
        tpu.vector_store %arg10[%swap3A_242, %swap3A_243], %swap3A_246 {strides = array<i32>} : memref<80x128xf32, #tpu.memory_space<vmem>>, vector<1x16xf32>,
        %get3A_247 = arith.index_cast %scan3A_77 : i32 to index
        %get3A_248 = arith.constant 96 : index
        %get3A_249 = tpu.vector_load %arg10[%get3A_247, %get3A_248] {strides = array<i32>} : memref<80x128xf32, #tpu.memory_space<vmem>>, vector<1x16xf32>,
        %get3A_250 = vector.shape_cast %get3A_249 : vector<1x16xf32> to vector<16xf32>
        %get3A_251 = arith.index_cast %scan3A_77 : i32 to index
        %get3A_252 = arith.constant 96 : index
        %get3A_253 = tpu.vector_load %arg11[%get3A_251, %get3A_252] {strides = array<i32>} : memref<80x128xf32, #tpu.memory_space<vmem>>, vector<1x16xf32>,
        %get3A_254 = vector.shape_cast %get3A_253 : vector<1x16xf32> to vector<16xf32>
        %add3A_255 = arith.addf %get3A_250, %get3A_254 : vector<16xf32>
        %neg3A_256 = arith.constant 0.000000e+00 : f32
        %neg3A_257 = vector.broadcast %neg3A_256 : f32 to vector<16xf32>
        %neg3A_258 = arith.subf %neg3A_257, %add3A_255 : vector<16xf32>
        %exp3A_259 = math.exp %neg3A_258 : vector<16xf32>
        %add3A_260 = arith.constant 1.000000e+00 : f32
        %add3A_261 = vector.broadcast %add3A_260 : f32 to vector<16xf32>
        %add3A_262 = arith.addf %add3A_261, %exp3A_259 : vector<16xf32>
        %div3A_263 = arith.constant 1.000000e+00 : f32
        %div3A_264 = vector.broadcast %div3A_263 : f32 to vector<16xf32>
        %div3A_265 = arith.divf %div3A_264, %add3A_262 : vector<16xf32>
        %get3A_266 = arith.index_cast %scan3A_77 : i32 to index
        %get3A_267 = arith.constant 96 : index
        %get3A_268 = tpu.vector_load %arg12[%get3A_266, %get3A_267] {strides = array<i32>} : memref<80x128xf32, #tpu.memory_space<vmem>>, vector<1x16xf32>,
        %get3A_269 = vector.shape_cast %get3A_268 : vector<1x16xf32> to vector<16xf32>
        %mul3A_270 = arith.mulf %div3A_265, %get3A_269 : vector<16xf32>
        %swap3A_271 = arith.index_cast %scan3A_77 : i32 to index
        %swap3A_272 = arith.constant 96 : index
        %swap3A_273 = tpu.vector_load %arg10[%swap3A_271, %swap3A_272] {strides = array<i32>} : memref<80x128xf32, #tpu.memory_space<vmem>>, vector<1x16xf32>,
        %swap3A_274 = vector.shape_cast %swap3A_273 : vector<1x16xf32> to vector<16xf32>
        %swap3A_275 = vector.shape_cast %mul3A_270 : vector<16xf32> to vector<1x16xf32>
        tpu.vector_store %arg10[%swap3A_271, %swap3A_272], %swap3A_275 {strides = array<i32>} : memref<80x128xf32, #tpu.memory_space<vmem>>, vector<1x16xf32>,
        %get3A_276 = arith.index_cast %scan3A_77 : i32 to index
        %get3A_277 = arith.constant 112 : index
        %get3A_278 = tpu.vector_load %arg10[%get3A_276, %get3A_277] {strides = array<i32>} : memref<80x128xf32, #tpu.memory_space<vmem>>, vector<1x16xf32>,
        %get3A_279 = vector.shape_cast %get3A_278 : vector<1x16xf32> to vector<16xf32>
        %get3A_280 = arith.index_cast %scan3A_77 : i32 to index
        %get3A_281 = arith.constant 112 : index
        %get3A_282 = tpu.vector_load %arg11[%get3A_280, %get3A_281] {strides = array<i32>} : memref<80x128xf32, #tpu.memory_space<vmem>>, vector<1x16xf32>,
        %get3A_283 = vector.shape_cast %get3A_282 : vector<1x16xf32> to vector<16xf32>
        %add3A_284 = arith.addf %get3A_279, %get3A_283 : vector<16xf32>
        %neg3A_285 = arith.constant 0.000000e+00 : f32
        %neg3A_286 = vector.broadcast %neg3A_285 : f32 to vector<16xf32>
        %neg3A_287 = arith.subf %neg3A_286, %add3A_284 : vector<16xf32>
        %exp3A_288 = math.exp %neg3A_287 : vector<16xf32>
        %add3A_289 = arith.constant 1.000000e+00 : f32
        %add3A_290 = vector.broadcast %add3A_289 : f32 to vector<16xf32>
        %add3A_291 = arith.addf %add3A_290, %exp3A_288 : vector<16xf32>
        %div3A_292 = arith.constant 1.000000e+00 : f32
        %div3A_293 = vector.broadcast %div3A_292 : f32 to vector<16xf32>
        %div3A_294 = arith.divf %div3A_293, %add3A_291 : vector<16xf32>
        %get3A_295 = arith.index_cast %scan3A_77 : i32 to index
        %get3A_296 = arith.constant 112 : index
        %get3A_297 = tpu.vector_load %arg12[%get3A_295, %get3A_296] {strides = array<i32>} : memref<80x128xf32, #tpu.memory_space<vmem>>, vector<1x16xf32>,
        %get3A_298 = vector.shape_cast %get3A_297 : vector<1x16xf32> to vector<16xf32>
        %mul3A_299 = arith.mulf %div3A_294, %get3A_298 : vector<16xf32>
        %swap3A_300 = arith.index_cast %scan3A_77 : i32 to index
        %swap3A_301 = arith.constant 112 : index
        %swap3A_302 = tpu.vector_load %arg10[%swap3A_300, %swap3A_301] {strides = array<i32>} : memref<80x128xf32, #tpu.memory_space<vmem>>, vector<1x16xf32>,
        %swap3A_303 = vector.shape_cast %swap3A_302 : vector<1x16xf32> to vector<16xf32>
        %swap3A_304 = vector.shape_cast %mul3A_299 : vector<16xf32> to vector<1x16xf32>
        tpu.vector_store %arg10[%swap3A_300, %swap3A_301], %swap3A_304 {strides = array<i32>} : memref<80x128xf32, #tpu.memory_space<vmem>>, vector<1x16xf32>,
      }
      %scan3A_76 = arith.constant 80 : i32
      "tpu.region"() ({
        %run_scoped3A = tpu.sem_alloc : memref<!tpu.dma_semaphore, #tpu.memory_space<semaphore_mem>>
        %dma_start3A_77 = arith.constant 0 : i32
        %dma_start3A_78 = arith.constant 0 : i32
        %dma_start3A_79 = tpu.memref_slice %arg14[%dma_start3A_77, %dma_start3A_78] : memref<10000x128xf32, #tpu.memory_space<vmem_shared>> -> memref<10000x128xf32, #tpu.memory_space<vmem_shared>>
        tpu.enqueue_indirect_dma source(%arg10 : memref<80x128xf32, #tpu.memory_space<vmem>>) target(%dma_start3A_79 : memref<10000x128xf32, #tpu.memory_space<vmem_shared>>) offsets(%arg8 : memref<80xi32, #tpu.memory_space<vmem>>) semaphore(%run_scoped3A : memref<!tpu.dma_semaphore, #tpu.memory_space<semaphore_mem>>) {add = true}
        %dma_wait3A_80 = arith.constant 0 : i32
        %dma_wait3A_81 = arith.constant 0 : i32
        %dma_wait3A_82 = tpu.memref_slice %arg14[%dma_wait3A_80, %dma_wait3A_81] : memref<10000x128xf32, #tpu.memory_space<vmem_shared>> -> memref<10000x128xf32, #tpu.memory_space<vmem_shared>>
        tpu.wait_indirect_dma semaphore(%run_scoped3A : memref<!tpu.dma_semaphore, #tpu.memory_space<semaphore_mem>>) src(%arg10 : memref<80x128xf32, #tpu.memory_space<vmem>>) dst(%dma_wait3A_82 : memref<10000x128xf32, #tpu.memory_space<vmem_shared>>)
        tpu.yield
      }) : () -> ()
    }
    %scan3A_39 = arith.constant 125 : i32
    %barrier3A_40 = arith.constant 0 : index
    tpu.barrier barrier_id(%barrier3A_40)
    %mul3A_41 = arith.constant 624 : i32
    %mul3A_42 = arith.muli %arg1, %mul3A_41 : i32
    %mul3A_43 = arith.constant 10000 : i32
    %mul3A_44 = arith.muli %arg0, %mul3A_43 : i32
    %add3A_45 = arith.addi %mul3A_44, %mul3A_42 : i32
    "tpu.region"() ({
      %run_scoped3A = tpu.sem_alloc : memref<!tpu.dma_semaphore, #tpu.memory_space<semaphore_mem>>
      %dma_start3A = arith.constant 0 : i32
      %dma_start3A_51 = tpu.memref_slice %arg7[%add3A_45, %dma_start3A] : memref<20000x128xf32, #tpu.memory_space<hbm>> -> memref<624x128xf32, #tpu.memory_space<hbm>>
      %dma_start3A_52 = arith.constant 0 : i32
      %dma_start3A_53 = tpu.memref_slice %arg14[%mul3A_42, %dma_start3A_52] : memref<10000x128xf32, #tpu.memory_space<vmem_shared>> -> memref<624x128xf32, #tpu.memory_space<vmem_shared>>
      tpu.enqueue_dma source(%dma_start3A_53 : memref<624x128xf32, #tpu.memory_space<vmem_shared>>) target(%dma_start3A_51 : memref<624x128xf32, #tpu.memory_space<hbm>>) target_semaphore(%run_scoped3A : memref<!tpu.dma_semaphore, #tpu.memory_space<semaphore_mem>>)
      %dma_wait3A = arith.constant 0 : i32
      %dma_wait3A_54 = tpu.memref_slice %arg7[%add3A_45, %dma_wait3A] : memref<20000x128xf32, #tpu.memory_space<hbm>> -> memref<624x128xf32, #tpu.memory_space<hbm>>
      %dma_wait3A_55 = arith.constant 0 : i32
      %dma_wait3A_56 = tpu.memref_slice %arg14[%mul3A_42, %dma_wait3A_55] : memref<10000x128xf32, #tpu.memory_space<vmem_shared>> -> memref<624x128xf32, #tpu.memory_space<vmem_shared>>
      tpu.wait_dma2 semaphore(%run_scoped3A : memref<!tpu.dma_semaphore, #tpu.memory_space<semaphore_mem>>) src(%dma_wait3A_56 : memref<624x128xf32, #tpu.memory_space<vmem_shared>>) dst(%dma_wait3A_54 : memref<624x128xf32, #tpu.memory_space<hbm>>)
      tpu.yield
    }) : () -> ()
    %eq3A_46 = arith.constant 0 : i32
    %eq3A_47 = arith.cmpi eq, %arg1, %eq3A_46 : i32
    %convert_element_type3A_48 = arith.extui %eq3A_47 : i1 to i32
    %cond3A_49 = arith.constant 0 : i32
    %cond3A_50 = arith.cmpi ne, %convert_element_type3A_48, %cond3A_49 : i32
    scf.if %cond3A_50 {
      %mul3A_51 = arith.constant 10000 : i32
      %mul3A_52 = arith.muli %arg0, %mul3A_51 : i32
      %add3A_53 = arith.constant 9984 : i32
      %add3A_54 = arith.addi %mul3A_52, %add3A_53 : i32
      "tpu.region"() ({
        %run_scoped3A = tpu.sem_alloc : memref<!tpu.dma_semaphore, #tpu.memory_space<semaphore_mem>>
        %dma_start3A = arith.constant 0 : i32
        %dma_start3A_55 = tpu.memref_slice %arg7[%add3A_54, %dma_start3A] : memref<20000x128xf32, #tpu.memory_space<hbm>> -> memref<16x128xf32, #tpu.memory_space<hbm>>
        %dma_start3A_56 = arith.constant 9984 : i32
        %dma_start3A_57 = arith.constant 0 : i32
        %dma_start3A_58 = tpu.memref_slice %arg14[%dma_start3A_56, %dma_start3A_57] : memref<10000x128xf32, #tpu.memory_space<vmem_shared>> -> memref<16x128xf32, #tpu.memory_space<vmem_shared>>
        tpu.enqueue_dma source(%dma_start3A_58 : memref<16x128xf32, #tpu.memory_space<vmem_shared>>) target(%dma_start3A_55 : memref<16x128xf32, #tpu.memory_space<hbm>>) target_semaphore(%run_scoped3A : memref<!tpu.dma_semaphore, #tpu.memory_space<semaphore_mem>>)
        %dma_wait3A = arith.constant 0 : i32
        %dma_wait3A_59 = tpu.memref_slice %arg7[%add3A_54, %dma_wait3A] : memref<20000x128xf32, #tpu.memory_space<hbm>> -> memref<16x128xf32, #tpu.memory_space<hbm>>
        %dma_wait3A_60 = arith.constant 9984 : i32
        %dma_wait3A_61 = arith.constant 0 : i32
        %dma_wait3A_62 = tpu.memref_slice %arg14[%dma_wait3A_60, %dma_wait3A_61] : memref<10000x128xf32, #tpu.memory_space<vmem_shared>> -> memref<16x128xf32, #tpu.memory_space<vmem_shared>>
        tpu.wait_dma2 semaphore(%run_scoped3A : memref<!tpu.dma_semaphore, #tpu.memory_space<semaphore_mem>>) src(%dma_wait3A_62 : memref<16x128xf32, #tpu.memory_space<vmem_shared>>) dst(%dma_wait3A_59 : memref<16x128xf32, #tpu.memory_space<hbm>>)
        tpu.yield
      }) : () -> ()
    } else {
    }
    return
  }
}

module attributes {stable_mosaic.version = 14 : i64} {
  func.func @_embed_body(%arg0: i32, %arg1: memref<400x128xf32, #tpu.memory_space<vmem>>, %arg2: memref<128x128xf32, #tpu.memory_space<vmem>>, %arg3: memref<1x128xf32, #tpu.memory_space<vmem>>, %arg4: memref<128x512xf32, #tpu.memory_space<vmem>>, %arg5: memref<1x512xf32, #tpu.memory_space<vmem>>, %arg6: memref<400x128xf32, #tpu.memory_space<vmem>>, %arg7: memref<400x128xf32, #tpu.memory_space<vmem>>, %arg8: memref<400x128xf32, #tpu.memory_space<vmem>>, %arg9: memref<400x128xf32, #tpu.memory_space<vmem>>, %arg10: memref<400x128xf32, #tpu.memory_space<vmem>>) attributes {dimension_semantics = [#tpu.dimension_semantics<arbitrary>], iteration_bounds = array<i64: 25>, scalar_prefetch = 0 : i64, scratch_operands = 0 : i64, tpu.core_type = #tpu.core_type<tc>, window_params = [{transform_indices = @transform_0, window_bounds = array<i64: 400, 128>}, {pipeline_mode = #tpu.pipeline_mode<synchronous>, transform_indices = @transform_1, window_bounds = array<i64: 128, 128>}, {pipeline_mode = #tpu.pipeline_mode<synchronous>, transform_indices = @transform_2, window_bounds = array<i64: 1, 128>}, {pipeline_mode = #tpu.pipeline_mode<synchronous>, transform_indices = @transform_3, window_bounds = array<i64: 128, 512>}, {pipeline_mode = #tpu.pipeline_mode<synchronous>, transform_indices = @transform_4, window_bounds = array<i64: 1, 512>}, {transform_indices = @transform_5, window_bounds = array<i64: 400, 128>}, {transform_indices = @transform_6, window_bounds = array<i64: 400, 128>}, {transform_indices = @transform_7, window_bounds = array<i64: 400, 128>}, {transform_indices = @transform_8, window_bounds = array<i64: 400, 128>}, {transform_indices = @transform_9, window_bounds = array<i64: 400, 128>}]} {
    %get3A = arith.constant 0 : index
    %get3A_0 = arith.constant 0 : index
    %get3A_1 = vector.load %arg1[%get3A, %get3A_0] : memref<400x128xf32, #tpu.memory_space<vmem>>, vector<400x128xf32>
    %get3A_2 = arith.constant 0 : index
    %get3A_3 = arith.constant 0 : index
    %get3A_4 = vector.load %arg2[%get3A_2, %get3A_3] : memref<128x128xf32, #tpu.memory_space<vmem>>, vector<128x128xf32>
    %dot_general3A = arith.constant dense<0.000000e+00> : vector<400x128xf32>
    %dot_general3A_5 = tpu.matmul %get3A_1, %get3A_4, %dot_general3A {dimension_numbers = #tpu.dot_dimension_numbers<[1], [0], [0], [1], [0, 0, 1, 1], [], []>, transpose_lhs_hint = false} : vector<400x128xf32>, vector<128x128xf32>, vector<400x128xf32> -> vector<400x128xf32>
    %get3A_6 = arith.constant 0 : index
    %get3A_7 = arith.constant 0 : index
    %get3A_8 = vector.load %arg3[%get3A_6, %get3A_7] : memref<1x128xf32, #tpu.memory_space<vmem>>, vector<1x128xf32>
    %add3A = vector.broadcast %get3A_8 : vector<1x128xf32> to vector<400x128xf32>
    %add3A_9 = arith.addf %dot_general3A_5, %add3A : vector<400x128xf32>
    %swap3A = arith.constant 0 : index
    %swap3A_10 = arith.constant 0 : index
    %swap3A_11 = vector.load %arg6[%swap3A, %swap3A_10] : memref<400x128xf32, #tpu.memory_space<vmem>>, vector<400x128xf32>
    tpu.vector_store %arg6[%swap3A, %swap3A_10], %add3A_9 {strides = array<i32>} : memref<400x128xf32, #tpu.memory_space<vmem>>, vector<400x128xf32>,
    %get3A_12 = arith.constant 0 : index
    %get3A_13 = arith.constant 0 : index
    %get3A_14 = vector.load %arg4[%get3A_12, %get3A_13] : memref<128x512xf32, #tpu.memory_space<vmem>>, vector<128x512xf32>
    %dot_general3A_15 = arith.constant dense<0.000000e+00> : vector<400x512xf32>
    %dot_general3A_16 = tpu.matmul %add3A_9, %get3A_14, %dot_general3A_15 {dimension_numbers = #tpu.dot_dimension_numbers<[1], [0], [0], [1], [0, 0, 1, 1], [], []>, transpose_lhs_hint = false} : vector<400x128xf32>, vector<128x512xf32>, vector<400x512xf32> -> vector<400x512xf32>
    %get3A_17 = arith.constant 0 : index
    %get3A_18 = arith.constant 0 : index
    %get3A_19 = vector.load %arg5[%get3A_17, %get3A_18] : memref<1x512xf32, #tpu.memory_space<vmem>>, vector<1x512xf32>
    %add3A_20 = vector.broadcast %get3A_19 : vector<1x512xf32> to vector<400x512xf32>
    %add3A_21 = arith.addf %dot_general3A_16, %add3A_20 : vector<400x512xf32>
    %slice3A = vector.extract_strided_slice %add3A_21 {offsets = [0, 0], sizes = [400, 128], strides = [1, 1]} : vector<400x512xf32> to vector<400x128xf32>
    %swap3A_22 = arith.constant 0 : index
    %swap3A_23 = arith.constant 0 : index
    %swap3A_24 = vector.load %arg7[%swap3A_22, %swap3A_23] : memref<400x128xf32, #tpu.memory_space<vmem>>, vector<400x128xf32>
    tpu.vector_store %arg7[%swap3A_22, %swap3A_23], %slice3A {strides = array<i32>} : memref<400x128xf32, #tpu.memory_space<vmem>>, vector<400x128xf32>,
    %slice3A_25 = vector.extract_strided_slice %add3A_21 {offsets = [0, 128], sizes = [400, 128], strides = [1, 1]} : vector<400x512xf32> to vector<400x128xf32>
    %swap3A_26 = arith.constant 0 : index
    %swap3A_27 = arith.constant 0 : index
    %swap3A_28 = vector.load %arg8[%swap3A_26, %swap3A_27] : memref<400x128xf32, #tpu.memory_space<vmem>>, vector<400x128xf32>
    tpu.vector_store %arg8[%swap3A_26, %swap3A_27], %slice3A_25 {strides = array<i32>} : memref<400x128xf32, #tpu.memory_space<vmem>>, vector<400x128xf32>,
    %slice3A_29 = vector.extract_strided_slice %add3A_21 {offsets = [0, 256], sizes = [400, 128], strides = [1, 1]} : vector<400x512xf32> to vector<400x128xf32>
    %swap3A_30 = arith.constant 0 : index
    %swap3A_31 = arith.constant 0 : index
    %swap3A_32 = vector.load %arg9[%swap3A_30, %swap3A_31] : memref<400x128xf32, #tpu.memory_space<vmem>>, vector<400x128xf32>
    tpu.vector_store %arg9[%swap3A_30, %swap3A_31], %slice3A_29 {strides = array<i32>} : memref<400x128xf32, #tpu.memory_space<vmem>>, vector<400x128xf32>,
    %slice3A_33 = vector.extract_strided_slice %add3A_21 {offsets = [0, 384], sizes = [400, 128], strides = [1, 1]} : vector<400x512xf32> to vector<400x128xf32>
    %swap3A_34 = arith.constant 0 : index
    %swap3A_35 = arith.constant 0 : index
    %swap3A_36 = vector.load %arg10[%swap3A_34, %swap3A_35] : memref<400x128xf32, #tpu.memory_space<vmem>>, vector<400x128xf32>
    tpu.vector_store %arg10[%swap3A_34, %swap3A_35], %slice3A_33 {strides = array<i32>} : memref<400x128xf32, #tpu.memory_space<vmem>>, vector<400x128xf32>,
    return
  }
  func.func @transform_0(%arg0: i32) -> (i32, i32) {
    %c0_i32 = arith.constant 0 : i32
    %c0_i32_0 = arith.constant 0 : i32
    return %arg0, %c0_i32 : i32, i32
  }
  func.func @transform_1(%arg0: i32) -> (i32, i32) {
    %c0_i32 = arith.constant 0 : i32
    %c0_i32_0 = arith.constant 0 : i32
    %c0_i32_1 = arith.constant 0 : i32
    return %c0_i32, %c0_i32_0 : i32, i32
  }
  func.func @transform_2(%arg0: i32) -> (i32, i32) {
    %c0_i32 = arith.constant 0 : i32
    %c0_i32_0 = arith.constant 0 : i32
    %c0_i32_1 = arith.constant 0 : i32
    return %c0_i32, %c0_i32_0 : i32, i32
  }
  func.func @transform_3(%arg0: i32) -> (i32, i32) {
    %c0_i32 = arith.constant 0 : i32
    %c0_i32_0 = arith.constant 0 : i32
    %c0_i32_1 = arith.constant 0 : i32
    return %c0_i32, %c0_i32_0 : i32, i32
  }
  func.func @transform_4(%arg0: i32) -> (i32, i32) {
    %c0_i32 = arith.constant 0 : i32
    %c0_i32_0 = arith.constant 0 : i32
    %c0_i32_1 = arith.constant 0 : i32
    return %c0_i32, %c0_i32_0 : i32, i32
  }
  func.func @transform_5(%arg0: i32) -> (i32, i32) {
    %c0_i32 = arith.constant 0 : i32
    %c0_i32_0 = arith.constant 0 : i32
    return %arg0, %c0_i32 : i32, i32
  }
  func.func @transform_6(%arg0: i32) -> (i32, i32) {
    %c0_i32 = arith.constant 0 : i32
    %c0_i32_0 = arith.constant 0 : i32
    return %arg0, %c0_i32 : i32, i32
  }
  func.func @transform_7(%arg0: i32) -> (i32, i32) {
    %c0_i32 = arith.constant 0 : i32
    %c0_i32_0 = arith.constant 0 : i32
    return %arg0, %c0_i32 : i32, i32
  }
  func.func @transform_8(%arg0: i32) -> (i32, i32) {
    %c0_i32 = arith.constant 0 : i32
    %c0_i32_0 = arith.constant 0 : i32
    return %arg0, %c0_i32 : i32, i32
  }
  func.func @transform_9(%arg0: i32) -> (i32, i32) {
    %c0_i32 = arith.constant 0 : i32
    %c0_i32_0 = arith.constant 0 : i32
    return %arg0, %c0_i32 : i32, i32
  }
}

module attributes {stable_mosaic.version = 14 : i64} {
  func.func @_update_body(%arg0: i32, %arg1: memref<400x128xf32, #tpu.memory_space<vmem>>, %arg2: memref<400x128xf32, #tpu.memory_space<vmem>>, %arg3: memref<400x128xf32, #tpu.memory_space<vmem>>, %arg4: memref<400x128xf32, #tpu.memory_space<vmem>>, %arg5: memref<128x512xf32, #tpu.memory_space<vmem>>, %arg6: memref<1x512xf32, #tpu.memory_space<vmem>>, %arg7: memref<400x128xf32, #tpu.memory_space<vmem>>, %arg8: memref<400x128xf32, #tpu.memory_space<vmem>>, %arg9: memref<400x128xf32, #tpu.memory_space<vmem>>, %arg10: memref<400x128xf32, #tpu.memory_space<vmem>>, %arg11: memref<400x128xf32, #tpu.memory_space<vmem>>) attributes {dimension_semantics = [#tpu.dimension_semantics<arbitrary>], iteration_bounds = array<i64: 25>, scalar_prefetch = 0 : i64, scratch_operands = 0 : i64, tpu.core_type = #tpu.core_type<tc>, window_params = [{transform_indices = @transform_0, window_bounds = array<i64: 400, 128>}, {transform_indices = @transform_1, window_bounds = array<i64: 400, 128>}, {transform_indices = @transform_2, window_bounds = array<i64: 400, 128>}, {transform_indices = @transform_3, window_bounds = array<i64: 400, 128>}, {pipeline_mode = #tpu.pipeline_mode<synchronous>, transform_indices = @transform_4, window_bounds = array<i64: 128, 512>}, {pipeline_mode = #tpu.pipeline_mode<synchronous>, transform_indices = @transform_5, window_bounds = array<i64: 1, 512>}, {transform_indices = @transform_6, window_bounds = array<i64: 400, 128>}, {transform_indices = @transform_7, window_bounds = array<i64: 400, 128>}, {transform_indices = @transform_8, window_bounds = array<i64: 400, 128>}, {transform_indices = @transform_9, window_bounds = array<i64: 400, 128>}, {transform_indices = @transform_10, window_bounds = array<i64: 400, 128>}]} {
    %get3A = arith.constant 0 : index
    %get3A_0 = arith.constant 0 : index
    %get3A_1 = vector.load %arg1[%get3A, %get3A_0] : memref<400x128xf32, #tpu.memory_space<vmem>>, vector<400x128xf32>
    %get3A_2 = arith.constant 0 : index
    %get3A_3 = arith.constant 0 : index
    %get3A_4 = vector.load %arg2[%get3A_2, %get3A_3] : memref<400x128xf32, #tpu.memory_space<vmem>>, vector<400x128xf32>
    %get3A_5 = arith.constant 0 : index
    %get3A_6 = arith.constant 0 : index
    %get3A_7 = vector.load %arg3[%get3A_5, %get3A_6] : memref<400x128xf32, #tpu.memory_space<vmem>>, vector<400x128xf32>
    %add3A = arith.addf %get3A_4, %get3A_7 : vector<400x128xf32>
    %get3A_8 = arith.constant 0 : index
    %get3A_9 = arith.constant 0 : index
    %get3A_10 = vector.load %arg4[%get3A_8, %get3A_9] : memref<400x128xf32, #tpu.memory_space<vmem>>, vector<400x128xf32>
    %add3A_11 = arith.addf %add3A, %get3A_10 : vector<400x128xf32>
    %max3A = arith.constant 0.000000e+00 : f32
    %max3A_12 = vector.broadcast %max3A : f32 to vector<400x128xf32>
    %max3A_13 = arith.maximumf %add3A_11, %max3A_12 : vector<400x128xf32>
    %add3A_14 = arith.addf %get3A_1, %max3A_13 : vector<400x128xf32>
    %swap3A = arith.constant 0 : index
    %swap3A_15 = arith.constant 0 : index
    %swap3A_16 = vector.load %arg7[%swap3A, %swap3A_15] : memref<400x128xf32, #tpu.memory_space<vmem>>, vector<400x128xf32>
    tpu.vector_store %arg7[%swap3A, %swap3A_15], %add3A_14 {strides = array<i32>} : memref<400x128xf32, #tpu.memory_space<vmem>>, vector<400x128xf32>,
    %get3A_17 = arith.constant 0 : index
    %get3A_18 = arith.constant 0 : index
    %get3A_19 = vector.load %arg5[%get3A_17, %get3A_18] : memref<128x512xf32, #tpu.memory_space<vmem>>, vector<128x512xf32>
    %dot_general3A = arith.constant dense<0.000000e+00> : vector<400x512xf32>
    %dot_general3A_20 = tpu.matmul %add3A_14, %get3A_19, %dot_general3A {dimension_numbers = #tpu.dot_dimension_numbers<[1], [0], [0], [1], [0, 0, 1, 1], [], []>, transpose_lhs_hint = false} : vector<400x128xf32>, vector<128x512xf32>, vector<400x512xf32> -> vector<400x512xf32>
    %get3A_21 = arith.constant 0 : index
    %get3A_22 = arith.constant 0 : index
    %get3A_23 = vector.load %arg6[%get3A_21, %get3A_22] : memref<1x512xf32, #tpu.memory_space<vmem>>, vector<1x512xf32>
    %add3A_24 = vector.broadcast %get3A_23 : vector<1x512xf32> to vector<400x512xf32>
    %add3A_25 = arith.addf %dot_general3A_20, %add3A_24 : vector<400x512xf32>
    %slice3A = vector.extract_strided_slice %add3A_25 {offsets = [0, 0], sizes = [400, 128], strides = [1, 1]} : vector<400x512xf32> to vector<400x128xf32>
    %swap3A_26 = arith.constant 0 : index
    %swap3A_27 = arith.constant 0 : index
    %swap3A_28 = vector.load %arg8[%swap3A_26, %swap3A_27] : memref<400x128xf32, #tpu.memory_space<vmem>>, vector<400x128xf32>
    tpu.vector_store %arg8[%swap3A_26, %swap3A_27], %slice3A {strides = array<i32>} : memref<400x128xf32, #tpu.memory_space<vmem>>, vector<400x128xf32>,
    %slice3A_29 = vector.extract_strided_slice %add3A_25 {offsets = [0, 128], sizes = [400, 128], strides = [1, 1]} : vector<400x512xf32> to vector<400x128xf32>
    %swap3A_30 = arith.constant 0 : index
    %swap3A_31 = arith.constant 0 : index
    %swap3A_32 = vector.load %arg9[%swap3A_30, %swap3A_31] : memref<400x128xf32, #tpu.memory_space<vmem>>, vector<400x128xf32>
    tpu.vector_store %arg9[%swap3A_30, %swap3A_31], %slice3A_29 {strides = array<i32>} : memref<400x128xf32, #tpu.memory_space<vmem>>, vector<400x128xf32>,
    %slice3A_33 = vector.extract_strided_slice %add3A_25 {offsets = [0, 256], sizes = [400, 128], strides = [1, 1]} : vector<400x512xf32> to vector<400x128xf32>
    %swap3A_34 = arith.constant 0 : index
    %swap3A_35 = arith.constant 0 : index
    %swap3A_36 = vector.load %arg10[%swap3A_34, %swap3A_35] : memref<400x128xf32, #tpu.memory_space<vmem>>, vector<400x128xf32>
    tpu.vector_store %arg10[%swap3A_34, %swap3A_35], %slice3A_33 {strides = array<i32>} : memref<400x128xf32, #tpu.memory_space<vmem>>, vector<400x128xf32>,
    %slice3A_37 = vector.extract_strided_slice %add3A_25 {offsets = [0, 384], sizes = [400, 128], strides = [1, 1]} : vector<400x512xf32> to vector<400x128xf32>
    %swap3A_38 = arith.constant 0 : index
    %swap3A_39 = arith.constant 0 : index
    %swap3A_40 = vector.load %arg11[%swap3A_38, %swap3A_39] : memref<400x128xf32, #tpu.memory_space<vmem>>, vector<400x128xf32>
    tpu.vector_store %arg11[%swap3A_38, %swap3A_39], %slice3A_37 {strides = array<i32>} : memref<400x128xf32, #tpu.memory_space<vmem>>, vector<400x128xf32>,
    return
  }
  func.func @transform_0(%arg0: i32) -> (i32, i32) {
    %c0_i32 = arith.constant 0 : i32
    %c0_i32_0 = arith.constant 0 : i32
    return %arg0, %c0_i32 : i32, i32
  }
  func.func @transform_1(%arg0: i32) -> (i32, i32) {
    %c0_i32 = arith.constant 0 : i32
    %c0_i32_0 = arith.constant 0 : i32
    return %arg0, %c0_i32 : i32, i32
  }
  func.func @transform_2(%arg0: i32) -> (i32, i32) {
    %c0_i32 = arith.constant 0 : i32
    %c0_i32_0 = arith.constant 0 : i32
    return %arg0, %c0_i32 : i32, i32
  }
  func.func @transform_3(%arg0: i32) -> (i32, i32) {
    %add3A = arith.constant 25 : i32
    %add3A_0 = arith.addi %arg0, %add3A : i32
    %c0_i32 = arith.constant 0 : i32
    %c0_i32_1 = arith.constant 0 : i32
    return %add3A_0, %c0_i32 : i32, i32
  }
  func.func @transform_4(%arg0: i32) -> (i32, i32) {
    %c0_i32 = arith.constant 0 : i32
    %c0_i32_0 = arith.constant 0 : i32
    %c0_i32_1 = arith.constant 0 : i32
    return %c0_i32, %c0_i32_0 : i32, i32
  }
  func.func @transform_5(%arg0: i32) -> (i32, i32) {
    %c0_i32 = arith.constant 0 : i32
    %c0_i32_0 = arith.constant 0 : i32
    %c0_i32_1 = arith.constant 0 : i32
    return %c0_i32, %c0_i32_0 : i32, i32
  }
  func.func @transform_6(%arg0: i32) -> (i32, i32) {
    %c0_i32 = arith.constant 0 : i32
    %c0_i32_0 = arith.constant 0 : i32
    return %arg0, %c0_i32 : i32, i32
  }
  func.func @transform_7(%arg0: i32) -> (i32, i32) {
    %c0_i32 = arith.constant 0 : i32
    %c0_i32_0 = arith.constant 0 : i32
    return %arg0, %c0_i32 : i32, i32
  }
  func.func @transform_8(%arg0: i32) -> (i32, i32) {
    %c0_i32 = arith.constant 0 : i32
    %c0_i32_0 = arith.constant 0 : i32
    return %arg0, %c0_i32 : i32, i32
  }
  func.func @transform_9(%arg0: i32) -> (i32, i32) {
    %c0_i32 = arith.constant 0 : i32
    %c0_i32_0 = arith.constant 0 : i32
    return %arg0, %c0_i32 : i32, i32
  }
  func.func @transform_10(%arg0: i32) -> (i32, i32) {
    %c0_i32 = arith.constant 0 : i32
    %c0_i32_0 = arith.constant 0 : i32
    return %arg0, %c0_i32 : i32, i32
  }
}

module attributes {stable_mosaic.version = 14 : i64} {
  func.func @_pool_body(%arg0: i32, %arg1: memref<400x128xf32, #tpu.memory_space<vmem>>, %arg2: memref<400x128xf32, #tpu.memory_space<vmem>>, %arg3: memref<400x128xf32, #tpu.memory_space<vmem>>, %arg4: memref<400x128xf32, #tpu.memory_space<vmem>>, %arg5: memref<1x1x400xi32, #tpu.memory_space<vmem>>, %arg6: memref<128x64xf32, #tpu.memory_space<vmem>>, %arg7: memref<1x64xf32, #tpu.memory_space<vmem>>, %arg8: memref<64x1xf32, #tpu.memory_space<vmem>>, %arg9: memref<1x1xf32, #tpu.memory_space<vmem>>, %arg10: memref<64x1xf32, #tpu.memory_space<vmem>>, %arg11: memref<64x128xf32, #tpu.memory_space<vmem>>) attributes {dimension_semantics = [#tpu.dimension_semantics<arbitrary>], iteration_bounds = array<i64: 25>, scalar_prefetch = 0 : i64, scratch_operands = 1 : i64, tpu.core_type = #tpu.core_type<tc>, window_params = [{transform_indices = @transform_0, window_bounds = array<i64: 400, 128>}, {transform_indices = @transform_1, window_bounds = array<i64: 400, 128>}, {transform_indices = @transform_2, window_bounds = array<i64: 400, 128>}, {transform_indices = @transform_3, window_bounds = array<i64: 400, 128>}, {transform_indices = @transform_4, window_bounds = array<i64: 1, 1, 400>}, {pipeline_mode = #tpu.pipeline_mode<synchronous>, transform_indices = @transform_5, window_bounds = array<i64: 128, 64>}, {pipeline_mode = #tpu.pipeline_mode<synchronous>, transform_indices = @transform_6, window_bounds = array<i64: 1, 64>}, {pipeline_mode = #tpu.pipeline_mode<synchronous>, transform_indices = @transform_7, window_bounds = array<i64: 64, 1>}, {pipeline_mode = #tpu.pipeline_mode<synchronous>, transform_indices = @transform_8, window_bounds = array<i64: 1, 1>}, {pipeline_mode = #tpu.pipeline_mode<synchronous>, transform_indices = @transform_9, window_bounds = array<i64: 64, 1>}]} {
    %get3A = arith.constant 0 : index
    %get3A_0 = arith.constant 0 : index
    %get3A_1 = vector.load %arg1[%get3A, %get3A_0] : memref<400x128xf32, #tpu.memory_space<vmem>>, vector<400x128xf32>
    %get3A_2 = arith.constant 0 : index
    %get3A_3 = arith.constant 0 : index
    %get3A_4 = vector.load %arg2[%get3A_2, %get3A_3] : memref<400x128xf32, #tpu.memory_space<vmem>>, vector<400x128xf32>
    %get3A_5 = arith.constant 0 : index
    %get3A_6 = arith.constant 0 : index
    %get3A_7 = vector.load %arg3[%get3A_5, %get3A_6] : memref<400x128xf32, #tpu.memory_space<vmem>>, vector<400x128xf32>
    %add3A = arith.addf %get3A_4, %get3A_7 : vector<400x128xf32>
    %get3A_8 = arith.constant 0 : index
    %get3A_9 = arith.constant 0 : index
    %get3A_10 = vector.load %arg4[%get3A_8, %get3A_9] : memref<400x128xf32, #tpu.memory_space<vmem>>, vector<400x128xf32>
    %add3A_11 = arith.addf %add3A, %get3A_10 : vector<400x128xf32>
    %max3A = arith.constant 0.000000e+00 : f32
    %max3A_12 = vector.broadcast %max3A : f32 to vector<400x128xf32>
    %max3A_13 = arith.maximumf %add3A_11, %max3A_12 : vector<400x128xf32>
    %add3A_14 = arith.addf %get3A_1, %max3A_13 : vector<400x128xf32>
    %iota3A = tpu.iota {dimensions = array<i32: 0>} : vector<64x400xi32>
    %get3A_15 = arith.constant 0 : index
    %get3A_16 = arith.constant 0 : index
    %get3A_17 = arith.constant 0 : index
    %get3A_18 = vector.load %arg5[%get3A_15, %get3A_16, %get3A_17] : memref<1x1x400xi32, #tpu.memory_space<vmem>>, vector<1x1x400xi32>
    %get3A_19 = vector.shape_cast %get3A_18 : vector<1x1x400xi32> to vector<1x400xi32>
    %eq3A = vector.broadcast %get3A_19 : vector<1x400xi32> to vector<64x400xi32>
    %eq3A_20 = arith.cmpi eq, %eq3A, %iota3A : vector<64x400xi32>
    %convert_element_type3A = arith.extui %eq3A_20 : vector<64x400xi1> to vector<64x400xi32>
    %convert_element_type3A_21 = arith.sitofp %convert_element_type3A : vector<64x400xi32> to vector<64x400xf32>
    %dot_general3A = arith.constant dense<0.000000e+00> : vector<64x128xf32>
    %dot_general3A_22 = tpu.matmul %convert_element_type3A_21, %add3A_14, %dot_general3A {dimension_numbers = #tpu.dot_dimension_numbers<[1], [0], [0], [1], [0, 0, 1, 1], [], []>, transpose_lhs_hint = false} : vector<64x400xf32>, vector<400x128xf32>, vector<64x128xf32> -> vector<64x128xf32>
    %eq3A_23 = arith.constant 0 : i32
    %eq3A_24 = arith.cmpi eq, %arg0, %eq3A_23 : i32
    %convert_element_type3A_25 = arith.extui %eq3A_24 : i1 to i32
    %cond3A = arith.constant 0 : i32
    %cond3A_26 = arith.cmpi ne, %convert_element_type3A_25, %cond3A : i32
    scf.if %cond3A_26 {
      %swap3A = arith.constant 0 : index
      %swap3A_36 = arith.constant 0 : index
      %swap3A_37 = vector.load %arg11[%swap3A, %swap3A_36] : memref<64x128xf32, #tpu.memory_space<vmem>>, vector<64x128xf32>
      tpu.vector_store %arg11[%swap3A, %swap3A_36], %dot_general3A_22 {strides = array<i32>} : memref<64x128xf32, #tpu.memory_space<vmem>>, vector<64x128xf32>,
    } else {
    }
    %gt3A = arith.constant 0 : i32
    %gt3A_27 = arith.cmpi sgt, %arg0, %gt3A : i32
    %convert_element_type3A_28 = arith.extui %gt3A_27 : i1 to i32
    %cond3A_29 = arith.constant 0 : i32
    %cond3A_30 = arith.cmpi ne, %convert_element_type3A_28, %cond3A_29 : i32
    scf.if %cond3A_30 {
      %get3A_36 = arith.constant 0 : index
      %get3A_37 = arith.constant 0 : index
      %get3A_38 = vector.load %arg11[%get3A_36, %get3A_37] : memref<64x128xf32, #tpu.memory_space<vmem>>, vector<64x128xf32>
      %add3A_39 = arith.addf %get3A_38, %dot_general3A_22 : vector<64x128xf32>
      %swap3A = arith.constant 0 : index
      %swap3A_40 = arith.constant 0 : index
      %swap3A_41 = vector.load %arg11[%swap3A, %swap3A_40] : memref<64x128xf32, #tpu.memory_space<vmem>>, vector<64x128xf32>
      tpu.vector_store %arg11[%swap3A, %swap3A_40], %add3A_39 {strides = array<i32>} : memref<64x128xf32, #tpu.memory_space<vmem>>, vector<64x128xf32>,
    } else {
    }
    %eq3A_31 = arith.constant 24 : i32
    %eq3A_32 = arith.cmpi eq, %arg0, %eq3A_31 : i32
    %convert_element_type3A_33 = arith.extui %eq3A_32 : i1 to i32
    %cond3A_34 = arith.constant 0 : i32
    %cond3A_35 = arith.cmpi ne, %convert_element_type3A_33, %cond3A_34 : i32
    scf.if %cond3A_35 {
      %get3A_36 = arith.constant 0 : index
      %get3A_37 = arith.constant 0 : index
      %get3A_38 = vector.load %arg11[%get3A_36, %get3A_37] : memref<64x128xf32, #tpu.memory_space<vmem>>, vector<64x128xf32>
      %get3A_39 = arith.constant 0 : index
      %get3A_40 = arith.constant 0 : index
      %get3A_41 = vector.load %arg6[%get3A_39, %get3A_40] : memref<128x64xf32, #tpu.memory_space<vmem>>, vector<128x64xf32>
      %dot_general3A_42 = arith.constant dense<0.000000e+00> : vector<64x64xf32>
      %dot_general3A_43 = tpu.matmul %get3A_38, %get3A_41, %dot_general3A_42 {dimension_numbers = #tpu.dot_dimension_numbers<[1], [0], [0], [1], [0, 0, 1, 1], [], []>, transpose_lhs_hint = false} : vector<64x128xf32>, vector<128x64xf32>, vector<64x64xf32> -> vector<64x64xf32>
      %get3A_44 = arith.constant 0 : index
      %get3A_45 = arith.constant 0 : index
      %get3A_46 = vector.load %arg7[%get3A_44, %get3A_45] : memref<1x64xf32, #tpu.memory_space<vmem>>, vector<1x64xf32>
      %add3A_47 = vector.broadcast %get3A_46 : vector<1x64xf32> to vector<64x64xf32>
      %add3A_48 = arith.addf %dot_general3A_43, %add3A_47 : vector<64x64xf32>
      %max3A_49 = arith.constant 0.000000e+00 : f32
      %max3A_50 = vector.broadcast %max3A_49 : f32 to vector<64x64xf32>
      %max3A_51 = arith.maximumf %add3A_48, %max3A_50 : vector<64x64xf32>
      %get3A_52 = arith.constant 0 : index
      %get3A_53 = arith.constant 0 : index
      %get3A_54 = vector.load %arg8[%get3A_52, %get3A_53] : memref<64x1xf32, #tpu.memory_space<vmem>>, vector<64x1xf32>
      %dot_general3A_55 = arith.constant dense<0.000000e+00> : vector<64x1xf32>
      %dot_general3A_56 = tpu.matmul %max3A_51, %get3A_54, %dot_general3A_55 {dimension_numbers = #tpu.dot_dimension_numbers<[1], [0], [0], [1], [0, 0, 1, 1], [], []>, transpose_lhs_hint = false} : vector<64x64xf32>, vector<64x1xf32>, vector<64x1xf32> -> vector<64x1xf32>
      %get3A_57 = arith.constant 0 : index
      %get3A_58 = arith.constant 0 : index
      %get3A_59 = vector.load %arg9[%get3A_57, %get3A_58] : memref<1x1xf32, #tpu.memory_space<vmem>>, vector<1x1xf32>
      %add3A_60 = vector.broadcast %get3A_59 : vector<1x1xf32> to vector<64x1xf32>
      %add3A_61 = arith.addf %dot_general3A_56, %add3A_60 : vector<64x1xf32>
      %swap3A = arith.constant 0 : index
      %swap3A_62 = arith.constant 0 : index
      %swap3A_63 = vector.load %arg10[%swap3A, %swap3A_62] : memref<64x1xf32, #tpu.memory_space<vmem>>, vector<64x1xf32>
      tpu.vector_store %arg10[%swap3A, %swap3A_62], %add3A_61 {strides = array<i32>} : memref<64x1xf32, #tpu.memory_space<vmem>>, vector<64x1xf32>,
    } else {
    }
    return
  }
  func.func @transform_0(%arg0: i32) -> (i32, i32) {
    %c0_i32 = arith.constant 0 : i32
    %c0_i32_0 = arith.constant 0 : i32
    return %arg0, %c0_i32 : i32, i32
  }
  func.func @transform_1(%arg0: i32) -> (i32, i32) {
    %c0_i32 = arith.constant 0 : i32
    %c0_i32_0 = arith.constant 0 : i32
    return %arg0, %c0_i32 : i32, i32
  }
  func.func @transform_2(%arg0: i32) -> (i32, i32) {
    %c0_i32 = arith.constant 0 : i32
    %c0_i32_0 = arith.constant 0 : i32
    return %arg0, %c0_i32 : i32, i32
  }
  func.func @transform_3(%arg0: i32) -> (i32, i32) {
    %add3A = arith.constant 25 : i32
    %add3A_0 = arith.addi %arg0, %add3A : i32
    %c0_i32 = arith.constant 0 : i32
    %c0_i32_1 = arith.constant 0 : i32
    return %add3A_0, %c0_i32 : i32, i32
  }
  func.func @transform_4(%arg0: i32) -> (i32, i32, i32) {
    %c0_i32 = arith.constant 0 : i32
    %c0_i32_0 = arith.constant 0 : i32
    %c0_i32_1 = arith.constant 0 : i32
    return %arg0, %c0_i32, %c0_i32_0 : i32, i32, i32
  }
  func.func @transform_5(%arg0: i32) -> (i32, i32) {
    %c0_i32 = arith.constant 0 : i32
    %c0_i32_0 = arith.constant 0 : i32
    %c0_i32_1 = arith.constant 0 : i32
    return %c0_i32, %c0_i32_0 : i32, i32
  }
  func.func @transform_6(%arg0: i32) -> (i32, i32) {
    %c0_i32 = arith.constant 0 : i32
    %c0_i32_0 = arith.constant 0 : i32
    %c0_i32_1 = arith.constant 0 : i32
    return %c0_i32, %c0_i32_0 : i32, i32
  }
  func.func @transform_7(%arg0: i32) -> (i32, i32) {
    %c0_i32 = arith.constant 0 : i32
    %c0_i32_0 = arith.constant 0 : i32
    %c0_i32_1 = arith.constant 0 : i32
    return %c0_i32, %c0_i32_0 : i32, i32
  }
  func.func @transform_8(%arg0: i32) -> (i32, i32) {
    %c0_i32 = arith.constant 0 : i32
    %c0_i32_0 = arith.constant 0 : i32
    %c0_i32_1 = arith.constant 0 : i32
    return %c0_i32, %c0_i32_0 : i32, i32
  }
  func.func @transform_9(%arg0: i32) -> (i32, i32) {
    %c0_i32 = arith.constant 0 : i32
    %c0_i32_0 = arith.constant 0 : i32
    %c0_i32_1 = arith.constant 0 : i32
    return %c0_i32, %c0_i32_0 : i32, i32
  }
}

</mosaic_0001>

<sc_bundles>
// kernel: kernel.11.cloned.1.call-start
scs
__scs_entry_jumppad:
0x0: {  	(pc) =	sbr.rel $0x88, $3  }
0x1: {  	(tag) =	ssettag $0x0;
	lr =	simm.s32 $0x1  }
0x2: {  	[smem:$0x3F92] =	sst lr;
	_ =	strace $0xD0000000  }
0x3: {  	_ = 	snop  }
0x4: {  	_ = 	snop  }
0x5: {  	_ = 	snop  }
0x6: {  	_ = 	snop  }
0x7: {  	_ = 	snop  }
__scs_overlays_trampoline_lowered:
0x8: {  	[smem:$0x3FA1] =	sst s0  }
0x9: {  	[smem:$0x3FA2] =	sst s1  }
0xa: {  	[smem:$0x3FA3] =	sst s2  }
0xb: {  	[smem:$0x3FA4] =	sst s3  }
0xc: {  	[smem:$0x3FA5] =	sst s4  }
0xd: {  	[smem:$0x3FA6] =	sst s5  }
0xe: {  	[smem:$0x3FA7] =	sst s6  }
0xf: {  	[smem:$0x3FA8] =	sst s7  }
0x10: {  	[smem:$0x3FA9] =	sst s8  }
0x11: {  	[smem:$0x3FAA] =	sst s9;
	s0 =	simm.s32 @!p0 $0x0  }
0x12: {  	s1 =	sld [smem:$0x3F90];
	s0 =	simm.s32 @p0 $0x1  }
0x13: {  	[smem:$0x3FAB] =	sst s0;
	s0 =	simm.s32 @!p1 $0x0  }
0x14: {  	s2 =	sld [smem:$0x3F8F];
	s0 =	simm.s32 @p1 $0x1  }
0x15: {  	[smem:$0x3FAC] =	sst s0;
	s0 =	simm.s32 @!p2 $0x0  }
0x16: {  	s3 =	sld [smem:$0x3FDB];
	s0 =	simm.s32 @p2 $0x1  }
0x17: {  	s4 =	simm.s32 $0x1BF5;
	[smem:$0x3FAE] =	sst s0  }
0x18: {  	s0 =	sld [smem:$0x3F91];
	_ =	swait.ge [sflag:s4], $0x0  }
0x19: {  	s7 =	sld [smem:$0x3F92]  }
0x1a: {  	s8 =	sadd.s32 $0xFFFFE003, lr  }
0x1b: {  	s9 =	sadd.s32 $0xFFFFFEF7, lr;
	s5 =	simm.s32 $0xFFFFFFFF;
	p2 =	slt.u32 s8, $0xFFFFF086  }
0x1c: {  	p1 =	slt.u32 s9, $0xF7A;
	s5 =	simm.s32 @!p2 $0x0  }
0x1d: {  	s5 =	simm.s32 @p1 $0x1;
	p0 =	seq.s32 s7, s2  }
0x1e: {  	s7 =	smul.u32 @!p0 $0xF7A, s2;
	p2 =	seq.s32 @!p0 s5, $0x0  }
0x1f: {  	s9 =	smul.u32 $0xF7A, s1;
	s8 =	simm.s32 @!p0 $0x1BF5;
	p2 =	por !p2, p0  }
0x20: {  	[sflag:s8] =	ssyncset.s32 @!p0 $0xFFFFF086;
	s6 =	sadd.s32 @!p0 s3, s7;
	s7 =	simm.s32 @!p0 $0x108  }
0x21: {  	s3 =	sadd.s32 s3, s9;
	s6 =	sadd.s32 @!p0 $0x88, s6;
	s7 =	simm.s32 @p2 $0x1082  }
0x22: {  	[simem:s7], [sflag:s8] =	dma.local @!p0 [hbm:s6], $0xF7A  }
0x23: {  	s9 =	sor.u32 $0xD0000000, s2;
	s6 =	simm.s32 $0x108;
	_ =	swait.ge @!p0 [sflag:s8], $0x0  }
0x24: {  	s3 =	sadd.s32 $0x88, s3;
	s6 =	simm.s32 @!p1 $0x1082;
	[sflag:s4] =	ssyncset.s32 $0xFFFFF086  }
0x25: {  	[simem:s6], [sflag:s4] =	dma.local [hbm:s3], $0xF7A  }
0x26: {  	[smem:$0x3F92] =	sst s1;
	(tag) =	ssettag s2;
	_ =	strace s9  }
0x27: {  	s1 =	sld [smem:$0x3FA2]  }
0x28: {  	s2 =	sld [smem:$0x3FA3]  }
0x29: {  	s4 =	sld [smem:$0x3FA5]  }
0x2a: {  	p0 =	seq.s32 s5, $0x0;
	s5 =	sld [smem:$0x3FA6]  }
0x2b: {  	s6 =	sld [smem:$0x3FA7]  }
0x2c: {  	s7 =	sld [smem:$0x3FA8]  }
0x2d: {  	s3 =	simm.s32 $0x108;
	s8 =	sld [smem:$0x3FA9]  }
0x2e: {  	s3 =	simm.s32 @!p0 $0x1082;
	s9 =	sld [smem:$0x3FAA]  }
0x2f: {  	lr =	sadd.s32 s0, s3;
	s0 =	sld [smem:$0x3FA1]  }
0x30: {  	s3 =	sld [smem:$0x3FA4]  }
0x31: {  	[smem:$0x3FAD] =	sst s10  }
0x32: {  	s10 =	sld [smem:$0x3FAB];
	_ =	sdelay $0x3  }
0x33: {  	p0 =	seq.s32 s10, $0x1;
	s10 =	sld [smem:$0x3FAD];
	_ =	sdelay $0x3  }
0x34: {  	[smem:$0x3FAD] =	sst s10  }
0x35: {  	s10 =	sld [smem:$0x3FAC];
	_ =	sdelay $0x3  }
0x36: {  	p1 =	seq.s32 s10, $0x1;
	s10 =	sld [smem:$0x3FAD];
	_ =	sdelay $0x3  }
0x37: {  	[smem:$0x3FAD] =	sst s10  }
0x38: {  	s10 =	sld [smem:$0x3FAE]  }
0x39: {  	_ = 	snop;
	(pc) =	sbr.ind lr, $3  }
0x3a: {  	_ = 	snop  }
0x3b: {  	_ = 	snop  }
0x3c: {  	p2 =	seq.s32 s10, $0x1;
	s10 =	sld [smem:$0x3FAD]  }
0x3d: {  	_ =	shalt  }
0x3e: {  	_ =	shalt  }
0x3f: {  	_ =	shalt  }
0x40: {  	_ =	shalt  }
0x41: {  	_ =	shalt  }
0x42: {  	_ =	shalt  }
0x43: {  	_ =	shalt  }
0x44: {  	_ =	shalt  }
0x45: {  	_ =	shalt  }
0x46: {  	_ =	shalt  }
0x47: {  	_ =	shalt  }
0x48: {  	_ =	shalt  }
0x49: {  	_ =	shalt  }
0x4a: {  	_ =	shalt  }
0x4b: {  	_ =	shalt  }
0x4c: {  	_ =	shalt  }
0x4d: {  	_ =	shalt  }
0x4e: {  	_ =	shalt  }
0x4f: {  	_ =	shalt  }
0x50: {  	_ =	shalt  }
0x51: {  	_ =	shalt  }
0x52: {  	_ =	shalt  }
0x53: {  	_ =	shalt  }
0x54: {  	_ =	shalt  }
0x55: {  	_ =	shalt  }
0x56: {  	_ =	shalt  }
0x57: {  	_ =	shalt  }
0x58: {  	_ =	shalt  }
0x59: {  	_ =	shalt  }
0x5a: {  	_ =	shalt  }
0x5b: {  	_ =	shalt  }
0x5c: {  	_ =	shalt  }
0x5d: {  	_ =	shalt  }
0x5e: {  	_ =	shalt  }
0x5f: {  	_ =	shalt  }
0x60: {  	_ =	shalt  }
0x61: {  	_ =	shalt  }
0x62: {  	_ =	shalt  }
0x63: {  	_ =	shalt  }
0x64: {  	_ =	shalt  }
0x65: {  	_ =	shalt  }
0x66: {  	_ =	shalt  }
0x67: {  	_ =	shalt  }
0x68: {  	_ =	shalt  }
0x69: {  	_ =	shalt  }
0x6a: {  	_ =	shalt  }
0x6b: {  	_ =	shalt  }
0x6c: {  	_ =	shalt  }
0x6d: {  	_ =	shalt  }
0x6e: {  	_ =	shalt  }
0x6f: {  	_ =	shalt  }
0x70: {  	_ =	shalt  }
0x71: {  	_ =	shalt  }
0x72: {  	_ =	shalt  }
0x73: {  	_ =	shalt  }
0x74: {  	_ =	shalt  }
0x75: {  	_ =	shalt  }
0x76: {  	_ =	shalt  }
0x77: {  	_ =	shalt  }
0x78: {  	_ =	shalt  }
0x79: {  	_ =	shalt  }
0x7a: {  	_ =	shalt  }
0x7b: {  	_ =	shalt  }
0x7c: {  	_ =	shalt  }
0x7d: {  	_ =	shalt  }
0x7e: {  	_ =	shalt  }
0x7f: {  	_ =	shalt  }
0x80: {  	_ =	shalt  }
0x81: {  	_ =	shalt  }
0x82: {  	_ =	shalt  }
0x83: {  	_ =	shalt  }
0x84: {  	_ =	shalt  }
0x85: {  	_ =	shalt  }
0x86: {  	_ =	shalt  }
0x87: {  	_ =	shalt  }
.Lfunc_end0:
.L_simem_size_0:
called_computation_lowered:
.L_overlay_start_0:
0x88: {  	s2 =	sld [smem:$0x3FD9]  }
0x89: {  	s3 =	sld [smem:$0x3FFE];
	_ =	sdelay $0x1  }
0x8a: {  	s1 =	srdreg.scid  }
0x8b: {  	s0 =	sand.u32 $0x1, s1  }
0x8c: {  	s16 =	sshll.u32 s0, $0xA;
	s2 =	sadd.s32 s3, s2  }
0x8d: {  	s2 =	sadd.s32 s2, s16  }
0x8e: {  	[smem:$0x3FB9] =	sst s2  }
0x8f: {  	_ = 	snop  }
0x90: {  	(tm) =	ssettm $0x1  }
0x91: {  	s17 =	sld [smem:$0x3FFB];
	_ =	sdelay $0x3  }
0x92: {  	_ =	strace s17  }
0x93: {  	s2 =	sld [smem:$0x3FFC];
	_ =	sdelay $0x3  }
0x94: {  	_ =	strace s2  }
0x95: {  	s2 =	sld [smem:$0x3FFD];
	_ =	sdelay $0x3  }
0x96: {  	_ =	strace s2  }
0x97: {  	_ =	strace $0x8FFFFFFF  }
0x98: {  	s18 =	sld [smem:$0x3FDB];
	_ =	sdelay $0x1  }
0x99: {  	s19 =	simm.s32 $_scs_section_size  }
0x9a: {  	s4 =	simm.s32 $_size__tile_overlayer_lowered;
	s5 =	simm.s32 $_tile_overlayer_lowered  }
0x9b: {  	s22 =	simm.s32 $0x1BFF;
	s21 =	sshll.u32 s5, $0x1;
	s2 =	sadd.s32 s19, s18  }
0x9c: {  	s6 =	simm.s32 $0x0;
	s20 =	sshll.u32 s4, $0x1;
	s4 =	sadd.s32 s21, s2  }
0x9d: {  	[timem:s6], [sflag:s22] =	dma.local [hbm:s4], s20  }
0x9e: {  	_ =	swait.ge [sflag:s22], s20  }
0x9f: {  	s3 =	ssub.s32 $0x0, s20;
	[sflag:s22] =	ssyncset.done $0x0  }
0xa0: {  	[sflag:s22] =	ssyncadd.s32 s3;
	_ =	sdelay $0x1  }
0xa1: {  	s23 =	simm.s32 $0x1B8B  }
0xa2: {  	_ =	swait.ge [sflag:s23], $0x1  }
0xa3: {  	[sflag:s23] =	ssyncset.done $0x0  }
0xa4: {  	s25 =	simm.s32 $0x1B8E;
	s24 =	sld [smem:$0x3FFE];
	[sflag:s23] =	ssyncadd.s32 $0xFFFFFFFF  }
0xa5: {  	s26 =	simm.s32 $execute0_lowered;
	[smem:$0x3FD2] =	sst s25  }
0xa6: {  	s4 =	sshll.u32 s26, $0x1;
	_ =	strace $0x80000046;
	[dreg:$0x1] =	wrdreg $0xFFFFFFFF  }
0xa7: {  	s28 =	simm.s32 $_size_execute0_lowered;
	s2 =	sadd.s32 s2, s4;
	[dreg:$0x0] =	wrdreg $0x0  }
0xa8: {  	s4 =	sshll.u32 s28, $0x1;
	[dreg:$0x2] =	wrdreg s2  }
0xa9: {  	[dreg:$0x3] =	wrdreg s4  }
0xaa: {  	[dreg:$0x4] =	wrdreg $0xC0  }
0xab: {  	_ =	task [dreg:s6], $0x5FFFF  }
0xac: {  	[dreg:$0x1] =	wrdreg $0xFFFFFFFF  }
0xad: {  	[dreg:$0x0] =	wrdreg $0x60  }
0xae: {  	[dreg:$0x2] =	wrdreg s24  }
0xaf: {  	[dreg:$0x3] =	wrdreg $0xAD000  }
0xb0: {  	[dreg:$0x4] =	wrdreg $0x9  }
0xb1: {  	_ =	task.clear_ibuf [dreg:s6], $0x5FFFF;
	_ =	strace $0x90000046  }
0xb2: {  	s29 =	simm.s32 $0x9;
	_ =	strace $0x80000048  }
0xb3: {  	_ =	swait.ge [sflag:s29], $0x1  }
0xb4: {  	[sflag:s29] =	ssyncadd.s32 $0xFFFFFFFF  }
0xb5: {  	_ =	strace $0x90000048  }
0xb6: {  	_ =	sfence  }
0xb7: {  	s30 =	sld [smem:$0x0];
	_ =	sdelay $0x2  }
0xb8: {  	s31 =	sshll.u32 s1, $0xD;
	s1 =	sshrl.u32 s1, $0x2  }
0xb9: {  	s3 =	sand.u32 $0x4000, s31;
	s1 =	sadd.s32 s1, s30  }
0xba: {  	s0 =	sor.u32 s3, s0;
	s1 =	sshll.u32 s1, $0x11  }
0xbb: {  	s0 =	sor.u32 s1, s0  }
0xbc: {  	s0 =	sadd.s32 $0x8F2B, s0  }
0xbd: {  	[sflag:s0] =	ssyncadd.remote.s32 $0x1  }
0xbe: {  	_ =	sfence.sel $0xFFFF  }
0xbf: {  	[dreg:$0x0] =	wrdreg $0xFFFFFFFF;
	(pc) =	sbr.abs _section_cstart, $3  }
0xc0: {  	[dreg:$0x1] =	wrdreg $0xFFFFFFFF  }
0xc1: {  	_ =	task.clear_ibuf [dreg:s6], $0x2FFFF;
	_ =	strace $0x9FFFFFFF  }
0xc2: {  	(tm) =	ssettm $0x7FFFFFFF  }
0xc3: {  	_ =	shalt  }
tec
execute0_lowered:
.L_overlay_start_1:
0x0: {  	(tag) =	ssettag $0x1  }
0x1: {  	s0 =	rddreg [dreg:$0x0]  }
0x2: {  	s1 =	rddreg [dreg:$0x1];
	s2 =	simm.s32 $0x0  }
0x3: {  	s5 =	srdreg.scid;
	s20 =	stileid.u32;
	s21 =	simm.s32 $0x2  }
0x4: {  	s22 =	simm.s32 $0x80;
	s23 =	simm.s32 $0x50;
	s24 =	simm.s32 $0x100  }
0x5: {  	s28 =	simm.s32 $0x1;
	s29 =	simm.s32 $0x0;
	s30 =	simm.s32 $0x0  }
0x6: {  	[smem:$0x7FF] =	sst s2;
	s3 =	sadd.s32 $0x3F400, s0;
	s4 =	sadd.s32 $0x66600, s0  }
0x7: {  	s6 =	sand.u32 $0x1, s5;
	s5 =	sadd.s32 $0x8D800, s0;
	s7 =	sadd.s32 $0xE400, s0  }
0x8: {  	s11 =	smul.u32 $0x4E000, s20;
	s8 =	sadd.s32 $0x4600, s0;
	s0 =	sadd.s32 $0xDBC00, s0  }
0x9: {  	s25 =	sshll.u32 s20, $0x1;
	s16 =	smul.u32 $0x2700, s20;
	s15 =	sadd.s32 $0x138000, s1  }
0xa: {  	p0 =	sne.s32 s20, $0x0;
	s20 =	simm.s32 $0x7900;
	_ =	strace $0x80000047  }
0xb: {  	s9 =	ssub.s32 $0x2, s6;
	s17 =	sor.u32 s6, s25;
	s26 =	smul.u32 $0x27100, s6  }
0xc: {  	s6 =	smul.u32 $0x138800, s6;
	s10 =	sshrl.u32 s9, $0x1;
	s11 =	sshrl.u32 s11, $0x2  }
0xd: {  	s25 =	simm.s32 $0x2900;
	s10 =	ssub.s32 s9, s10;
	s9 =	sadd.s32 s11, s1  }
0xe: {  	s11 =	sadd.s32 s16, s26;
	s6 =	sshrl.u32 s6, $0x3;
	s16 =	smul.u32 $0x2710, s17  }
0xf: {  	s26 =	simm.s32 $0x5100;
	s12 =	sadd.s32 $0x3400, s9;
	s31 =	sadd.s32 $0x6800, s9  }
0x10: {  	s13 =	sadd.s32 $0xD000, s9;
	s14 =	sadd.s32 $0x10400, s9;
	s17 =	sadd.s32 s0, s11  }
0x11: {  	s0 =	sadd.s32 s0, s6;
	s19 =	smax.u32 s10, $0x1;
	[dreg:$0x3] =	wrdreg s12  }
0x12: {  	v0 =	vimm.f32 $0.0e+00;
	[dreg:$0x4] =	wrdreg s31;
	s12 =	sadd.s32 $0x9C00, s9;
	s18 =	sadd.s32 $0x27000, s0  }
.LBB2_1:
0x13: {  	s0 =	simm.s32 $0x0;
	s6 =	simm.s32 $0x200  }
.LBB2_2:
0x14: {  	p1 =	sne.s32 s6, $0xCE00;
	[tilespmem:s0+$0x7970] =	vst v0  }
0x15: {  	[tilespmem:s0+$0x7900] =	vst v0  }
0x16: {  	[tilespmem:s0+$0x7910] =	vst v0  }
.Ltmp0:
0x17: {  	[tilespmem:s0+$0x7920] =	vst v0;
	(pc) =	sbr.rel @p1 .LBB2_2-.Ltmp0, $4  }
0x18: {  	[tilespmem:s0+$0x7930] =	vst v0  }
0x19: {  	[tilespmem:s0+$0x7940] =	vst v0  }
0x1a: {  	[tilespmem:s0+$0x7950] =	vst v0  }
0x1b: {  	[tilespmem:s0+$0x7960] =	vst v0;
	s0 =	sshra.s32 s6, $0x2;
	s6 =	sadd.s32 $0x200, s6  }
0x1c: {  	[tilespmem:s0+$0x7970] =	vst v0  }
0x1d: {  	[tilespmem:s0+$0x7900] =	vst v0  }
0x1e: {  	[tilespmem:s0+$0x7910] =	vst v0  }
0x1f: {  	[tilespmem:s0+$0x7920] =	vst v0  }
0x20: {  	[tilespmem:s0+$0x7930] =	vst v0  }
0x21: {  	[tilespmem:s0+$0x7940] =	vst v0  }
0x22: {  	[tilespmem:s0+$0x7950] =	vst v0  }
0x23: {  	[tilespmem:s0+$0x7960] =	vst v0  }
0x24: {  	[spmem:s9] =	stream.linear.scatter [tilespmem:s20], [sflag:$0x2], $0x3400, $0x38;
	[tilespmem:$0x1E580] =	vst v63  }
0x25: {  	_ =	swait.ge [sflag:s21], $0x3400  }
0x26: {  	[sflag:s21] =	ssyncset.done $0x0  }
0x27: {  	s10 =	rddreg [dreg:$0x3];
	[sflag:s21] =	ssyncadd.s32 $0xFFFFCC00  }
0x28: {  	[spmem:s10] =	stream.linear.scatter [tilespmem:s20], [sflag:$0x2], $0x3400, $0x38;
	[tilespmem:$0x1E580] =	vst v63  }
0x29: {  	_ =	swait.ge [sflag:s21], $0x3400  }
0x2a: {  	[sflag:s21] =	ssyncset.done $0x0  }
0x2b: {  	s11 =	rddreg [dreg:$0x4];
	[sflag:s21] =	ssyncadd.s32 $0xFFFFCC00  }
0x2c: {  	[spmem:s11] =	stream.linear.scatter [tilespmem:s20], [sflag:$0x2], $0x3400, $0x38;
	[tilespmem:$0x1E580] =	vst v63  }
0x2d: {  	_ =	swait.ge [sflag:s21], $0x3400  }
0x2e: {  	[sflag:s21] =	ssyncset.done $0x0  }
0x2f: {  	[sflag:s21] =	ssyncadd.s32 $0xFFFFCC00  }
0x30: {  	[spmem:s12] =	stream.linear.scatter [tilespmem:s20], [sflag:$0x2], $0x3400, $0x38;
	[tilespmem:$0x1E580] =	vst v63  }
0x31: {  	_ =	swait.ge [sflag:s21], $0x3400  }
0x32: {  	[sflag:s21] =	ssyncset.done $0x0  }
0x33: {  	[sflag:s21] =	ssyncadd.s32 $0xFFFFCC00  }
0x34: {  	[spmem:s13] =	stream.linear.scatter [tilespmem:s20], [sflag:$0x2], $0x3400, $0x38;
	[tilespmem:$0x1E580] =	vst v63  }
0x35: {  	_ =	swait.ge [sflag:s21], $0x3400  }
0x36: {  	[sflag:s21] =	ssyncset.done $0x0  }
0x37: {  	[sflag:s21] =	ssyncadd.s32 $0xFFFFCC00  }
0x38: {  	[spmem:s14] =	stream.linear.scatter [tilespmem:s20], [sflag:$0x2], $0x3400, $0x38;
	[tilespmem:$0x1E580] =	vst v63  }
0x39: {  	_ =	swait.ge [sflag:s21], $0x3400  }
0x3a: {  	[sflag:s21] =	ssyncset.done $0x0  }
0x3b: {  	s0 =	simm.s32 @!p0 $0x7900;
	[sflag:s21] =	ssyncadd.s32 $0xFFFFCC00  }
0x3c: {  	[spmem:s15] =	stream.linear.scatter @!p0 [tilespmem:s0], [sflag:$0x2], $0x800, $0x38;
	[tilespmem:$0x1E580] =	vst v63  }
0x3d: {  	s0 =	simm.s32 @!p0 $0x2  }
0x3e: {  	_ =	swait.ge @!p0 [sflag:s0], $0x800  }
0x3f: {  	[sflag:s0] =	ssyncset.done @!p0 $0x0  }
0x40: {  	[sflag:s0] =	ssyncadd.s32 @!p0 $0xFFFFF800  }
0x41: {  	s31 =	simm.s32 $0x0;
	[bflag:$0x0] =	sbarrier.arrive $0xFFFF  }
.LBB2_4:
0x42: {  	s0 =	smul.u32 $0x50, s31;
	_ =	sdelay $0x1  }
0x43: {  	s0 =	sadd.s32 s16, s0  }
0x44: {  	s0 =	sshrl.u32 s0, $0x3  }
0x45: {  	s6 =	sadd.s32 s7, s0  }
0x46: {  	[tilespmem:s22], [sflag:$0x2] =	stream.linear.gather [hbm4b:s6+s30], $0x50, $0x38;
	[tilespmem:$0x1E580] =	vst v63  }
0x47: {  	_ =	swait.ge [sflag:s21], $0x50  }
0x48: {  	[sflag:s21] =	ssyncset.done $0x0  }
0x49: {  	s0 =	sadd.s32 s8, s0;
	[sflag:s21] =	ssyncadd.s32 $0xFFFFFFB0  }
0x4a: {  	[tilespmem:s30], [sflag:$0x2] =	stream.linear.gather [hbm4b:s0+s30], $0x50, $0x38;
	[tilespmem:$0x1E580] =	vst v63  }
0x4b: {  	_ =	swait.ge [sflag:s21], $0x50  }
0x4c: {  	[sflag:s21] =	ssyncset.done $0x0  }
0x4d: {  	[sflag:s21] =	ssyncadd.s32 $0xFFFFFFB0  }
0x4e: {  	[tilespmem:s24], [sflag:$0x1] =	stream.indirect.gather [hbm4b:s3+s23], $0x80, s30, s23, $0xb8;
	[tilespmem:$0x1E580] =	vst v63  }
0x4f: {  	_ = 	snop  }
0x50: {  	[tilespmem:s25], [sflag:$0x1] =	stream.indirect.gather [hbm4b:s4+s23], $0x80, s22, s23, $0xb8;
	[tilespmem:$0x1E580] =	vst v63  }
0x51: {  	_ = 	snop  }
0x52: {  	[tilespmem:s26], [sflag:$0x1] =	stream.indirect.gather [hbm4b:s5+s23], $0x80, s22, s23, $0xb8;
	[tilespmem:$0x1E580] =	vst v63  }
0x53: {  	_ =	swait.ge [sflag:s28], $0x2800  }
0x54: {  	[sflag:s28] =	ssyncset.done $0x0  }
0x55: {  	[sflag:s28] =	ssyncadd.s32 $0xFFFFD800  }
0x56: {  	_ =	swait.ge [sflag:s28], $0x2800  }
0x57: {  	[sflag:s28] =	ssyncset.done $0x0  }
0x58: {  	[sflag:s28] =	ssyncadd.s32 $0xFFFFD800  }
0x59: {  	_ =	swait.ge [sflag:s28], $0x2800  }
0x5a: {  	[sflag:s28] =	ssyncset.done $0x0  }
0x5b: {  	s0 =	simm.s32 $0x0;
	[sflag:s28] =	ssyncadd.s32 $0xFFFFD800  }
0x5c: {  	v1 =	vld [tilespmem:s0+$0x2950]  }
0x5d: {  	v2 =	vld [tilespmem:s0+$0x150]  }
0x5e: {  	v3 =	vld [tilespmem:s0+$0x2940]  }
0x5f: {  	v4 =	vld [tilespmem:s0+$0x2930]  }
0x60: {  	v6 =	vld [tilespmem:s0+$0x2910]  }
0x61: {  	v7 =	vld [tilespmem:s0+$0x130]  }
0x62: {  	v8 =	vld [tilespmem:s0+$0x110];
	v1 =	vadd.f32 v1, v2  }
0x63: {  	v2 =	vld [tilespmem:s0+$0x140]  }
0x64: {  	v9 =	vld [tilespmem:s0+$0x2970];
	v1 =	vsub.f32 $0.0e+00, v1  }
0x65: {  	v10 =	vld [tilespmem:s0+$0x170]  }
0x66: {  	v5 =	vld [tilespmem:s0+$0x2900];
	v1 =	vmul.f32 $1.442695020e+00, v1  }
0x67: {  	v11 =	vld [tilespmem:s0+$0x100]  }
0x68: {  	(erf) = vpow2.f32 v1;
	v1 =	vadd.f32 v3, v2  }
0x69: {  	v2 =	vadd.f32 v4, v7;
	v4 =	vadd.f32 v6, v8  }
0x6a: {  	v3 =	vld [tilespmem:s0+$0x2960];
	v7 =	vadd.f32 v9, v10;
	v1 =	vsub.f32 $0.0e+00, v1  }
0x6b: {  	v6 =	vld [tilespmem:s0+$0x160];
	v2 =	vsub.f32 $0.0e+00, v2;
	v4 =	vsub.f32 $0.0e+00, v4  }
0x6c: {  	v5 =	vadd.f32 v5, v11;
	v8 =	vld [tilespmem:s0+$0x2920];
	v1 =	vmul.f32 $1.442695020e+00, v1  }
0x6d: {  	v9 =	vld [tilespmem:s0+$0x120];
	v7 =	vsub.f32 $0.0e+00, v7;
	v2 =	vmul.f32 $1.442695020e+00, v2;
	v4 =	vmul.f32 $1.442695020e+00, v4  }
0x6e: {  	(erf) = vpow2.f32 v1;
	v1 =	vsub.f32 $0.0e+00, v5  }
0x6f: {  	(erf) = vpow2.f32 v2;
	v2 =	vmul.f32 $1.442695020e+00, v7  }
0x70: {  	v3 =	vadd.f32 v3, v6;
	(erf) = vpow2.f32 v4;
	v1 =	vmul.f32 $1.442695020e+00, v1  }
0x71: {  	v4 =	vpop (erf);
	(erf) = vpow2.f32 v2  }
0x72: {  	v3 =	vsub.f32 $0.0e+00, v3;
	(erf) = vpow2.f32 v1;
	v1 =	vadd.f32 v8, v9  }
0x73: {  	v4 =	vadd.f32 $1.000000000e+00, v4  }
0x74: {  	v2 =	vmul.f32 $1.442695020e+00, v3;
	v1 =	vsub.f32 $0.0e+00, v1  }
0x75: {  	(erf) = vrcp.f32 v4  }
0x76: {  	(erf) = vpow2.f32 v2;
	v1 =	vmul.f32 $1.442695020e+00, v1  }
0x77: {  	v3 =	vpop (erf)  }
0x78: {  	v4 =	vpop (erf);
	(erf) = vpow2.f32 v1  }
0x79: {  	v5 =	vld [tilespmem:s0+$0x5150]  }
0x7a: {  	v2 =	vld [tilespmem:s0+$0x5140];
	v3 =	vadd.f32 $1.000000000e+00, v3  }
0x7b: {  	v1 =	vld [tilespmem:s0+$0x5120];
	v4 =	vadd.f32 $1.000000000e+00, v4;
	v6 =	vpop (erf)  }
0x7c: {  	v6 =	vadd.f32 $1.000000000e+00, v6;
	(erf) = vrcp.f32 v3;
	v3 =	vld [tilespmem:s0+$0x5160];
	v7 =	vpop (erf)  }
0x7d: {  	(erf) = vrcp.f32 v4;
	v4 =	vld [tilespmem:s0+$0x5100];
	v10 =	vadd.f32 $1.000000000e+00, v7;
	v7 =	vpop (erf)  }
0x7e: {  	(erf) = vrcp.f32 v6;
	v6 =	vld [tilespmem:s0+$0x5110];
	v8 =	vpop (erf)  }
0x7f: {  	s10 =	simm.s32 $0x200;
	s6 =	simm.s32 $0x400;
	v7 =	vadd.f32 $1.000000000e+00, v7;
	(erf) = vrcp.f32 v10;
	v8 =	vmul.f32 v8, v5;
	v5 =	vld [tilespmem:s0+$0x5170];
	v9 =	vpop (erf)  }
.LBB2_5:
0x80: {  	p1 =	sne.s32 s6, $0x9E00  }
0x81: {  	s11 =	sshra.s32 s10, $0x2;
	v10 =	vld [tilespmem:s0+$0x5130];
	v9 =	vadd.f32 $1.000000000e+00, v9;
	(erf) = vrcp.f32 v7;
	v7 =	vpop (erf);
	s10 =	smov.u32 s6;
	s6 =	sadd.s32 $0x200, s6  }
0x82: {  	v11 =	vld [tilespmem:s11+$0x2950];
	v7 =	vadd.f32 $1.000000000e+00, v7;
	[tilespmem:s0+$0x150] =	vst v8  }
0x83: {  	v8 =	vld [tilespmem:s11+$0x150];
	(erf) = vrcp.f32 v9  }
0x84: {  	v9 =	vld [tilespmem:s11+$0x2940];
	(erf) = vrcp.f32 v7  }
0x85: {  	v7 =	vld [tilespmem:s11+$0x2920];
	v12 =	vpop (erf)  }
0x86: {  	v13 =	vld [tilespmem:s11+$0x2930];
	v2 =	vmul.f32 v12, v2;
	v12 =	vpop (erf)  }
0x87: {  	v14 =	vld [tilespmem:s11+$0x2900];
	v16 =	vmul.f32 v12, v10;
	v12 =	vpop (erf)  }
0x88: {  	v15 =	vld [tilespmem:s11+$0x2910];
	v8 =	vadd.f32 v11, v8;
	v12 =	vmul.f32 v12, v6;
	[tilespmem:s0+$0x140] =	vst v2  }
0x89: {  	v2 =	vld [tilespmem:s11+$0x140];
	[tilespmem:s0+$0x130] =	vst v16;
	v10 =	vpop (erf)  }
0x8a: {  	v11 =	vld [tilespmem:s11+$0x130];
	v8 =	vsub.f32 $0.0e+00, v8;
	[tilespmem:s0+$0x110] =	vst v12;
	v12 =	vmul.f32 v10, v5;
	v6 =	vpop (erf)  }
0x8b: {  	v10 =	vld [tilespmem:s11+$0x110];
	v16 =	vmul.f32 v6, v4  }
0x8c: {  	v6 =	vmul.f32 $1.442695020e+00, v8;
	v8 =	vld [tilespmem:s11+$0x2970];
	[tilespmem:s0+$0x170] =	vst v12;
	v5 =	vpop (erf)  }
0x8d: {  	v12 =	vld [tilespmem:s11+$0x170];
	[tilespmem:s0+$0x100] =	vst v16;
	v3 =	vmul.f32 v5, v3;
	v4 =	vpop (erf)  }
0x8e: {  	v5 =	vld [tilespmem:s11+$0x100];
	v2 =	vadd.f32 v9, v2;
	(erf) = vpow2.f32 v6;
	v1 =	vmul.f32 v4, v1  }
0x8f: {  	v4 =	vadd.f32 v13, v11;
	v6 =	vld [tilespmem:s11+$0x2960];
	[tilespmem:s0+$0x160] =	vst v3  }
0x90: {  	v3 =	vadd.f32 v15, v10;
	v2 =	vsub.f32 $0.0e+00, v2;
	v9 =	vld [tilespmem:s11+$0x160];
	[tilespmem:s0+$0x120] =	vst v1;
	s0 =	smov.u32 s11  }
0x91: {  	v1 =	vld [tilespmem:s0+$0x120];
	v4 =	vsub.f32 $0.0e+00, v4  }
0x92: {  	v3 =	vsub.f32 $0.0e+00, v3;
	v10 =	vmul.f32 $1.442695020e+00, v2;
	v2 =	vld [tilespmem:s0+$0x5140];
	v8 =	vadd.f32 v8, v12  }
0x93: {  	v5 =	vadd.f32 v14, v5;
	v4 =	vmul.f32 $1.442695020e+00, v4  }
0x94: {  	v3 =	vmul.f32 $1.442695020e+00, v3;
	v8 =	vsub.f32 $0.0e+00, v8;
	(erf) = vpow2.f32 v10  }
0x95: {  	v5 =	vsub.f32 $0.0e+00, v5;
	v9 =	vadd.f32 v6, v9;
	(erf) = vpow2.f32 v4  }
0x96: {  	v1 =	vadd.f32 v7, v1;
	v4 =	vmul.f32 $1.442695020e+00, v8;
	(erf) = vpow2.f32 v3  }
0x97: {  	v3 =	vmul.f32 $1.442695020e+00, v5;
	v5 =	vsub.f32 $0.0e+00, v9;
	v6 =	vpop (erf)  }
0x98: {  	v1 =	vsub.f32 $0.0e+00, v1;
	v6 =	vadd.f32 $1.000000000e+00, v6;
	(erf) = vpow2.f32 v4  }
0x99: {  	v4 =	vmul.f32 $1.442695020e+00, v5;
	(erf) = vpow2.f32 v3  }
0x9a: {  	v3 =	vmul.f32 $1.442695020e+00, v1;
	(erf) = vrcp.f32 v6  }
0x9b: {  	(erf) = vpow2.f32 v4  }
0x9c: {  	(erf) = vpow2.f32 v3  }
0x9d: {  	v1 =	vpop (erf)  }
0x9e: {  	v3 =	vadd.f32 $1.000000000e+00, v1;
	v5 =	vld [tilespmem:s0+$0x5150];
	v1 =	vpop (erf)  }
0x9f: {  	v4 =	vadd.f32 $1.000000000e+00, v1;
	v1 =	vpop (erf)  }
.Ltmp1:
0xa0: {  	v6 =	vadd.f32 $1.000000000e+00, v1;
	v1 =	vld [tilespmem:s0+$0x5120];
	(erf) = vrcp.f32 v3;
	(pc) =	sbr.rel @p1 .LBB2_5-.Ltmp1, $4  }
0xa1: {  	v3 =	vld [tilespmem:s0+$0x5160];
	(erf) = vrcp.f32 v4;
	v7 =	vpop (erf)  }
0xa2: {  	v4 =	vld [tilespmem:s0+$0x5100];
	v10 =	vadd.f32 $1.000000000e+00, v7;
	v7 =	vpop (erf);
	(erf) = vrcp.f32 v6  }
0xa3: {  	v7 =	vadd.f32 $1.000000000e+00, v7;
	v6 =	vld [tilespmem:s0+$0x5110];
	v8 =	vpop (erf)  }
0xa4: {  	v8 =	vmul.f32 v8, v5;
	v5 =	vld [tilespmem:s0+$0x5170];
	v9 =	vpop (erf);
	(erf) = vrcp.f32 v10  }
0xa5: {  	_ =	sdelay $0x1  }
0xa6: {  	s6 =	sshra.s32 s10, $0x2;
	v10 =	vld [tilespmem:s0+$0x5130]  }
0xa7: {  	v13 =	vpop (erf);
	v11 =	vld [tilespmem:s6+$0x2950];
	[tilespmem:s0+$0x150] =	vst v8  }
0xa8: {  	(erf) = vrcp.f32 v7;
	v9 =	vadd.f32 $1.000000000e+00, v9;
	v8 =	vld [tilespmem:s6+$0x150];
	v38 =	vpop (erf)  }
0xa9: {  	v40 =	vadd.f32 $1.000000000e+00, v13;
	v12 =	vld [tilespmem:s6+$0x2940];
	v2 =	vmul.f32 v38, v2  }
0xaa: {  	v14 =	vld [tilespmem:s6+$0x2920];
	(erf) = vrcp.f32 v9  }
0xab: {  	v15 =	vld [tilespmem:s6+$0x2930];
	(erf) = vrcp.f32 v40  }
0xac: {  	v39 =	vld [tilespmem:s6+$0x2900];
	v16 =	vpop (erf)  }
0xad: {  	v17 =	vld [tilespmem:s6+$0x2910];
	v10 =	vmul.f32 v16, v10;
	[tilespmem:s0+$0x140] =	vst v2;
	v2 =	vpop (erf)  }
0xae: {  	v2 =	vmul.f32 v2, v6  }
0xaf: {  	v41 =	vld [tilespmem:s6+$0x140];
	[tilespmem:s0+$0x130] =	vst v10;
	v43 =	vpop (erf)  }
0xb0: {  	v8 =	vadd.f32 v11, v8;
	v42 =	vld [tilespmem:s6+$0x130];
	[tilespmem:s0+$0x110] =	vst v2;
	v2 =	vmul.f32 v43, v5  }
0xb1: {  	v45 =	vpop (erf);
	v44 =	vld [tilespmem:s6+$0x110]  }
0xb2: {  	v4 =	vmul.f32 v45, v4;
	v10 =	vld [tilespmem:s6+$0x2970];
	[tilespmem:s0+$0x170] =	vst v2;
	v2 =	vsub.f32 $0.0e+00, v8  }
0xb3: {  	v47 =	vpop (erf)  }
0xb4: {  	v3 =	vmul.f32 v47, v3;
	v48 =	vpop (erf);
	v46 =	vld [tilespmem:s6+$0x170];
	[tilespmem:s0+$0x100] =	vst v4;
	v2 =	vmul.f32 $1.442695020e+00, v2  }
0xb5: {  	v1 =	vmul.f32 v48, v1;
	v4 =	vld [tilespmem:s6+$0x100]  }
0xb6: {  	v49 =	vld [tilespmem:s6+$0x2960];
	[tilespmem:s0+$0x160] =	vst v3;
	(erf) = vpow2.f32 v2;
	v2 =	vadd.f32 v12, v41  }
0xb7: {  	v3 =	vadd.f32 v15, v42;
	v50 =	vld [tilespmem:s6+$0x160];
	[tilespmem:s0+$0x120] =	vst v1;
	v5 =	vadd.f32 v17, v44  }
0xb8: {  	v1 =	vsub.f32 $0.0e+00, v2;
	v2 =	vld [tilespmem:s6+$0x120]  }
0xb9: {  	v3 =	vsub.f32 $0.0e+00, v3;
	v5 =	vsub.f32 $0.0e+00, v5  }
0xba: {  	v8 =	vadd.f32 v10, v46;
	v1 =	vmul.f32 $1.442695020e+00, v1  }
0xbb: {  	v3 =	vmul.f32 $1.442695020e+00, v3;
	v4 =	vadd.f32 v39, v4;
	v5 =	vmul.f32 $1.442695020e+00, v5  }
0xbc: {  	v51 =	vsub.f32 $0.0e+00, v8;
	v52 =	vadd.f32 v49, v50;
	(erf) = vpow2.f32 v1  }
0xbd: {  	v1 =	vsub.f32 $0.0e+00, v4;
	(erf) = vpow2.f32 v3;
	v2 =	vadd.f32 v14, v2  }
0xbe: {  	v4 =	vsub.f32 $0.0e+00, v52;
	v3 =	vmul.f32 $1.442695020e+00, v51;
	(erf) = vpow2.f32 v5  }
0xbf: {  	v1 =	vmul.f32 $1.442695020e+00, v1;
	v53 =	vpop (erf);
	v2 =	vsub.f32 $0.0e+00, v2  }
0xc0: {  	(erf) = vpow2.f32 v3;
	v3 =	vmul.f32 $1.442695020e+00, v4;
	v5 =	vadd.f32 $1.000000000e+00, v53  }
0xc1: {  	(erf) = vpow2.f32 v1;
	v1 =	vmul.f32 $1.442695020e+00, v2  }
0xc2: {  	(erf) = vrcp.f32 v5  }
0xc3: {  	(erf) = vpow2.f32 v3  }
0xc4: {  	(erf) = vpow2.f32 v1  }
0xc5: {  	v1 =	vpop (erf)  }
0xc6: {  	v2 =	vpop (erf);
	v1 =	vadd.f32 $1.000000000e+00, v1  }
0xc7: {  	v3 =	vpop (erf)  }
0xc8: {  	v3 =	vadd.f32 $1.000000000e+00, v3  }
0xc9: {  	v2 =	vadd.f32 $1.000000000e+00, v2;
	v54 =	vpop (erf);
	(erf) = vrcp.f32 v1  }
0xca: {  	v1 =	vpop (erf)  }
0xcb: {  	(erf) = vrcp.f32 v2;
	v2 =	vadd.f32 $1.000000000e+00, v54;
	v55 =	vpop (erf)  }
0xcc: {  	(erf) = vrcp.f32 v3;
	v1 =	vadd.f32 $1.000000000e+00, v1;
	v3 =	vpop (erf)  }
0xcd: {  	(erf) = vrcp.f32 v2;
	v2 =	vadd.f32 $1.000000000e+00, v3;
	v3 =	vpop (erf)  }
0xce: {  	(erf) = vrcp.f32 v1;
	v1 =	vadd.f32 $1.000000000e+00, v3;
	v3 =	vld [tilespmem:s6+$0x5140]  }
0xcf: {  	v56 =	vld [tilespmem:s6+$0x5150]  }
0xd0: {  	(erf) = vrcp.f32 v2  }
0xd1: {  	v2 =	vld [tilespmem:s6+$0x5130];
	(erf) = vrcp.f32 v1  }
0xd2: {  	v1 =	vld [tilespmem:s6+$0x5110];
	v59 =	vpop (erf)  }
0xd3: {  	v57 =	vld [tilespmem:s6+$0x5170];
	v3 =	vmul.f32 v59, v3  }
0xd4: {  	v58 =	vld [tilespmem:s6+$0x5100];
	v4 =	vmul.f32 v55, v56  }
0xd5: {  	v60 =	vld [tilespmem:s6+$0x5160];
	v61 =	vpop (erf)  }
0xd6: {  	v62 =	vld [tilespmem:s6+$0x5120];
	[tilespmem:s6+$0x150] =	vst v4;
	v63 =	vpop (erf);
	v2 =	vmul.f32 v61, v2  }
0xd7: {  	v1 =	vmul.f32 v63, v1;
	[tilespmem:s6+$0x140] =	vst v3;
	v3 =	vpop (erf)  }
0xd8: {  	[tilespmem:s6+$0x130] =	vst v2;
	v2 =	vmul.f32 v3, v57;
	v3 =	vpop (erf)  }
0xd9: {  	[tilespmem:s6+$0x110] =	vst v1;
	v1 =	vmul.f32 v3, v58;
	v3 =	vpop (erf)  }
0xda: {  	[tilespmem:s6+$0x170] =	vst v2;
	v2 =	vmul.f32 v3, v60;
	v3 =	vpop (erf)  }
0xdb: {  	s31 =	sadd.s32 $0x1, s31;
	[tilespmem:s6+$0x100] =	vst v1;
	v1 =	vmul.f32 v3, v62  }
0xdc: {  	p1 =	sne.s32 s31, $0x7D;
	[tilespmem:s6+$0x160] =	vst v2  }
.Ltmp2:
0xdd: {  	[tilespmem:s6+$0x120] =	vst v1;
	(pc) =	sbr.rel @p1 .LBB2_4-.Ltmp2, $4  }
0xde: {  	[spmem:s1] =	stream.indirect.scatter.add.f32 [tilespmem:s24], [sflag:$0x2], $0x80, s2, s23, $0xb8;
	[tilespmem:$0x1E580] =	vst v63  }
0xdf: {  	_ =	swait.ge [sflag:s21], $0x2800  }
0xe0: {  	[sflag:s21] =	ssyncset.done $0x0  }
0xe1: {  	[sflag:s21] =	ssyncadd.s32 $0xFFFFD800  }
0xe2: {  	s0 =	stileid.u32  }
0xe3: {  	s0 =	sshll.u32 s0, $0x6  }
0xe4: {  	[bflag:$0x0] =	sbarrier.arrive $0xFFFF;
	s6 =	sshrl.u32 s9, $0x3;
	s0 =	sor.u32 $0x1C02, s0  }
0xe5: {  	[hbm:s17], [sflag:s0] =	dma.local [spmem:s6], $0x2700  }
0xe6: {  	_ =	swait.ge [sflag:s21], $0x2700  }
0xe7: {  	s29 =	sadd.s32 $0x1, s29;
	[sflag:s21] =	ssyncset.done $0x0  }
0xe8: {  	p1 =	sne.s32 s29, s19;
	s6 =	sshrl.u32 @!p0 s15, $0x3;
	[sflag:s21] =	ssyncadd.s32 $0xFFFFD900  }
0xe9: {  	[hbm:s18], [sflag:s0] =	dma.local @!p0 [spmem:s6], $0x100  }
.Ltmp3:
0xea: {  	_ = 	snop;
	(pc) =	sbr.rel @p1 .LBB2_1-.Ltmp3, $4  }
0xeb: {  	s0 =	simm.s32 @!p0 $0x2  }
0xec: {  	_ =	swait.ge @!p0 [sflag:s0], $0x100  }
0xed: {  	[sflag:s0] =	ssyncset.done @!p0 $0x0  }
0xee: {  	[sflag:s0] =	ssyncadd.s32 @!p0 $0xFFFFFF00  }
0xef: {  	_ =	sfence.sel $0x180000  }
0xf0: {  	[bflag:$0x0] =	sbarrier.arrive $0xFFFF  }
0xf1: {  	_ =	strace $0x90000047  }
0xf2: {  	[bflag:$0x2] =	sbarrier.arrive $0xFFFF  }
0xf3: {  	s0 =	rddreg [dreg:$0x2]  }
0xf4: {  	s0 =	sadd.s32 @!p0 $0x100000, s0  }
0xf5: {  	[sflag:s0] =	ssyncadd.tile.s32 @!p0 $0x1;
	_ =	shalt  }
.Lfunc_end2:
_tile_overlayer_lowered:
.L_overlay_start_2:
0xf6: {  	(tag) =	ssettag $0x2  }
0xf7: {  	s0 =	rddreg [dreg:$0x0];
	s2 =	stileid.u32  }
0xf8: {  	s1 =	rddreg [dreg:$0x1];
	p0 =	sne.s32 s2, $0x0  }
0xf9: {  	s3 =	rddreg [dreg:$0x2];
	[bflag:$0x3] =	sbarrier.arrive $0xFFFF;
	s2 =	simm.s32 @!p0 $0x1C02  }
0xfa: {  	[timem:s3], [sflag:s2] =	dma.local @!p0 [hbm:s0], s1  }
0xfb: {  	s0 =	simm.s32 @!p0 $0x2  }
0xfc: {  	_ =	swait.ge @!p0 [sflag:s0], s1  }
0xfd: {  	s1 =	ssub.s32 @!p0 $0x0, s1;
	[sflag:s0] =	ssyncset.done @!p0 $0x0  }
0xfe: {  	[sflag:s0] =	ssyncadd.s32 @!p0 s1  }
0xff: {  	[bflag:$0x3] =	sbarrier.arrive $0xFFFF  }
0x100: {  	_ =	shalt  }

// kernel: kernel.14.cloned.1.call-start
scs
__scs_entry_jumppad:
0x0: {  	(pc) =	sbr.rel $0x88, $3  }
0x1: {  	(tag) =	ssettag $0x0;
	lr =	simm.s32 $0x1  }
0x2: {  	[smem:$0x3F92] =	sst lr;
	_ =	strace $0xD0000000  }
0x3: {  	_ = 	snop  }
0x4: {  	_ = 	snop  }
0x5: {  	_ = 	snop  }
0x6: {  	_ = 	snop  }
0x7: {  	_ = 	snop  }
__scs_overlays_trampoline_lowered:
0x8: {  	[smem:$0x3FA1] =	sst s0  }
0x9: {  	[smem:$0x3FA2] =	sst s1  }
0xa: {  	[smem:$0x3FA3] =	sst s2  }
0xb: {  	[smem:$0x3FA4] =	sst s3  }
0xc: {  	[smem:$0x3FA5] =	sst s4  }
0xd: {  	[smem:$0x3FA6] =	sst s5  }
0xe: {  	[smem:$0x3FA7] =	sst s6  }
0xf: {  	[smem:$0x3FA8] =	sst s7  }
0x10: {  	[smem:$0x3FA9] =	sst s8  }
0x11: {  	[smem:$0x3FAA] =	sst s9;
	s0 =	simm.s32 @!p0 $0x0  }
0x12: {  	s1 =	sld [smem:$0x3F90];
	s0 =	simm.s32 @p0 $0x1  }
0x13: {  	[smem:$0x3FAB] =	sst s0;
	s0 =	simm.s32 @!p1 $0x0  }
0x14: {  	s2 =	sld [smem:$0x3F8F];
	s0 =	simm.s32 @p1 $0x1  }
0x15: {  	[smem:$0x3FAC] =	sst s0;
	s0 =	simm.s32 @!p2 $0x0  }
0x16: {  	s3 =	sld [smem:$0x3FDB];
	s0 =	simm.s32 @p2 $0x1  }
0x17: {  	s4 =	simm.s32 $0x1BF5;
	[smem:$0x3FAE] =	sst s0  }
0x18: {  	s0 =	sld [smem:$0x3F91];
	_ =	swait.ge [sflag:s4], $0x0  }
0x19: {  	s7 =	sld [smem:$0x3F92]  }
0x1a: {  	s8 =	sadd.s32 $0xFFFFE003, lr  }
0x1b: {  	s9 =	sadd.s32 $0xFFFFFEF7, lr;
	s5 =	simm.s32 $0xFFFFFFFF;
	p2 =	slt.u32 s8, $0xFFFFF086  }
0x1c: {  	p1 =	slt.u32 s9, $0xF7A;
	s5 =	simm.s32 @!p2 $0x0  }
0x1d: {  	s5 =	simm.s32 @p1 $0x1;
	p0 =	seq.s32 s7, s2  }
0x1e: {  	s7 =	smul.u32 @!p0 $0xF7A, s2;
	p2 =	seq.s32 @!p0 s5, $0x0  }
0x1f: {  	s9 =	smul.u32 $0xF7A, s1;
	s8 =	simm.s32 @!p0 $0x1BF5;
	p2 =	por !p2, p0  }
0x20: {  	[sflag:s8] =	ssyncset.s32 @!p0 $0xFFFFF086;
	s6 =	sadd.s32 @!p0 s3, s7;
	s7 =	simm.s32 @!p0 $0x108  }
0x21: {  	s3 =	sadd.s32 s3, s9;
	s6 =	sadd.s32 @!p0 $0x88, s6;
	s7 =	simm.s32 @p2 $0x1082  }
0x22: {  	[simem:s7], [sflag:s8] =	dma.local @!p0 [hbm:s6], $0xF7A  }
0x23: {  	s9 =	sor.u32 $0xD0000000, s2;
	s6 =	simm.s32 $0x108;
	_ =	swait.ge @!p0 [sflag:s8], $0x0  }
0x24: {  	s3 =	sadd.s32 $0x88, s3;
	s6 =	simm.s32 @!p1 $0x1082;
	[sflag:s4] =	ssyncset.s32 $0xFFFFF086  }
0x25: {  	[simem:s6], [sflag:s4] =	dma.local [hbm:s3], $0xF7A  }
0x26: {  	[smem:$0x3F92] =	sst s1;
	(tag) =	ssettag s2;
	_ =	strace s9  }
0x27: {  	s1 =	sld [smem:$0x3FA2]  }
0x28: {  	s2 =	sld [smem:$0x3FA3]  }
0x29: {  	s4 =	sld [smem:$0x3FA5]  }
0x2a: {  	p0 =	seq.s32 s5, $0x0;
	s5 =	sld [smem:$0x3FA6]  }
0x2b: {  	s6 =	sld [smem:$0x3FA7]  }
0x2c: {  	s7 =	sld [smem:$0x3FA8]  }
0x2d: {  	s3 =	simm.s32 $0x108;
	s8 =	sld [smem:$0x3FA9]  }
0x2e: {  	s3 =	simm.s32 @!p0 $0x1082;
	s9 =	sld [smem:$0x3FAA]  }
0x2f: {  	lr =	sadd.s32 s0, s3;
	s0 =	sld [smem:$0x3FA1]  }
0x30: {  	s3 =	sld [smem:$0x3FA4]  }
0x31: {  	[smem:$0x3FAD] =	sst s10  }
0x32: {  	s10 =	sld [smem:$0x3FAB];
	_ =	sdelay $0x3  }
0x33: {  	p0 =	seq.s32 s10, $0x1;
	s10 =	sld [smem:$0x3FAD];
	_ =	sdelay $0x3  }
0x34: {  	[smem:$0x3FAD] =	sst s10  }
0x35: {  	s10 =	sld [smem:$0x3FAC];
	_ =	sdelay $0x3  }
0x36: {  	p1 =	seq.s32 s10, $0x1;
	s10 =	sld [smem:$0x3FAD];
	_ =	sdelay $0x3  }
0x37: {  	[smem:$0x3FAD] =	sst s10  }
0x38: {  	s10 =	sld [smem:$0x3FAE]  }
0x39: {  	_ = 	snop;
	(pc) =	sbr.ind lr, $3  }
0x3a: {  	_ = 	snop  }
0x3b: {  	_ = 	snop  }
0x3c: {  	p2 =	seq.s32 s10, $0x1;
	s10 =	sld [smem:$0x3FAD]  }
0x3d: {  	_ =	shalt  }
0x3e: {  	_ =	shalt  }
0x3f: {  	_ =	shalt  }
0x40: {  	_ =	shalt  }
0x41: {  	_ =	shalt  }
0x42: {  	_ =	shalt  }
0x43: {  	_ =	shalt  }
0x44: {  	_ =	shalt  }
0x45: {  	_ =	shalt  }
0x46: {  	_ =	shalt  }
0x47: {  	_ =	shalt  }
0x48: {  	_ =	shalt  }
0x49: {  	_ =	shalt  }
0x4a: {  	_ =	shalt  }
0x4b: {  	_ =	shalt  }
0x4c: {  	_ =	shalt  }
0x4d: {  	_ =	shalt  }
0x4e: {  	_ =	shalt  }
0x4f: {  	_ =	shalt  }
0x50: {  	_ =	shalt  }
0x51: {  	_ =	shalt  }
0x52: {  	_ =	shalt  }
0x53: {  	_ =	shalt  }
0x54: {  	_ =	shalt  }
0x55: {  	_ =	shalt  }
0x56: {  	_ =	shalt  }
0x57: {  	_ =	shalt  }
0x58: {  	_ =	shalt  }
0x59: {  	_ =	shalt  }
0x5a: {  	_ =	shalt  }
0x5b: {  	_ =	shalt  }
0x5c: {  	_ =	shalt  }
0x5d: {  	_ =	shalt  }
0x5e: {  	_ =	shalt  }
0x5f: {  	_ =	shalt  }
0x60: {  	_ =	shalt  }
0x61: {  	_ =	shalt  }
0x62: {  	_ =	shalt  }
0x63: {  	_ =	shalt  }
0x64: {  	_ =	shalt  }
0x65: {  	_ =	shalt  }
0x66: {  	_ =	shalt  }
0x67: {  	_ =	shalt  }
0x68: {  	_ =	shalt  }
0x69: {  	_ =	shalt  }
0x6a: {  	_ =	shalt  }
0x6b: {  	_ =	shalt  }
0x6c: {  	_ =	shalt  }
0x6d: {  	_ =	shalt  }
0x6e: {  	_ =	shalt  }
0x6f: {  	_ =	shalt  }
0x70: {  	_ =	shalt  }
0x71: {  	_ =	shalt  }
0x72: {  	_ =	shalt  }
0x73: {  	_ =	shalt  }
0x74: {  	_ =	shalt  }
0x75: {  	_ =	shalt  }
0x76: {  	_ =	shalt  }
0x77: {  	_ =	shalt  }
0x78: {  	_ =	shalt  }
0x79: {  	_ =	shalt  }
0x7a: {  	_ =	shalt  }
0x7b: {  	_ =	shalt  }
0x7c: {  	_ =	shalt  }
0x7d: {  	_ =	shalt  }
0x7e: {  	_ =	shalt  }
0x7f: {  	_ =	shalt  }
0x80: {  	_ =	shalt  }
0x81: {  	_ =	shalt  }
0x82: {  	_ =	shalt  }
0x83: {  	_ =	shalt  }
0x84: {  	_ =	shalt  }
0x85: {  	_ =	shalt  }
0x86: {  	_ =	shalt  }
0x87: {  	_ =	shalt  }
.Lfunc_end0:
.L_simem_size_0:
called_computation.1_lowered:
.L_overlay_start_0:
0x88: {  	s2 =	sld [smem:$0x3FD9]  }
0x89: {  	s3 =	sld [smem:$0x3FFE];
	_ =	sdelay $0x1  }
0x8a: {  	s1 =	srdreg.scid  }
0x8b: {  	s0 =	sand.u32 $0x1, s1  }
0x8c: {  	s16 =	sshll.u32 s0, $0xA;
	s2 =	sadd.s32 s3, s2  }
0x8d: {  	s2 =	sadd.s32 s2, s16  }
0x8e: {  	[smem:$0x3FB9] =	sst s2  }
0x8f: {  	_ = 	snop  }
0x90: {  	(tm) =	ssettm $0x1  }
0x91: {  	s17 =	sld [smem:$0x3FFB];
	_ =	sdelay $0x3  }
0x92: {  	_ =	strace s17  }
0x93: {  	s2 =	sld [smem:$0x3FFC];
	_ =	sdelay $0x3  }
0x94: {  	_ =	strace s2  }
0x95: {  	s2 =	sld [smem:$0x3FFD];
	_ =	sdelay $0x3  }
0x96: {  	_ =	strace s2  }
0x97: {  	_ =	strace $0x8FFFFFFF  }
0x98: {  	s18 =	sld [smem:$0x3FDB];
	_ =	sdelay $0x1  }
0x99: {  	s19 =	simm.s32 $_scs_section_size  }
0x9a: {  	s4 =	simm.s32 $_size__tile_overlayer_lowered;
	s5 =	simm.s32 $_tile_overlayer_lowered  }
0x9b: {  	s22 =	simm.s32 $0x1BFF;
	s21 =	sshll.u32 s5, $0x1;
	s2 =	sadd.s32 s19, s18  }
0x9c: {  	s6 =	simm.s32 $0x0;
	s20 =	sshll.u32 s4, $0x1;
	s4 =	sadd.s32 s21, s2  }
0x9d: {  	[timem:s6], [sflag:s22] =	dma.local [hbm:s4], s20  }
0x9e: {  	_ =	swait.ge [sflag:s22], s20  }
0x9f: {  	s3 =	ssub.s32 $0x0, s20;
	[sflag:s22] =	ssyncset.done $0x0  }
0xa0: {  	[sflag:s22] =	ssyncadd.s32 s3;
	_ =	sdelay $0x1  }
0xa1: {  	s23 =	simm.s32 $0x1B8B  }
0xa2: {  	_ =	swait.ge [sflag:s23], $0x1  }
0xa3: {  	[sflag:s23] =	ssyncset.done $0x0  }
0xa4: {  	s25 =	simm.s32 $0x1B8E;
	s24 =	sld [smem:$0x3FFE];
	[sflag:s23] =	ssyncadd.s32 $0xFFFFFFFF  }
0xa5: {  	s26 =	simm.s32 $execute0_lowered;
	[smem:$0x3FD2] =	sst s25  }
0xa6: {  	s4 =	sshll.u32 s26, $0x1;
	_ =	strace $0x80000049;
	[dreg:$0x1] =	wrdreg $0xFFFFFFFF  }
0xa7: {  	s28 =	simm.s32 $_size_execute0_lowered;
	s2 =	sadd.s32 s2, s4;
	[dreg:$0x0] =	wrdreg $0x0  }
0xa8: {  	s4 =	sshll.u32 s28, $0x1;
	[dreg:$0x2] =	wrdreg s2  }
0xa9: {  	[dreg:$0x3] =	wrdreg s4  }
0xaa: {  	[dreg:$0x4] =	wrdreg $0xC0  }
0xab: {  	_ =	task [dreg:s6], $0x5FFFF  }
0xac: {  	[dreg:$0x1] =	wrdreg $0xFFFFFFFF  }
0xad: {  	[dreg:$0x0] =	wrdreg $0x60  }
0xae: {  	[dreg:$0x2] =	wrdreg s24  }
0xaf: {  	[dreg:$0x3] =	wrdreg $0xAD000  }
0xb0: {  	[dreg:$0x4] =	wrdreg $0x9  }
0xb1: {  	_ =	task.clear_ibuf [dreg:s6], $0x5FFFF;
	_ =	strace $0x90000049  }
0xb2: {  	s29 =	simm.s32 $0x9;
	_ =	strace $0x8000004B  }
0xb3: {  	_ =	swait.ge [sflag:s29], $0x1  }
0xb4: {  	[sflag:s29] =	ssyncadd.s32 $0xFFFFFFFF  }
0xb5: {  	_ =	strace $0x9000004B  }
0xb6: {  	_ =	sfence  }
0xb7: {  	s30 =	sld [smem:$0x0];
	_ =	sdelay $0x2  }
0xb8: {  	s31 =	sshll.u32 s1, $0xD;
	s1 =	sshrl.u32 s1, $0x2  }
0xb9: {  	s3 =	sand.u32 $0x4000, s31;
	s1 =	sadd.s32 s1, s30  }
0xba: {  	s0 =	sor.u32 s3, s0;
	s1 =	sshll.u32 s1, $0x11  }
0xbb: {  	s0 =	sor.u32 s1, s0  }
0xbc: {  	s0 =	sadd.s32 $0x8F2B, s0  }
0xbd: {  	[sflag:s0] =	ssyncadd.remote.s32 $0x1  }
0xbe: {  	_ =	sfence.sel $0xFFFF  }
0xbf: {  	[dreg:$0x0] =	wrdreg $0xFFFFFFFF;
	(pc) =	sbr.abs _section_cstart, $3  }
0xc0: {  	[dreg:$0x1] =	wrdreg $0xFFFFFFFF  }
0xc1: {  	_ =	task.clear_ibuf [dreg:s6], $0x2FFFF;
	_ =	strace $0x9FFFFFFF  }
0xc2: {  	(tm) =	ssettm $0x7FFFFFFF  }
0xc3: {  	_ =	shalt  }
tec
execute0_lowered:
.L_overlay_start_1:
0x0: {  	(tag) =	ssettag $0x1  }
0x1: {  	s0 =	rddreg [dreg:$0x0]  }
0x2: {  	s1 =	rddreg [dreg:$0x1];
	s2 =	simm.s32 $0x0  }
0x3: {  	s5 =	srdreg.scid;
	s20 =	stileid.u32;
	s21 =	simm.s32 $0x2  }
0x4: {  	s22 =	simm.s32 $0x80;
	s23 =	simm.s32 $0x50;
	s24 =	simm.s32 $0x100  }
0x5: {  	s28 =	simm.s32 $0x1;
	s29 =	simm.s32 $0x0;
	s30 =	simm.s32 $0x0  }
0x6: {  	[smem:$0x7FF] =	sst s2;
	s3 =	sadd.s32 $0x18200, s0;
	s4 =	sadd.s32 $0x66600, s0  }
0x7: {  	s6 =	sand.u32 $0x1, s5;
	s5 =	sadd.s32 $0x8D800, s0;
	s7 =	sadd.s32 $0xE400, s0  }
0x8: {  	s11 =	smul.u32 $0x4E000, s20;
	s8 =	sadd.s32 $0x4600, s0;
	s0 =	sadd.s32 $0xDBC00, s0  }
0x9: {  	s25 =	sshll.u32 s20, $0x1;
	s16 =	smul.u32 $0x2700, s20;
	s15 =	sadd.s32 $0x138000, s1  }
0xa: {  	p0 =	sne.s32 s20, $0x0;
	s20 =	simm.s32 $0x7900;
	_ =	strace $0x8000004A  }
0xb: {  	s9 =	ssub.s32 $0x2, s6;
	s17 =	sor.u32 s6, s25;
	s26 =	smul.u32 $0x27100, s6  }
0xc: {  	s6 =	smul.u32 $0x138800, s6;
	s10 =	sshrl.u32 s9, $0x1;
	s11 =	sshrl.u32 s11, $0x2  }
0xd: {  	s25 =	simm.s32 $0x2900;
	s10 =	ssub.s32 s9, s10;
	s9 =	sadd.s32 s11, s1  }
0xe: {  	s11 =	sadd.s32 s16, s26;
	s6 =	sshrl.u32 s6, $0x3;
	s16 =	smul.u32 $0x2710, s17  }
0xf: {  	s26 =	simm.s32 $0x5100;
	s12 =	sadd.s32 $0x3400, s9;
	s31 =	sadd.s32 $0x6800, s9  }
0x10: {  	s13 =	sadd.s32 $0xD000, s9;
	s14 =	sadd.s32 $0x10400, s9;
	s17 =	sadd.s32 s0, s11  }
0x11: {  	s0 =	sadd.s32 s0, s6;
	s19 =	smax.u32 s10, $0x1;
	[dreg:$0x3] =	wrdreg s12  }
0x12: {  	v0 =	vimm.f32 $0.0e+00;
	[dreg:$0x4] =	wrdreg s31;
	s12 =	sadd.s32 $0x9C00, s9;
	s18 =	sadd.s32 $0x27000, s0  }
.LBB2_1:
0x13: {  	s0 =	simm.s32 $0x0;
	s6 =	simm.s32 $0x200  }
.LBB2_2:
0x14: {  	p1 =	sne.s32 s6, $0xCE00;
	[tilespmem:s0+$0x7970] =	vst v0  }
0x15: {  	[tilespmem:s0+$0x7900] =	vst v0  }
0x16: {  	[tilespmem:s0+$0x7910] =	vst v0  }
.Ltmp0:
0x17: {  	[tilespmem:s0+$0x7920] =	vst v0;
	(pc) =	sbr.rel @p1 .LBB2_2-.Ltmp0, $4  }
0x18: {  	[tilespmem:s0+$0x7930] =	vst v0  }
0x19: {  	[tilespmem:s0+$0x7940] =	vst v0  }
0x1a: {  	[tilespmem:s0+$0x7950] =	vst v0  }
0x1b: {  	[tilespmem:s0+$0x7960] =	vst v0;
	s0 =	sshra.s32 s6, $0x2;
	s6 =	sadd.s32 $0x200, s6  }
0x1c: {  	[tilespmem:s0+$0x7970] =	vst v0  }
0x1d: {  	[tilespmem:s0+$0x7900] =	vst v0  }
0x1e: {  	[tilespmem:s0+$0x7910] =	vst v0  }
0x1f: {  	[tilespmem:s0+$0x7920] =	vst v0  }
0x20: {  	[tilespmem:s0+$0x7930] =	vst v0  }
0x21: {  	[tilespmem:s0+$0x7940] =	vst v0  }
0x22: {  	[tilespmem:s0+$0x7950] =	vst v0  }
0x23: {  	[tilespmem:s0+$0x7960] =	vst v0  }
0x24: {  	[spmem:s9] =	stream.linear.scatter [tilespmem:s20], [sflag:$0x2], $0x3400, $0x38;
	[tilespmem:$0x1E580] =	vst v63  }
0x25: {  	_ =	swait.ge [sflag:s21], $0x3400  }
0x26: {  	[sflag:s21] =	ssyncset.done $0x0  }
0x27: {  	s10 =	rddreg [dreg:$0x3];
	[sflag:s21] =	ssyncadd.s32 $0xFFFFCC00  }
0x28: {  	[spmem:s10] =	stream.linear.scatter [tilespmem:s20], [sflag:$0x2], $0x3400, $0x38;
	[tilespmem:$0x1E580] =	vst v63  }
0x29: {  	_ =	swait.ge [sflag:s21], $0x3400  }
0x2a: {  	[sflag:s21] =	ssyncset.done $0x0  }
0x2b: {  	s11 =	rddreg [dreg:$0x4];
	[sflag:s21] =	ssyncadd.s32 $0xFFFFCC00  }
0x2c: {  	[spmem:s11] =	stream.linear.scatter [tilespmem:s20], [sflag:$0x2], $0x3400, $0x38;
	[tilespmem:$0x1E580] =	vst v63  }
0x2d: {  	_ =	swait.ge [sflag:s21], $0x3400  }
0x2e: {  	[sflag:s21] =	ssyncset.done $0x0  }
0x2f: {  	[sflag:s21] =	ssyncadd.s32 $0xFFFFCC00  }
0x30: {  	[spmem:s12] =	stream.linear.scatter [tilespmem:s20], [sflag:$0x2], $0x3400, $0x38;
	[tilespmem:$0x1E580] =	vst v63  }
0x31: {  	_ =	swait.ge [sflag:s21], $0x3400  }
0x32: {  	[sflag:s21] =	ssyncset.done $0x0  }
0x33: {  	[sflag:s21] =	ssyncadd.s32 $0xFFFFCC00  }
0x34: {  	[spmem:s13] =	stream.linear.scatter [tilespmem:s20], [sflag:$0x2], $0x3400, $0x38;
	[tilespmem:$0x1E580] =	vst v63  }
0x35: {  	_ =	swait.ge [sflag:s21], $0x3400  }
0x36: {  	[sflag:s21] =	ssyncset.done $0x0  }
0x37: {  	[sflag:s21] =	ssyncadd.s32 $0xFFFFCC00  }
0x38: {  	[spmem:s14] =	stream.linear.scatter [tilespmem:s20], [sflag:$0x2], $0x3400, $0x38;
	[tilespmem:$0x1E580] =	vst v63  }
0x39: {  	_ =	swait.ge [sflag:s21], $0x3400  }
0x3a: {  	[sflag:s21] =	ssyncset.done $0x0  }
0x3b: {  	s0 =	simm.s32 @!p0 $0x7900;
	[sflag:s21] =	ssyncadd.s32 $0xFFFFCC00  }
0x3c: {  	[spmem:s15] =	stream.linear.scatter @!p0 [tilespmem:s0], [sflag:$0x2], $0x800, $0x38;
	[tilespmem:$0x1E580] =	vst v63  }
0x3d: {  	s0 =	simm.s32 @!p0 $0x2  }
0x3e: {  	_ =	swait.ge @!p0 [sflag:s0], $0x800  }
0x3f: {  	[sflag:s0] =	ssyncset.done @!p0 $0x0  }
0x40: {  	[sflag:s0] =	ssyncadd.s32 @!p0 $0xFFFFF800  }
0x41: {  	s31 =	simm.s32 $0x0;
	[bflag:$0x0] =	sbarrier.arrive $0xFFFF  }
.LBB2_4:
0x42: {  	s0 =	smul.u32 $0x50, s31;
	_ =	sdelay $0x1  }
0x43: {  	s0 =	sadd.s32 s16, s0  }
0x44: {  	s0 =	sshrl.u32 s0, $0x3  }
0x45: {  	s6 =	sadd.s32 s7, s0  }
0x46: {  	[tilespmem:s22], [sflag:$0x2] =	stream.linear.gather [hbm4b:s6+s30], $0x50, $0x38;
	[tilespmem:$0x1E580] =	vst v63  }
0x47: {  	_ =	swait.ge [sflag:s21], $0x50  }
0x48: {  	[sflag:s21] =	ssyncset.done $0x0  }
0x49: {  	s0 =	sadd.s32 s8, s0;
	[sflag:s21] =	ssyncadd.s32 $0xFFFFFFB0  }
0x4a: {  	[tilespmem:s30], [sflag:$0x2] =	stream.linear.gather [hbm4b:s0+s30], $0x50, $0x38;
	[tilespmem:$0x1E580] =	vst v63  }
0x4b: {  	_ =	swait.ge [sflag:s21], $0x50  }
0x4c: {  	[sflag:s21] =	ssyncset.done $0x0  }
0x4d: {  	[sflag:s21] =	ssyncadd.s32 $0xFFFFFFB0  }
0x4e: {  	[tilespmem:s24], [sflag:$0x1] =	stream.indirect.gather [hbm4b:s3+s23], $0x80, s30, s23, $0xb8;
	[tilespmem:$0x1E580] =	vst v63  }
0x4f: {  	_ = 	snop  }
0x50: {  	[tilespmem:s25], [sflag:$0x1] =	stream.indirect.gather [hbm4b:s4+s23], $0x80, s22, s23, $0xb8;
	[tilespmem:$0x1E580] =	vst v63  }
0x51: {  	_ = 	snop  }
0x52: {  	[tilespmem:s26], [sflag:$0x1] =	stream.indirect.gather [hbm4b:s5+s23], $0x80, s22, s23, $0xb8;
	[tilespmem:$0x1E580] =	vst v63  }
0x53: {  	_ =	swait.ge [sflag:s28], $0x2800  }
0x54: {  	[sflag:s28] =	ssyncset.done $0x0  }
0x55: {  	[sflag:s28] =	ssyncadd.s32 $0xFFFFD800  }
0x56: {  	_ =	swait.ge [sflag:s28], $0x2800  }
0x57: {  	[sflag:s28] =	ssyncset.done $0x0  }
0x58: {  	[sflag:s28] =	ssyncadd.s32 $0xFFFFD800  }
0x59: {  	_ =	swait.ge [sflag:s28], $0x2800  }
0x5a: {  	[sflag:s28] =	ssyncset.done $0x0  }
0x5b: {  	s0 =	simm.s32 $0x0;
	[sflag:s28] =	ssyncadd.s32 $0xFFFFD800  }
0x5c: {  	v1 =	vld [tilespmem:s0+$0x2950]  }
0x5d: {  	v2 =	vld [tilespmem:s0+$0x150]  }
0x5e: {  	v3 =	vld [tilespmem:s0+$0x2940]  }
0x5f: {  	v4 =	vld [tilespmem:s0+$0x2930]  }
0x60: {  	v6 =	vld [tilespmem:s0+$0x2910]  }
0x61: {  	v7 =	vld [tilespmem:s0+$0x130]  }
0x62: {  	v8 =	vld [tilespmem:s0+$0x110];
	v1 =	vadd.f32 v1, v2  }
0x63: {  	v2 =	vld [tilespmem:s0+$0x140]  }
0x64: {  	v9 =	vld [tilespmem:s0+$0x2970];
	v1 =	vsub.f32 $0.0e+00, v1  }
0x65: {  	v10 =	vld [tilespmem:s0+$0x170]  }
0x66: {  	v5 =	vld [tilespmem:s0+$0x2900];
	v1 =	vmul.f32 $1.442695020e+00, v1  }
0x67: {  	v11 =	vld [tilespmem:s0+$0x100]  }
0x68: {  	(erf) = vpow2.f32 v1;
	v1 =	vadd.f32 v3, v2  }
0x69: {  	v2 =	vadd.f32 v4, v7;
	v4 =	vadd.f32 v6, v8  }
0x6a: {  	v3 =	vld [tilespmem:s0+$0x2960];
	v7 =	vadd.f32 v9, v10;
	v1 =	vsub.f32 $0.0e+00, v1  }
0x6b: {  	v6 =	vld [tilespmem:s0+$0x160];
	v2 =	vsub.f32 $0.0e+00, v2;
	v4 =	vsub.f32 $0.0e+00, v4  }
0x6c: {  	v5 =	vadd.f32 v5, v11;
	v8 =	vld [tilespmem:s0+$0x2920];
	v1 =	vmul.f32 $1.442695020e+00, v1  }
0x6d: {  	v9 =	vld [tilespmem:s0+$0x120];
	v7 =	vsub.f32 $0.0e+00, v7;
	v2 =	vmul.f32 $1.442695020e+00, v2;
	v4 =	vmul.f32 $1.442695020e+00, v4  }
0x6e: {  	(erf) = vpow2.f32 v1;
	v1 =	vsub.f32 $0.0e+00, v5  }
0x6f: {  	(erf) = vpow2.f32 v2;
	v2 =	vmul.f32 $1.442695020e+00, v7  }
0x70: {  	v3 =	vadd.f32 v3, v6;
	(erf) = vpow2.f32 v4;
	v1 =	vmul.f32 $1.442695020e+00, v1  }
0x71: {  	v4 =	vpop (erf);
	(erf) = vpow2.f32 v2  }
0x72: {  	v3 =	vsub.f32 $0.0e+00, v3;
	(erf) = vpow2.f32 v1;
	v1 =	vadd.f32 v8, v9  }
0x73: {  	v4 =	vadd.f32 $1.000000000e+00, v4  }
0x74: {  	v2 =	vmul.f32 $1.442695020e+00, v3;
	v1 =	vsub.f32 $0.0e+00, v1  }
0x75: {  	(erf) = vrcp.f32 v4  }
0x76: {  	(erf) = vpow2.f32 v2;
	v1 =	vmul.f32 $1.442695020e+00, v1  }
0x77: {  	v3 =	vpop (erf)  }
0x78: {  	v4 =	vpop (erf);
	(erf) = vpow2.f32 v1  }
0x79: {  	v5 =	vld [tilespmem:s0+$0x5150]  }
0x7a: {  	v2 =	vld [tilespmem:s0+$0x5140];
	v3 =	vadd.f32 $1.000000000e+00, v3  }
0x7b: {  	v1 =	vld [tilespmem:s0+$0x5120];
	v4 =	vadd.f32 $1.000000000e+00, v4;
	v6 =	vpop (erf)  }
0x7c: {  	v6 =	vadd.f32 $1.000000000e+00, v6;
	(erf) = vrcp.f32 v3;
	v3 =	vld [tilespmem:s0+$0x5160];
	v7 =	vpop (erf)  }
0x7d: {  	(erf) = vrcp.f32 v4;
	v4 =	vld [tilespmem:s0+$0x5100];
	v10 =	vadd.f32 $1.000000000e+00, v7;
	v7 =	vpop (erf)  }
0x7e: {  	(erf) = vrcp.f32 v6;
	v6 =	vld [tilespmem:s0+$0x5110];
	v8 =	vpop (erf)  }
0x7f: {  	s10 =	simm.s32 $0x200;
	s6 =	simm.s32 $0x400;
	v7 =	vadd.f32 $1.000000000e+00, v7;
	(erf) = vrcp.f32 v10;
	v8 =	vmul.f32 v8, v5;
	v5 =	vld [tilespmem:s0+$0x5170];
	v9 =	vpop (erf)  }
.LBB2_5:
0x80: {  	p1 =	sne.s32 s6, $0x9E00  }
0x81: {  	s11 =	sshra.s32 s10, $0x2;
	v10 =	vld [tilespmem:s0+$0x5130];
	v9 =	vadd.f32 $1.000000000e+00, v9;
	(erf) = vrcp.f32 v7;
	v7 =	vpop (erf);
	s10 =	smov.u32 s6;
	s6 =	sadd.s32 $0x200, s6  }
0x82: {  	v11 =	vld [tilespmem:s11+$0x2950];
	v7 =	vadd.f32 $1.000000000e+00, v7;
	[tilespmem:s0+$0x150] =	vst v8  }
0x83: {  	v8 =	vld [tilespmem:s11+$0x150];
	(erf) = vrcp.f32 v9  }
0x84: {  	v9 =	vld [tilespmem:s11+$0x2940];
	(erf) = vrcp.f32 v7  }
0x85: {  	v7 =	vld [tilespmem:s11+$0x2920];
	v12 =	vpop (erf)  }
0x86: {  	v13 =	vld [tilespmem:s11+$0x2930];
	v2 =	vmul.f32 v12, v2;
	v12 =	vpop (erf)  }
0x87: {  	v14 =	vld [tilespmem:s11+$0x2900];
	v16 =	vmul.f32 v12, v10;
	v12 =	vpop (erf)  }
0x88: {  	v15 =	vld [tilespmem:s11+$0x2910];
	v8 =	vadd.f32 v11, v8;
	v12 =	vmul.f32 v12, v6;
	[tilespmem:s0+$0x140] =	vst v2  }
0x89: {  	v2 =	vld [tilespmem:s11+$0x140];
	[tilespmem:s0+$0x130] =	vst v16;
	v10 =	vpop (erf)  }
0x8a: {  	v11 =	vld [tilespmem:s11+$0x130];
	v8 =	vsub.f32 $0.0e+00, v8;
	[tilespmem:s0+$0x110] =	vst v12;
	v12 =	vmul.f32 v10, v5;
	v6 =	vpop (erf)  }
0x8b: {  	v10 =	vld [tilespmem:s11+$0x110];
	v16 =	vmul.f32 v6, v4  }
0x8c: {  	v6 =	vmul.f32 $1.442695020e+00, v8;
	v8 =	vld [tilespmem:s11+$0x2970];
	[tilespmem:s0+$0x170] =	vst v12;
	v5 =	vpop (erf)  }
0x8d: {  	v12 =	vld [tilespmem:s11+$0x170];
	[tilespmem:s0+$0x100] =	vst v16;
	v3 =	vmul.f32 v5, v3;
	v4 =	vpop (erf)  }
0x8e: {  	v5 =	vld [tilespmem:s11+$0x100];
	v2 =	vadd.f32 v9, v2;
	(erf) = vpow2.f32 v6;
	v1 =	vmul.f32 v4, v1  }
0x8f: {  	v4 =	vadd.f32 v13, v11;
	v6 =	vld [tilespmem:s11+$0x2960];
	[tilespmem:s0+$0x160] =	vst v3  }
0x90: {  	v3 =	vadd.f32 v15, v10;
	v2 =	vsub.f32 $0.0e+00, v2;
	v9 =	vld [tilespmem:s11+$0x160];
	[tilespmem:s0+$0x120] =	vst v1;
	s0 =	smov.u32 s11  }
0x91: {  	v1 =	vld [tilespmem:s0+$0x120];
	v4 =	vsub.f32 $0.0e+00, v4  }
0x92: {  	v3 =	vsub.f32 $0.0e+00, v3;
	v10 =	vmul.f32 $1.442695020e+00, v2;
	v2 =	vld [tilespmem:s0+$0x5140];
	v8 =	vadd.f32 v8, v12  }
0x93: {  	v5 =	vadd.f32 v14, v5;
	v4 =	vmul.f32 $1.442695020e+00, v4  }
0x94: {  	v3 =	vmul.f32 $1.442695020e+00, v3;
	v8 =	vsub.f32 $0.0e+00, v8;
	(erf) = vpow2.f32 v10  }
0x95: {  	v5 =	vsub.f32 $0.0e+00, v5;
	v9 =	vadd.f32 v6, v9;
	(erf) = vpow2.f32 v4  }
0x96: {  	v1 =	vadd.f32 v7, v1;
	v4 =	vmul.f32 $1.442695020e+00, v8;
	(erf) = vpow2.f32 v3  }
0x97: {  	v3 =	vmul.f32 $1.442695020e+00, v5;
	v5 =	vsub.f32 $0.0e+00, v9;
	v6 =	vpop (erf)  }
0x98: {  	v1 =	vsub.f32 $0.0e+00, v1;
	v6 =	vadd.f32 $1.000000000e+00, v6;
	(erf) = vpow2.f32 v4  }
0x99: {  	v4 =	vmul.f32 $1.442695020e+00, v5;
	(erf) = vpow2.f32 v3  }
0x9a: {  	v3 =	vmul.f32 $1.442695020e+00, v1;
	(erf) = vrcp.f32 v6  }
0x9b: {  	(erf) = vpow2.f32 v4  }
0x9c: {  	(erf) = vpow2.f32 v3  }
0x9d: {  	v1 =	vpop (erf)  }
0x9e: {  	v3 =	vadd.f32 $1.000000000e+00, v1;
	v5 =	vld [tilespmem:s0+$0x5150];
	v1 =	vpop (erf)  }
0x9f: {  	v4 =	vadd.f32 $1.000000000e+00, v1;
	v1 =	vpop (erf)  }
.Ltmp1:
0xa0: {  	v6 =	vadd.f32 $1.000000000e+00, v1;
	v1 =	vld [tilespmem:s0+$0x5120];
	(erf) = vrcp.f32 v3;
	(pc) =	sbr.rel @p1 .LBB2_5-.Ltmp1, $4  }
0xa1: {  	v3 =	vld [tilespmem:s0+$0x5160];
	(erf) = vrcp.f32 v4;
	v7 =	vpop (erf)  }
0xa2: {  	v4 =	vld [tilespmem:s0+$0x5100];
	v10 =	vadd.f32 $1.000000000e+00, v7;
	v7 =	vpop (erf);
	(erf) = vrcp.f32 v6  }
0xa3: {  	v7 =	vadd.f32 $1.000000000e+00, v7;
	v6 =	vld [tilespmem:s0+$0x5110];
	v8 =	vpop (erf)  }
0xa4: {  	v8 =	vmul.f32 v8, v5;
	v5 =	vld [tilespmem:s0+$0x5170];
	v9 =	vpop (erf);
	(erf) = vrcp.f32 v10  }
0xa5: {  	_ =	sdelay $0x1  }
0xa6: {  	s6 =	sshra.s32 s10, $0x2;
	v10 =	vld [tilespmem:s0+$0x5130]  }
0xa7: {  	v13 =	vpop (erf);
	v11 =	vld [tilespmem:s6+$0x2950];
	[tilespmem:s0+$0x150] =	vst v8  }
0xa8: {  	(erf) = vrcp.f32 v7;
	v9 =	vadd.f32 $1.000000000e+00, v9;
	v8 =	vld [tilespmem:s6+$0x150];
	v38 =	vpop (erf)  }
0xa9: {  	v40 =	vadd.f32 $1.000000000e+00, v13;
	v12 =	vld [tilespmem:s6+$0x2940];
	v2 =	vmul.f32 v38, v2  }
0xaa: {  	v14 =	vld [tilespmem:s6+$0x2920];
	(erf) = vrcp.f32 v9  }
0xab: {  	v15 =	vld [tilespmem:s6+$0x2930];
	(erf) = vrcp.f32 v40  }
0xac: {  	v39 =	vld [tilespmem:s6+$0x2900];
	v16 =	vpop (erf)  }
0xad: {  	v17 =	vld [tilespmem:s6+$0x2910];
	v10 =	vmul.f32 v16, v10;
	[tilespmem:s0+$0x140] =	vst v2;
	v2 =	vpop (erf)  }
0xae: {  	v2 =	vmul.f32 v2, v6  }
0xaf: {  	v41 =	vld [tilespmem:s6+$0x140];
	[tilespmem:s0+$0x130] =	vst v10;
	v43 =	vpop (erf)  }
0xb0: {  	v8 =	vadd.f32 v11, v8;
	v42 =	vld [tilespmem:s6+$0x130];
	[tilespmem:s0+$0x110] =	vst v2;
	v2 =	vmul.f32 v43, v5  }
0xb1: {  	v45 =	vpop (erf);
	v44 =	vld [tilespmem:s6+$0x110]  }
0xb2: {  	v4 =	vmul.f32 v45, v4;
	v10 =	vld [tilespmem:s6+$0x2970];
	[tilespmem:s0+$0x170] =	vst v2;
	v2 =	vsub.f32 $0.0e+00, v8  }
0xb3: {  	v47 =	vpop (erf)  }
0xb4: {  	v3 =	vmul.f32 v47, v3;
	v48 =	vpop (erf);
	v46 =	vld [tilespmem:s6+$0x170];
	[tilespmem:s0+$0x100] =	vst v4;
	v2 =	vmul.f32 $1.442695020e+00, v2  }
0xb5: {  	v1 =	vmul.f32 v48, v1;
	v4 =	vld [tilespmem:s6+$0x100]  }
0xb6: {  	v49 =	vld [tilespmem:s6+$0x2960];
	[tilespmem:s0+$0x160] =	vst v3;
	(erf) = vpow2.f32 v2;
	v2 =	vadd.f32 v12, v41  }
0xb7: {  	v3 =	vadd.f32 v15, v42;
	v50 =	vld [tilespmem:s6+$0x160];
	[tilespmem:s0+$0x120] =	vst v1;
	v5 =	vadd.f32 v17, v44  }
0xb8: {  	v1 =	vsub.f32 $0.0e+00, v2;
	v2 =	vld [tilespmem:s6+$0x120]  }
0xb9: {  	v3 =	vsub.f32 $0.0e+00, v3;
	v5 =	vsub.f32 $0.0e+00, v5  }
0xba: {  	v8 =	vadd.f32 v10, v46;
	v1 =	vmul.f32 $1.442695020e+00, v1  }
0xbb: {  	v3 =	vmul.f32 $1.442695020e+00, v3;
	v4 =	vadd.f32 v39, v4;
	v5 =	vmul.f32 $1.442695020e+00, v5  }
0xbc: {  	v51 =	vsub.f32 $0.0e+00, v8;
	v52 =	vadd.f32 v49, v50;
	(erf) = vpow2.f32 v1  }
0xbd: {  	v1 =	vsub.f32 $0.0e+00, v4;
	(erf) = vpow2.f32 v3;
	v2 =	vadd.f32 v14, v2  }
0xbe: {  	v4 =	vsub.f32 $0.0e+00, v52;
	v3 =	vmul.f32 $1.442695020e+00, v51;
	(erf) = vpow2.f32 v5  }
0xbf: {  	v1 =	vmul.f32 $1.442695020e+00, v1;
	v53 =	vpop (erf);
	v2 =	vsub.f32 $0.0e+00, v2  }
0xc0: {  	(erf) = vpow2.f32 v3;
	v3 =	vmul.f32 $1.442695020e+00, v4;
	v5 =	vadd.f32 $1.000000000e+00, v53  }
0xc1: {  	(erf) = vpow2.f32 v1;
	v1 =	vmul.f32 $1.442695020e+00, v2  }
0xc2: {  	(erf) = vrcp.f32 v5  }
0xc3: {  	(erf) = vpow2.f32 v3  }
0xc4: {  	(erf) = vpow2.f32 v1  }
0xc5: {  	v1 =	vpop (erf)  }
0xc6: {  	v2 =	vpop (erf);
	v1 =	vadd.f32 $1.000000000e+00, v1  }
0xc7: {  	v3 =	vpop (erf)  }
0xc8: {  	v3 =	vadd.f32 $1.000000000e+00, v3  }
0xc9: {  	v2 =	vadd.f32 $1.000000000e+00, v2;
	v54 =	vpop (erf);
	(erf) = vrcp.f32 v1  }
0xca: {  	v1 =	vpop (erf)  }
0xcb: {  	(erf) = vrcp.f32 v2;
	v2 =	vadd.f32 $1.000000000e+00, v54;
	v55 =	vpop (erf)  }
0xcc: {  	(erf) = vrcp.f32 v3;
	v1 =	vadd.f32 $1.000000000e+00, v1;
	v3 =	vpop (erf)  }
0xcd: {  	(erf) = vrcp.f32 v2;
	v2 =	vadd.f32 $1.000000000e+00, v3;
	v3 =	vpop (erf)  }
0xce: {  	(erf) = vrcp.f32 v1;
	v1 =	vadd.f32 $1.000000000e+00, v3;
	v3 =	vld [tilespmem:s6+$0x5140]  }
0xcf: {  	v56 =	vld [tilespmem:s6+$0x5150]  }
0xd0: {  	(erf) = vrcp.f32 v2  }
0xd1: {  	v2 =	vld [tilespmem:s6+$0x5130];
	(erf) = vrcp.f32 v1  }
0xd2: {  	v1 =	vld [tilespmem:s6+$0x5110];
	v59 =	vpop (erf)  }
0xd3: {  	v57 =	vld [tilespmem:s6+$0x5170];
	v3 =	vmul.f32 v59, v3  }
0xd4: {  	v58 =	vld [tilespmem:s6+$0x5100];
	v4 =	vmul.f32 v55, v56  }
0xd5: {  	v60 =	vld [tilespmem:s6+$0x5160];
	v61 =	vpop (erf)  }
0xd6: {  	v62 =	vld [tilespmem:s6+$0x5120];
	[tilespmem:s6+$0x150] =	vst v4;
	v63 =	vpop (erf);
	v2 =	vmul.f32 v61, v2  }
0xd7: {  	v1 =	vmul.f32 v63, v1;
	[tilespmem:s6+$0x140] =	vst v3;
	v3 =	vpop (erf)  }
0xd8: {  	[tilespmem:s6+$0x130] =	vst v2;
	v2 =	vmul.f32 v3, v57;
	v3 =	vpop (erf)  }
0xd9: {  	[tilespmem:s6+$0x110] =	vst v1;
	v1 =	vmul.f32 v3, v58;
	v3 =	vpop (erf)  }
0xda: {  	[tilespmem:s6+$0x170] =	vst v2;
	v2 =	vmul.f32 v3, v60;
	v3 =	vpop (erf)  }
0xdb: {  	s31 =	sadd.s32 $0x1, s31;
	[tilespmem:s6+$0x100] =	vst v1;
	v1 =	vmul.f32 v3, v62  }
0xdc: {  	p1 =	sne.s32 s31, $0x7D;
	[tilespmem:s6+$0x160] =	vst v2  }
.Ltmp2:
0xdd: {  	[tilespmem:s6+$0x120] =	vst v1;
	(pc) =	sbr.rel @p1 .LBB2_4-.Ltmp2, $4  }
0xde: {  	[spmem:s1] =	stream.indirect.scatter.add.f32 [tilespmem:s24], [sflag:$0x2], $0x80, s2, s23, $0xb8;
	[tilespmem:$0x1E580] =	vst v63  }
0xdf: {  	_ =	swait.ge [sflag:s21], $0x2800  }
0xe0: {  	[sflag:s21] =	ssyncset.done $0x0  }
0xe1: {  	[sflag:s21] =	ssyncadd.s32 $0xFFFFD800  }
0xe2: {  	s0 =	stileid.u32  }
0xe3: {  	s0 =	sshll.u32 s0, $0x6  }
0xe4: {  	[bflag:$0x0] =	sbarrier.arrive $0xFFFF;
	s6 =	sshrl.u32 s9, $0x3;
	s0 =	sor.u32 $0x1C02, s0  }
0xe5: {  	[hbm:s17], [sflag:s0] =	dma.local [spmem:s6], $0x2700  }
0xe6: {  	_ =	swait.ge [sflag:s21], $0x2700  }
0xe7: {  	s29 =	sadd.s32 $0x1, s29;
	[sflag:s21] =	ssyncset.done $0x0  }
0xe8: {  	p1 =	sne.s32 s29, s19;
	s6 =	sshrl.u32 @!p0 s15, $0x3;
	[sflag:s21] =	ssyncadd.s32 $0xFFFFD900  }
0xe9: {  	[hbm:s18], [sflag:s0] =	dma.local @!p0 [spmem:s6], $0x100  }
.Ltmp3:
0xea: {  	_ = 	snop;
	(pc) =	sbr.rel @p1 .LBB2_1-.Ltmp3, $4  }
0xeb: {  	s0 =	simm.s32 @!p0 $0x2  }
0xec: {  	_ =	swait.ge @!p0 [sflag:s0], $0x100  }
0xed: {  	[sflag:s0] =	ssyncset.done @!p0 $0x0  }
0xee: {  	[sflag:s0] =	ssyncadd.s32 @!p0 $0xFFFFFF00  }
0xef: {  	_ =	sfence.sel $0x180000  }
0xf0: {  	[bflag:$0x0] =	sbarrier.arrive $0xFFFF  }
0xf1: {  	_ =	strace $0x9000004A  }
0xf2: {  	[bflag:$0x2] =	sbarrier.arrive $0xFFFF  }
0xf3: {  	s0 =	rddreg [dreg:$0x2]  }
0xf4: {  	s0 =	sadd.s32 @!p0 $0x100000, s0  }
0xf5: {  	[sflag:s0] =	ssyncadd.tile.s32 @!p0 $0x1;
	_ =	shalt  }
.Lfunc_end2:
_tile_overlayer_lowered:
.L_overlay_start_2:
0xf6: {  	(tag) =	ssettag $0x2  }
0xf7: {  	s0 =	rddreg [dreg:$0x0];
	s2 =	stileid.u32  }
0xf8: {  	s1 =	rddreg [dreg:$0x1];
	p0 =	sne.s32 s2, $0x0  }
0xf9: {  	s3 =	rddreg [dreg:$0x2];
	[bflag:$0x3] =	sbarrier.arrive $0xFFFF;
	s2 =	simm.s32 @!p0 $0x1C02  }
0xfa: {  	[timem:s3], [sflag:s2] =	dma.local @!p0 [hbm:s0], s1  }
0xfb: {  	s0 =	simm.s32 @!p0 $0x2  }
0xfc: {  	_ =	swait.ge @!p0 [sflag:s0], s1  }
0xfd: {  	s1 =	ssub.s32 @!p0 $0x0, s1;
	[sflag:s0] =	ssyncset.done @!p0 $0x0  }
0xfe: {  	[sflag:s0] =	ssyncadd.s32 @!p0 s1  }
0xff: {  	[bflag:$0x3] =	sbarrier.arrive $0xFFFF  }
0x100: {  	_ =	shalt  }

// kernel: kernel.17.cloned.1.call-start
scs
__scs_entry_jumppad:
0x0: {  	(pc) =	sbr.rel $0x88, $3  }
0x1: {  	(tag) =	ssettag $0x0;
	lr =	simm.s32 $0x1  }
0x2: {  	[smem:$0x3F92] =	sst lr;
	_ =	strace $0xD0000000  }
0x3: {  	_ = 	snop  }
0x4: {  	_ = 	snop  }
0x5: {  	_ = 	snop  }
0x6: {  	_ = 	snop  }
0x7: {  	_ = 	snop  }
__scs_overlays_trampoline_lowered:
0x8: {  	[smem:$0x3FA1] =	sst s0  }
0x9: {  	[smem:$0x3FA2] =	sst s1  }
0xa: {  	[smem:$0x3FA3] =	sst s2  }
0xb: {  	[smem:$0x3FA4] =	sst s3  }
0xc: {  	[smem:$0x3FA5] =	sst s4  }
0xd: {  	[smem:$0x3FA6] =	sst s5  }
0xe: {  	[smem:$0x3FA7] =	sst s6  }
0xf: {  	[smem:$0x3FA8] =	sst s7  }
0x10: {  	[smem:$0x3FA9] =	sst s8  }
0x11: {  	[smem:$0x3FAA] =	sst s9;
	s0 =	simm.s32 @!p0 $0x0  }
0x12: {  	s1 =	sld [smem:$0x3F90];
	s0 =	simm.s32 @p0 $0x1  }
0x13: {  	[smem:$0x3FAB] =	sst s0;
	s0 =	simm.s32 @!p1 $0x0  }
0x14: {  	s2 =	sld [smem:$0x3F8F];
	s0 =	simm.s32 @p1 $0x1  }
0x15: {  	[smem:$0x3FAC] =	sst s0;
	s0 =	simm.s32 @!p2 $0x0  }
0x16: {  	s3 =	sld [smem:$0x3FDB];
	s0 =	simm.s32 @p2 $0x1  }
0x17: {  	s4 =	simm.s32 $0x1BF5;
	[smem:$0x3FAE] =	sst s0  }
0x18: {  	s0 =	sld [smem:$0x3F91];
	_ =	swait.ge [sflag:s4], $0x0  }
0x19: {  	s7 =	sld [smem:$0x3F92]  }
0x1a: {  	s8 =	sadd.s32 $0xFFFFE003, lr  }
0x1b: {  	s9 =	sadd.s32 $0xFFFFFEF7, lr;
	s5 =	simm.s32 $0xFFFFFFFF;
	p2 =	slt.u32 s8, $0xFFFFF086  }
0x1c: {  	p1 =	slt.u32 s9, $0xF7A;
	s5 =	simm.s32 @!p2 $0x0  }
0x1d: {  	s5 =	simm.s32 @p1 $0x1;
	p0 =	seq.s32 s7, s2  }
0x1e: {  	s7 =	smul.u32 @!p0 $0xF7A, s2;
	p2 =	seq.s32 @!p0 s5, $0x0  }
0x1f: {  	s9 =	smul.u32 $0xF7A, s1;
	s8 =	simm.s32 @!p0 $0x1BF5;
	p2 =	por !p2, p0  }
0x20: {  	[sflag:s8] =	ssyncset.s32 @!p0 $0xFFFFF086;
	s6 =	sadd.s32 @!p0 s3, s7;
	s7 =	simm.s32 @!p0 $0x108  }
0x21: {  	s3 =	sadd.s32 s3, s9;
	s6 =	sadd.s32 @!p0 $0x88, s6;
	s7 =	simm.s32 @p2 $0x1082  }
0x22: {  	[simem:s7], [sflag:s8] =	dma.local @!p0 [hbm:s6], $0xF7A  }
0x23: {  	s9 =	sor.u32 $0xD0000000, s2;
	s6 =	simm.s32 $0x108;
	_ =	swait.ge @!p0 [sflag:s8], $0x0  }
0x24: {  	s3 =	sadd.s32 $0x88, s3;
	s6 =	simm.s32 @!p1 $0x1082;
	[sflag:s4] =	ssyncset.s32 $0xFFFFF086  }
0x25: {  	[simem:s6], [sflag:s4] =	dma.local [hbm:s3], $0xF7A  }
0x26: {  	[smem:$0x3F92] =	sst s1;
	(tag) =	ssettag s2;
	_ =	strace s9  }
0x27: {  	s1 =	sld [smem:$0x3FA2]  }
0x28: {  	s2 =	sld [smem:$0x3FA3]  }
0x29: {  	s4 =	sld [smem:$0x3FA5]  }
0x2a: {  	p0 =	seq.s32 s5, $0x0;
	s5 =	sld [smem:$0x3FA6]  }
0x2b: {  	s6 =	sld [smem:$0x3FA7]  }
0x2c: {  	s7 =	sld [smem:$0x3FA8]  }
0x2d: {  	s3 =	simm.s32 $0x108;
	s8 =	sld [smem:$0x3FA9]  }
0x2e: {  	s3 =	simm.s32 @!p0 $0x1082;
	s9 =	sld [smem:$0x3FAA]  }
0x2f: {  	lr =	sadd.s32 s0, s3;
	s0 =	sld [smem:$0x3FA1]  }
0x30: {  	s3 =	sld [smem:$0x3FA4]  }
0x31: {  	[smem:$0x3FAD] =	sst s10  }
0x32: {  	s10 =	sld [smem:$0x3FAB];
	_ =	sdelay $0x3  }
0x33: {  	p0 =	seq.s32 s10, $0x1;
	s10 =	sld [smem:$0x3FAD];
	_ =	sdelay $0x3  }
0x34: {  	[smem:$0x3FAD] =	sst s10  }
0x35: {  	s10 =	sld [smem:$0x3FAC];
	_ =	sdelay $0x3  }
0x36: {  	p1 =	seq.s32 s10, $0x1;
	s10 =	sld [smem:$0x3FAD];
	_ =	sdelay $0x3  }
0x37: {  	[smem:$0x3FAD] =	sst s10  }
0x38: {  	s10 =	sld [smem:$0x3FAE]  }
0x39: {  	_ = 	snop;
	(pc) =	sbr.ind lr, $3  }
0x3a: {  	_ = 	snop  }
0x3b: {  	_ = 	snop  }
0x3c: {  	p2 =	seq.s32 s10, $0x1;
	s10 =	sld [smem:$0x3FAD]  }
0x3d: {  	_ =	shalt  }
0x3e: {  	_ =	shalt  }
0x3f: {  	_ =	shalt  }
0x40: {  	_ =	shalt  }
0x41: {  	_ =	shalt  }
0x42: {  	_ =	shalt  }
0x43: {  	_ =	shalt  }
0x44: {  	_ =	shalt  }
0x45: {  	_ =	shalt  }
0x46: {  	_ =	shalt  }
0x47: {  	_ =	shalt  }
0x48: {  	_ =	shalt  }
0x49: {  	_ =	shalt  }
0x4a: {  	_ =	shalt  }
0x4b: {  	_ =	shalt  }
0x4c: {  	_ =	shalt  }
0x4d: {  	_ =	shalt  }
0x4e: {  	_ =	shalt  }
0x4f: {  	_ =	shalt  }
0x50: {  	_ =	shalt  }
0x51: {  	_ =	shalt  }
0x52: {  	_ =	shalt  }
0x53: {  	_ =	shalt  }
0x54: {  	_ =	shalt  }
0x55: {  	_ =	shalt  }
0x56: {  	_ =	shalt  }
0x57: {  	_ =	shalt  }
0x58: {  	_ =	shalt  }
0x59: {  	_ =	shalt  }
0x5a: {  	_ =	shalt  }
0x5b: {  	_ =	shalt  }
0x5c: {  	_ =	shalt  }
0x5d: {  	_ =	shalt  }
0x5e: {  	_ =	shalt  }
0x5f: {  	_ =	shalt  }
0x60: {  	_ =	shalt  }
0x61: {  	_ =	shalt  }
0x62: {  	_ =	shalt  }
0x63: {  	_ =	shalt  }
0x64: {  	_ =	shalt  }
0x65: {  	_ =	shalt  }
0x66: {  	_ =	shalt  }
0x67: {  	_ =	shalt  }
0x68: {  	_ =	shalt  }
0x69: {  	_ =	shalt  }
0x6a: {  	_ =	shalt  }
0x6b: {  	_ =	shalt  }
0x6c: {  	_ =	shalt  }
0x6d: {  	_ =	shalt  }
0x6e: {  	_ =	shalt  }
0x6f: {  	_ =	shalt  }
0x70: {  	_ =	shalt  }
0x71: {  	_ =	shalt  }
0x72: {  	_ =	shalt  }
0x73: {  	_ =	shalt  }
0x74: {  	_ =	shalt  }
0x75: {  	_ =	shalt  }
0x76: {  	_ =	shalt  }
0x77: {  	_ =	shalt  }
0x78: {  	_ =	shalt  }
0x79: {  	_ =	shalt  }
0x7a: {  	_ =	shalt  }
0x7b: {  	_ =	shalt  }
0x7c: {  	_ =	shalt  }
0x7d: {  	_ =	shalt  }
0x7e: {  	_ =	shalt  }
0x7f: {  	_ =	shalt  }
0x80: {  	_ =	shalt  }
0x81: {  	_ =	shalt  }
0x82: {  	_ =	shalt  }
0x83: {  	_ =	shalt  }
0x84: {  	_ =	shalt  }
0x85: {  	_ =	shalt  }
0x86: {  	_ =	shalt  }
0x87: {  	_ =	shalt  }
.Lfunc_end0:
.L_simem_size_0:
called_computation.2_lowered:
.L_overlay_start_0:
0x88: {  	s2 =	sld [smem:$0x3FD9]  }
0x89: {  	s3 =	sld [smem:$0x3FFE];
	_ =	sdelay $0x1  }
0x8a: {  	s1 =	srdreg.scid  }
0x8b: {  	s0 =	sand.u32 $0x1, s1  }
0x8c: {  	s16 =	sshll.u32 s0, $0xA;
	s2 =	sadd.s32 s3, s2  }
0x8d: {  	s2 =	sadd.s32 s2, s16  }
0x8e: {  	[smem:$0x3FB9] =	sst s2  }
0x8f: {  	_ = 	snop  }
0x90: {  	(tm) =	ssettm $0x1  }
0x91: {  	s17 =	sld [smem:$0x3FFB];
	_ =	sdelay $0x3  }
0x92: {  	_ =	strace s17  }
0x93: {  	s2 =	sld [smem:$0x3FFC];
	_ =	sdelay $0x3  }
0x94: {  	_ =	strace s2  }
0x95: {  	s2 =	sld [smem:$0x3FFD];
	_ =	sdelay $0x3  }
0x96: {  	_ =	strace s2  }
0x97: {  	_ =	strace $0x8FFFFFFF  }
0x98: {  	s18 =	sld [smem:$0x3FDB];
	_ =	sdelay $0x1  }
0x99: {  	s19 =	simm.s32 $_scs_section_size  }
0x9a: {  	s4 =	simm.s32 $_size__tile_overlayer_lowered;
	s5 =	simm.s32 $_tile_overlayer_lowered  }
0x9b: {  	s22 =	simm.s32 $0x1BFF;
	s21 =	sshll.u32 s5, $0x1;
	s2 =	sadd.s32 s19, s18  }
0x9c: {  	s6 =	simm.s32 $0x0;
	s20 =	sshll.u32 s4, $0x1;
	s4 =	sadd.s32 s21, s2  }
0x9d: {  	[timem:s6], [sflag:s22] =	dma.local [hbm:s4], s20  }
0x9e: {  	_ =	swait.ge [sflag:s22], s20  }
0x9f: {  	s3 =	ssub.s32 $0x0, s20;
	[sflag:s22] =	ssyncset.done $0x0  }
0xa0: {  	[sflag:s22] =	ssyncadd.s32 s3;
	_ =	sdelay $0x1  }
0xa1: {  	s23 =	simm.s32 $0x1B8B  }
0xa2: {  	_ =	swait.ge [sflag:s23], $0x1  }
0xa3: {  	[sflag:s23] =	ssyncset.done $0x0  }
0xa4: {  	s25 =	simm.s32 $0x1B8E;
	s24 =	sld [smem:$0x3FFE];
	[sflag:s23] =	ssyncadd.s32 $0xFFFFFFFF  }
0xa5: {  	s26 =	simm.s32 $execute0_lowered;
	[smem:$0x3FD2] =	sst s25  }
0xa6: {  	s4 =	sshll.u32 s26, $0x1;
	_ =	strace $0x8000004C;
	[dreg:$0x1] =	wrdreg $0xFFFFFFFF  }
0xa7: {  	s28 =	simm.s32 $_size_execute0_lowered;
	s2 =	sadd.s32 s2, s4;
	[dreg:$0x0] =	wrdreg $0x0  }
0xa8: {  	s4 =	sshll.u32 s28, $0x1;
	[dreg:$0x2] =	wrdreg s2  }
0xa9: {  	[dreg:$0x3] =	wrdreg s4  }
0xaa: {  	[dreg:$0x4] =	wrdreg $0xC0  }
0xab: {  	_ =	task [dreg:s6], $0x5FFFF  }
0xac: {  	[dreg:$0x1] =	wrdreg $0xFFFFFFFF  }
0xad: {  	[dreg:$0x0] =	wrdreg $0x60  }
0xae: {  	[dreg:$0x2] =	wrdreg s24  }
0xaf: {  	[dreg:$0x3] =	wrdreg $0xAD000  }
0xb0: {  	[dreg:$0x4] =	wrdreg $0x9  }
0xb1: {  	_ =	task.clear_ibuf [dreg:s6], $0x5FFFF;
	_ =	strace $0x9000004C  }
0xb2: {  	s29 =	simm.s32 $0x9;
	_ =	strace $0x8000004E  }
0xb3: {  	_ =	swait.ge [sflag:s29], $0x1  }
0xb4: {  	[sflag:s29] =	ssyncadd.s32 $0xFFFFFFFF  }
0xb5: {  	_ =	strace $0x9000004E  }
0xb6: {  	_ =	sfence  }
0xb7: {  	s30 =	sld [smem:$0x0];
	_ =	sdelay $0x2  }
0xb8: {  	s31 =	sshll.u32 s1, $0xD;
	s1 =	sshrl.u32 s1, $0x2  }
0xb9: {  	s3 =	sand.u32 $0x4000, s31;
	s1 =	sadd.s32 s1, s30  }
0xba: {  	s0 =	sor.u32 s3, s0;
	s1 =	sshll.u32 s1, $0x11  }
0xbb: {  	s0 =	sor.u32 s1, s0  }
0xbc: {  	s0 =	sadd.s32 $0x8F2B, s0  }
0xbd: {  	[sflag:s0] =	ssyncadd.remote.s32 $0x1  }
0xbe: {  	_ =	sfence.sel $0xFFFF  }
0xbf: {  	[dreg:$0x0] =	wrdreg $0xFFFFFFFF;
	(pc) =	sbr.abs _section_cstart, $3  }
0xc0: {  	[dreg:$0x1] =	wrdreg $0xFFFFFFFF  }
0xc1: {  	_ =	task.clear_ibuf [dreg:s6], $0x2FFFF;
	_ =	strace $0x9FFFFFFF  }
0xc2: {  	(tm) =	ssettm $0x7FFFFFFF  }
0xc3: {  	_ =	shalt  }
tec
execute0_lowered:
.L_overlay_start_1:
0x0: {  	(tag) =	ssettag $0x1  }
0x1: {  	s0 =	rddreg [dreg:$0x0]  }
0x2: {  	s1 =	rddreg [dreg:$0x1];
	s2 =	simm.s32 $0x0  }
0x3: {  	s5 =	srdreg.scid;
	s20 =	stileid.u32;
	s21 =	simm.s32 $0x2  }
0x4: {  	s22 =	simm.s32 $0x80;
	s23 =	simm.s32 $0x50;
	s24 =	simm.s32 $0x100  }
0x5: {  	s28 =	simm.s32 $0x1;
	s29 =	simm.s32 $0x0;
	s30 =	simm.s32 $0x0  }
0x6: {  	[smem:$0x7FF] =	sst s2;
	s3 =	sadd.s32 $0x3F400, s0;
	s4 =	sadd.s32 $0x66600, s0  }
0x7: {  	s6 =	sand.u32 $0x1, s5;
	s5 =	sadd.s32 $0x8D800, s0;
	s7 =	sadd.s32 $0xE400, s0  }
0x8: {  	s11 =	smul.u32 $0x4E000, s20;
	s8 =	sadd.s32 $0x4600, s0;
	s0 =	sadd.s32 $0xDBC00, s0  }
0x9: {  	s25 =	sshll.u32 s20, $0x1;
	s16 =	smul.u32 $0x2700, s20;
	s15 =	sadd.s32 $0x138000, s1  }
0xa: {  	p0 =	sne.s32 s20, $0x0;
	s20 =	simm.s32 $0x7900;
	_ =	strace $0x8000004D  }
0xb: {  	s9 =	ssub.s32 $0x2, s6;
	s17 =	sor.u32 s6, s25;
	s26 =	smul.u32 $0x27100, s6  }
0xc: {  	s6 =	smul.u32 $0x138800, s6;
	s10 =	sshrl.u32 s9, $0x1;
	s11 =	sshrl.u32 s11, $0x2  }
0xd: {  	s25 =	simm.s32 $0x2900;
	s10 =	ssub.s32 s9, s10;
	s9 =	sadd.s32 s11, s1  }
0xe: {  	s11 =	sadd.s32 s16, s26;
	s6 =	sshrl.u32 s6, $0x3;
	s16 =	smul.u32 $0x2710, s17  }
0xf: {  	s26 =	simm.s32 $0x5100;
	s12 =	sadd.s32 $0x3400, s9;
	s31 =	sadd.s32 $0x6800, s9  }
0x10: {  	s13 =	sadd.s32 $0xD000, s9;
	s14 =	sadd.s32 $0x10400, s9;
	s17 =	sadd.s32 s0, s11  }
0x11: {  	s0 =	sadd.s32 s0, s6;
	s19 =	smax.u32 s10, $0x1;
	[dreg:$0x3] =	wrdreg s12  }
0x12: {  	v0 =	vimm.f32 $0.0e+00;
	[dreg:$0x4] =	wrdreg s31;
	s12 =	sadd.s32 $0x9C00, s9;
	s18 =	sadd.s32 $0x27000, s0  }
.LBB2_1:
0x13: {  	s0 =	simm.s32 $0x0;
	s6 =	simm.s32 $0x200  }
.LBB2_2:
0x14: {  	p1 =	sne.s32 s6, $0xCE00;
	[tilespmem:s0+$0x7970] =	vst v0  }
0x15: {  	[tilespmem:s0+$0x7900] =	vst v0  }
0x16: {  	[tilespmem:s0+$0x7910] =	vst v0  }
.Ltmp0:
0x17: {  	[tilespmem:s0+$0x7920] =	vst v0;
	(pc) =	sbr.rel @p1 .LBB2_2-.Ltmp0, $4  }
0x18: {  	[tilespmem:s0+$0x7930] =	vst v0  }
0x19: {  	[tilespmem:s0+$0x7940] =	vst v0  }
0x1a: {  	[tilespmem:s0+$0x7950] =	vst v0  }
0x1b: {  	[tilespmem:s0+$0x7960] =	vst v0;
	s0 =	sshra.s32 s6, $0x2;
	s6 =	sadd.s32 $0x200, s6  }
0x1c: {  	[tilespmem:s0+$0x7970] =	vst v0  }
0x1d: {  	[tilespmem:s0+$0x7900] =	vst v0  }
0x1e: {  	[tilespmem:s0+$0x7910] =	vst v0  }
0x1f: {  	[tilespmem:s0+$0x7920] =	vst v0  }
0x20: {  	[tilespmem:s0+$0x7930] =	vst v0  }
0x21: {  	[tilespmem:s0+$0x7940] =	vst v0  }
0x22: {  	[tilespmem:s0+$0x7950] =	vst v0  }
0x23: {  	[tilespmem:s0+$0x7960] =	vst v0  }
0x24: {  	[spmem:s9] =	stream.linear.scatter [tilespmem:s20], [sflag:$0x2], $0x3400, $0x38;
	[tilespmem:$0x1E580] =	vst v63  }
0x25: {  	_ =	swait.ge [sflag:s21], $0x3400  }
0x26: {  	[sflag:s21] =	ssyncset.done $0x0  }
0x27: {  	s10 =	rddreg [dreg:$0x3];
	[sflag:s21] =	ssyncadd.s32 $0xFFFFCC00  }
0x28: {  	[spmem:s10] =	stream.linear.scatter [tilespmem:s20], [sflag:$0x2], $0x3400, $0x38;
	[tilespmem:$0x1E580] =	vst v63  }
0x29: {  	_ =	swait.ge [sflag:s21], $0x3400  }
0x2a: {  	[sflag:s21] =	ssyncset.done $0x0  }
0x2b: {  	s11 =	rddreg [dreg:$0x4];
	[sflag:s21] =	ssyncadd.s32 $0xFFFFCC00  }
0x2c: {  	[spmem:s11] =	stream.linear.scatter [tilespmem:s20], [sflag:$0x2], $0x3400, $0x38;
	[tilespmem:$0x1E580] =	vst v63  }
0x2d: {  	_ =	swait.ge [sflag:s21], $0x3400  }
0x2e: {  	[sflag:s21] =	ssyncset.done $0x0  }
0x2f: {  	[sflag:s21] =	ssyncadd.s32 $0xFFFFCC00  }
0x30: {  	[spmem:s12] =	stream.linear.scatter [tilespmem:s20], [sflag:$0x2], $0x3400, $0x38;
	[tilespmem:$0x1E580] =	vst v63  }
0x31: {  	_ =	swait.ge [sflag:s21], $0x3400  }
0x32: {  	[sflag:s21] =	ssyncset.done $0x0  }
0x33: {  	[sflag:s21] =	ssyncadd.s32 $0xFFFFCC00  }
0x34: {  	[spmem:s13] =	stream.linear.scatter [tilespmem:s20], [sflag:$0x2], $0x3400, $0x38;
	[tilespmem:$0x1E580] =	vst v63  }
0x35: {  	_ =	swait.ge [sflag:s21], $0x3400  }
0x36: {  	[sflag:s21] =	ssyncset.done $0x0  }
0x37: {  	[sflag:s21] =	ssyncadd.s32 $0xFFFFCC00  }
0x38: {  	[spmem:s14] =	stream.linear.scatter [tilespmem:s20], [sflag:$0x2], $0x3400, $0x38;
	[tilespmem:$0x1E580] =	vst v63  }
0x39: {  	_ =	swait.ge [sflag:s21], $0x3400  }
0x3a: {  	[sflag:s21] =	ssyncset.done $0x0  }
0x3b: {  	s0 =	simm.s32 @!p0 $0x7900;
	[sflag:s21] =	ssyncadd.s32 $0xFFFFCC00  }
0x3c: {  	[spmem:s15] =	stream.linear.scatter @!p0 [tilespmem:s0], [sflag:$0x2], $0x800, $0x38;
	[tilespmem:$0x1E580] =	vst v63  }
0x3d: {  	s0 =	simm.s32 @!p0 $0x2  }
0x3e: {  	_ =	swait.ge @!p0 [sflag:s0], $0x800  }
0x3f: {  	[sflag:s0] =	ssyncset.done @!p0 $0x0  }
0x40: {  	[sflag:s0] =	ssyncadd.s32 @!p0 $0xFFFFF800  }
0x41: {  	s31 =	simm.s32 $0x0;
	[bflag:$0x0] =	sbarrier.arrive $0xFFFF  }
.LBB2_4:
0x42: {  	s0 =	smul.u32 $0x50, s31;
	_ =	sdelay $0x1  }
0x43: {  	s0 =	sadd.s32 s16, s0  }
0x44: {  	s0 =	sshrl.u32 s0, $0x3  }
0x45: {  	s6 =	sadd.s32 s7, s0  }
0x46: {  	[tilespmem:s22], [sflag:$0x2] =	stream.linear.gather [hbm4b:s6+s30], $0x50, $0x38;
	[tilespmem:$0x1E580] =	vst v63  }
0x47: {  	_ =	swait.ge [sflag:s21], $0x50  }
0x48: {  	[sflag:s21] =	ssyncset.done $0x0  }
0x49: {  	s0 =	sadd.s32 s8, s0;
	[sflag:s21] =	ssyncadd.s32 $0xFFFFFFB0  }
0x4a: {  	[tilespmem:s30], [sflag:$0x2] =	stream.linear.gather [hbm4b:s0+s30], $0x50, $0x38;
	[tilespmem:$0x1E580] =	vst v63  }
0x4b: {  	_ =	swait.ge [sflag:s21], $0x50  }
0x4c: {  	[sflag:s21] =	ssyncset.done $0x0  }
0x4d: {  	[sflag:s21] =	ssyncadd.s32 $0xFFFFFFB0  }
0x4e: {  	[tilespmem:s24], [sflag:$0x1] =	stream.indirect.gather [hbm4b:s3+s23], $0x80, s30, s23, $0xb8;
	[tilespmem:$0x1E580] =	vst v63  }
0x4f: {  	_ = 	snop  }
0x50: {  	[tilespmem:s25], [sflag:$0x1] =	stream.indirect.gather [hbm4b:s4+s23], $0x80, s22, s23, $0xb8;
	[tilespmem:$0x1E580] =	vst v63  }
0x51: {  	_ = 	snop  }
0x52: {  	[tilespmem:s26], [sflag:$0x1] =	stream.indirect.gather [hbm4b:s5+s23], $0x80, s22, s23, $0xb8;
	[tilespmem:$0x1E580] =	vst v63  }
0x53: {  	_ =	swait.ge [sflag:s28], $0x2800  }
0x54: {  	[sflag:s28] =	ssyncset.done $0x0  }
0x55: {  	[sflag:s28] =	ssyncadd.s32 $0xFFFFD800  }
0x56: {  	_ =	swait.ge [sflag:s28], $0x2800  }
0x57: {  	[sflag:s28] =	ssyncset.done $0x0  }
0x58: {  	[sflag:s28] =	ssyncadd.s32 $0xFFFFD800  }
0x59: {  	_ =	swait.ge [sflag:s28], $0x2800  }
0x5a: {  	[sflag:s28] =	ssyncset.done $0x0  }
0x5b: {  	s0 =	simm.s32 $0x0;
	[sflag:s28] =	ssyncadd.s32 $0xFFFFD800  }
0x5c: {  	v1 =	vld [tilespmem:s0+$0x2950]  }
0x5d: {  	v2 =	vld [tilespmem:s0+$0x150]  }
0x5e: {  	v3 =	vld [tilespmem:s0+$0x2940]  }
0x5f: {  	v4 =	vld [tilespmem:s0+$0x2930]  }
0x60: {  	v6 =	vld [tilespmem:s0+$0x2910]  }
0x61: {  	v7 =	vld [tilespmem:s0+$0x130]  }
0x62: {  	v8 =	vld [tilespmem:s0+$0x110];
	v1 =	vadd.f32 v1, v2  }
0x63: {  	v2 =	vld [tilespmem:s0+$0x140]  }
0x64: {  	v9 =	vld [tilespmem:s0+$0x2970];
	v1 =	vsub.f32 $0.0e+00, v1  }
0x65: {  	v10 =	vld [tilespmem:s0+$0x170]  }
0x66: {  	v5 =	vld [tilespmem:s0+$0x2900];
	v1 =	vmul.f32 $1.442695020e+00, v1  }
0x67: {  	v11 =	vld [tilespmem:s0+$0x100]  }
0x68: {  	(erf) = vpow2.f32 v1;
	v1 =	vadd.f32 v3, v2  }
0x69: {  	v2 =	vadd.f32 v4, v7;
	v4 =	vadd.f32 v6, v8  }
0x6a: {  	v3 =	vld [tilespmem:s0+$0x2960];
	v7 =	vadd.f32 v9, v10;
	v1 =	vsub.f32 $0.0e+00, v1  }
0x6b: {  	v6 =	vld [tilespmem:s0+$0x160];
	v2 =	vsub.f32 $0.0e+00, v2;
	v4 =	vsub.f32 $0.0e+00, v4  }
0x6c: {  	v5 =	vadd.f32 v5, v11;
	v8 =	vld [tilespmem:s0+$0x2920];
	v1 =	vmul.f32 $1.442695020e+00, v1  }
0x6d: {  	v9 =	vld [tilespmem:s0+$0x120];
	v7 =	vsub.f32 $0.0e+00, v7;
	v2 =	vmul.f32 $1.442695020e+00, v2;
	v4 =	vmul.f32 $1.442695020e+00, v4  }
0x6e: {  	(erf) = vpow2.f32 v1;
	v1 =	vsub.f32 $0.0e+00, v5  }
0x6f: {  	(erf) = vpow2.f32 v2;
	v2 =	vmul.f32 $1.442695020e+00, v7  }
0x70: {  	v3 =	vadd.f32 v3, v6;
	(erf) = vpow2.f32 v4;
	v1 =	vmul.f32 $1.442695020e+00, v1  }
0x71: {  	v4 =	vpop (erf);
	(erf) = vpow2.f32 v2  }
0x72: {  	v3 =	vsub.f32 $0.0e+00, v3;
	(erf) = vpow2.f32 v1;
	v1 =	vadd.f32 v8, v9  }
0x73: {  	v4 =	vadd.f32 $1.000000000e+00, v4  }
0x74: {  	v2 =	vmul.f32 $1.442695020e+00, v3;
	v1 =	vsub.f32 $0.0e+00, v1  }
0x75: {  	(erf) = vrcp.f32 v4  }
0x76: {  	(erf) = vpow2.f32 v2;
	v1 =	vmul.f32 $1.442695020e+00, v1  }
0x77: {  	v3 =	vpop (erf)  }
0x78: {  	v4 =	vpop (erf);
	(erf) = vpow2.f32 v1  }
0x79: {  	v5 =	vld [tilespmem:s0+$0x5150]  }
0x7a: {  	v2 =	vld [tilespmem:s0+$0x5140];
	v3 =	vadd.f32 $1.000000000e+00, v3  }
0x7b: {  	v1 =	vld [tilespmem:s0+$0x5120];
	v4 =	vadd.f32 $1.000000000e+00, v4;
	v6 =	vpop (erf)  }
0x7c: {  	v6 =	vadd.f32 $1.000000000e+00, v6;
	(erf) = vrcp.f32 v3;
	v3 =	vld [tilespmem:s0+$0x5160];
	v7 =	vpop (erf)  }
0x7d: {  	(erf) = vrcp.f32 v4;
	v4 =	vld [tilespmem:s0+$0x5100];
	v10 =	vadd.f32 $1.000000000e+00, v7;
	v7 =	vpop (erf)  }
0x7e: {  	(erf) = vrcp.f32 v6;
	v6 =	vld [tilespmem:s0+$0x5110];
	v8 =	vpop (erf)  }
0x7f: {  	s10 =	simm.s32 $0x200;
	s6 =	simm.s32 $0x400;
	v7 =	vadd.f32 $1.000000000e+00, v7;
	(erf) = vrcp.f32 v10;
	v8 =	vmul.f32 v8, v5;
	v5 =	vld [tilespmem:s0+$0x5170];
	v9 =	vpop (erf)  }
.LBB2_5:
0x80: {  	p1 =	sne.s32 s6, $0x9E00  }
0x81: {  	s11 =	sshra.s32 s10, $0x2;
	v10 =	vld [tilespmem:s0+$0x5130];
	v9 =	vadd.f32 $1.000000000e+00, v9;
	(erf) = vrcp.f32 v7;
	v7 =	vpop (erf);
	s10 =	smov.u32 s6;
	s6 =	sadd.s32 $0x200, s6  }
0x82: {  	v11 =	vld [tilespmem:s11+$0x2950];
	v7 =	vadd.f32 $1.000000000e+00, v7;
	[tilespmem:s0+$0x150] =	vst v8  }
0x83: {  	v8 =	vld [tilespmem:s11+$0x150];
	(erf) = vrcp.f32 v9  }
0x84: {  	v9 =	vld [tilespmem:s11+$0x2940];
	(erf) = vrcp.f32 v7  }
0x85: {  	v7 =	vld [tilespmem:s11+$0x2920];
	v12 =	vpop (erf)  }
0x86: {  	v13 =	vld [tilespmem:s11+$0x2930];
	v2 =	vmul.f32 v12, v2;
	v12 =	vpop (erf)  }
0x87: {  	v14 =	vld [tilespmem:s11+$0x2900];
	v16 =	vmul.f32 v12, v10;
	v12 =	vpop (erf)  }
0x88: {  	v15 =	vld [tilespmem:s11+$0x2910];
	v8 =	vadd.f32 v11, v8;
	v12 =	vmul.f32 v12, v6;
	[tilespmem:s0+$0x140] =	vst v2  }
0x89: {  	v2 =	vld [tilespmem:s11+$0x140];
	[tilespmem:s0+$0x130] =	vst v16;
	v10 =	vpop (erf)  }
0x8a: {  	v11 =	vld [tilespmem:s11+$0x130];
	v8 =	vsub.f32 $0.0e+00, v8;
	[tilespmem:s0+$0x110] =	vst v12;
	v12 =	vmul.f32 v10, v5;
	v6 =	vpop (erf)  }
0x8b: {  	v10 =	vld [tilespmem:s11+$0x110];
	v16 =	vmul.f32 v6, v4  }
0x8c: {  	v6 =	vmul.f32 $1.442695020e+00, v8;
	v8 =	vld [tilespmem:s11+$0x2970];
	[tilespmem:s0+$0x170] =	vst v12;
	v5 =	vpop (erf)  }
0x8d: {  	v12 =	vld [tilespmem:s11+$0x170];
	[tilespmem:s0+$0x100] =	vst v16;
	v3 =	vmul.f32 v5, v3;
	v4 =	vpop (erf)  }
0x8e: {  	v5 =	vld [tilespmem:s11+$0x100];
	v2 =	vadd.f32 v9, v2;
	(erf) = vpow2.f32 v6;
	v1 =	vmul.f32 v4, v1  }
0x8f: {  	v4 =	vadd.f32 v13, v11;
	v6 =	vld [tilespmem:s11+$0x2960];
	[tilespmem:s0+$0x160] =	vst v3  }
0x90: {  	v3 =	vadd.f32 v15, v10;
	v2 =	vsub.f32 $0.0e+00, v2;
	v9 =	vld [tilespmem:s11+$0x160];
	[tilespmem:s0+$0x120] =	vst v1;
	s0 =	smov.u32 s11  }
0x91: {  	v1 =	vld [tilespmem:s0+$0x120];
	v4 =	vsub.f32 $0.0e+00, v4  }
0x92: {  	v3 =	vsub.f32 $0.0e+00, v3;
	v10 =	vmul.f32 $1.442695020e+00, v2;
	v2 =	vld [tilespmem:s0+$0x5140];
	v8 =	vadd.f32 v8, v12  }
0x93: {  	v5 =	vadd.f32 v14, v5;
	v4 =	vmul.f32 $1.442695020e+00, v4  }
0x94: {  	v3 =	vmul.f32 $1.442695020e+00, v3;
	v8 =	vsub.f32 $0.0e+00, v8;
	(erf) = vpow2.f32 v10  }
0x95: {  	v5 =	vsub.f32 $0.0e+00, v5;
	v9 =	vadd.f32 v6, v9;
	(erf) = vpow2.f32 v4  }
0x96: {  	v1 =	vadd.f32 v7, v1;
	v4 =	vmul.f32 $1.442695020e+00, v8;
	(erf) = vpow2.f32 v3  }
0x97: {  	v3 =	vmul.f32 $1.442695020e+00, v5;
	v5 =	vsub.f32 $0.0e+00, v9;
	v6 =	vpop (erf)  }
0x98: {  	v1 =	vsub.f32 $0.0e+00, v1;
	v6 =	vadd.f32 $1.000000000e+00, v6;
	(erf) = vpow2.f32 v4  }
0x99: {  	v4 =	vmul.f32 $1.442695020e+00, v5;
	(erf) = vpow2.f32 v3  }
0x9a: {  	v3 =	vmul.f32 $1.442695020e+00, v1;
	(erf) = vrcp.f32 v6  }
0x9b: {  	(erf) = vpow2.f32 v4  }
0x9c: {  	(erf) = vpow2.f32 v3  }
0x9d: {  	v1 =	vpop (erf)  }
0x9e: {  	v3 =	vadd.f32 $1.000000000e+00, v1;
	v5 =	vld [tilespmem:s0+$0x5150];
	v1 =	vpop (erf)  }
0x9f: {  	v4 =	vadd.f32 $1.000000000e+00, v1;
	v1 =	vpop (erf)  }
.Ltmp1:
0xa0: {  	v6 =	vadd.f32 $1.000000000e+00, v1;
	v1 =	vld [tilespmem:s0+$0x5120];
	(erf) = vrcp.f32 v3;
	(pc) =	sbr.rel @p1 .LBB2_5-.Ltmp1, $4  }
0xa1: {  	v3 =	vld [tilespmem:s0+$0x5160];
	(erf) = vrcp.f32 v4;
	v7 =	vpop (erf)  }
0xa2: {  	v4 =	vld [tilespmem:s0+$0x5100];
	v10 =	vadd.f32 $1.000000000e+00, v7;
	v7 =	vpop (erf);
	(erf) = vrcp.f32 v6  }
0xa3: {  	v7 =	vadd.f32 $1.000000000e+00, v7;
	v6 =	vld [tilespmem:s0+$0x5110];
	v8 =	vpop (erf)  }
0xa4: {  	v8 =	vmul.f32 v8, v5;
	v5 =	vld [tilespmem:s0+$0x5170];
	v9 =	vpop (erf);
	(erf) = vrcp.f32 v10  }
0xa5: {  	_ =	sdelay $0x1  }
0xa6: {  	s6 =	sshra.s32 s10, $0x2;
	v10 =	vld [tilespmem:s0+$0x5130]  }
0xa7: {  	v13 =	vpop (erf);
	v11 =	vld [tilespmem:s6+$0x2950];
	[tilespmem:s0+$0x150] =	vst v8  }
0xa8: {  	(erf) = vrcp.f32 v7;
	v9 =	vadd.f32 $1.000000000e+00, v9;
	v8 =	vld [tilespmem:s6+$0x150];
	v38 =	vpop (erf)  }
0xa9: {  	v40 =	vadd.f32 $1.000000000e+00, v13;
	v12 =	vld [tilespmem:s6+$0x2940];
	v2 =	vmul.f32 v38, v2  }
0xaa: {  	v14 =	vld [tilespmem:s6+$0x2920];
	(erf) = vrcp.f32 v9  }
0xab: {  	v15 =	vld [tilespmem:s6+$0x2930];
	(erf) = vrcp.f32 v40  }
0xac: {  	v39 =	vld [tilespmem:s6+$0x2900];
	v16 =	vpop (erf)  }
0xad: {  	v17 =	vld [tilespmem:s6+$0x2910];
	v10 =	vmul.f32 v16, v10;
	[tilespmem:s0+$0x140] =	vst v2;
	v2 =	vpop (erf)  }
0xae: {  	v2 =	vmul.f32 v2, v6  }
0xaf: {  	v41 =	vld [tilespmem:s6+$0x140];
	[tilespmem:s0+$0x130] =	vst v10;
	v43 =	vpop (erf)  }
0xb0: {  	v8 =	vadd.f32 v11, v8;
	v42 =	vld [tilespmem:s6+$0x130];
	[tilespmem:s0+$0x110] =	vst v2;
	v2 =	vmul.f32 v43, v5  }
0xb1: {  	v45 =	vpop (erf);
	v44 =	vld [tilespmem:s6+$0x110]  }
0xb2: {  	v4 =	vmul.f32 v45, v4;
	v10 =	vld [tilespmem:s6+$0x2970];
	[tilespmem:s0+$0x170] =	vst v2;
	v2 =	vsub.f32 $0.0e+00, v8  }
0xb3: {  	v47 =	vpop (erf)  }
0xb4: {  	v3 =	vmul.f32 v47, v3;
	v48 =	vpop (erf);
	v46 =	vld [tilespmem:s6+$0x170];
	[tilespmem:s0+$0x100] =	vst v4;
	v2 =	vmul.f32 $1.442695020e+00, v2  }
0xb5: {  	v1 =	vmul.f32 v48, v1;
	v4 =	vld [tilespmem:s6+$0x100]  }
0xb6: {  	v49 =	vld [tilespmem:s6+$0x2960];
	[tilespmem:s0+$0x160] =	vst v3;
	(erf) = vpow2.f32 v2;
	v2 =	vadd.f32 v12, v41  }
0xb7: {  	v3 =	vadd.f32 v15, v42;
	v50 =	vld [tilespmem:s6+$0x160];
	[tilespmem:s0+$0x120] =	vst v1;
	v5 =	vadd.f32 v17, v44  }
0xb8: {  	v1 =	vsub.f32 $0.0e+00, v2;
	v2 =	vld [tilespmem:s6+$0x120]  }
0xb9: {  	v3 =	vsub.f32 $0.0e+00, v3;
	v5 =	vsub.f32 $0.0e+00, v5  }
0xba: {  	v8 =	vadd.f32 v10, v46;
	v1 =	vmul.f32 $1.442695020e+00, v1  }
0xbb: {  	v3 =	vmul.f32 $1.442695020e+00, v3;
	v4 =	vadd.f32 v39, v4;
	v5 =	vmul.f32 $1.442695020e+00, v5  }
0xbc: {  	v51 =	vsub.f32 $0.0e+00, v8;
	v52 =	vadd.f32 v49, v50;
	(erf) = vpow2.f32 v1  }
0xbd: {  	v1 =	vsub.f32 $0.0e+00, v4;
	(erf) = vpow2.f32 v3;
	v2 =	vadd.f32 v14, v2  }
0xbe: {  	v4 =	vsub.f32 $0.0e+00, v52;
	v3 =	vmul.f32 $1.442695020e+00, v51;
	(erf) = vpow2.f32 v5  }
0xbf: {  	v1 =	vmul.f32 $1.442695020e+00, v1;
	v53 =	vpop (erf);
	v2 =	vsub.f32 $0.0e+00, v2  }
0xc0: {  	(erf) = vpow2.f32 v3;
	v3 =	vmul.f32 $1.442695020e+00, v4;
	v5 =	vadd.f32 $1.000000000e+00, v53  }
0xc1: {  	(erf) = vpow2.f32 v1;
	v1 =	vmul.f32 $1.442695020e+00, v2  }
0xc2: {  	(erf) = vrcp.f32 v5  }
0xc3: {  	(erf) = vpow2.f32 v3  }
0xc4: {  	(erf) = vpow2.f32 v1  }
0xc5: {  	v1 =	vpop (erf)  }
0xc6: {  	v2 =	vpop (erf);
	v1 =	vadd.f32 $1.000000000e+00, v1  }
0xc7: {  	v3 =	vpop (erf)  }
0xc8: {  	v3 =	vadd.f32 $1.000000000e+00, v3  }
0xc9: {  	v2 =	vadd.f32 $1.000000000e+00, v2;
	v54 =	vpop (erf);
	(erf) = vrcp.f32 v1  }
0xca: {  	v1 =	vpop (erf)  }
0xcb: {  	(erf) = vrcp.f32 v2;
	v2 =	vadd.f32 $1.000000000e+00, v54;
	v55 =	vpop (erf)  }
0xcc: {  	(erf) = vrcp.f32 v3;
	v1 =	vadd.f32 $1.000000000e+00, v1;
	v3 =	vpop (erf)  }
0xcd: {  	(erf) = vrcp.f32 v2;
	v2 =	vadd.f32 $1.000000000e+00, v3;
	v3 =	vpop (erf)  }
0xce: {  	(erf) = vrcp.f32 v1;
	v1 =	vadd.f32 $1.000000000e+00, v3;
	v3 =	vld [tilespmem:s6+$0x5140]  }
0xcf: {  	v56 =	vld [tilespmem:s6+$0x5150]  }
0xd0: {  	(erf) = vrcp.f32 v2  }
0xd1: {  	v2 =	vld [tilespmem:s6+$0x5130];
	(erf) = vrcp.f32 v1  }
0xd2: {  	v1 =	vld [tilespmem:s6+$0x5110];
	v59 =	vpop (erf)  }
0xd3: {  	v57 =	vld [tilespmem:s6+$0x5170];
	v3 =	vmul.f32 v59, v3  }
0xd4: {  	v58 =	vld [tilespmem:s6+$0x5100];
	v4 =	vmul.f32 v55, v56  }
0xd5: {  	v60 =	vld [tilespmem:s6+$0x5160];
	v61 =	vpop (erf)  }
0xd6: {  	v62 =	vld [tilespmem:s6+$0x5120];
	[tilespmem:s6+$0x150] =	vst v4;
	v63 =	vpop (erf);
	v2 =	vmul.f32 v61, v2  }
0xd7: {  	v1 =	vmul.f32 v63, v1;
	[tilespmem:s6+$0x140] =	vst v3;
	v3 =	vpop (erf)  }
0xd8: {  	[tilespmem:s6+$0x130] =	vst v2;
	v2 =	vmul.f32 v3, v57;
	v3 =	vpop (erf)  }
0xd9: {  	[tilespmem:s6+$0x110] =	vst v1;
	v1 =	vmul.f32 v3, v58;
	v3 =	vpop (erf)  }
0xda: {  	[tilespmem:s6+$0x170] =	vst v2;
	v2 =	vmul.f32 v3, v60;
	v3 =	vpop (erf)  }
0xdb: {  	s31 =	sadd.s32 $0x1, s31;
	[tilespmem:s6+$0x100] =	vst v1;
	v1 =	vmul.f32 v3, v62  }
0xdc: {  	p1 =	sne.s32 s31, $0x7D;
	[tilespmem:s6+$0x160] =	vst v2  }
.Ltmp2:
0xdd: {  	[tilespmem:s6+$0x120] =	vst v1;
	(pc) =	sbr.rel @p1 .LBB2_4-.Ltmp2, $4  }
0xde: {  	[spmem:s1] =	stream.indirect.scatter.add.f32 [tilespmem:s24], [sflag:$0x2], $0x80, s2, s23, $0xb8;
	[tilespmem:$0x1E580] =	vst v63  }
0xdf: {  	_ =	swait.ge [sflag:s21], $0x2800  }
0xe0: {  	[sflag:s21] =	ssyncset.done $0x0  }
0xe1: {  	[sflag:s21] =	ssyncadd.s32 $0xFFFFD800  }
0xe2: {  	s0 =	stileid.u32  }
0xe3: {  	s0 =	sshll.u32 s0, $0x6  }
0xe4: {  	[bflag:$0x0] =	sbarrier.arrive $0xFFFF;
	s6 =	sshrl.u32 s9, $0x3;
	s0 =	sor.u32 $0x1C02, s0  }
0xe5: {  	[hbm:s17], [sflag:s0] =	dma.local [spmem:s6], $0x2700  }
0xe6: {  	_ =	swait.ge [sflag:s21], $0x2700  }
0xe7: {  	s29 =	sadd.s32 $0x1, s29;
	[sflag:s21] =	ssyncset.done $0x0  }
0xe8: {  	p1 =	sne.s32 s29, s19;
	s6 =	sshrl.u32 @!p0 s15, $0x3;
	[sflag:s21] =	ssyncadd.s32 $0xFFFFD900  }
0xe9: {  	[hbm:s18], [sflag:s0] =	dma.local @!p0 [spmem:s6], $0x100  }
.Ltmp3:
0xea: {  	_ = 	snop;
	(pc) =	sbr.rel @p1 .LBB2_1-.Ltmp3, $4  }
0xeb: {  	s0 =	simm.s32 @!p0 $0x2  }
0xec: {  	_ =	swait.ge @!p0 [sflag:s0], $0x100  }
0xed: {  	[sflag:s0] =	ssyncset.done @!p0 $0x0  }
0xee: {  	[sflag:s0] =	ssyncadd.s32 @!p0 $0xFFFFFF00  }
0xef: {  	_ =	sfence.sel $0x180000  }
0xf0: {  	[bflag:$0x0] =	sbarrier.arrive $0xFFFF  }
0xf1: {  	_ =	strace $0x9000004D  }
0xf2: {  	[bflag:$0x2] =	sbarrier.arrive $0xFFFF  }
0xf3: {  	s0 =	rddreg [dreg:$0x2]  }
0xf4: {  	s0 =	sadd.s32 @!p0 $0x100000, s0  }
0xf5: {  	[sflag:s0] =	ssyncadd.tile.s32 @!p0 $0x1;
	_ =	shalt  }
.Lfunc_end2:
_tile_overlayer_lowered:
.L_overlay_start_2:
0xf6: {  	(tag) =	ssettag $0x2  }
0xf7: {  	s0 =	rddreg [dreg:$0x0];
	s2 =	stileid.u32  }
0xf8: {  	s1 =	rddreg [dreg:$0x1];
	p0 =	sne.s32 s2, $0x0  }
0xf9: {  	s3 =	rddreg [dreg:$0x2];
	[bflag:$0x3] =	sbarrier.arrive $0xFFFF;
	s2 =	simm.s32 @!p0 $0x1C02  }
0xfa: {  	[timem:s3], [sflag:s2] =	dma.local @!p0 [hbm:s0], s1  }
0xfb: {  	s0 =	simm.s32 @!p0 $0x2  }
0xfc: {  	_ =	swait.ge @!p0 [sflag:s0], s1  }
0xfd: {  	s1 =	ssub.s32 @!p0 $0x0, s1;
	[sflag:s0] =	ssyncset.done @!p0 $0x0  }
0xfe: {  	[sflag:s0] =	ssyncadd.s32 @!p0 s1  }
0xff: {  	[bflag:$0x3] =	sbarrier.arrive $0xFFFF  }
0x100: {  	_ =	shalt  }

// kernel: kernel.20.cloned.1.call-start
scs
__scs_entry_jumppad:
0x0: {  	(pc) =	sbr.rel $0x88, $3  }
0x1: {  	(tag) =	ssettag $0x0;
	lr =	simm.s32 $0x1  }
0x2: {  	[smem:$0x3F92] =	sst lr;
	_ =	strace $0xD0000000  }
0x3: {  	_ = 	snop  }
0x4: {  	_ = 	snop  }
0x5: {  	_ = 	snop  }
0x6: {  	_ = 	snop  }
0x7: {  	_ = 	snop  }
__scs_overlays_trampoline_lowered:
0x8: {  	[smem:$0x3FA1] =	sst s0  }
0x9: {  	[smem:$0x3FA2] =	sst s1  }
0xa: {  	[smem:$0x3FA3] =	sst s2  }
0xb: {  	[smem:$0x3FA4] =	sst s3  }
0xc: {  	[smem:$0x3FA5] =	sst s4  }
0xd: {  	[smem:$0x3FA6] =	sst s5  }
0xe: {  	[smem:$0x3FA7] =	sst s6  }
0xf: {  	[smem:$0x3FA8] =	sst s7  }
0x10: {  	[smem:$0x3FA9] =	sst s8  }
0x11: {  	[smem:$0x3FAA] =	sst s9;
	s0 =	simm.s32 @!p0 $0x0  }
0x12: {  	s1 =	sld [smem:$0x3F90];
	s0 =	simm.s32 @p0 $0x1  }
0x13: {  	[smem:$0x3FAB] =	sst s0;
	s0 =	simm.s32 @!p1 $0x0  }
0x14: {  	s2 =	sld [smem:$0x3F8F];
	s0 =	simm.s32 @p1 $0x1  }
0x15: {  	[smem:$0x3FAC] =	sst s0;
	s0 =	simm.s32 @!p2 $0x0  }
0x16: {  	s3 =	sld [smem:$0x3FDB];
	s0 =	simm.s32 @p2 $0x1  }
0x17: {  	s4 =	simm.s32 $0x1BF5;
	[smem:$0x3FAE] =	sst s0  }
0x18: {  	s0 =	sld [smem:$0x3F91];
	_ =	swait.ge [sflag:s4], $0x0  }
0x19: {  	s7 =	sld [smem:$0x3F92]  }
0x1a: {  	s8 =	sadd.s32 $0xFFFFE003, lr  }
0x1b: {  	s9 =	sadd.s32 $0xFFFFFEF7, lr;
	s5 =	simm.s32 $0xFFFFFFFF;
	p2 =	slt.u32 s8, $0xFFFFF086  }
0x1c: {  	p1 =	slt.u32 s9, $0xF7A;
	s5 =	simm.s32 @!p2 $0x0  }
0x1d: {  	s5 =	simm.s32 @p1 $0x1;
	p0 =	seq.s32 s7, s2  }
0x1e: {  	s7 =	smul.u32 @!p0 $0xF7A, s2;
	p2 =	seq.s32 @!p0 s5, $0x0  }
0x1f: {  	s9 =	smul.u32 $0xF7A, s1;
	s8 =	simm.s32 @!p0 $0x1BF5;
	p2 =	por !p2, p0  }
0x20: {  	[sflag:s8] =	ssyncset.s32 @!p0 $0xFFFFF086;
	s6 =	sadd.s32 @!p0 s3, s7;
	s7 =	simm.s32 @!p0 $0x108  }
0x21: {  	s3 =	sadd.s32 s3, s9;
	s6 =	sadd.s32 @!p0 $0x88, s6;
	s7 =	simm.s32 @p2 $0x1082  }
0x22: {  	[simem:s7], [sflag:s8] =	dma.local @!p0 [hbm:s6], $0xF7A  }
0x23: {  	s9 =	sor.u32 $0xD0000000, s2;
	s6 =	simm.s32 $0x108;
	_ =	swait.ge @!p0 [sflag:s8], $0x0  }
0x24: {  	s3 =	sadd.s32 $0x88, s3;
	s6 =	simm.s32 @!p1 $0x1082;
	[sflag:s4] =	ssyncset.s32 $0xFFFFF086  }
0x25: {  	[simem:s6], [sflag:s4] =	dma.local [hbm:s3], $0xF7A  }
0x26: {  	[smem:$0x3F92] =	sst s1;
	(tag) =	ssettag s2;
	_ =	strace s9  }
0x27: {  	s1 =	sld [smem:$0x3FA2]  }
0x28: {  	s2 =	sld [smem:$0x3FA3]  }
0x29: {  	s4 =	sld [smem:$0x3FA5]  }
0x2a: {  	p0 =	seq.s32 s5, $0x0;
	s5 =	sld [smem:$0x3FA6]  }
0x2b: {  	s6 =	sld [smem:$0x3FA7]  }
0x2c: {  	s7 =	sld [smem:$0x3FA8]  }
0x2d: {  	s3 =	simm.s32 $0x108;
	s8 =	sld [smem:$0x3FA9]  }
0x2e: {  	s3 =	simm.s32 @!p0 $0x1082;
	s9 =	sld [smem:$0x3FAA]  }
0x2f: {  	lr =	sadd.s32 s0, s3;
	s0 =	sld [smem:$0x3FA1]  }
0x30: {  	s3 =	sld [smem:$0x3FA4]  }
0x31: {  	[smem:$0x3FAD] =	sst s10  }
0x32: {  	s10 =	sld [smem:$0x3FAB];
	_ =	sdelay $0x3  }
0x33: {  	p0 =	seq.s32 s10, $0x1;
	s10 =	sld [smem:$0x3FAD];
	_ =	sdelay $0x3  }
0x34: {  	[smem:$0x3FAD] =	sst s10  }
0x35: {  	s10 =	sld [smem:$0x3FAC];
	_ =	sdelay $0x3  }
0x36: {  	p1 =	seq.s32 s10, $0x1;
	s10 =	sld [smem:$0x3FAD];
	_ =	sdelay $0x3  }
0x37: {  	[smem:$0x3FAD] =	sst s10  }
0x38: {  	s10 =	sld [smem:$0x3FAE]  }
0x39: {  	_ = 	snop;
	(pc) =	sbr.ind lr, $3  }
0x3a: {  	_ = 	snop  }
0x3b: {  	_ = 	snop  }
0x3c: {  	p2 =	seq.s32 s10, $0x1;
	s10 =	sld [smem:$0x3FAD]  }
0x3d: {  	_ =	shalt  }
0x3e: {  	_ =	shalt  }
0x3f: {  	_ =	shalt  }
0x40: {  	_ =	shalt  }
0x41: {  	_ =	shalt  }
0x42: {  	_ =	shalt  }
0x43: {  	_ =	shalt  }
0x44: {  	_ =	shalt  }
0x45: {  	_ =	shalt  }
0x46: {  	_ =	shalt  }
0x47: {  	_ =	shalt  }
0x48: {  	_ =	shalt  }
0x49: {  	_ =	shalt  }
0x4a: {  	_ =	shalt  }
0x4b: {  	_ =	shalt  }
0x4c: {  	_ =	shalt  }
0x4d: {  	_ =	shalt  }
0x4e: {  	_ =	shalt  }
0x4f: {  	_ =	shalt  }
0x50: {  	_ =	shalt  }
0x51: {  	_ =	shalt  }
0x52: {  	_ =	shalt  }
0x53: {  	_ =	shalt  }
0x54: {  	_ =	shalt  }
0x55: {  	_ =	shalt  }
0x56: {  	_ =	shalt  }
0x57: {  	_ =	shalt  }
0x58: {  	_ =	shalt  }
0x59: {  	_ =	shalt  }
0x5a: {  	_ =	shalt  }
0x5b: {  	_ =	shalt  }
0x5c: {  	_ =	shalt  }
0x5d: {  	_ =	shalt  }
0x5e: {  	_ =	shalt  }
0x5f: {  	_ =	shalt  }
0x60: {  	_ =	shalt  }
0x61: {  	_ =	shalt  }
0x62: {  	_ =	shalt  }
0x63: {  	_ =	shalt  }
0x64: {  	_ =	shalt  }
0x65: {  	_ =	shalt  }
0x66: {  	_ =	shalt  }
0x67: {  	_ =	shalt  }
0x68: {  	_ =	shalt  }
0x69: {  	_ =	shalt  }
0x6a: {  	_ =	shalt  }
0x6b: {  	_ =	shalt  }
0x6c: {  	_ =	shalt  }
0x6d: {  	_ =	shalt  }
0x6e: {  	_ =	shalt  }
0x6f: {  	_ =	shalt  }
0x70: {  	_ =	shalt  }
0x71: {  	_ =	shalt  }
0x72: {  	_ =	shalt  }
0x73: {  	_ =	shalt  }
0x74: {  	_ =	shalt  }
0x75: {  	_ =	shalt  }
0x76: {  	_ =	shalt  }
0x77: {  	_ =	shalt  }
0x78: {  	_ =	shalt  }
0x79: {  	_ =	shalt  }
0x7a: {  	_ =	shalt  }
0x7b: {  	_ =	shalt  }
0x7c: {  	_ =	shalt  }
0x7d: {  	_ =	shalt  }
0x7e: {  	_ =	shalt  }
0x7f: {  	_ =	shalt  }
0x80: {  	_ =	shalt  }
0x81: {  	_ =	shalt  }
0x82: {  	_ =	shalt  }
0x83: {  	_ =	shalt  }
0x84: {  	_ =	shalt  }
0x85: {  	_ =	shalt  }
0x86: {  	_ =	shalt  }
0x87: {  	_ =	shalt  }
.Lfunc_end0:
.L_simem_size_0:
called_computation.3_lowered:
.L_overlay_start_0:
0x88: {  	s2 =	sld [smem:$0x3FD9]  }
0x89: {  	s3 =	sld [smem:$0x3FFE];
	_ =	sdelay $0x1  }
0x8a: {  	s1 =	srdreg.scid  }
0x8b: {  	s0 =	sand.u32 $0x1, s1  }
0x8c: {  	s16 =	sshll.u32 s0, $0xA;
	s2 =	sadd.s32 s3, s2  }
0x8d: {  	s2 =	sadd.s32 s2, s16  }
0x8e: {  	[smem:$0x3FB9] =	sst s2  }
0x8f: {  	_ = 	snop  }
0x90: {  	(tm) =	ssettm $0x1  }
0x91: {  	s17 =	sld [smem:$0x3FFB];
	_ =	sdelay $0x3  }
0x92: {  	_ =	strace s17  }
0x93: {  	s2 =	sld [smem:$0x3FFC];
	_ =	sdelay $0x3  }
0x94: {  	_ =	strace s2  }
0x95: {  	s2 =	sld [smem:$0x3FFD];
	_ =	sdelay $0x3  }
0x96: {  	_ =	strace s2  }
0x97: {  	_ =	strace $0x8FFFFFFF  }
0x98: {  	s18 =	sld [smem:$0x3FDB];
	_ =	sdelay $0x1  }
0x99: {  	s19 =	simm.s32 $_scs_section_size  }
0x9a: {  	s4 =	simm.s32 $_size__tile_overlayer_lowered;
	s5 =	simm.s32 $_tile_overlayer_lowered  }
0x9b: {  	s22 =	simm.s32 $0x1BFF;
	s21 =	sshll.u32 s5, $0x1;
	s2 =	sadd.s32 s19, s18  }
0x9c: {  	s6 =	simm.s32 $0x0;
	s20 =	sshll.u32 s4, $0x1;
	s4 =	sadd.s32 s21, s2  }
0x9d: {  	[timem:s6], [sflag:s22] =	dma.local [hbm:s4], s20  }
0x9e: {  	_ =	swait.ge [sflag:s22], s20  }
0x9f: {  	s3 =	ssub.s32 $0x0, s20;
	[sflag:s22] =	ssyncset.done $0x0  }
0xa0: {  	[sflag:s22] =	ssyncadd.s32 s3;
	_ =	sdelay $0x1  }
0xa1: {  	s23 =	simm.s32 $0x1B8B  }
0xa2: {  	_ =	swait.ge [sflag:s23], $0x1  }
0xa3: {  	[sflag:s23] =	ssyncset.done $0x0  }
0xa4: {  	s25 =	simm.s32 $0x1B8E;
	s24 =	sld [smem:$0x3FFE];
	[sflag:s23] =	ssyncadd.s32 $0xFFFFFFFF  }
0xa5: {  	s26 =	simm.s32 $execute0_lowered;
	[smem:$0x3FD2] =	sst s25  }
0xa6: {  	s4 =	sshll.u32 s26, $0x1;
	_ =	strace $0x8000004F;
	[dreg:$0x1] =	wrdreg $0xFFFFFFFF  }
0xa7: {  	s28 =	simm.s32 $_size_execute0_lowered;
	s2 =	sadd.s32 s2, s4;
	[dreg:$0x0] =	wrdreg $0x0  }
0xa8: {  	s4 =	sshll.u32 s28, $0x1;
	[dreg:$0x2] =	wrdreg s2  }
0xa9: {  	[dreg:$0x3] =	wrdreg s4  }
0xaa: {  	[dreg:$0x4] =	wrdreg $0xC0  }
0xab: {  	_ =	task [dreg:s6], $0x5FFFF  }
0xac: {  	[dreg:$0x1] =	wrdreg $0xFFFFFFFF  }
0xad: {  	[dreg:$0x0] =	wrdreg $0x60  }
0xae: {  	[dreg:$0x2] =	wrdreg s24  }
0xaf: {  	[dreg:$0x3] =	wrdreg $0xAD000  }
0xb0: {  	[dreg:$0x4] =	wrdreg $0x9  }
0xb1: {  	_ =	task.clear_ibuf [dreg:s6], $0x5FFFF;
	_ =	strace $0x9000004F  }
0xb2: {  	s29 =	simm.s32 $0x9;
	_ =	strace $0x80000051  }
0xb3: {  	_ =	swait.ge [sflag:s29], $0x1  }
0xb4: {  	[sflag:s29] =	ssyncadd.s32 $0xFFFFFFFF  }
0xb5: {  	_ =	strace $0x90000051  }
0xb6: {  	_ =	sfence  }
0xb7: {  	s30 =	sld [smem:$0x0];
	_ =	sdelay $0x2  }
0xb8: {  	s31 =	sshll.u32 s1, $0xD;
	s1 =	sshrl.u32 s1, $0x2  }
0xb9: {  	s3 =	sand.u32 $0x4000, s31;
	s1 =	sadd.s32 s1, s30  }
0xba: {  	s0 =	sor.u32 s3, s0;
	s1 =	sshll.u32 s1, $0x11  }
0xbb: {  	s0 =	sor.u32 s1, s0  }
0xbc: {  	s0 =	sadd.s32 $0x8F2B, s0  }
0xbd: {  	[sflag:s0] =	ssyncadd.remote.s32 $0x1  }
0xbe: {  	_ =	sfence.sel $0xFFFF  }
0xbf: {  	[dreg:$0x0] =	wrdreg $0xFFFFFFFF;
	(pc) =	sbr.abs _section_cstart, $3  }
0xc0: {  	[dreg:$0x1] =	wrdreg $0xFFFFFFFF  }
0xc1: {  	_ =	task.clear_ibuf [dreg:s6], $0x2FFFF;
	_ =	strace $0x9FFFFFFF  }
0xc2: {  	(tm) =	ssettm $0x7FFFFFFF  }
0xc3: {  	_ =	shalt  }
tec
execute0_lowered:
.L_overlay_start_1:
0x0: {  	(tag) =	ssettag $0x1  }
0x1: {  	s0 =	rddreg [dreg:$0x0]  }
0x2: {  	s1 =	rddreg [dreg:$0x1];
	s2 =	simm.s32 $0x0  }
0x3: {  	s5 =	srdreg.scid;
	s20 =	stileid.u32;
	s21 =	simm.s32 $0x2  }
0x4: {  	s22 =	simm.s32 $0x80;
	s23 =	simm.s32 $0x50;
	s24 =	simm.s32 $0x100  }
0x5: {  	s28 =	simm.s32 $0x1;
	s29 =	simm.s32 $0x0;
	s30 =	simm.s32 $0x0  }
0x6: {  	[smem:$0x7FF] =	sst s2;
	s3 =	sadd.s32 $0x18200, s0;
	s4 =	sadd.s32 $0x66600, s0  }
0x7: {  	s6 =	sand.u32 $0x1, s5;
	s5 =	sadd.s32 $0x8D800, s0;
	s7 =	sadd.s32 $0xE400, s0  }
0x8: {  	s11 =	smul.u32 $0x4E000, s20;
	s8 =	sadd.s32 $0x4600, s0;
	s0 =	sadd.s32 $0xB4A00, s0  }
0x9: {  	s25 =	sshll.u32 s20, $0x1;
	s16 =	smul.u32 $0x2700, s20;
	s15 =	sadd.s32 $0x138000, s1  }
0xa: {  	p0 =	sne.s32 s20, $0x0;
	s20 =	simm.s32 $0x7900;
	_ =	strace $0x80000050  }
0xb: {  	s9 =	ssub.s32 $0x2, s6;
	s17 =	sor.u32 s6, s25;
	s26 =	smul.u32 $0x27100, s6  }
0xc: {  	s6 =	smul.u32 $0x138800, s6;
	s10 =	sshrl.u32 s9, $0x1;
	s11 =	sshrl.u32 s11, $0x2  }
0xd: {  	s25 =	simm.s32 $0x2900;
	s10 =	ssub.s32 s9, s10;
	s9 =	sadd.s32 s11, s1  }
0xe: {  	s11 =	sadd.s32 s16, s26;
	s6 =	sshrl.u32 s6, $0x3;
	s16 =	smul.u32 $0x2710, s17  }
0xf: {  	s26 =	simm.s32 $0x5100;
	s12 =	sadd.s32 $0x3400, s9;
	s31 =	sadd.s32 $0x6800, s9  }
0x10: {  	s13 =	sadd.s32 $0xD000, s9;
	s14 =	sadd.s32 $0x10400, s9;
	s17 =	sadd.s32 s0, s11  }
0x11: {  	s0 =	sadd.s32 s0, s6;
	s19 =	smax.u32 s10, $0x1;
	[dreg:$0x3] =	wrdreg s12  }
0x12: {  	v0 =	vimm.f32 $0.0e+00;
	[dreg:$0x4] =	wrdreg s31;
	s12 =	sadd.s32 $0x9C00, s9;
	s18 =	sadd.s32 $0x27000, s0  }
.LBB2_1:
0x13: {  	s0 =	simm.s32 $0x0;
	s6 =	simm.s32 $0x200  }
.LBB2_2:
0x14: {  	p1 =	sne.s32 s6, $0xCE00;
	[tilespmem:s0+$0x7970] =	vst v0  }
0x15: {  	[tilespmem:s0+$0x7900] =	vst v0  }
0x16: {  	[tilespmem:s0+$0x7910] =	vst v0  }
.Ltmp0:
0x17: {  	[tilespmem:s0+$0x7920] =	vst v0;
	(pc) =	sbr.rel @p1 .LBB2_2-.Ltmp0, $4  }
0x18: {  	[tilespmem:s0+$0x7930] =	vst v0  }
0x19: {  	[tilespmem:s0+$0x7940] =	vst v0  }
0x1a: {  	[tilespmem:s0+$0x7950] =	vst v0  }
0x1b: {  	[tilespmem:s0+$0x7960] =	vst v0;
	s0 =	sshra.s32 s6, $0x2;
	s6 =	sadd.s32 $0x200, s6  }
0x1c: {  	[tilespmem:s0+$0x7970] =	vst v0  }
0x1d: {  	[tilespmem:s0+$0x7900] =	vst v0  }
0x1e: {  	[tilespmem:s0+$0x7910] =	vst v0  }
0x1f: {  	[tilespmem:s0+$0x7920] =	vst v0  }
0x20: {  	[tilespmem:s0+$0x7930] =	vst v0  }
0x21: {  	[tilespmem:s0+$0x7940] =	vst v0  }
0x22: {  	[tilespmem:s0+$0x7950] =	vst v0  }
0x23: {  	[tilespmem:s0+$0x7960] =	vst v0  }
0x24: {  	[spmem:s9] =	stream.linear.scatter [tilespmem:s20], [sflag:$0x2], $0x3400, $0x38;
	[tilespmem:$0x1E580] =	vst v63  }
0x25: {  	_ =	swait.ge [sflag:s21], $0x3400  }
0x26: {  	[sflag:s21] =	ssyncset.done $0x0  }
0x27: {  	s10 =	rddreg [dreg:$0x3];
	[sflag:s21] =	ssyncadd.s32 $0xFFFFCC00  }
0x28: {  	[spmem:s10] =	stream.linear.scatter [tilespmem:s20], [sflag:$0x2], $0x3400, $0x38;
	[tilespmem:$0x1E580] =	vst v63  }
0x29: {  	_ =	swait.ge [sflag:s21], $0x3400  }
0x2a: {  	[sflag:s21] =	ssyncset.done $0x0  }
0x2b: {  	s11 =	rddreg [dreg:$0x4];
	[sflag:s21] =	ssyncadd.s32 $0xFFFFCC00  }
0x2c: {  	[spmem:s11] =	stream.linear.scatter [tilespmem:s20], [sflag:$0x2], $0x3400, $0x38;
	[tilespmem:$0x1E580] =	vst v63  }
0x2d: {  	_ =	swait.ge [sflag:s21], $0x3400  }
0x2e: {  	[sflag:s21] =	ssyncset.done $0x0  }
0x2f: {  	[sflag:s21] =	ssyncadd.s32 $0xFFFFCC00  }
0x30: {  	[spmem:s12] =	stream.linear.scatter [tilespmem:s20], [sflag:$0x2], $0x3400, $0x38;
	[tilespmem:$0x1E580] =	vst v63  }
0x31: {  	_ =	swait.ge [sflag:s21], $0x3400  }
0x32: {  	[sflag:s21] =	ssyncset.done $0x0  }
0x33: {  	[sflag:s21] =	ssyncadd.s32 $0xFFFFCC00  }
0x34: {  	[spmem:s13] =	stream.linear.scatter [tilespmem:s20], [sflag:$0x2], $0x3400, $0x38;
	[tilespmem:$0x1E580] =	vst v63  }
0x35: {  	_ =	swait.ge [sflag:s21], $0x3400  }
0x36: {  	[sflag:s21] =	ssyncset.done $0x0  }
0x37: {  	[sflag:s21] =	ssyncadd.s32 $0xFFFFCC00  }
0x38: {  	[spmem:s14] =	stream.linear.scatter [tilespmem:s20], [sflag:$0x2], $0x3400, $0x38;
	[tilespmem:$0x1E580] =	vst v63  }
0x39: {  	_ =	swait.ge [sflag:s21], $0x3400  }
0x3a: {  	[sflag:s21] =	ssyncset.done $0x0  }
0x3b: {  	s0 =	simm.s32 @!p0 $0x7900;
	[sflag:s21] =	ssyncadd.s32 $0xFFFFCC00  }
0x3c: {  	[spmem:s15] =	stream.linear.scatter @!p0 [tilespmem:s0], [sflag:$0x2], $0x800, $0x38;
	[tilespmem:$0x1E580] =	vst v63  }
0x3d: {  	s0 =	simm.s32 @!p0 $0x2  }
0x3e: {  	_ =	swait.ge @!p0 [sflag:s0], $0x800  }
0x3f: {  	[sflag:s0] =	ssyncset.done @!p0 $0x0  }
0x40: {  	[sflag:s0] =	ssyncadd.s32 @!p0 $0xFFFFF800  }
0x41: {  	s31 =	simm.s32 $0x0;
	[bflag:$0x0] =	sbarrier.arrive $0xFFFF  }
.LBB2_4:
0x42: {  	s0 =	smul.u32 $0x50, s31;
	_ =	sdelay $0x1  }
0x43: {  	s0 =	sadd.s32 s16, s0  }
0x44: {  	s0 =	sshrl.u32 s0, $0x3  }
0x45: {  	s6 =	sadd.s32 s7, s0  }
0x46: {  	[tilespmem:s22], [sflag:$0x2] =	stream.linear.gather [hbm4b:s6+s30], $0x50, $0x38;
	[tilespmem:$0x1E580] =	vst v63  }
0x47: {  	_ =	swait.ge [sflag:s21], $0x50  }
0x48: {  	[sflag:s21] =	ssyncset.done $0x0  }
0x49: {  	s0 =	sadd.s32 s8, s0;
	[sflag:s21] =	ssyncadd.s32 $0xFFFFFFB0  }
0x4a: {  	[tilespmem:s30], [sflag:$0x2] =	stream.linear.gather [hbm4b:s0+s30], $0x50, $0x38;
	[tilespmem:$0x1E580] =	vst v63  }
0x4b: {  	_ =	swait.ge [sflag:s21], $0x50  }
0x4c: {  	[sflag:s21] =	ssyncset.done $0x0  }
0x4d: {  	[sflag:s21] =	ssyncadd.s32 $0xFFFFFFB0  }
0x4e: {  	[tilespmem:s24], [sflag:$0x1] =	stream.indirect.gather [hbm4b:s3+s23], $0x80, s30, s23, $0xb8;
	[tilespmem:$0x1E580] =	vst v63  }
0x4f: {  	_ = 	snop  }
0x50: {  	[tilespmem:s25], [sflag:$0x1] =	stream.indirect.gather [hbm4b:s4+s23], $0x80, s22, s23, $0xb8;
	[tilespmem:$0x1E580] =	vst v63  }
0x51: {  	_ = 	snop  }
0x52: {  	[tilespmem:s26], [sflag:$0x1] =	stream.indirect.gather [hbm4b:s5+s23], $0x80, s22, s23, $0xb8;
	[tilespmem:$0x1E580] =	vst v63  }
0x53: {  	_ =	swait.ge [sflag:s28], $0x2800  }
0x54: {  	[sflag:s28] =	ssyncset.done $0x0  }
0x55: {  	[sflag:s28] =	ssyncadd.s32 $0xFFFFD800  }
0x56: {  	_ =	swait.ge [sflag:s28], $0x2800  }
0x57: {  	[sflag:s28] =	ssyncset.done $0x0  }
0x58: {  	[sflag:s28] =	ssyncadd.s32 $0xFFFFD800  }
0x59: {  	_ =	swait.ge [sflag:s28], $0x2800  }
0x5a: {  	[sflag:s28] =	ssyncset.done $0x0  }
0x5b: {  	s0 =	simm.s32 $0x0;
	[sflag:s28] =	ssyncadd.s32 $0xFFFFD800  }
0x5c: {  	v1 =	vld [tilespmem:s0+$0x2950]  }
0x5d: {  	v2 =	vld [tilespmem:s0+$0x150]  }
0x5e: {  	v3 =	vld [tilespmem:s0+$0x2940]  }
0x5f: {  	v4 =	vld [tilespmem:s0+$0x2930]  }
0x60: {  	v6 =	vld [tilespmem:s0+$0x2910]  }
0x61: {  	v7 =	vld [tilespmem:s0+$0x130]  }
0x62: {  	v8 =	vld [tilespmem:s0+$0x110];
	v1 =	vadd.f32 v1, v2  }
0x63: {  	v2 =	vld [tilespmem:s0+$0x140]  }
0x64: {  	v9 =	vld [tilespmem:s0+$0x2970];
	v1 =	vsub.f32 $0.0e+00, v1  }
0x65: {  	v10 =	vld [tilespmem:s0+$0x170]  }
0x66: {  	v5 =	vld [tilespmem:s0+$0x2900];
	v1 =	vmul.f32 $1.442695020e+00, v1  }
0x67: {  	v11 =	vld [tilespmem:s0+$0x100]  }
0x68: {  	(erf) = vpow2.f32 v1;
	v1 =	vadd.f32 v3, v2  }
0x69: {  	v2 =	vadd.f32 v4, v7;
	v4 =	vadd.f32 v6, v8  }
0x6a: {  	v3 =	vld [tilespmem:s0+$0x2960];
	v7 =	vadd.f32 v9, v10;
	v1 =	vsub.f32 $0.0e+00, v1  }
0x6b: {  	v6 =	vld [tilespmem:s0+$0x160];
	v2 =	vsub.f32 $0.0e+00, v2;
	v4 =	vsub.f32 $0.0e+00, v4  }
0x6c: {  	v5 =	vadd.f32 v5, v11;
	v8 =	vld [tilespmem:s0+$0x2920];
	v1 =	vmul.f32 $1.442695020e+00, v1  }
0x6d: {  	v9 =	vld [tilespmem:s0+$0x120];
	v7 =	vsub.f32 $0.0e+00, v7;
	v2 =	vmul.f32 $1.442695020e+00, v2;
	v4 =	vmul.f32 $1.442695020e+00, v4  }
0x6e: {  	(erf) = vpow2.f32 v1;
	v1 =	vsub.f32 $0.0e+00, v5  }
0x6f: {  	(erf) = vpow2.f32 v2;
	v2 =	vmul.f32 $1.442695020e+00, v7  }
0x70: {  	v3 =	vadd.f32 v3, v6;
	(erf) = vpow2.f32 v4;
	v1 =	vmul.f32 $1.442695020e+00, v1  }
0x71: {  	v4 =	vpop (erf);
	(erf) = vpow2.f32 v2  }
0x72: {  	v3 =	vsub.f32 $0.0e+00, v3;
	(erf) = vpow2.f32 v1;
	v1 =	vadd.f32 v8, v9  }
0x73: {  	v4 =	vadd.f32 $1.000000000e+00, v4  }
0x74: {  	v2 =	vmul.f32 $1.442695020e+00, v3;
	v1 =	vsub.f32 $0.0e+00, v1  }
0x75: {  	(erf) = vrcp.f32 v4  }
0x76: {  	(erf) = vpow2.f32 v2;
	v1 =	vmul.f32 $1.442695020e+00, v1  }
0x77: {  	v3 =	vpop (erf)  }
0x78: {  	v4 =	vpop (erf);
	(erf) = vpow2.f32 v1  }
0x79: {  	v5 =	vld [tilespmem:s0+$0x5150]  }
0x7a: {  	v2 =	vld [tilespmem:s0+$0x5140];
	v3 =	vadd.f32 $1.000000000e+00, v3  }
0x7b: {  	v1 =	vld [tilespmem:s0+$0x5120];
	v4 =	vadd.f32 $1.000000000e+00, v4;
	v6 =	vpop (erf)  }
0x7c: {  	v6 =	vadd.f32 $1.000000000e+00, v6;
	(erf) = vrcp.f32 v3;
	v3 =	vld [tilespmem:s0+$0x5160];
	v7 =	vpop (erf)  }
0x7d: {  	(erf) = vrcp.f32 v4;
	v4 =	vld [tilespmem:s0+$0x5100];
	v10 =	vadd.f32 $1.000000000e+00, v7;
	v7 =	vpop (erf)  }
0x7e: {  	(erf) = vrcp.f32 v6;
	v6 =	vld [tilespmem:s0+$0x5110];
	v8 =	vpop (erf)  }
0x7f: {  	s10 =	simm.s32 $0x200;
	s6 =	simm.s32 $0x400;
	v7 =	vadd.f32 $1.000000000e+00, v7;
	(erf) = vrcp.f32 v10;
	v8 =	vmul.f32 v8, v5;
	v5 =	vld [tilespmem:s0+$0x5170];
	v9 =	vpop (erf)  }
.LBB2_5:
0x80: {  	p1 =	sne.s32 s6, $0x9E00  }
0x81: {  	s11 =	sshra.s32 s10, $0x2;
	v10 =	vld [tilespmem:s0+$0x5130];
	v9 =	vadd.f32 $1.000000000e+00, v9;
	(erf) = vrcp.f32 v7;
	v7 =	vpop (erf);
	s10 =	smov.u32 s6;
	s6 =	sadd.s32 $0x200, s6  }
0x82: {  	v11 =	vld [tilespmem:s11+$0x2950];
	v7 =	vadd.f32 $1.000000000e+00, v7;
	[tilespmem:s0+$0x150] =	vst v8  }
0x83: {  	v8 =	vld [tilespmem:s11+$0x150];
	(erf) = vrcp.f32 v9  }
0x84: {  	v9 =	vld [tilespmem:s11+$0x2940];
	(erf) = vrcp.f32 v7  }
0x85: {  	v7 =	vld [tilespmem:s11+$0x2920];
	v12 =	vpop (erf)  }
0x86: {  	v13 =	vld [tilespmem:s11+$0x2930];
	v2 =	vmul.f32 v12, v2;
	v12 =	vpop (erf)  }
0x87: {  	v14 =	vld [tilespmem:s11+$0x2900];
	v16 =	vmul.f32 v12, v10;
	v12 =	vpop (erf)  }
0x88: {  	v15 =	vld [tilespmem:s11+$0x2910];
	v8 =	vadd.f32 v11, v8;
	v12 =	vmul.f32 v12, v6;
	[tilespmem:s0+$0x140] =	vst v2  }
0x89: {  	v2 =	vld [tilespmem:s11+$0x140];
	[tilespmem:s0+$0x130] =	vst v16;
	v10 =	vpop (erf)  }
0x8a: {  	v11 =	vld [tilespmem:s11+$0x130];
	v8 =	vsub.f32 $0.0e+00, v8;
	[tilespmem:s0+$0x110] =	vst v12;
	v12 =	vmul.f32 v10, v5;
	v6 =	vpop (erf)  }
0x8b: {  	v10 =	vld [tilespmem:s11+$0x110];
	v16 =	vmul.f32 v6, v4  }
0x8c: {  	v6 =	vmul.f32 $1.442695020e+00, v8;
	v8 =	vld [tilespmem:s11+$0x2970];
	[tilespmem:s0+$0x170] =	vst v12;
	v5 =	vpop (erf)  }
0x8d: {  	v12 =	vld [tilespmem:s11+$0x170];
	[tilespmem:s0+$0x100] =	vst v16;
	v3 =	vmul.f32 v5, v3;
	v4 =	vpop (erf)  }
0x8e: {  	v5 =	vld [tilespmem:s11+$0x100];
	v2 =	vadd.f32 v9, v2;
	(erf) = vpow2.f32 v6;
	v1 =	vmul.f32 v4, v1  }
0x8f: {  	v4 =	vadd.f32 v13, v11;
	v6 =	vld [tilespmem:s11+$0x2960];
	[tilespmem:s0+$0x160] =	vst v3  }
0x90: {  	v3 =	vadd.f32 v15, v10;
	v2 =	vsub.f32 $0.0e+00, v2;
	v9 =	vld [tilespmem:s11+$0x160];
	[tilespmem:s0+$0x120] =	vst v1;
	s0 =	smov.u32 s11  }
0x91: {  	v1 =	vld [tilespmem:s0+$0x120];
	v4 =	vsub.f32 $0.0e+00, v4  }
0x92: {  	v3 =	vsub.f32 $0.0e+00, v3;
	v10 =	vmul.f32 $1.442695020e+00, v2;
	v2 =	vld [tilespmem:s0+$0x5140];
	v8 =	vadd.f32 v8, v12  }
0x93: {  	v5 =	vadd.f32 v14, v5;
	v4 =	vmul.f32 $1.442695020e+00, v4  }
0x94: {  	v3 =	vmul.f32 $1.442695020e+00, v3;
	v8 =	vsub.f32 $0.0e+00, v8;
	(erf) = vpow2.f32 v10  }
0x95: {  	v5 =	vsub.f32 $0.0e+00, v5;
	v9 =	vadd.f32 v6, v9;
	(erf) = vpow2.f32 v4  }
0x96: {  	v1 =	vadd.f32 v7, v1;
	v4 =	vmul.f32 $1.442695020e+00, v8;
	(erf) = vpow2.f32 v3  }
0x97: {  	v3 =	vmul.f32 $1.442695020e+00, v5;
	v5 =	vsub.f32 $0.0e+00, v9;
	v6 =	vpop (erf)  }
0x98: {  	v1 =	vsub.f32 $0.0e+00, v1;
	v6 =	vadd.f32 $1.000000000e+00, v6;
	(erf) = vpow2.f32 v4  }
0x99: {  	v4 =	vmul.f32 $1.442695020e+00, v5;
	(erf) = vpow2.f32 v3  }
0x9a: {  	v3 =	vmul.f32 $1.442695020e+00, v1;
	(erf) = vrcp.f32 v6  }
0x9b: {  	(erf) = vpow2.f32 v4  }
0x9c: {  	(erf) = vpow2.f32 v3  }
0x9d: {  	v1 =	vpop (erf)  }
0x9e: {  	v3 =	vadd.f32 $1.000000000e+00, v1;
	v5 =	vld [tilespmem:s0+$0x5150];
	v1 =	vpop (erf)  }
0x9f: {  	v4 =	vadd.f32 $1.000000000e+00, v1;
	v1 =	vpop (erf)  }
.Ltmp1:
0xa0: {  	v6 =	vadd.f32 $1.000000000e+00, v1;
	v1 =	vld [tilespmem:s0+$0x5120];
	(erf) = vrcp.f32 v3;
	(pc) =	sbr.rel @p1 .LBB2_5-.Ltmp1, $4  }
0xa1: {  	v3 =	vld [tilespmem:s0+$0x5160];
	(erf) = vrcp.f32 v4;
	v7 =	vpop (erf)  }
0xa2: {  	v4 =	vld [tilespmem:s0+$0x5100];
	v10 =	vadd.f32 $1.000000000e+00, v7;
	v7 =	vpop (erf);
	(erf) = vrcp.f32 v6  }
0xa3: {  	v7 =	vadd.f32 $1.000000000e+00, v7;
	v6 =	vld [tilespmem:s0+$0x5110];
	v8 =	vpop (erf)  }
0xa4: {  	v8 =	vmul.f32 v8, v5;
	v5 =	vld [tilespmem:s0+$0x5170];
	v9 =	vpop (erf);
	(erf) = vrcp.f32 v10  }
0xa5: {  	_ =	sdelay $0x1  }
0xa6: {  	s6 =	sshra.s32 s10, $0x2;
	v10 =	vld [tilespmem:s0+$0x5130]  }
0xa7: {  	v13 =	vpop (erf);
	v11 =	vld [tilespmem:s6+$0x2950];
	[tilespmem:s0+$0x150] =	vst v8  }
0xa8: {  	(erf) = vrcp.f32 v7;
	v9 =	vadd.f32 $1.000000000e+00, v9;
	v8 =	vld [tilespmem:s6+$0x150];
	v38 =	vpop (erf)  }
0xa9: {  	v40 =	vadd.f32 $1.000000000e+00, v13;
	v12 =	vld [tilespmem:s6+$0x2940];
	v2 =	vmul.f32 v38, v2  }
0xaa: {  	v14 =	vld [tilespmem:s6+$0x2920];
	(erf) = vrcp.f32 v9  }
0xab: {  	v15 =	vld [tilespmem:s6+$0x2930];
	(erf) = vrcp.f32 v40  }
0xac: {  	v39 =	vld [tilespmem:s6+$0x2900];
	v16 =	vpop (erf)  }
0xad: {  	v17 =	vld [tilespmem:s6+$0x2910];
	v10 =	vmul.f32 v16, v10;
	[tilespmem:s0+$0x140] =	vst v2;
	v2 =	vpop (erf)  }
0xae: {  	v2 =	vmul.f32 v2, v6  }
0xaf: {  	v41 =	vld [tilespmem:s6+$0x140];
	[tilespmem:s0+$0x130] =	vst v10;
	v43 =	vpop (erf)  }
0xb0: {  	v8 =	vadd.f32 v11, v8;
	v42 =	vld [tilespmem:s6+$0x130];
	[tilespmem:s0+$0x110] =	vst v2;
	v2 =	vmul.f32 v43, v5  }
0xb1: {  	v45 =	vpop (erf);
	v44 =	vld [tilespmem:s6+$0x110]  }
0xb2: {  	v4 =	vmul.f32 v45, v4;
	v10 =	vld [tilespmem:s6+$0x2970];
	[tilespmem:s0+$0x170] =	vst v2;
	v2 =	vsub.f32 $0.0e+00, v8  }
0xb3: {  	v47 =	vpop (erf)  }
0xb4: {  	v3 =	vmul.f32 v47, v3;
	v48 =	vpop (erf);
	v46 =	vld [tilespmem:s6+$0x170];
	[tilespmem:s0+$0x100] =	vst v4;
	v2 =	vmul.f32 $1.442695020e+00, v2  }
0xb5: {  	v1 =	vmul.f32 v48, v1;
	v4 =	vld [tilespmem:s6+$0x100]  }
0xb6: {  	v49 =	vld [tilespmem:s6+$0x2960];
	[tilespmem:s0+$0x160] =	vst v3;
	(erf) = vpow2.f32 v2;
	v2 =	vadd.f32 v12, v41  }
0xb7: {  	v3 =	vadd.f32 v15, v42;
	v50 =	vld [tilespmem:s6+$0x160];
	[tilespmem:s0+$0x120] =	vst v1;
	v5 =	vadd.f32 v17, v44  }
0xb8: {  	v1 =	vsub.f32 $0.0e+00, v2;
	v2 =	vld [tilespmem:s6+$0x120]  }
0xb9: {  	v3 =	vsub.f32 $0.0e+00, v3;
	v5 =	vsub.f32 $0.0e+00, v5  }
0xba: {  	v8 =	vadd.f32 v10, v46;
	v1 =	vmul.f32 $1.442695020e+00, v1  }
0xbb: {  	v3 =	vmul.f32 $1.442695020e+00, v3;
	v4 =	vadd.f32 v39, v4;
	v5 =	vmul.f32 $1.442695020e+00, v5  }
0xbc: {  	v51 =	vsub.f32 $0.0e+00, v8;
	v52 =	vadd.f32 v49, v50;
	(erf) = vpow2.f32 v1  }
0xbd: {  	v1 =	vsub.f32 $0.0e+00, v4;
	(erf) = vpow2.f32 v3;
	v2 =	vadd.f32 v14, v2  }
0xbe: {  	v4 =	vsub.f32 $0.0e+00, v52;
	v3 =	vmul.f32 $1.442695020e+00, v51;
	(erf) = vpow2.f32 v5  }
0xbf: {  	v1 =	vmul.f32 $1.442695020e+00, v1;
	v53 =	vpop (erf);
	v2 =	vsub.f32 $0.0e+00, v2  }
0xc0: {  	(erf) = vpow2.f32 v3;
	v3 =	vmul.f32 $1.442695020e+00, v4;
	v5 =	vadd.f32 $1.000000000e+00, v53  }
0xc1: {  	(erf) = vpow2.f32 v1;
	v1 =	vmul.f32 $1.442695020e+00, v2  }
0xc2: {  	(erf) = vrcp.f32 v5  }
0xc3: {  	(erf) = vpow2.f32 v3  }
0xc4: {  	(erf) = vpow2.f32 v1  }
0xc5: {  	v1 =	vpop (erf)  }
0xc6: {  	v2 =	vpop (erf);
	v1 =	vadd.f32 $1.000000000e+00, v1  }
0xc7: {  	v3 =	vpop (erf)  }
0xc8: {  	v3 =	vadd.f32 $1.000000000e+00, v3  }
0xc9: {  	v2 =	vadd.f32 $1.000000000e+00, v2;
	v54 =	vpop (erf);
	(erf) = vrcp.f32 v1  }
0xca: {  	v1 =	vpop (erf)  }
0xcb: {  	(erf) = vrcp.f32 v2;
	v2 =	vadd.f32 $1.000000000e+00, v54;
	v55 =	vpop (erf)  }
0xcc: {  	(erf) = vrcp.f32 v3;
	v1 =	vadd.f32 $1.000000000e+00, v1;
	v3 =	vpop (erf)  }
0xcd: {  	(erf) = vrcp.f32 v2;
	v2 =	vadd.f32 $1.000000000e+00, v3;
	v3 =	vpop (erf)  }
0xce: {  	(erf) = vrcp.f32 v1;
	v1 =	vadd.f32 $1.000000000e+00, v3;
	v3 =	vld [tilespmem:s6+$0x5140]  }
0xcf: {  	v56 =	vld [tilespmem:s6+$0x5150]  }
0xd0: {  	(erf) = vrcp.f32 v2  }
0xd1: {  	v2 =	vld [tilespmem:s6+$0x5130];
	(erf) = vrcp.f32 v1  }
0xd2: {  	v1 =	vld [tilespmem:s6+$0x5110];
	v59 =	vpop (erf)  }
0xd3: {  	v57 =	vld [tilespmem:s6+$0x5170];
	v3 =	vmul.f32 v59, v3  }
0xd4: {  	v58 =	vld [tilespmem:s6+$0x5100];
	v4 =	vmul.f32 v55, v56  }
0xd5: {  	v60 =	vld [tilespmem:s6+$0x5160];
	v61 =	vpop (erf)  }
0xd6: {  	v62 =	vld [tilespmem:s6+$0x5120];
	[tilespmem:s6+$0x150] =	vst v4;
	v63 =	vpop (erf);
	v2 =	vmul.f32 v61, v2  }
0xd7: {  	v1 =	vmul.f32 v63, v1;
	[tilespmem:s6+$0x140] =	vst v3;
	v3 =	vpop (erf)  }
0xd8: {  	[tilespmem:s6+$0x130] =	vst v2;
	v2 =	vmul.f32 v3, v57;
	v3 =	vpop (erf)  }
0xd9: {  	[tilespmem:s6+$0x110] =	vst v1;
	v1 =	vmul.f32 v3, v58;
	v3 =	vpop (erf)  }
0xda: {  	[tilespmem:s6+$0x170] =	vst v2;
	v2 =	vmul.f32 v3, v60;
	v3 =	vpop (erf)  }
0xdb: {  	s31 =	sadd.s32 $0x1, s31;
	[tilespmem:s6+$0x100] =	vst v1;
	v1 =	vmul.f32 v3, v62  }
0xdc: {  	p1 =	sne.s32 s31, $0x7D;
	[tilespmem:s6+$0x160] =	vst v2  }
.Ltmp2:
0xdd: {  	[tilespmem:s6+$0x120] =	vst v1;
	(pc) =	sbr.rel @p1 .LBB2_4-.Ltmp2, $4  }
0xde: {  	[spmem:s1] =	stream.indirect.scatter.add.f32 [tilespmem:s24], [sflag:$0x2], $0x80, s2, s23, $0xb8;
	[tilespmem:$0x1E580] =	vst v63  }
0xdf: {  	_ =	swait.ge [sflag:s21], $0x2800  }
0xe0: {  	[sflag:s21] =	ssyncset.done $0x0  }
0xe1: {  	[sflag:s21] =	ssyncadd.s32 $0xFFFFD800  }
0xe2: {  	s0 =	stileid.u32  }
0xe3: {  	s0 =	sshll.u32 s0, $0x6  }
0xe4: {  	[bflag:$0x0] =	sbarrier.arrive $0xFFFF;
	s6 =	sshrl.u32 s9, $0x3;
	s0 =	sor.u32 $0x1C02, s0  }
0xe5: {  	[hbm:s17], [sflag:s0] =	dma.local [spmem:s6], $0x2700  }
0xe6: {  	_ =	swait.ge [sflag:s21], $0x2700  }
0xe7: {  	s29 =	sadd.s32 $0x1, s29;
	[sflag:s21] =	ssyncset.done $0x0  }
0xe8: {  	p1 =	sne.s32 s29, s19;
	s6 =	sshrl.u32 @!p0 s15, $0x3;
	[sflag:s21] =	ssyncadd.s32 $0xFFFFD900  }
0xe9: {  	[hbm:s18], [sflag:s0] =	dma.local @!p0 [spmem:s6], $0x100  }
.Ltmp3:
0xea: {  	_ = 	snop;
	(pc) =	sbr.rel @p1 .LBB2_1-.Ltmp3, $4  }
0xeb: {  	s0 =	simm.s32 @!p0 $0x2  }
0xec: {  	_ =	swait.ge @!p0 [sflag:s0], $0x100  }
0xed: {  	[sflag:s0] =	ssyncset.done @!p0 $0x0  }
0xee: {  	[sflag:s0] =	ssyncadd.s32 @!p0 $0xFFFFFF00  }
0xef: {  	_ =	sfence.sel $0x180000  }
0xf0: {  	[bflag:$0x0] =	sbarrier.arrive $0xFFFF  }
0xf1: {  	_ =	strace $0x90000050  }
0xf2: {  	[bflag:$0x2] =	sbarrier.arrive $0xFFFF  }
0xf3: {  	s0 =	rddreg [dreg:$0x2]  }
0xf4: {  	s0 =	sadd.s32 @!p0 $0x100000, s0  }
0xf5: {  	[sflag:s0] =	ssyncadd.tile.s32 @!p0 $0x1;
	_ =	shalt  }
.Lfunc_end2:
_tile_overlayer_lowered:
.L_overlay_start_2:
0xf6: {  	(tag) =	ssettag $0x2  }
0xf7: {  	s0 =	rddreg [dreg:$0x0];
	s2 =	stileid.u32  }
0xf8: {  	s1 =	rddreg [dreg:$0x1];
	p0 =	sne.s32 s2, $0x0  }
0xf9: {  	s3 =	rddreg [dreg:$0x2];
	[bflag:$0x3] =	sbarrier.arrive $0xFFFF;
	s2 =	simm.s32 @!p0 $0x1C02  }
0xfa: {  	[timem:s3], [sflag:s2] =	dma.local @!p0 [hbm:s0], s1  }
0xfb: {  	s0 =	simm.s32 @!p0 $0x2  }
0xfc: {  	_ =	swait.ge @!p0 [sflag:s0], s1  }
0xfd: {  	s1 =	ssub.s32 @!p0 $0x0, s1;
	[sflag:s0] =	ssyncset.done @!p0 $0x0  }
0xfe: {  	[sflag:s0] =	ssyncadd.s32 @!p0 s1  }
0xff: {  	[bflag:$0x3] =	sbarrier.arrive $0xFFFF  }
0x100: {  	_ =	shalt  }

</sc_bundles>
